<compile_context>
chip_gen: v7x
topology: tpu7x:2x2x1
jax: 0.10.2.dev20260603
libtpu: 0.0.44.dev20260713+nightly
codegen_flags: <defaults>
</compile_context>

<pallas_src>
import functools

import jax
import jax.numpy as jnp
from jax import lax
from jax.experimental import pallas as pl
from jax.experimental.pallas import tpu as pltpu
from jax.experimental.pallas import tpu_sc as plsc

_NUM_TRACKS = 64
_NUM_INSTRUMENTS = 128
_EMBED_DIM = 1024

_NUM_CORES = 2
_NUM_SUBCORES = 16
_NUM_WORKERS = _NUM_CORES * _NUM_SUBCORES

_CHUNK = 32
_NBUF = 3


def _pair_table_body(track_ref, instr_ref, tids_ref, iids_ref, out_ref, pid_ref):
    for a in range(track_ref.shape[0]):
        out_ref[pl.ds(a * _NUM_INSTRUMENTS, _NUM_INSTRUMENTS), :] = (
            instr_ref[...] + track_ref[a, :][None, :]
        )
    pid_ref[...] = tids_ref[...] * _NUM_INSTRUMENTS + iids_ref[...]


def _sc_gather_body(pids_hbm, pair_hbm, out_hbm, pidx_v, rows_v, gsem, ssem):
    n_chunks = pids_hbm.shape[0] // _NUM_WORKERS
    per_worker = n_chunks * _CHUNK
    wid = lax.axis_index("s") * _NUM_CORES + lax.axis_index("c")
    base = wid * per_worker
    pltpu.sync_copy(pids_hbm.at[pl.ds(wid * n_chunks, n_chunks)], pidx_v)

    def gather(c):
        return pltpu.async_copy(
            pair_hbm.at[pidx_v.at[c]], rows_v.at[c % _NBUF], gsem
        )

    def store(c):
        return pltpu.async_copy(
            rows_v.at[c % _NBUF],
            out_hbm.at[pl.ds(base + c * _CHUNK, _CHUNK)],
            ssem,
        )

    gathers = [gather(c) for c in range(min(_NBUF, n_chunks))]
    stores = []
    for c in range(n_chunks):
        gathers[c].wait()
        stores.append(store(c))
        nxt = c + _NBUF
        if nxt < n_chunks:
            stores[nxt - _NBUF].wait()
            gathers.append(gather(nxt))
    for c in range(max(0, n_chunks - _NBUF), n_chunks):
        stores[c].wait()


def kernel(track_ids, instrument_ids, track_table, instrument_table):
    batch, seq = track_ids.shape
    n_total = batch * seq
    per_worker = n_total // _NUM_WORKERS
    n_chunks = per_worker // _CHUNK

    tids = track_ids.reshape(n_total).astype(jnp.int32)
    iids = instrument_ids.reshape(n_total).astype(jnp.int32)

    n_grid = _NUM_TRACKS // 8
    pair_table, pair_ids = pl.pallas_call(
        _pair_table_body,
        grid=(n_grid,),
        in_specs=[
            pl.BlockSpec((8, _EMBED_DIM), lambda t: (t, 0)),
            pl.BlockSpec((_NUM_INSTRUMENTS, _EMBED_DIM), lambda t: (0, 0)),
            pl.BlockSpec((n_total // n_grid,), lambda t: (t,)),
            pl.BlockSpec((n_total // n_grid,), lambda t: (t,)),
        ],
        out_specs=[
            pl.BlockSpec((8 * _NUM_INSTRUMENTS, _EMBED_DIM), lambda t: (t, 0)),
            pl.BlockSpec((n_total // n_grid,), lambda t: (t,)),
        ],
        out_shape=[
            jax.ShapeDtypeStruct(
                (_NUM_TRACKS * _NUM_INSTRUMENTS, _EMBED_DIM), jnp.float32
            ),
            jax.ShapeDtypeStruct((n_total,), jnp.int32),
        ],
    )(track_table, instrument_table, tids, iids)

    sc_gather = functools.partial(
        pl.kernel,
        out_type=jax.ShapeDtypeStruct((n_total, _EMBED_DIM), jnp.float32),
        mesh=plsc.VectorSubcoreMesh(
            core_axis_name="c", subcore_axis_name="s"
        ),
        scratch_types=[
            pltpu.VMEM((n_chunks, _CHUNK), jnp.int32),
            pltpu.VMEM((_NBUF, _CHUNK, _EMBED_DIM), jnp.float32),
            pltpu.SemaphoreType.DMA,
            pltpu.SemaphoreType.DMA,
        ],
    )(_sc_gather_body)

    out = sc_gather(pair_ids.reshape(n_total // _CHUNK, _CHUNK), pair_table)
    return out.reshape(batch, seq, _EMBED_DIM)

# --- scband reference (transcript-rebuilt; emitter-appended) ---
"""Pipeline reference for scband-track-embedding-33200097198183 (READ-ONLY COPY).

The authoritative reference and input builder live on the scoring server;
editing this copy changes nothing except your own understanding.
"""

import jax, jax.numpy as jnp
import numpy as np

NUM_TRACKS = 64
NUM_INSTRUMENTS = 128
EMBED_DIM = 1024
BATCH = 4
SEQ = 8192

def setup_inputs(seed: int = 0) -> dict:
    key = jax.random.key(seed)
    k1, k2, k3, k4 = jax.random.split(key, 4)
    track_ids = jax.random.randint(k1, (BATCH, SEQ), 0, NUM_TRACKS, dtype=jnp.int64 if jax.config.jax_enable_x64 else jnp.int32)
    instrument_ids = jax.random.randint(k2, (BATCH, SEQ), 0, NUM_INSTRUMENTS, dtype=jnp.int64 if jax.config.jax_enable_x64 else jnp.int32)
    track_table = jax.random.normal(k3, (NUM_TRACKS, EMBED_DIM), dtype=jnp.float32)
    instrument_table = jax.random.normal(k4, (NUM_INSTRUMENTS, EMBED_DIM), dtype=jnp.float32)
    return {
        "track_ids": track_ids,
        "instrument_ids": instrument_ids,
        "track_table": track_table,
        "instrument_table": instrument_table,
    }

def reference(track_ids, instrument_ids, track_table, instrument_table):
    # nn.Embedding lookup -> gather rows
    track_emb = jnp.take(track_table, track_ids, axis=0)          # [B, S, D]
    instrument_emb = jnp.take(instrument_table, instrument_ids, axis=0)  # [B, S, D]
    out = track_emb + instrument_emb
    # Dropout in eval mode is identity
    return out

if __name__ == "__main__":
    import jax
    _d = setup_inputs()
    print(jax.jit(kernel)(*tuple(_d.values())))

</pallas_src>

<mosaic_0001>
#map = affine_map<(d0, d1) -> (0, 0)>
module attributes {stable_mosaic.version = 14 : i64} {
  func.func @_sc_gather_body(%arg0: i32, %arg1: i32, %arg2: memref<1024x32xi32, #tpu.memory_space<hbm>>, %arg3: memref<8192x1024xf32, #tpu.memory_space<hbm>>, %arg4: memref<32768x1024xf32, #tpu.memory_space<hbm>>, %arg5: memref<32x32xi32, #tpu.memory_space<vmem>>, %arg6: memref<3x32x1024xf32, #tpu.memory_space<vmem>>, %arg7: memref<!tpu.dma_semaphore, #tpu.memory_space<semaphore_mem>>, %arg8: memref<!tpu.dma_semaphore, #tpu.memory_space<semaphore_mem>>) attributes {dimension_semantics = [#tpu.dimension_semantics<core_parallel>, #tpu.dimension_semantics<subcore_parallel>], iteration_bounds = array<i64: 2, 16>, scalar_prefetch = 0 : i64, scratch_operands = 4 : i64, tpu.core_type = #tpu.core_type<sc_vector_subcore>, window_params = [{transform_indices = #map}, {transform_indices = #map}, {transform_indices = #map}]} {
    %mul3A = arith.constant 2 : i32
    %mul3A_0 = arith.muli %arg1, %mul3A : i32
    %add3A = arith.addi %mul3A_0, %arg0 : i32
    %mul3A_1 = arith.constant 1024 : i32
    %mul3A_2 = arith.muli %add3A, %mul3A_1 : i32
    %mul3A_3 = arith.constant 32 : i32
    %mul3A_4 = arith.muli %add3A, %mul3A_3 : i32
    "tpu.region"() ({
      %run_scoped3A = tpu.sem_alloc : memref<!tpu.dma_semaphore, #tpu.memory_space<semaphore_mem>>
      %dma_start3A_1667 = arith.constant 0 : i32
      %dma_start3A_1668 = tpu.memref_slice %arg2[%mul3A_4, %dma_start3A_1667] : memref<1024x32xi32, #tpu.memory_space<hbm>> -> memref<32x32xi32, #tpu.memory_space<hbm>>
      %dma_start3A_1669 = arith.constant 0 : i32
      %dma_start3A_1670 = tpu.memref_slice %arg2[%mul3A_4, %dma_start3A_1669] : memref<1024x32xi32, #tpu.memory_space<hbm>> -> memref<32x32xi32, #tpu.memory_space<hbm>>
      tpu.enqueue_dma source(%dma_start3A_1670 : memref<32x32xi32, #tpu.memory_space<hbm>>) target(%arg5 : memref<32x32xi32, #tpu.memory_space<vmem>>) target_semaphore(%run_scoped3A : memref<!tpu.dma_semaphore, #tpu.memory_space<semaphore_mem>>)
      %dma_wait3A_1671 = arith.constant 0 : i32
      %dma_wait3A_1672 = tpu.memref_slice %arg2[%mul3A_4, %dma_wait3A_1671] : memref<1024x32xi32, #tpu.memory_space<hbm>> -> memref<32x32xi32, #tpu.memory_space<hbm>>
      %dma_wait3A_1673 = arith.constant 0 : i32
      %dma_wait3A_1674 = tpu.memref_slice %arg2[%mul3A_4, %dma_wait3A_1673] : memref<1024x32xi32, #tpu.memory_space<hbm>> -> memref<32x32xi32, #tpu.memory_space<hbm>>
      tpu.wait_dma2 semaphore(%run_scoped3A : memref<!tpu.dma_semaphore, #tpu.memory_space<semaphore_mem>>) src(%dma_wait3A_1674 : memref<32x32xi32, #tpu.memory_space<hbm>>) dst(%arg5 : memref<32x32xi32, #tpu.memory_space<vmem>>)
      tpu.yield
    }) : () -> ()
    %dma_start3A = arith.constant 0 : i32
    %dma_start3A_5 = arith.constant 0 : i32
    %dma_start3A_6 = arith.constant 0 : i32
    %dma_start3A_7 = arith.constant 0 : i32
    %dma_start3A_8 = tpu.memref_slice %arg6[%dma_start3A_5, %dma_start3A_6, %dma_start3A_7] : memref<3x32x1024xf32, #tpu.memory_space<vmem>> -> memref<1x32x1024xf32, #tpu.memory_space<vmem>>
    %dma_start3A_9 = tpu.memref_squeeze %dma_start3A_8 : memref<1x32x1024xf32, #tpu.memory_space<vmem>> -> memref<32x1024xf32, #tpu.memory_space<vmem>>
    %dma_start3A_10 = arith.constant 0 : i32
    %dma_start3A_11 = tpu.memref_slice %arg5[%dma_start3A, %dma_start3A_10] : memref<32x32xi32, #tpu.memory_space<vmem>> -> memref<1x32xi32, #tpu.memory_space<vmem>>
    %dma_start3A_12 = tpu.memref_squeeze %dma_start3A_11 : memref<1x32xi32, #tpu.memory_space<vmem>> -> memref<32xi32, #tpu.memory_space<vmem>>
    %dma_start3A_13 = arith.constant 0 : i32
    %dma_start3A_14 = arith.constant 0 : i32
    %dma_start3A_15 = tpu.memref_slice %arg3[%dma_start3A_13, %dma_start3A_14] : memref<8192x1024xf32, #tpu.memory_space<hbm>> -> memref<8192x1024xf32, #tpu.memory_space<hbm>>
    tpu.enqueue_indirect_dma source(%dma_start3A_15 : memref<8192x1024xf32, #tpu.memory_space<hbm>>) target(%dma_start3A_9 : memref<32x1024xf32, #tpu.memory_space<vmem>>) offsets(%dma_start3A_12 : memref<32xi32, #tpu.memory_space<vmem>>) semaphore(%arg7 : memref<!tpu.dma_semaphore, #tpu.memory_space<semaphore_mem>>)
    %dma_start3A_16 = arith.constant 1 : i32
    %dma_start3A_17 = arith.constant 1 : i32
    %dma_start3A_18 = arith.constant 0 : i32
    %dma_start3A_19 = arith.constant 0 : i32
    %dma_start3A_20 = tpu.memref_slice %arg6[%dma_start3A_17, %dma_start3A_18, %dma_start3A_19] : memref<3x32x1024xf32, #tpu.memory_space<vmem>> -> memref<1x32x1024xf32, #tpu.memory_space<vmem>>
    %dma_start3A_21 = tpu.memref_squeeze %dma_start3A_20 : memref<1x32x1024xf32, #tpu.memory_space<vmem>> -> memref<32x1024xf32, #tpu.memory_space<vmem>>
    %dma_start3A_22 = arith.constant 0 : i32
    %dma_start3A_23 = tpu.memref_slice %arg5[%dma_start3A_16, %dma_start3A_22] : memref<32x32xi32, #tpu.memory_space<vmem>> -> memref<1x32xi32, #tpu.memory_space<vmem>>
    %dma_start3A_24 = tpu.memref_squeeze %dma_start3A_23 : memref<1x32xi32, #tpu.memory_space<vmem>> -> memref<32xi32, #tpu.memory_space<vmem>>
    %dma_start3A_25 = arith.constant 0 : i32
    %dma_start3A_26 = arith.constant 0 : i32
    %dma_start3A_27 = tpu.memref_slice %arg3[%dma_start3A_25, %dma_start3A_26] : memref<8192x1024xf32, #tpu.memory_space<hbm>> -> memref<8192x1024xf32, #tpu.memory_space<hbm>>
    tpu.enqueue_indirect_dma source(%dma_start3A_27 : memref<8192x1024xf32, #tpu.memory_space<hbm>>) target(%dma_start3A_21 : memref<32x1024xf32, #tpu.memory_space<vmem>>) offsets(%dma_start3A_24 : memref<32xi32, #tpu.memory_space<vmem>>) semaphore(%arg7 : memref<!tpu.dma_semaphore, #tpu.memory_space<semaphore_mem>>)
    %dma_start3A_28 = arith.constant 2 : i32
    %dma_start3A_29 = arith.constant 2 : i32
    %dma_start3A_30 = arith.constant 0 : i32
    %dma_start3A_31 = arith.constant 0 : i32
    %dma_start3A_32 = tpu.memref_slice %arg6[%dma_start3A_29, %dma_start3A_30, %dma_start3A_31] : memref<3x32x1024xf32, #tpu.memory_space<vmem>> -> memref<1x32x1024xf32, #tpu.memory_space<vmem>>
    %dma_start3A_33 = tpu.memref_squeeze %dma_start3A_32 : memref<1x32x1024xf32, #tpu.memory_space<vmem>> -> memref<32x1024xf32, #tpu.memory_space<vmem>>
    %dma_start3A_34 = arith.constant 0 : i32
    %dma_start3A_35 = tpu.memref_slice %arg5[%dma_start3A_28, %dma_start3A_34] : memref<32x32xi32, #tpu.memory_space<vmem>> -> memref<1x32xi32, #tpu.memory_space<vmem>>
    %dma_start3A_36 = tpu.memref_squeeze %dma_start3A_35 : memref<1x32xi32, #tpu.memory_space<vmem>> -> memref<32xi32, #tpu.memory_space<vmem>>
    %dma_start3A_37 = arith.constant 0 : i32
    %dma_start3A_38 = arith.constant 0 : i32
    %dma_start3A_39 = tpu.memref_slice %arg3[%dma_start3A_37, %dma_start3A_38] : memref<8192x1024xf32, #tpu.memory_space<hbm>> -> memref<8192x1024xf32, #tpu.memory_space<hbm>>
    tpu.enqueue_indirect_dma source(%dma_start3A_39 : memref<8192x1024xf32, #tpu.memory_space<hbm>>) target(%dma_start3A_33 : memref<32x1024xf32, #tpu.memory_space<vmem>>) offsets(%dma_start3A_36 : memref<32xi32, #tpu.memory_space<vmem>>) semaphore(%arg7 : memref<!tpu.dma_semaphore, #tpu.memory_space<semaphore_mem>>)
    %dma_wait3A = arith.constant 0 : i32
    %dma_wait3A_40 = arith.constant 0 : i32
    %dma_wait3A_41 = arith.constant 0 : i32
    %dma_wait3A_42 = arith.constant 0 : i32
    %dma_wait3A_43 = tpu.memref_slice %arg6[%dma_wait3A_40, %dma_wait3A_41, %dma_wait3A_42] : memref<3x32x1024xf32, #tpu.memory_space<vmem>> -> memref<1x32x1024xf32, #tpu.memory_space<vmem>>
    %dma_wait3A_44 = tpu.memref_squeeze %dma_wait3A_43 : memref<1x32x1024xf32, #tpu.memory_space<vmem>> -> memref<32x1024xf32, #tpu.memory_space<vmem>>
    %dma_wait3A_45 = arith.constant 0 : i32
    %dma_wait3A_46 = tpu.memref_slice %arg5[%dma_wait3A, %dma_wait3A_45] : memref<32x32xi32, #tpu.memory_space<vmem>> -> memref<1x32xi32, #tpu.memory_space<vmem>>
    %dma_wait3A_47 = tpu.memref_squeeze %dma_wait3A_46 : memref<1x32xi32, #tpu.memory_space<vmem>> -> memref<32xi32, #tpu.memory_space<vmem>>
    %dma_wait3A_48 = arith.constant 0 : i32
    %dma_wait3A_49 = arith.constant 0 : i32
    %dma_wait3A_50 = tpu.memref_slice %arg3[%dma_wait3A_48, %dma_wait3A_49] : memref<8192x1024xf32, #tpu.memory_space<hbm>> -> memref<8192x1024xf32, #tpu.memory_space<hbm>>
    tpu.wait_indirect_dma semaphore(%arg7 : memref<!tpu.dma_semaphore, #tpu.memory_space<semaphore_mem>>) src(%dma_wait3A_50 : memref<8192x1024xf32, #tpu.memory_space<hbm>>) dst(%dma_wait3A_44 : memref<32x1024xf32, #tpu.memory_space<vmem>>)
    %add3A_51 = arith.constant 0 : i32
    %add3A_52 = arith.addi %mul3A_2, %add3A_51 : i32
    %dma_start3A_53 = arith.constant 0 : i32
    %dma_start3A_54 = arith.constant 0 : i32
    %dma_start3A_55 = arith.constant 0 : i32
    %dma_start3A_56 = tpu.memref_slice %arg6[%dma_start3A_53, %dma_start3A_54, %dma_start3A_55] : memref<3x32x1024xf32, #tpu.memory_space<vmem>> -> memref<1x32x1024xf32, #tpu.memory_space<vmem>>
    %dma_start3A_57 = tpu.memref_squeeze %dma_start3A_56 : memref<1x32x1024xf32, #tpu.memory_space<vmem>> -> memref<32x1024xf32, #tpu.memory_space<vmem>>
    %dma_start3A_58 = arith.constant 0 : i32
    %dma_start3A_59 = tpu.memref_slice %arg4[%add3A_52, %dma_start3A_58] : memref<32768x1024xf32, #tpu.memory_space<hbm>> -> memref<32x1024xf32, #tpu.memory_space<hbm>>
    %dma_start3A_60 = arith.constant 0 : i32
    %dma_start3A_61 = tpu.memref_slice %arg4[%add3A_52, %dma_start3A_60] : memref<32768x1024xf32, #tpu.memory_space<hbm>> -> memref<32x1024xf32, #tpu.memory_space<hbm>>
    %dma_start3A_62 = arith.constant 0 : i32
    %dma_start3A_63 = arith.constant 0 : i32
    %dma_start3A_64 = tpu.memref_slice %arg6[%dma_start3A_53, %dma_start3A_62, %dma_start3A_63] : memref<3x32x1024xf32, #tpu.memory_space<vmem>> -> memref<1x32x1024xf32, #tpu.memory_space<vmem>>
    %dma_start3A_65 = tpu.memref_squeeze %dma_start3A_64 : memref<1x32x1024xf32, #tpu.memory_space<vmem>> -> memref<32x1024xf32, #tpu.memory_space<vmem>>
    tpu.enqueue_dma source(%dma_start3A_65 : memref<32x1024xf32, #tpu.memory_space<vmem>>) target(%dma_start3A_61 : memref<32x1024xf32, #tpu.memory_space<hbm>>) target_semaphore(%arg8 : memref<!tpu.dma_semaphore, #tpu.memory_space<semaphore_mem>>)
    %dma_wait3A_66 = arith.constant 0 : i32
    %dma_wait3A_67 = arith.constant 0 : i32
    %dma_wait3A_68 = arith.constant 0 : i32
    %dma_wait3A_69 = tpu.memref_slice %arg6[%dma_wait3A_66, %dma_wait3A_67, %dma_wait3A_68] : memref<3x32x1024xf32, #tpu.memory_space<vmem>> -> memref<1x32x1024xf32, #tpu.memory_space<vmem>>
    %dma_wait3A_70 = tpu.memref_squeeze %dma_wait3A_69 : memref<1x32x1024xf32, #tpu.memory_space<vmem>> -> memref<32x1024xf32, #tpu.memory_space<vmem>>
    %dma_wait3A_71 = arith.constant 0 : i32
    %dma_wait3A_72 = tpu.memref_slice %arg4[%add3A_52, %dma_wait3A_71] : memref<32768x1024xf32, #tpu.memory_space<hbm>> -> memref<32x1024xf32, #tpu.memory_space<hbm>>
    %dma_wait3A_73 = arith.constant 0 : i32
    %dma_wait3A_74 = tpu.memref_slice %arg4[%add3A_52, %dma_wait3A_73] : memref<32768x1024xf32, #tpu.memory_space<hbm>> -> memref<32x1024xf32, #tpu.memory_space<hbm>>
    %dma_wait3A_75 = arith.constant 0 : i32
    %dma_wait3A_76 = arith.constant 0 : i32
    %dma_wait3A_77 = tpu.memref_slice %arg6[%dma_wait3A_66, %dma_wait3A_75, %dma_wait3A_76] : memref<3x32x1024xf32, #tpu.memory_space<vmem>> -> memref<1x32x1024xf32, #tpu.memory_space<vmem>>
    %dma_wait3A_78 = tpu.memref_squeeze %dma_wait3A_77 : memref<1x32x1024xf32, #tpu.memory_space<vmem>> -> memref<32x1024xf32, #tpu.memory_space<vmem>>
    tpu.wait_dma2 semaphore(%arg8 : memref<!tpu.dma_semaphore, #tpu.memory_space<semaphore_mem>>) src(%dma_wait3A_78 : memref<32x1024xf32, #tpu.memory_space<vmem>>) dst(%dma_wait3A_74 : memref<32x1024xf32, #tpu.memory_space<hbm>>)
    %dma_start3A_79 = arith.constant 3 : i32
    %dma_start3A_80 = arith.constant 0 : i32
    %dma_start3A_81 = arith.constant 0 : i32
    %dma_start3A_82 = arith.constant 0 : i32
    %dma_start3A_83 = tpu.memref_slice %arg6[%dma_start3A_80, %dma_start3A_81, %dma_start3A_82] : memref<3x32x1024xf32, #tpu.memory_space<vmem>> -> memref<1x32x1024xf32, #tpu.memory_space<vmem>>
    %dma_start3A_84 = tpu.memref_squeeze %dma_start3A_83 : memref<1x32x1024xf32, #tpu.memory_space<vmem>> -> memref<32x1024xf32, #tpu.memory_space<vmem>>
    %dma_start3A_85 = arith.constant 0 : i32
    %dma_start3A_86 = tpu.memref_slice %arg5[%dma_start3A_79, %dma_start3A_85] : memref<32x32xi32, #tpu.memory_space<vmem>> -> memref<1x32xi32, #tpu.memory_space<vmem>>
    %dma_start3A_87 = tpu.memref_squeeze %dma_start3A_86 : memref<1x32xi32, #tpu.memory_space<vmem>> -> memref<32xi32, #tpu.memory_space<vmem>>
    %dma_start3A_88 = arith.constant 0 : i32
    %dma_start3A_89 = arith.constant 0 : i32
    %dma_start3A_90 = tpu.memref_slice %arg3[%dma_start3A_88, %dma_start3A_89] : memref<8192x1024xf32, #tpu.memory_space<hbm>> -> memref<8192x1024xf32, #tpu.memory_space<hbm>>
    tpu.enqueue_indirect_dma source(%dma_start3A_90 : memref<8192x1024xf32, #tpu.memory_space<hbm>>) target(%dma_start3A_84 : memref<32x1024xf32, #tpu.memory_space<vmem>>) offsets(%dma_start3A_87 : memref<32xi32, #tpu.memory_space<vmem>>) semaphore(%arg7 : memref<!tpu.dma_semaphore, #tpu.memory_space<semaphore_mem>>)
    %dma_wait3A_91 = arith.constant 1 : i32
    %dma_wait3A_92 = arith.constant 1 : i32
    %dma_wait3A_93 = arith.constant 0 : i32
    %dma_wait3A_94 = arith.constant 0 : i32
    %dma_wait3A_95 = tpu.memref_slice %arg6[%dma_wait3A_92, %dma_wait3A_93, %dma_wait3A_94] : memref<3x32x1024xf32, #tpu.memory_space<vmem>> -> memref<1x32x1024xf32, #tpu.memory_space<vmem>>
    %dma_wait3A_96 = tpu.memref_squeeze %dma_wait3A_95 : memref<1x32x1024xf32, #tpu.memory_space<vmem>> -> memref<32x1024xf32, #tpu.memory_space<vmem>>
    %dma_wait3A_97 = arith.constant 0 : i32
    %dma_wait3A_98 = tpu.memref_slice %arg5[%dma_wait3A_91, %dma_wait3A_97] : memref<32x32xi32, #tpu.memory_space<vmem>> -> memref<1x32xi32, #tpu.memory_space<vmem>>
    %dma_wait3A_99 = tpu.memref_squeeze %dma_wait3A_98 : memref<1x32xi32, #tpu.memory_space<vmem>> -> memref<32xi32, #tpu.memory_space<vmem>>
    %dma_wait3A_100 = arith.constant 0 : i32
    %dma_wait3A_101 = arith.constant 0 : i32
    %dma_wait3A_102 = tpu.memref_slice %arg3[%dma_wait3A_100, %dma_wait3A_101] : memref<8192x1024xf32, #tpu.memory_space<hbm>> -> memref<8192x1024xf32, #tpu.memory_space<hbm>>
    tpu.wait_indirect_dma semaphore(%arg7 : memref<!tpu.dma_semaphore, #tpu.memory_space<semaphore_mem>>) src(%dma_wait3A_102 : memref<8192x1024xf32, #tpu.memory_space<hbm>>) dst(%dma_wait3A_96 : memref<32x1024xf32, #tpu.memory_space<vmem>>)
    %add3A_103 = arith.constant 32 : i32
    %add3A_104 = arith.addi %mul3A_2, %add3A_103 : i32
    %dma_start3A_105 = arith.constant 1 : i32
    %dma_start3A_106 = arith.constant 0 : i32
    %dma_start3A_107 = arith.constant 0 : i32
    %dma_start3A_108 = tpu.memref_slice %arg6[%dma_start3A_105, %dma_start3A_106, %dma_start3A_107] : memref<3x32x1024xf32, #tpu.memory_space<vmem>> -> memref<1x32x1024xf32, #tpu.memory_space<vmem>>
    %dma_start3A_109 = tpu.memref_squeeze %dma_start3A_108 : memref<1x32x1024xf32, #tpu.memory_space<vmem>> -> memref<32x1024xf32, #tpu.memory_space<vmem>>
    %dma_start3A_110 = arith.constant 0 : i32
    %dma_start3A_111 = tpu.memref_slice %arg4[%add3A_104, %dma_start3A_110] : memref<32768x1024xf32, #tpu.memory_space<hbm>> -> memref<32x1024xf32, #tpu.memory_space<hbm>>
    %dma_start3A_112 = arith.constant 0 : i32
    %dma_start3A_113 = tpu.memref_slice %arg4[%add3A_104, %dma_start3A_112] : memref<32768x1024xf32, #tpu.memory_space<hbm>> -> memref<32x1024xf32, #tpu.memory_space<hbm>>
    %dma_start3A_114 = arith.constant 0 : i32
    %dma_start3A_115 = arith.constant 0 : i32
    %dma_start3A_116 = tpu.memref_slice %arg6[%dma_start3A_105, %dma_start3A_114, %dma_start3A_115] : memref<3x32x1024xf32, #tpu.memory_space<vmem>> -> memref<1x32x1024xf32, #tpu.memory_space<vmem>>
    %dma_start3A_117 = tpu.memref_squeeze %dma_start3A_116 : memref<1x32x1024xf32, #tpu.memory_space<vmem>> -> memref<32x1024xf32, #tpu.memory_space<vmem>>
    tpu.enqueue_dma source(%dma_start3A_117 : memref<32x1024xf32, #tpu.memory_space<vmem>>) target(%dma_start3A_113 : memref<32x1024xf32, #tpu.memory_space<hbm>>) target_semaphore(%arg8 : memref<!tpu.dma_semaphore, #tpu.memory_space<semaphore_mem>>)
    %dma_wait3A_118 = arith.constant 1 : i32
    %dma_wait3A_119 = arith.constant 0 : i32
    %dma_wait3A_120 = arith.constant 0 : i32
    %dma_wait3A_121 = tpu.memref_slice %arg6[%dma_wait3A_118, %dma_wait3A_119, %dma_wait3A_120] : memref<3x32x1024xf32, #tpu.memory_space<vmem>> -> memref<1x32x1024xf32, #tpu.memory_space<vmem>>
    %dma_wait3A_122 = tpu.memref_squeeze %dma_wait3A_121 : memref<1x32x1024xf32, #tpu.memory_space<vmem>> -> memref<32x1024xf32, #tpu.memory_space<vmem>>
    %dma_wait3A_123 = arith.constant 0 : i32
    %dma_wait3A_124 = tpu.memref_slice %arg4[%add3A_104, %dma_wait3A_123] : memref<32768x1024xf32, #tpu.memory_space<hbm>> -> memref<32x1024xf32, #tpu.memory_space<hbm>>
    %dma_wait3A_125 = arith.constant 0 : i32
    %dma_wait3A_126 = tpu.memref_slice %arg4[%add3A_104, %dma_wait3A_125] : memref<32768x1024xf32, #tpu.memory_space<hbm>> -> memref<32x1024xf32, #tpu.memory_space<hbm>>
    %dma_wait3A_127 = arith.constant 0 : i32
    %dma_wait3A_128 = arith.constant 0 : i32
    %dma_wait3A_129 = tpu.memref_slice %arg6[%dma_wait3A_118, %dma_wait3A_127, %dma_wait3A_128] : memref<3x32x1024xf32, #tpu.memory_space<vmem>> -> memref<1x32x1024xf32, #tpu.memory_space<vmem>>
    %dma_wait3A_130 = tpu.memref_squeeze %dma_wait3A_129 : memref<1x32x1024xf32, #tpu.memory_space<vmem>> -> memref<32x1024xf32, #tpu.memory_space<vmem>>
    tpu.wait_dma2 semaphore(%arg8 : memref<!tpu.dma_semaphore, #tpu.memory_space<semaphore_mem>>) src(%dma_wait3A_130 : memref<32x1024xf32, #tpu.memory_space<vmem>>) dst(%dma_wait3A_126 : memref<32x1024xf32, #tpu.memory_space<hbm>>)
    %dma_start3A_131 = arith.constant 4 : i32
    %dma_start3A_132 = arith.constant 1 : i32
    %dma_start3A_133 = arith.constant 0 : i32
    %dma_start3A_134 = arith.constant 0 : i32
    %dma_start3A_135 = tpu.memref_slice %arg6[%dma_start3A_132, %dma_start3A_133, %dma_start3A_134] : memref<3x32x1024xf32, #tpu.memory_space<vmem>> -> memref<1x32x1024xf32, #tpu.memory_space<vmem>>
    %dma_start3A_136 = tpu.memref_squeeze %dma_start3A_135 : memref<1x32x1024xf32, #tpu.memory_space<vmem>> -> memref<32x1024xf32, #tpu.memory_space<vmem>>
    %dma_start3A_137 = arith.constant 0 : i32
    %dma_start3A_138 = tpu.memref_slice %arg5[%dma_start3A_131, %dma_start3A_137] : memref<32x32xi32, #tpu.memory_space<vmem>> -> memref<1x32xi32, #tpu.memory_space<vmem>>
    %dma_start3A_139 = tpu.memref_squeeze %dma_start3A_138 : memref<1x32xi32, #tpu.memory_space<vmem>> -> memref<32xi32, #tpu.memory_space<vmem>>
    %dma_start3A_140 = arith.constant 0 : i32
    %dma_start3A_141 = arith.constant 0 : i32
    %dma_start3A_142 = tpu.memref_slice %arg3[%dma_start3A_140, %dma_start3A_141] : memref<8192x1024xf32, #tpu.memory_space<hbm>> -> memref<8192x1024xf32, #tpu.memory_space<hbm>>
    tpu.enqueue_indirect_dma source(%dma_start3A_142 : memref<8192x1024xf32, #tpu.memory_space<hbm>>) target(%dma_start3A_136 : memref<32x1024xf32, #tpu.memory_space<vmem>>) offsets(%dma_start3A_139 : memref<32xi32, #tpu.memory_space<vmem>>) semaphore(%arg7 : memref<!tpu.dma_semaphore, #tpu.memory_space<semaphore_mem>>)
    %dma_wait3A_143 = arith.constant 2 : i32
    %dma_wait3A_144 = arith.constant 2 : i32
    %dma_wait3A_145 = arith.constant 0 : i32
    %dma_wait3A_146 = arith.constant 0 : i32
    %dma_wait3A_147 = tpu.memref_slice %arg6[%dma_wait3A_144, %dma_wait3A_145, %dma_wait3A_146] : memref<3x32x1024xf32, #tpu.memory_space<vmem>> -> memref<1x32x1024xf32, #tpu.memory_space<vmem>>
    %dma_wait3A_148 = tpu.memref_squeeze %dma_wait3A_147 : memref<1x32x1024xf32, #tpu.memory_space<vmem>> -> memref<32x1024xf32, #tpu.memory_space<vmem>>
    %dma_wait3A_149 = arith.constant 0 : i32
    %dma_wait3A_150 = tpu.memref_slice %arg5[%dma_wait3A_143, %dma_wait3A_149] : memref<32x32xi32, #tpu.memory_space<vmem>> -> memref<1x32xi32, #tpu.memory_space<vmem>>
    %dma_wait3A_151 = tpu.memref_squeeze %dma_wait3A_150 : memref<1x32xi32, #tpu.memory_space<vmem>> -> memref<32xi32, #tpu.memory_space<vmem>>
    %dma_wait3A_152 = arith.constant 0 : i32
    %dma_wait3A_153 = arith.constant 0 : i32
    %dma_wait3A_154 = tpu.memref_slice %arg3[%dma_wait3A_152, %dma_wait3A_153] : memref<8192x1024xf32, #tpu.memory_space<hbm>> -> memref<8192x1024xf32, #tpu.memory_space<hbm>>
    tpu.wait_indirect_dma semaphore(%arg7 : memref<!tpu.dma_semaphore, #tpu.memory_space<semaphore_mem>>) src(%dma_wait3A_154 : memref<8192x1024xf32, #tpu.memory_space<hbm>>) dst(%dma_wait3A_148 : memref<32x1024xf32, #tpu.memory_space<vmem>>)
    %add3A_155 = arith.constant 64 : i32
    %add3A_156 = arith.addi %mul3A_2, %add3A_155 : i32
    %dma_start3A_157 = arith.constant 2 : i32
    %dma_start3A_158 = arith.constant 0 : i32
    %dma_start3A_159 = arith.constant 0 : i32
    %dma_start3A_160 = tpu.memref_slice %arg6[%dma_start3A_157, %dma_start3A_158, %dma_start3A_159] : memref<3x32x1024xf32, #tpu.memory_space<vmem>> -> memref<1x32x1024xf32, #tpu.memory_space<vmem>>
    %dma_start3A_161 = tpu.memref_squeeze %dma_start3A_160 : memref<1x32x1024xf32, #tpu.memory_space<vmem>> -> memref<32x1024xf32, #tpu.memory_space<vmem>>
    %dma_start3A_162 = arith.constant 0 : i32
    %dma_start3A_163 = tpu.memref_slice %arg4[%add3A_156, %dma_start3A_162] : memref<32768x1024xf32, #tpu.memory_space<hbm>> -> memref<32x1024xf32, #tpu.memory_space<hbm>>
    %dma_start3A_164 = arith.constant 0 : i32
    %dma_start3A_165 = tpu.memref_slice %arg4[%add3A_156, %dma_start3A_164] : memref<32768x1024xf32, #tpu.memory_space<hbm>> -> memref<32x1024xf32, #tpu.memory_space<hbm>>
    %dma_start3A_166 = arith.constant 0 : i32
    %dma_start3A_167 = arith.constant 0 : i32
    %dma_start3A_168 = tpu.memref_slice %arg6[%dma_start3A_157, %dma_start3A_166, %dma_start3A_167] : memref<3x32x1024xf32, #tpu.memory_space<vmem>> -> memref<1x32x1024xf32, #tpu.memory_space<vmem>>
    %dma_start3A_169 = tpu.memref_squeeze %dma_start3A_168 : memref<1x32x1024xf32, #tpu.memory_space<vmem>> -> memref<32x1024xf32, #tpu.memory_space<vmem>>
    tpu.enqueue_dma source(%dma_start3A_169 : memref<32x1024xf32, #tpu.memory_space<vmem>>) target(%dma_start3A_165 : memref<32x1024xf32, #tpu.memory_space<hbm>>) target_semaphore(%arg8 : memref<!tpu.dma_semaphore, #tpu.memory_space<semaphore_mem>>)
    %dma_wait3A_170 = arith.constant 2 : i32
    %dma_wait3A_171 = arith.constant 0 : i32
    %dma_wait3A_172 = arith.constant 0 : i32
    %dma_wait3A_173 = tpu.memref_slice %arg6[%dma_wait3A_170, %dma_wait3A_171, %dma_wait3A_172] : memref<3x32x1024xf32, #tpu.memory_space<vmem>> -> memref<1x32x1024xf32, #tpu.memory_space<vmem>>
    %dma_wait3A_174 = tpu.memref_squeeze %dma_wait3A_173 : memref<1x32x1024xf32, #tpu.memory_space<vmem>> -> memref<32x1024xf32, #tpu.memory_space<vmem>>
    %dma_wait3A_175 = arith.constant 0 : i32
    %dma_wait3A_176 = tpu.memref_slice %arg4[%add3A_156, %dma_wait3A_175] : memref<32768x1024xf32, #tpu.memory_space<hbm>> -> memref<32x1024xf32, #tpu.memory_space<hbm>>
    %dma_wait3A_177 = arith.constant 0 : i32
    %dma_wait3A_178 = tpu.memref_slice %arg4[%add3A_156, %dma_wait3A_177] : memref<32768x1024xf32, #tpu.memory_space<hbm>> -> memref<32x1024xf32, #tpu.memory_space<hbm>>
    %dma_wait3A_179 = arith.constant 0 : i32
    %dma_wait3A_180 = arith.constant 0 : i32
    %dma_wait3A_181 = tpu.memref_slice %arg6[%dma_wait3A_170, %dma_wait3A_179, %dma_wait3A_180] : memref<3x32x1024xf32, #tpu.memory_space<vmem>> -> memref<1x32x1024xf32, #tpu.memory_space<vmem>>
    %dma_wait3A_182 = tpu.memref_squeeze %dma_wait3A_181 : memref<1x32x1024xf32, #tpu.memory_space<vmem>> -> memref<32x1024xf32, #tpu.memory_space<vmem>>
    tpu.wait_dma2 semaphore(%arg8 : memref<!tpu.dma_semaphore, #tpu.memory_space<semaphore_mem>>) src(%dma_wait3A_182 : memref<32x1024xf32, #tpu.memory_space<vmem>>) dst(%dma_wait3A_178 : memref<32x1024xf32, #tpu.memory_space<hbm>>)
    %dma_start3A_183 = arith.constant 5 : i32
    %dma_start3A_184 = arith.constant 2 : i32
    %dma_start3A_185 = arith.constant 0 : i32
    %dma_start3A_186 = arith.constant 0 : i32
    %dma_start3A_187 = tpu.memref_slice %arg6[%dma_start3A_184, %dma_start3A_185, %dma_start3A_186] : memref<3x32x1024xf32, #tpu.memory_space<vmem>> -> memref<1x32x1024xf32, #tpu.memory_space<vmem>>
    %dma_start3A_188 = tpu.memref_squeeze %dma_start3A_187 : memref<1x32x1024xf32, #tpu.memory_space<vmem>> -> memref<32x1024xf32, #tpu.memory_space<vmem>>
    %dma_start3A_189 = arith.constant 0 : i32
    %dma_start3A_190 = tpu.memref_slice %arg5[%dma_start3A_183, %dma_start3A_189] : memref<32x32xi32, #tpu.memory_space<vmem>> -> memref<1x32xi32, #tpu.memory_space<vmem>>
    %dma_start3A_191 = tpu.memref_squeeze %dma_start3A_190 : memref<1x32xi32, #tpu.memory_space<vmem>> -> memref<32xi32, #tpu.memory_space<vmem>>
    %dma_start3A_192 = arith.constant 0 : i32
    %dma_start3A_193 = arith.constant 0 : i32
    %dma_start3A_194 = tpu.memref_slice %arg3[%dma_start3A_192, %dma_start3A_193] : memref<8192x1024xf32, #tpu.memory_space<hbm>> -> memref<8192x1024xf32, #tpu.memory_space<hbm>>
    tpu.enqueue_indirect_dma source(%dma_start3A_194 : memref<8192x1024xf32, #tpu.memory_space<hbm>>) target(%dma_start3A_188 : memref<32x1024xf32, #tpu.memory_space<vmem>>) offsets(%dma_start3A_191 : memref<32xi32, #tpu.memory_space<vmem>>) semaphore(%arg7 : memref<!tpu.dma_semaphore, #tpu.memory_space<semaphore_mem>>)
    %dma_wait3A_195 = arith.constant 3 : i32
    %dma_wait3A_196 = arith.constant 0 : i32
    %dma_wait3A_197 = arith.constant 0 : i32
    %dma_wait3A_198 = arith.constant 0 : i32
    %dma_wait3A_199 = tpu.memref_slice %arg6[%dma_wait3A_196, %dma_wait3A_197, %dma_wait3A_198] : memref<3x32x1024xf32, #tpu.memory_space<vmem>> -> memref<1x32x1024xf32, #tpu.memory_space<vmem>>
    %dma_wait3A_200 = tpu.memref_squeeze %dma_wait3A_199 : memref<1x32x1024xf32, #tpu.memory_space<vmem>> -> memref<32x1024xf32, #tpu.memory_space<vmem>>
    %dma_wait3A_201 = arith.constant 0 : i32
    %dma_wait3A_202 = tpu.memref_slice %arg5[%dma_wait3A_195, %dma_wait3A_201] : memref<32x32xi32, #tpu.memory_space<vmem>> -> memref<1x32xi32, #tpu.memory_space<vmem>>
    %dma_wait3A_203 = tpu.memref_squeeze %dma_wait3A_202 : memref<1x32xi32, #tpu.memory_space<vmem>> -> memref<32xi32, #tpu.memory_space<vmem>>
    %dma_wait3A_204 = arith.constant 0 : i32
    %dma_wait3A_205 = arith.constant 0 : i32
    %dma_wait3A_206 = tpu.memref_slice %arg3[%dma_wait3A_204, %dma_wait3A_205] : memref<8192x1024xf32, #tpu.memory_space<hbm>> -> memref<8192x1024xf32, #tpu.memory_space<hbm>>
    tpu.wait_indirect_dma semaphore(%arg7 : memref<!tpu.dma_semaphore, #tpu.memory_space<semaphore_mem>>) src(%dma_wait3A_206 : memref<8192x1024xf32, #tpu.memory_space<hbm>>) dst(%dma_wait3A_200 : memref<32x1024xf32, #tpu.memory_space<vmem>>)
    %add3A_207 = arith.constant 96 : i32
    %add3A_208 = arith.addi %mul3A_2, %add3A_207 : i32
    %dma_start3A_209 = arith.constant 0 : i32
    %dma_start3A_210 = arith.constant 0 : i32
    %dma_start3A_211 = arith.constant 0 : i32
    %dma_start3A_212 = tpu.memref_slice %arg6[%dma_start3A_209, %dma_start3A_210, %dma_start3A_211] : memref<3x32x1024xf32, #tpu.memory_space<vmem>> -> memref<1x32x1024xf32, #tpu.memory_space<vmem>>
    %dma_start3A_213 = tpu.memref_squeeze %dma_start3A_212 : memref<1x32x1024xf32, #tpu.memory_space<vmem>> -> memref<32x1024xf32, #tpu.memory_space<vmem>>
    %dma_start3A_214 = arith.constant 0 : i32
    %dma_start3A_215 = tpu.memref_slice %arg4[%add3A_208, %dma_start3A_214] : memref<32768x1024xf32, #tpu.memory_space<hbm>> -> memref<32x1024xf32, #tpu.memory_space<hbm>>
    %dma_start3A_216 = arith.constant 0 : i32
    %dma_start3A_217 = tpu.memref_slice %arg4[%add3A_208, %dma_start3A_216] : memref<32768x1024xf32, #tpu.memory_space<hbm>> -> memref<32x1024xf32, #tpu.memory_space<hbm>>
    %dma_start3A_218 = arith.constant 0 : i32
    %dma_start3A_219 = arith.constant 0 : i32
    %dma_start3A_220 = tpu.memref_slice %arg6[%dma_start3A_209, %dma_start3A_218, %dma_start3A_219] : memref<3x32x1024xf32, #tpu.memory_space<vmem>> -> memref<1x32x1024xf32, #tpu.memory_space<vmem>>
    %dma_start3A_221 = tpu.memref_squeeze %dma_start3A_220 : memref<1x32x1024xf32, #tpu.memory_space<vmem>> -> memref<32x1024xf32, #tpu.memory_space<vmem>>
    tpu.enqueue_dma source(%dma_start3A_221 : memref<32x1024xf32, #tpu.memory_space<vmem>>) target(%dma_start3A_217 : memref<32x1024xf32, #tpu.memory_space<hbm>>) target_semaphore(%arg8 : memref<!tpu.dma_semaphore, #tpu.memory_space<semaphore_mem>>)
    %dma_wait3A_222 = arith.constant 0 : i32
    %dma_wait3A_223 = arith.constant 0 : i32
    %dma_wait3A_224 = arith.constant 0 : i32
    %dma_wait3A_225 = tpu.memref_slice %arg6[%dma_wait3A_222, %dma_wait3A_223, %dma_wait3A_224] : memref<3x32x1024xf32, #tpu.memory_space<vmem>> -> memref<1x32x1024xf32, #tpu.memory_space<vmem>>
    %dma_wait3A_226 = tpu.memref_squeeze %dma_wait3A_225 : memref<1x32x1024xf32, #tpu.memory_space<vmem>> -> memref<32x1024xf32, #tpu.memory_space<vmem>>
    %dma_wait3A_227 = arith.constant 0 : i32
    %dma_wait3A_228 = tpu.memref_slice %arg4[%add3A_208, %dma_wait3A_227] : memref<32768x1024xf32, #tpu.memory_space<hbm>> -> memref<32x1024xf32, #tpu.memory_space<hbm>>
    %dma_wait3A_229 = arith.constant 0 : i32
    %dma_wait3A_230 = tpu.memref_slice %arg4[%add3A_208, %dma_wait3A_229] : memref<32768x1024xf32, #tpu.memory_space<hbm>> -> memref<32x1024xf32, #tpu.memory_space<hbm>>
    %dma_wait3A_231 = arith.constant 0 : i32
    %dma_wait3A_232 = arith.constant 0 : i32
    %dma_wait3A_233 = tpu.memref_slice %arg6[%dma_wait3A_222, %dma_wait3A_231, %dma_wait3A_232] : memref<3x32x1024xf32, #tpu.memory_space<vmem>> -> memref<1x32x1024xf32, #tpu.memory_space<vmem>>
    %dma_wait3A_234 = tpu.memref_squeeze %dma_wait3A_233 : memref<1x32x1024xf32, #tpu.memory_space<vmem>> -> memref<32x1024xf32, #tpu.memory_space<vmem>>
    tpu.wait_dma2 semaphore(%arg8 : memref<!tpu.dma_semaphore, #tpu.memory_space<semaphore_mem>>) src(%dma_wait3A_234 : memref<32x1024xf32, #tpu.memory_space<vmem>>) dst(%dma_wait3A_230 : memref<32x1024xf32, #tpu.memory_space<hbm>>)
    %dma_start3A_235 = arith.constant 6 : i32
    %dma_start3A_236 = arith.constant 0 : i32
    %dma_start3A_237 = arith.constant 0 : i32
    %dma_start3A_238 = arith.constant 0 : i32
    %dma_start3A_239 = tpu.memref_slice %arg6[%dma_start3A_236, %dma_start3A_237, %dma_start3A_238] : memref<3x32x1024xf32, #tpu.memory_space<vmem>> -> memref<1x32x1024xf32, #tpu.memory_space<vmem>>
    %dma_start3A_240 = tpu.memref_squeeze %dma_start3A_239 : memref<1x32x1024xf32, #tpu.memory_space<vmem>> -> memref<32x1024xf32, #tpu.memory_space<vmem>>
    %dma_start3A_241 = arith.constant 0 : i32
    %dma_start3A_242 = tpu.memref_slice %arg5[%dma_start3A_235, %dma_start3A_241] : memref<32x32xi32, #tpu.memory_space<vmem>> -> memref<1x32xi32, #tpu.memory_space<vmem>>
    %dma_start3A_243 = tpu.memref_squeeze %dma_start3A_242 : memref<1x32xi32, #tpu.memory_space<vmem>> -> memref<32xi32, #tpu.memory_space<vmem>>
    %dma_start3A_244 = arith.constant 0 : i32
    %dma_start3A_245 = arith.constant 0 : i32
    %dma_start3A_246 = tpu.memref_slice %arg3[%dma_start3A_244, %dma_start3A_245] : memref<8192x1024xf32, #tpu.memory_space<hbm>> -> memref<8192x1024xf32, #tpu.memory_space<hbm>>
    tpu.enqueue_indirect_dma source(%dma_start3A_246 : memref<8192x1024xf32, #tpu.memory_space<hbm>>) target(%dma_start3A_240 : memref<32x1024xf32, #tpu.memory_space<vmem>>) offsets(%dma_start3A_243 : memref<32xi32, #tpu.memory_space<vmem>>) semaphore(%arg7 : memref<!tpu.dma_semaphore, #tpu.memory_space<semaphore_mem>>)
    %dma_wait3A_247 = arith.constant 4 : i32
    %dma_wait3A_248 = arith.constant 1 : i32
    %dma_wait3A_249 = arith.constant 0 : i32
    %dma_wait3A_250 = arith.constant 0 : i32
    %dma_wait3A_251 = tpu.memref_slice %arg6[%dma_wait3A_248, %dma_wait3A_249, %dma_wait3A_250] : memref<3x32x1024xf32, #tpu.memory_space<vmem>> -> memref<1x32x1024xf32, #tpu.memory_space<vmem>>
    %dma_wait3A_252 = tpu.memref_squeeze %dma_wait3A_251 : memref<1x32x1024xf32, #tpu.memory_space<vmem>> -> memref<32x1024xf32, #tpu.memory_space<vmem>>
    %dma_wait3A_253 = arith.constant 0 : i32
    %dma_wait3A_254 = tpu.memref_slice %arg5[%dma_wait3A_247, %dma_wait3A_253] : memref<32x32xi32, #tpu.memory_space<vmem>> -> memref<1x32xi32, #tpu.memory_space<vmem>>
    %dma_wait3A_255 = tpu.memref_squeeze %dma_wait3A_254 : memref<1x32xi32, #tpu.memory_space<vmem>> -> memref<32xi32, #tpu.memory_space<vmem>>
    %dma_wait3A_256 = arith.constant 0 : i32
    %dma_wait3A_257 = arith.constant 0 : i32
    %dma_wait3A_258 = tpu.memref_slice %arg3[%dma_wait3A_256, %dma_wait3A_257] : memref<8192x1024xf32, #tpu.memory_space<hbm>> -> memref<8192x1024xf32, #tpu.memory_space<hbm>>
    tpu.wait_indirect_dma semaphore(%arg7 : memref<!tpu.dma_semaphore, #tpu.memory_space<semaphore_mem>>) src(%dma_wait3A_258 : memref<8192x1024xf32, #tpu.memory_space<hbm>>) dst(%dma_wait3A_252 : memref<32x1024xf32, #tpu.memory_space<vmem>>)
    %add3A_259 = arith.constant 128 : i32
    %add3A_260 = arith.addi %mul3A_2, %add3A_259 : i32
    %dma_start3A_261 = arith.constant 1 : i32
    %dma_start3A_262 = arith.constant 0 : i32
    %dma_start3A_263 = arith.constant 0 : i32
    %dma_start3A_264 = tpu.memref_slice %arg6[%dma_start3A_261, %dma_start3A_262, %dma_start3A_263] : memref<3x32x1024xf32, #tpu.memory_space<vmem>> -> memref<1x32x1024xf32, #tpu.memory_space<vmem>>
    %dma_start3A_265 = tpu.memref_squeeze %dma_start3A_264 : memref<1x32x1024xf32, #tpu.memory_space<vmem>> -> memref<32x1024xf32, #tpu.memory_space<vmem>>
    %dma_start3A_266 = arith.constant 0 : i32
    %dma_start3A_267 = tpu.memref_slice %arg4[%add3A_260, %dma_start3A_266] : memref<32768x1024xf32, #tpu.memory_space<hbm>> -> memref<32x1024xf32, #tpu.memory_space<hbm>>
    %dma_start3A_268 = arith.constant 0 : i32
    %dma_start3A_269 = tpu.memref_slice %arg4[%add3A_260, %dma_start3A_268] : memref<32768x1024xf32, #tpu.memory_space<hbm>> -> memref<32x1024xf32, #tpu.memory_space<hbm>>
    %dma_start3A_270 = arith.constant 0 : i32
    %dma_start3A_271 = arith.constant 0 : i32
    %dma_start3A_272 = tpu.memref_slice %arg6[%dma_start3A_261, %dma_start3A_270, %dma_start3A_271] : memref<3x32x1024xf32, #tpu.memory_space<vmem>> -> memref<1x32x1024xf32, #tpu.memory_space<vmem>>
    %dma_start3A_273 = tpu.memref_squeeze %dma_start3A_272 : memref<1x32x1024xf32, #tpu.memory_space<vmem>> -> memref<32x1024xf32, #tpu.memory_space<vmem>>
    tpu.enqueue_dma source(%dma_start3A_273 : memref<32x1024xf32, #tpu.memory_space<vmem>>) target(%dma_start3A_269 : memref<32x1024xf32, #tpu.memory_space<hbm>>) target_semaphore(%arg8 : memref<!tpu.dma_semaphore, #tpu.memory_space<semaphore_mem>>)
    %dma_wait3A_274 = arith.constant 1 : i32
    %dma_wait3A_275 = arith.constant 0 : i32
    %dma_wait3A_276 = arith.constant 0 : i32
    %dma_wait3A_277 = tpu.memref_slice %arg6[%dma_wait3A_274, %dma_wait3A_275, %dma_wait3A_276] : memref<3x32x1024xf32, #tpu.memory_space<vmem>> -> memref<1x32x1024xf32, #tpu.memory_space<vmem>>
    %dma_wait3A_278 = tpu.memref_squeeze %dma_wait3A_277 : memref<1x32x1024xf32, #tpu.memory_space<vmem>> -> memref<32x1024xf32, #tpu.memory_space<vmem>>
    %dma_wait3A_279 = arith.constant 0 : i32
    %dma_wait3A_280 = tpu.memref_slice %arg4[%add3A_260, %dma_wait3A_279] : memref<32768x1024xf32, #tpu.memory_space<hbm>> -> memref<32x1024xf32, #tpu.memory_space<hbm>>
    %dma_wait3A_281 = arith.constant 0 : i32
    %dma_wait3A_282 = tpu.memref_slice %arg4[%add3A_260, %dma_wait3A_281] : memref<32768x1024xf32, #tpu.memory_space<hbm>> -> memref<32x1024xf32, #tpu.memory_space<hbm>>
    %dma_wait3A_283 = arith.constant 0 : i32
    %dma_wait3A_284 = arith.constant 0 : i32
    %dma_wait3A_285 = tpu.memref_slice %arg6[%dma_wait3A_274, %dma_wait3A_283, %dma_wait3A_284] : memref<3x32x1024xf32, #tpu.memory_space<vmem>> -> memref<1x32x1024xf32, #tpu.memory_space<vmem>>
    %dma_wait3A_286 = tpu.memref_squeeze %dma_wait3A_285 : memref<1x32x1024xf32, #tpu.memory_space<vmem>> -> memref<32x1024xf32, #tpu.memory_space<vmem>>
    tpu.wait_dma2 semaphore(%arg8 : memref<!tpu.dma_semaphore, #tpu.memory_space<semaphore_mem>>) src(%dma_wait3A_286 : memref<32x1024xf32, #tpu.memory_space<vmem>>) dst(%dma_wait3A_282 : memref<32x1024xf32, #tpu.memory_space<hbm>>)
    %dma_start3A_287 = arith.constant 7 : i32
    %dma_start3A_288 = arith.constant 1 : i32
    %dma_start3A_289 = arith.constant 0 : i32
    %dma_start3A_290 = arith.constant 0 : i32
    %dma_start3A_291 = tpu.memref_slice %arg6[%dma_start3A_288, %dma_start3A_289, %dma_start3A_290] : memref<3x32x1024xf32, #tpu.memory_space<vmem>> -> memref<1x32x1024xf32, #tpu.memory_space<vmem>>
    %dma_start3A_292 = tpu.memref_squeeze %dma_start3A_291 : memref<1x32x1024xf32, #tpu.memory_space<vmem>> -> memref<32x1024xf32, #tpu.memory_space<vmem>>
    %dma_start3A_293 = arith.constant 0 : i32
    %dma_start3A_294 = tpu.memref_slice %arg5[%dma_start3A_287, %dma_start3A_293] : memref<32x32xi32, #tpu.memory_space<vmem>> -> memref<1x32xi32, #tpu.memory_space<vmem>>
    %dma_start3A_295 = tpu.memref_squeeze %dma_start3A_294 : memref<1x32xi32, #tpu.memory_space<vmem>> -> memref<32xi32, #tpu.memory_space<vmem>>
    %dma_start3A_296 = arith.constant 0 : i32
    %dma_start3A_297 = arith.constant 0 : i32
    %dma_start3A_298 = tpu.memref_slice %arg3[%dma_start3A_296, %dma_start3A_297] : memref<8192x1024xf32, #tpu.memory_space<hbm>> -> memref<8192x1024xf32, #tpu.memory_space<hbm>>
    tpu.enqueue_indirect_dma source(%dma_start3A_298 : memref<8192x1024xf32, #tpu.memory_space<hbm>>) target(%dma_start3A_292 : memref<32x1024xf32, #tpu.memory_space<vmem>>) offsets(%dma_start3A_295 : memref<32xi32, #tpu.memory_space<vmem>>) semaphore(%arg7 : memref<!tpu.dma_semaphore, #tpu.memory_space<semaphore_mem>>)
    %dma_wait3A_299 = arith.constant 5 : i32
    %dma_wait3A_300 = arith.constant 2 : i32
    %dma_wait3A_301 = arith.constant 0 : i32
    %dma_wait3A_302 = arith.constant 0 : i32
    %dma_wait3A_303 = tpu.memref_slice %arg6[%dma_wait3A_300, %dma_wait3A_301, %dma_wait3A_302] : memref<3x32x1024xf32, #tpu.memory_space<vmem>> -> memref<1x32x1024xf32, #tpu.memory_space<vmem>>
    %dma_wait3A_304 = tpu.memref_squeeze %dma_wait3A_303 : memref<1x32x1024xf32, #tpu.memory_space<vmem>> -> memref<32x1024xf32, #tpu.memory_space<vmem>>
    %dma_wait3A_305 = arith.constant 0 : i32
    %dma_wait3A_306 = tpu.memref_slice %arg5[%dma_wait3A_299, %dma_wait3A_305] : memref<32x32xi32, #tpu.memory_space<vmem>> -> memref<1x32xi32, #tpu.memory_space<vmem>>
    %dma_wait3A_307 = tpu.memref_squeeze %dma_wait3A_306 : memref<1x32xi32, #tpu.memory_space<vmem>> -> memref<32xi32, #tpu.memory_space<vmem>>
    %dma_wait3A_308 = arith.constant 0 : i32
    %dma_wait3A_309 = arith.constant 0 : i32
    %dma_wait3A_310 = tpu.memref_slice %arg3[%dma_wait3A_308, %dma_wait3A_309] : memref<8192x1024xf32, #tpu.memory_space<hbm>> -> memref<8192x1024xf32, #tpu.memory_space<hbm>>
    tpu.wait_indirect_dma semaphore(%arg7 : memref<!tpu.dma_semaphore, #tpu.memory_space<semaphore_mem>>) src(%dma_wait3A_310 : memref<8192x1024xf32, #tpu.memory_space<hbm>>) dst(%dma_wait3A_304 : memref<32x1024xf32, #tpu.memory_space<vmem>>)
    %add3A_311 = arith.constant 160 : i32
    %add3A_312 = arith.addi %mul3A_2, %add3A_311 : i32
    %dma_start3A_313 = arith.constant 2 : i32
    %dma_start3A_314 = arith.constant 0 : i32
    %dma_start3A_315 = arith.constant 0 : i32
    %dma_start3A_316 = tpu.memref_slice %arg6[%dma_start3A_313, %dma_start3A_314, %dma_start3A_315] : memref<3x32x1024xf32, #tpu.memory_space<vmem>> -> memref<1x32x1024xf32, #tpu.memory_space<vmem>>
    %dma_start3A_317 = tpu.memref_squeeze %dma_start3A_316 : memref<1x32x1024xf32, #tpu.memory_space<vmem>> -> memref<32x1024xf32, #tpu.memory_space<vmem>>
    %dma_start3A_318 = arith.constant 0 : i32
    %dma_start3A_319 = tpu.memref_slice %arg4[%add3A_312, %dma_start3A_318] : memref<32768x1024xf32, #tpu.memory_space<hbm>> -> memref<32x1024xf32, #tpu.memory_space<hbm>>
    %dma_start3A_320 = arith.constant 0 : i32
    %dma_start3A_321 = tpu.memref_slice %arg4[%add3A_312, %dma_start3A_320] : memref<32768x1024xf32, #tpu.memory_space<hbm>> -> memref<32x1024xf32, #tpu.memory_space<hbm>>
    %dma_start3A_322 = arith.constant 0 : i32
    %dma_start3A_323 = arith.constant 0 : i32
    %dma_start3A_324 = tpu.memref_slice %arg6[%dma_start3A_313, %dma_start3A_322, %dma_start3A_323] : memref<3x32x1024xf32, #tpu.memory_space<vmem>> -> memref<1x32x1024xf32, #tpu.memory_space<vmem>>
    %dma_start3A_325 = tpu.memref_squeeze %dma_start3A_324 : memref<1x32x1024xf32, #tpu.memory_space<vmem>> -> memref<32x1024xf32, #tpu.memory_space<vmem>>
    tpu.enqueue_dma source(%dma_start3A_325 : memref<32x1024xf32, #tpu.memory_space<vmem>>) target(%dma_start3A_321 : memref<32x1024xf32, #tpu.memory_space<hbm>>) target_semaphore(%arg8 : memref<!tpu.dma_semaphore, #tpu.memory_space<semaphore_mem>>)
    %dma_wait3A_326 = arith.constant 2 : i32
    %dma_wait3A_327 = arith.constant 0 : i32
    %dma_wait3A_328 = arith.constant 0 : i32
    %dma_wait3A_329 = tpu.memref_slice %arg6[%dma_wait3A_326, %dma_wait3A_327, %dma_wait3A_328] : memref<3x32x1024xf32, #tpu.memory_space<vmem>> -> memref<1x32x1024xf32, #tpu.memory_space<vmem>>
    %dma_wait3A_330 = tpu.memref_squeeze %dma_wait3A_329 : memref<1x32x1024xf32, #tpu.memory_space<vmem>> -> memref<32x1024xf32, #tpu.memory_space<vmem>>
    %dma_wait3A_331 = arith.constant 0 : i32
    %dma_wait3A_332 = tpu.memref_slice %arg4[%add3A_312, %dma_wait3A_331] : memref<32768x1024xf32, #tpu.memory_space<hbm>> -> memref<32x1024xf32, #tpu.memory_space<hbm>>
    %dma_wait3A_333 = arith.constant 0 : i32
    %dma_wait3A_334 = tpu.memref_slice %arg4[%add3A_312, %dma_wait3A_333] : memref<32768x1024xf32, #tpu.memory_space<hbm>> -> memref<32x1024xf32, #tpu.memory_space<hbm>>
    %dma_wait3A_335 = arith.constant 0 : i32
    %dma_wait3A_336 = arith.constant 0 : i32
    %dma_wait3A_337 = tpu.memref_slice %arg6[%dma_wait3A_326, %dma_wait3A_335, %dma_wait3A_336] : memref<3x32x1024xf32, #tpu.memory_space<vmem>> -> memref<1x32x1024xf32, #tpu.memory_space<vmem>>
    %dma_wait3A_338 = tpu.memref_squeeze %dma_wait3A_337 : memref<1x32x1024xf32, #tpu.memory_space<vmem>> -> memref<32x1024xf32, #tpu.memory_space<vmem>>
    tpu.wait_dma2 semaphore(%arg8 : memref<!tpu.dma_semaphore, #tpu.memory_space<semaphore_mem>>) src(%dma_wait3A_338 : memref<32x1024xf32, #tpu.memory_space<vmem>>) dst(%dma_wait3A_334 : memref<32x1024xf32, #tpu.memory_space<hbm>>)
    %dma_start3A_339 = arith.constant 8 : i32
    %dma_start3A_340 = arith.constant 2 : i32
    %dma_start3A_341 = arith.constant 0 : i32
    %dma_start3A_342 = arith.constant 0 : i32
    %dma_start3A_343 = tpu.memref_slice %arg6[%dma_start3A_340, %dma_start3A_341, %dma_start3A_342] : memref<3x32x1024xf32, #tpu.memory_space<vmem>> -> memref<1x32x1024xf32, #tpu.memory_space<vmem>>
    %dma_start3A_344 = tpu.memref_squeeze %dma_start3A_343 : memref<1x32x1024xf32, #tpu.memory_space<vmem>> -> memref<32x1024xf32, #tpu.memory_space<vmem>>
    %dma_start3A_345 = arith.constant 0 : i32
    %dma_start3A_346 = tpu.memref_slice %arg5[%dma_start3A_339, %dma_start3A_345] : memref<32x32xi32, #tpu.memory_space<vmem>> -> memref<1x32xi32, #tpu.memory_space<vmem>>
    %dma_start3A_347 = tpu.memref_squeeze %dma_start3A_346 : memref<1x32xi32, #tpu.memory_space<vmem>> -> memref<32xi32, #tpu.memory_space<vmem>>
    %dma_start3A_348 = arith.constant 0 : i32
    %dma_start3A_349 = arith.constant 0 : i32
    %dma_start3A_350 = tpu.memref_slice %arg3[%dma_start3A_348, %dma_start3A_349] : memref<8192x1024xf32, #tpu.memory_space<hbm>> -> memref<8192x1024xf32, #tpu.memory_space<hbm>>
    tpu.enqueue_indirect_dma source(%dma_start3A_350 : memref<8192x1024xf32, #tpu.memory_space<hbm>>) target(%dma_start3A_344 : memref<32x1024xf32, #tpu.memory_space<vmem>>) offsets(%dma_start3A_347 : memref<32xi32, #tpu.memory_space<vmem>>) semaphore(%arg7 : memref<!tpu.dma_semaphore, #tpu.memory_space<semaphore_mem>>)
    %dma_wait3A_351 = arith.constant 6 : i32
    %dma_wait3A_352 = arith.constant 0 : i32
    %dma_wait3A_353 = arith.constant 0 : i32
    %dma_wait3A_354 = arith.constant 0 : i32
    %dma_wait3A_355 = tpu.memref_slice %arg6[%dma_wait3A_352, %dma_wait3A_353, %dma_wait3A_354] : memref<3x32x1024xf32, #tpu.memory_space<vmem>> -> memref<1x32x1024xf32, #tpu.memory_space<vmem>>
    %dma_wait3A_356 = tpu.memref_squeeze %dma_wait3A_355 : memref<1x32x1024xf32, #tpu.memory_space<vmem>> -> memref<32x1024xf32, #tpu.memory_space<vmem>>
    %dma_wait3A_357 = arith.constant 0 : i32
    %dma_wait3A_358 = tpu.memref_slice %arg5[%dma_wait3A_351, %dma_wait3A_357] : memref<32x32xi32, #tpu.memory_space<vmem>> -> memref<1x32xi32, #tpu.memory_space<vmem>>
    %dma_wait3A_359 = tpu.memref_squeeze %dma_wait3A_358 : memref<1x32xi32, #tpu.memory_space<vmem>> -> memref<32xi32, #tpu.memory_space<vmem>>
    %dma_wait3A_360 = arith.constant 0 : i32
    %dma_wait3A_361 = arith.constant 0 : i32
    %dma_wait3A_362 = tpu.memref_slice %arg3[%dma_wait3A_360, %dma_wait3A_361] : memref<8192x1024xf32, #tpu.memory_space<hbm>> -> memref<8192x1024xf32, #tpu.memory_space<hbm>>
    tpu.wait_indirect_dma semaphore(%arg7 : memref<!tpu.dma_semaphore, #tpu.memory_space<semaphore_mem>>) src(%dma_wait3A_362 : memref<8192x1024xf32, #tpu.memory_space<hbm>>) dst(%dma_wait3A_356 : memref<32x1024xf32, #tpu.memory_space<vmem>>)
    %add3A_363 = arith.constant 192 : i32
    %add3A_364 = arith.addi %mul3A_2, %add3A_363 : i32
    %dma_start3A_365 = arith.constant 0 : i32
    %dma_start3A_366 = arith.constant 0 : i32
    %dma_start3A_367 = arith.constant 0 : i32
    %dma_start3A_368 = tpu.memref_slice %arg6[%dma_start3A_365, %dma_start3A_366, %dma_start3A_367] : memref<3x32x1024xf32, #tpu.memory_space<vmem>> -> memref<1x32x1024xf32, #tpu.memory_space<vmem>>
    %dma_start3A_369 = tpu.memref_squeeze %dma_start3A_368 : memref<1x32x1024xf32, #tpu.memory_space<vmem>> -> memref<32x1024xf32, #tpu.memory_space<vmem>>
    %dma_start3A_370 = arith.constant 0 : i32
    %dma_start3A_371 = tpu.memref_slice %arg4[%add3A_364, %dma_start3A_370] : memref<32768x1024xf32, #tpu.memory_space<hbm>> -> memref<32x1024xf32, #tpu.memory_space<hbm>>
    %dma_start3A_372 = arith.constant 0 : i32
    %dma_start3A_373 = tpu.memref_slice %arg4[%add3A_364, %dma_start3A_372] : memref<32768x1024xf32, #tpu.memory_space<hbm>> -> memref<32x1024xf32, #tpu.memory_space<hbm>>
    %dma_start3A_374 = arith.constant 0 : i32
    %dma_start3A_375 = arith.constant 0 : i32
    %dma_start3A_376 = tpu.memref_slice %arg6[%dma_start3A_365, %dma_start3A_374, %dma_start3A_375] : memref<3x32x1024xf32, #tpu.memory_space<vmem>> -> memref<1x32x1024xf32, #tpu.memory_space<vmem>>
    %dma_start3A_377 = tpu.memref_squeeze %dma_start3A_376 : memref<1x32x1024xf32, #tpu.memory_space<vmem>> -> memref<32x1024xf32, #tpu.memory_space<vmem>>
    tpu.enqueue_dma source(%dma_start3A_377 : memref<32x1024xf32, #tpu.memory_space<vmem>>) target(%dma_start3A_373 : memref<32x1024xf32, #tpu.memory_space<hbm>>) target_semaphore(%arg8 : memref<!tpu.dma_semaphore, #tpu.memory_space<semaphore_mem>>)
    %dma_wait3A_378 = arith.constant 0 : i32
    %dma_wait3A_379 = arith.constant 0 : i32
    %dma_wait3A_380 = arith.constant 0 : i32
    %dma_wait3A_381 = tpu.memref_slice %arg6[%dma_wait3A_378, %dma_wait3A_379, %dma_wait3A_380] : memref<3x32x1024xf32, #tpu.memory_space<vmem>> -> memref<1x32x1024xf32, #tpu.memory_space<vmem>>
    %dma_wait3A_382 = tpu.memref_squeeze %dma_wait3A_381 : memref<1x32x1024xf32, #tpu.memory_space<vmem>> -> memref<32x1024xf32, #tpu.memory_space<vmem>>
    %dma_wait3A_383 = arith.constant 0 : i32
    %dma_wait3A_384 = tpu.memref_slice %arg4[%add3A_364, %dma_wait3A_383] : memref<32768x1024xf32, #tpu.memory_space<hbm>> -> memref<32x1024xf32, #tpu.memory_space<hbm>>
    %dma_wait3A_385 = arith.constant 0 : i32
    %dma_wait3A_386 = tpu.memref_slice %arg4[%add3A_364, %dma_wait3A_385] : memref<32768x1024xf32, #tpu.memory_space<hbm>> -> memref<32x1024xf32, #tpu.memory_space<hbm>>
    %dma_wait3A_387 = arith.constant 0 : i32
    %dma_wait3A_388 = arith.constant 0 : i32
    %dma_wait3A_389 = tpu.memref_slice %arg6[%dma_wait3A_378, %dma_wait3A_387, %dma_wait3A_388] : memref<3x32x1024xf32, #tpu.memory_space<vmem>> -> memref<1x32x1024xf32, #tpu.memory_space<vmem>>
    %dma_wait3A_390 = tpu.memref_squeeze %dma_wait3A_389 : memref<1x32x1024xf32, #tpu.memory_space<vmem>> -> memref<32x1024xf32, #tpu.memory_space<vmem>>
    tpu.wait_dma2 semaphore(%arg8 : memref<!tpu.dma_semaphore, #tpu.memory_space<semaphore_mem>>) src(%dma_wait3A_390 : memref<32x1024xf32, #tpu.memory_space<vmem>>) dst(%dma_wait3A_386 : memref<32x1024xf32, #tpu.memory_space<hbm>>)
    %dma_start3A_391 = arith.constant 9 : i32
    %dma_start3A_392 = arith.constant 0 : i32
    %dma_start3A_393 = arith.constant 0 : i32
    %dma_start3A_394 = arith.constant 0 : i32
    %dma_start3A_395 = tpu.memref_slice %arg6[%dma_start3A_392, %dma_start3A_393, %dma_start3A_394] : memref<3x32x1024xf32, #tpu.memory_space<vmem>> -> memref<1x32x1024xf32, #tpu.memory_space<vmem>>
    %dma_start3A_396 = tpu.memref_squeeze %dma_start3A_395 : memref<1x32x1024xf32, #tpu.memory_space<vmem>> -> memref<32x1024xf32, #tpu.memory_space<vmem>>
    %dma_start3A_397 = arith.constant 0 : i32
    %dma_start3A_398 = tpu.memref_slice %arg5[%dma_start3A_391, %dma_start3A_397] : memref<32x32xi32, #tpu.memory_space<vmem>> -> memref<1x32xi32, #tpu.memory_space<vmem>>
    %dma_start3A_399 = tpu.memref_squeeze %dma_start3A_398 : memref<1x32xi32, #tpu.memory_space<vmem>> -> memref<32xi32, #tpu.memory_space<vmem>>
    %dma_start3A_400 = arith.constant 0 : i32
    %dma_start3A_401 = arith.constant 0 : i32
    %dma_start3A_402 = tpu.memref_slice %arg3[%dma_start3A_400, %dma_start3A_401] : memref<8192x1024xf32, #tpu.memory_space<hbm>> -> memref<8192x1024xf32, #tpu.memory_space<hbm>>
    tpu.enqueue_indirect_dma source(%dma_start3A_402 : memref<8192x1024xf32, #tpu.memory_space<hbm>>) target(%dma_start3A_396 : memref<32x1024xf32, #tpu.memory_space<vmem>>) offsets(%dma_start3A_399 : memref<32xi32, #tpu.memory_space<vmem>>) semaphore(%arg7 : memref<!tpu.dma_semaphore, #tpu.memory_space<semaphore_mem>>)
    %dma_wait3A_403 = arith.constant 7 : i32
    %dma_wait3A_404 = arith.constant 1 : i32
    %dma_wait3A_405 = arith.constant 0 : i32
    %dma_wait3A_406 = arith.constant 0 : i32
    %dma_wait3A_407 = tpu.memref_slice %arg6[%dma_wait3A_404, %dma_wait3A_405, %dma_wait3A_406] : memref<3x32x1024xf32, #tpu.memory_space<vmem>> -> memref<1x32x1024xf32, #tpu.memory_space<vmem>>
    %dma_wait3A_408 = tpu.memref_squeeze %dma_wait3A_407 : memref<1x32x1024xf32, #tpu.memory_space<vmem>> -> memref<32x1024xf32, #tpu.memory_space<vmem>>
    %dma_wait3A_409 = arith.constant 0 : i32
    %dma_wait3A_410 = tpu.memref_slice %arg5[%dma_wait3A_403, %dma_wait3A_409] : memref<32x32xi32, #tpu.memory_space<vmem>> -> memref<1x32xi32, #tpu.memory_space<vmem>>
    %dma_wait3A_411 = tpu.memref_squeeze %dma_wait3A_410 : memref<1x32xi32, #tpu.memory_space<vmem>> -> memref<32xi32, #tpu.memory_space<vmem>>
    %dma_wait3A_412 = arith.constant 0 : i32
    %dma_wait3A_413 = arith.constant 0 : i32
    %dma_wait3A_414 = tpu.memref_slice %arg3[%dma_wait3A_412, %dma_wait3A_413] : memref<8192x1024xf32, #tpu.memory_space<hbm>> -> memref<8192x1024xf32, #tpu.memory_space<hbm>>
    tpu.wait_indirect_dma semaphore(%arg7 : memref<!tpu.dma_semaphore, #tpu.memory_space<semaphore_mem>>) src(%dma_wait3A_414 : memref<8192x1024xf32, #tpu.memory_space<hbm>>) dst(%dma_wait3A_408 : memref<32x1024xf32, #tpu.memory_space<vmem>>)
    %add3A_415 = arith.constant 224 : i32
    %add3A_416 = arith.addi %mul3A_2, %add3A_415 : i32
    %dma_start3A_417 = arith.constant 1 : i32
    %dma_start3A_418 = arith.constant 0 : i32
    %dma_start3A_419 = arith.constant 0 : i32
    %dma_start3A_420 = tpu.memref_slice %arg6[%dma_start3A_417, %dma_start3A_418, %dma_start3A_419] : memref<3x32x1024xf32, #tpu.memory_space<vmem>> -> memref<1x32x1024xf32, #tpu.memory_space<vmem>>
    %dma_start3A_421 = tpu.memref_squeeze %dma_start3A_420 : memref<1x32x1024xf32, #tpu.memory_space<vmem>> -> memref<32x1024xf32, #tpu.memory_space<vmem>>
    %dma_start3A_422 = arith.constant 0 : i32
    %dma_start3A_423 = tpu.memref_slice %arg4[%add3A_416, %dma_start3A_422] : memref<32768x1024xf32, #tpu.memory_space<hbm>> -> memref<32x1024xf32, #tpu.memory_space<hbm>>
    %dma_start3A_424 = arith.constant 0 : i32
    %dma_start3A_425 = tpu.memref_slice %arg4[%add3A_416, %dma_start3A_424] : memref<32768x1024xf32, #tpu.memory_space<hbm>> -> memref<32x1024xf32, #tpu.memory_space<hbm>>
    %dma_start3A_426 = arith.constant 0 : i32
    %dma_start3A_427 = arith.constant 0 : i32
    %dma_start3A_428 = tpu.memref_slice %arg6[%dma_start3A_417, %dma_start3A_426, %dma_start3A_427] : memref<3x32x1024xf32, #tpu.memory_space<vmem>> -> memref<1x32x1024xf32, #tpu.memory_space<vmem>>
    %dma_start3A_429 = tpu.memref_squeeze %dma_start3A_428 : memref<1x32x1024xf32, #tpu.memory_space<vmem>> -> memref<32x1024xf32, #tpu.memory_space<vmem>>
    tpu.enqueue_dma source(%dma_start3A_429 : memref<32x1024xf32, #tpu.memory_space<vmem>>) target(%dma_start3A_425 : memref<32x1024xf32, #tpu.memory_space<hbm>>) target_semaphore(%arg8 : memref<!tpu.dma_semaphore, #tpu.memory_space<semaphore_mem>>)
    %dma_wait3A_430 = arith.constant 1 : i32
    %dma_wait3A_431 = arith.constant 0 : i32
    %dma_wait3A_432 = arith.constant 0 : i32
    %dma_wait3A_433 = tpu.memref_slice %arg6[%dma_wait3A_430, %dma_wait3A_431, %dma_wait3A_432] : memref<3x32x1024xf32, #tpu.memory_space<vmem>> -> memref<1x32x1024xf32, #tpu.memory_space<vmem>>
    %dma_wait3A_434 = tpu.memref_squeeze %dma_wait3A_433 : memref<1x32x1024xf32, #tpu.memory_space<vmem>> -> memref<32x1024xf32, #tpu.memory_space<vmem>>
    %dma_wait3A_435 = arith.constant 0 : i32
    %dma_wait3A_436 = tpu.memref_slice %arg4[%add3A_416, %dma_wait3A_435] : memref<32768x1024xf32, #tpu.memory_space<hbm>> -> memref<32x1024xf32, #tpu.memory_space<hbm>>
    %dma_wait3A_437 = arith.constant 0 : i32
    %dma_wait3A_438 = tpu.memref_slice %arg4[%add3A_416, %dma_wait3A_437] : memref<32768x1024xf32, #tpu.memory_space<hbm>> -> memref<32x1024xf32, #tpu.memory_space<hbm>>
    %dma_wait3A_439 = arith.constant 0 : i32
    %dma_wait3A_440 = arith.constant 0 : i32
    %dma_wait3A_441 = tpu.memref_slice %arg6[%dma_wait3A_430, %dma_wait3A_439, %dma_wait3A_440] : memref<3x32x1024xf32, #tpu.memory_space<vmem>> -> memref<1x32x1024xf32, #tpu.memory_space<vmem>>
    %dma_wait3A_442 = tpu.memref_squeeze %dma_wait3A_441 : memref<1x32x1024xf32, #tpu.memory_space<vmem>> -> memref<32x1024xf32, #tpu.memory_space<vmem>>
    tpu.wait_dma2 semaphore(%arg8 : memref<!tpu.dma_semaphore, #tpu.memory_space<semaphore_mem>>) src(%dma_wait3A_442 : memref<32x1024xf32, #tpu.memory_space<vmem>>) dst(%dma_wait3A_438 : memref<32x1024xf32, #tpu.memory_space<hbm>>)
    %dma_start3A_443 = arith.constant 10 : i32
    %dma_start3A_444 = arith.constant 1 : i32
    %dma_start3A_445 = arith.constant 0 : i32
    %dma_start3A_446 = arith.constant 0 : i32
    %dma_start3A_447 = tpu.memref_slice %arg6[%dma_start3A_444, %dma_start3A_445, %dma_start3A_446] : memref<3x32x1024xf32, #tpu.memory_space<vmem>> -> memref<1x32x1024xf32, #tpu.memory_space<vmem>>
    %dma_start3A_448 = tpu.memref_squeeze %dma_start3A_447 : memref<1x32x1024xf32, #tpu.memory_space<vmem>> -> memref<32x1024xf32, #tpu.memory_space<vmem>>
    %dma_start3A_449 = arith.constant 0 : i32
    %dma_start3A_450 = tpu.memref_slice %arg5[%dma_start3A_443, %dma_start3A_449] : memref<32x32xi32, #tpu.memory_space<vmem>> -> memref<1x32xi32, #tpu.memory_space<vmem>>
    %dma_start3A_451 = tpu.memref_squeeze %dma_start3A_450 : memref<1x32xi32, #tpu.memory_space<vmem>> -> memref<32xi32, #tpu.memory_space<vmem>>
    %dma_start3A_452 = arith.constant 0 : i32
    %dma_start3A_453 = arith.constant 0 : i32
    %dma_start3A_454 = tpu.memref_slice %arg3[%dma_start3A_452, %dma_start3A_453] : memref<8192x1024xf32, #tpu.memory_space<hbm>> -> memref<8192x1024xf32, #tpu.memory_space<hbm>>
    tpu.enqueue_indirect_dma source(%dma_start3A_454 : memref<8192x1024xf32, #tpu.memory_space<hbm>>) target(%dma_start3A_448 : memref<32x1024xf32, #tpu.memory_space<vmem>>) offsets(%dma_start3A_451 : memref<32xi32, #tpu.memory_space<vmem>>) semaphore(%arg7 : memref<!tpu.dma_semaphore, #tpu.memory_space<semaphore_mem>>)
    %dma_wait3A_455 = arith.constant 8 : i32
    %dma_wait3A_456 = arith.constant 2 : i32
    %dma_wait3A_457 = arith.constant 0 : i32
    %dma_wait3A_458 = arith.constant 0 : i32
    %dma_wait3A_459 = tpu.memref_slice %arg6[%dma_wait3A_456, %dma_wait3A_457, %dma_wait3A_458] : memref<3x32x1024xf32, #tpu.memory_space<vmem>> -> memref<1x32x1024xf32, #tpu.memory_space<vmem>>
    %dma_wait3A_460 = tpu.memref_squeeze %dma_wait3A_459 : memref<1x32x1024xf32, #tpu.memory_space<vmem>> -> memref<32x1024xf32, #tpu.memory_space<vmem>>
    %dma_wait3A_461 = arith.constant 0 : i32
    %dma_wait3A_462 = tpu.memref_slice %arg5[%dma_wait3A_455, %dma_wait3A_461] : memref<32x32xi32, #tpu.memory_space<vmem>> -> memref<1x32xi32, #tpu.memory_space<vmem>>
    %dma_wait3A_463 = tpu.memref_squeeze %dma_wait3A_462 : memref<1x32xi32, #tpu.memory_space<vmem>> -> memref<32xi32, #tpu.memory_space<vmem>>
    %dma_wait3A_464 = arith.constant 0 : i32
    %dma_wait3A_465 = arith.constant 0 : i32
    %dma_wait3A_466 = tpu.memref_slice %arg3[%dma_wait3A_464, %dma_wait3A_465] : memref<8192x1024xf32, #tpu.memory_space<hbm>> -> memref<8192x1024xf32, #tpu.memory_space<hbm>>
    tpu.wait_indirect_dma semaphore(%arg7 : memref<!tpu.dma_semaphore, #tpu.memory_space<semaphore_mem>>) src(%dma_wait3A_466 : memref<8192x1024xf32, #tpu.memory_space<hbm>>) dst(%dma_wait3A_460 : memref<32x1024xf32, #tpu.memory_space<vmem>>)
    %add3A_467 = arith.constant 256 : i32
    %add3A_468 = arith.addi %mul3A_2, %add3A_467 : i32
    %dma_start3A_469 = arith.constant 2 : i32
    %dma_start3A_470 = arith.constant 0 : i32
    %dma_start3A_471 = arith.constant 0 : i32
    %dma_start3A_472 = tpu.memref_slice %arg6[%dma_start3A_469, %dma_start3A_470, %dma_start3A_471] : memref<3x32x1024xf32, #tpu.memory_space<vmem>> -> memref<1x32x1024xf32, #tpu.memory_space<vmem>>
    %dma_start3A_473 = tpu.memref_squeeze %dma_start3A_472 : memref<1x32x1024xf32, #tpu.memory_space<vmem>> -> memref<32x1024xf32, #tpu.memory_space<vmem>>
    %dma_start3A_474 = arith.constant 0 : i32
    %dma_start3A_475 = tpu.memref_slice %arg4[%add3A_468, %dma_start3A_474] : memref<32768x1024xf32, #tpu.memory_space<hbm>> -> memref<32x1024xf32, #tpu.memory_space<hbm>>
    %dma_start3A_476 = arith.constant 0 : i32
    %dma_start3A_477 = tpu.memref_slice %arg4[%add3A_468, %dma_start3A_476] : memref<32768x1024xf32, #tpu.memory_space<hbm>> -> memref<32x1024xf32, #tpu.memory_space<hbm>>
    %dma_start3A_478 = arith.constant 0 : i32
    %dma_start3A_479 = arith.constant 0 : i32
    %dma_start3A_480 = tpu.memref_slice %arg6[%dma_start3A_469, %dma_start3A_478, %dma_start3A_479] : memref<3x32x1024xf32, #tpu.memory_space<vmem>> -> memref<1x32x1024xf32, #tpu.memory_space<vmem>>
    %dma_start3A_481 = tpu.memref_squeeze %dma_start3A_480 : memref<1x32x1024xf32, #tpu.memory_space<vmem>> -> memref<32x1024xf32, #tpu.memory_space<vmem>>
    tpu.enqueue_dma source(%dma_start3A_481 : memref<32x1024xf32, #tpu.memory_space<vmem>>) target(%dma_start3A_477 : memref<32x1024xf32, #tpu.memory_space<hbm>>) target_semaphore(%arg8 : memref<!tpu.dma_semaphore, #tpu.memory_space<semaphore_mem>>)
    %dma_wait3A_482 = arith.constant 2 : i32
    %dma_wait3A_483 = arith.constant 0 : i32
    %dma_wait3A_484 = arith.constant 0 : i32
    %dma_wait3A_485 = tpu.memref_slice %arg6[%dma_wait3A_482, %dma_wait3A_483, %dma_wait3A_484] : memref<3x32x1024xf32, #tpu.memory_space<vmem>> -> memref<1x32x1024xf32, #tpu.memory_space<vmem>>
    %dma_wait3A_486 = tpu.memref_squeeze %dma_wait3A_485 : memref<1x32x1024xf32, #tpu.memory_space<vmem>> -> memref<32x1024xf32, #tpu.memory_space<vmem>>
    %dma_wait3A_487 = arith.constant 0 : i32
    %dma_wait3A_488 = tpu.memref_slice %arg4[%add3A_468, %dma_wait3A_487] : memref<32768x1024xf32, #tpu.memory_space<hbm>> -> memref<32x1024xf32, #tpu.memory_space<hbm>>
    %dma_wait3A_489 = arith.constant 0 : i32
    %dma_wait3A_490 = tpu.memref_slice %arg4[%add3A_468, %dma_wait3A_489] : memref<32768x1024xf32, #tpu.memory_space<hbm>> -> memref<32x1024xf32, #tpu.memory_space<hbm>>
    %dma_wait3A_491 = arith.constant 0 : i32
    %dma_wait3A_492 = arith.constant 0 : i32
    %dma_wait3A_493 = tpu.memref_slice %arg6[%dma_wait3A_482, %dma_wait3A_491, %dma_wait3A_492] : memref<3x32x1024xf32, #tpu.memory_space<vmem>> -> memref<1x32x1024xf32, #tpu.memory_space<vmem>>
    %dma_wait3A_494 = tpu.memref_squeeze %dma_wait3A_493 : memref<1x32x1024xf32, #tpu.memory_space<vmem>> -> memref<32x1024xf32, #tpu.memory_space<vmem>>
    tpu.wait_dma2 semaphore(%arg8 : memref<!tpu.dma_semaphore, #tpu.memory_space<semaphore_mem>>) src(%dma_wait3A_494 : memref<32x1024xf32, #tpu.memory_space<vmem>>) dst(%dma_wait3A_490 : memref<32x1024xf32, #tpu.memory_space<hbm>>)
    %dma_start3A_495 = arith.constant 11 : i32
    %dma_start3A_496 = arith.constant 2 : i32
    %dma_start3A_497 = arith.constant 0 : i32
    %dma_start3A_498 = arith.constant 0 : i32
    %dma_start3A_499 = tpu.memref_slice %arg6[%dma_start3A_496, %dma_start3A_497, %dma_start3A_498] : memref<3x32x1024xf32, #tpu.memory_space<vmem>> -> memref<1x32x1024xf32, #tpu.memory_space<vmem>>
    %dma_start3A_500 = tpu.memref_squeeze %dma_start3A_499 : memref<1x32x1024xf32, #tpu.memory_space<vmem>> -> memref<32x1024xf32, #tpu.memory_space<vmem>>
    %dma_start3A_501 = arith.constant 0 : i32
    %dma_start3A_502 = tpu.memref_slice %arg5[%dma_start3A_495, %dma_start3A_501] : memref<32x32xi32, #tpu.memory_space<vmem>> -> memref<1x32xi32, #tpu.memory_space<vmem>>
    %dma_start3A_503 = tpu.memref_squeeze %dma_start3A_502 : memref<1x32xi32, #tpu.memory_space<vmem>> -> memref<32xi32, #tpu.memory_space<vmem>>
    %dma_start3A_504 = arith.constant 0 : i32
    %dma_start3A_505 = arith.constant 0 : i32
    %dma_start3A_506 = tpu.memref_slice %arg3[%dma_start3A_504, %dma_start3A_505] : memref<8192x1024xf32, #tpu.memory_space<hbm>> -> memref<8192x1024xf32, #tpu.memory_space<hbm>>
    tpu.enqueue_indirect_dma source(%dma_start3A_506 : memref<8192x1024xf32, #tpu.memory_space<hbm>>) target(%dma_start3A_500 : memref<32x1024xf32, #tpu.memory_space<vmem>>) offsets(%dma_start3A_503 : memref<32xi32, #tpu.memory_space<vmem>>) semaphore(%arg7 : memref<!tpu.dma_semaphore, #tpu.memory_space<semaphore_mem>>)
    %dma_wait3A_507 = arith.constant 9 : i32
    %dma_wait3A_508 = arith.constant 0 : i32
    %dma_wait3A_509 = arith.constant 0 : i32
    %dma_wait3A_510 = arith.constant 0 : i32
    %dma_wait3A_511 = tpu.memref_slice %arg6[%dma_wait3A_508, %dma_wait3A_509, %dma_wait3A_510] : memref<3x32x1024xf32, #tpu.memory_space<vmem>> -> memref<1x32x1024xf32, #tpu.memory_space<vmem>>
    %dma_wait3A_512 = tpu.memref_squeeze %dma_wait3A_511 : memref<1x32x1024xf32, #tpu.memory_space<vmem>> -> memref<32x1024xf32, #tpu.memory_space<vmem>>
    %dma_wait3A_513 = arith.constant 0 : i32
    %dma_wait3A_514 = tpu.memref_slice %arg5[%dma_wait3A_507, %dma_wait3A_513] : memref<32x32xi32, #tpu.memory_space<vmem>> -> memref<1x32xi32, #tpu.memory_space<vmem>>
    %dma_wait3A_515 = tpu.memref_squeeze %dma_wait3A_514 : memref<1x32xi32, #tpu.memory_space<vmem>> -> memref<32xi32, #tpu.memory_space<vmem>>
    %dma_wait3A_516 = arith.constant 0 : i32
    %dma_wait3A_517 = arith.constant 0 : i32
    %dma_wait3A_518 = tpu.memref_slice %arg3[%dma_wait3A_516, %dma_wait3A_517] : memref<8192x1024xf32, #tpu.memory_space<hbm>> -> memref<8192x1024xf32, #tpu.memory_space<hbm>>
    tpu.wait_indirect_dma semaphore(%arg7 : memref<!tpu.dma_semaphore, #tpu.memory_space<semaphore_mem>>) src(%dma_wait3A_518 : memref<8192x1024xf32, #tpu.memory_space<hbm>>) dst(%dma_wait3A_512 : memref<32x1024xf32, #tpu.memory_space<vmem>>)
    %add3A_519 = arith.constant 288 : i32
    %add3A_520 = arith.addi %mul3A_2, %add3A_519 : i32
    %dma_start3A_521 = arith.constant 0 : i32
    %dma_start3A_522 = arith.constant 0 : i32
    %dma_start3A_523 = arith.constant 0 : i32
    %dma_start3A_524 = tpu.memref_slice %arg6[%dma_start3A_521, %dma_start3A_522, %dma_start3A_523] : memref<3x32x1024xf32, #tpu.memory_space<vmem>> -> memref<1x32x1024xf32, #tpu.memory_space<vmem>>
    %dma_start3A_525 = tpu.memref_squeeze %dma_start3A_524 : memref<1x32x1024xf32, #tpu.memory_space<vmem>> -> memref<32x1024xf32, #tpu.memory_space<vmem>>
    %dma_start3A_526 = arith.constant 0 : i32
    %dma_start3A_527 = tpu.memref_slice %arg4[%add3A_520, %dma_start3A_526] : memref<32768x1024xf32, #tpu.memory_space<hbm>> -> memref<32x1024xf32, #tpu.memory_space<hbm>>
    %dma_start3A_528 = arith.constant 0 : i32
    %dma_start3A_529 = tpu.memref_slice %arg4[%add3A_520, %dma_start3A_528] : memref<32768x1024xf32, #tpu.memory_space<hbm>> -> memref<32x1024xf32, #tpu.memory_space<hbm>>
    %dma_start3A_530 = arith.constant 0 : i32
    %dma_start3A_531 = arith.constant 0 : i32
    %dma_start3A_532 = tpu.memref_slice %arg6[%dma_start3A_521, %dma_start3A_530, %dma_start3A_531] : memref<3x32x1024xf32, #tpu.memory_space<vmem>> -> memref<1x32x1024xf32, #tpu.memory_space<vmem>>
    %dma_start3A_533 = tpu.memref_squeeze %dma_start3A_532 : memref<1x32x1024xf32, #tpu.memory_space<vmem>> -> memref<32x1024xf32, #tpu.memory_space<vmem>>
    tpu.enqueue_dma source(%dma_start3A_533 : memref<32x1024xf32, #tpu.memory_space<vmem>>) target(%dma_start3A_529 : memref<32x1024xf32, #tpu.memory_space<hbm>>) target_semaphore(%arg8 : memref<!tpu.dma_semaphore, #tpu.memory_space<semaphore_mem>>)
    %dma_wait3A_534 = arith.constant 0 : i32
    %dma_wait3A_535 = arith.constant 0 : i32
    %dma_wait3A_536 = arith.constant 0 : i32
    %dma_wait3A_537 = tpu.memref_slice %arg6[%dma_wait3A_534, %dma_wait3A_535, %dma_wait3A_536] : memref<3x32x1024xf32, #tpu.memory_space<vmem>> -> memref<1x32x1024xf32, #tpu.memory_space<vmem>>
    %dma_wait3A_538 = tpu.memref_squeeze %dma_wait3A_537 : memref<1x32x1024xf32, #tpu.memory_space<vmem>> -> memref<32x1024xf32, #tpu.memory_space<vmem>>
    %dma_wait3A_539 = arith.constant 0 : i32
    %dma_wait3A_540 = tpu.memref_slice %arg4[%add3A_520, %dma_wait3A_539] : memref<32768x1024xf32, #tpu.memory_space<hbm>> -> memref<32x1024xf32, #tpu.memory_space<hbm>>
    %dma_wait3A_541 = arith.constant 0 : i32
    %dma_wait3A_542 = tpu.memref_slice %arg4[%add3A_520, %dma_wait3A_541] : memref<32768x1024xf32, #tpu.memory_space<hbm>> -> memref<32x1024xf32, #tpu.memory_space<hbm>>
    %dma_wait3A_543 = arith.constant 0 : i32
    %dma_wait3A_544 = arith.constant 0 : i32
    %dma_wait3A_545 = tpu.memref_slice %arg6[%dma_wait3A_534, %dma_wait3A_543, %dma_wait3A_544] : memref<3x32x1024xf32, #tpu.memory_space<vmem>> -> memref<1x32x1024xf32, #tpu.memory_space<vmem>>
    %dma_wait3A_546 = tpu.memref_squeeze %dma_wait3A_545 : memref<1x32x1024xf32, #tpu.memory_space<vmem>> -> memref<32x1024xf32, #tpu.memory_space<vmem>>
    tpu.wait_dma2 semaphore(%arg8 : memref<!tpu.dma_semaphore, #tpu.memory_space<semaphore_mem>>) src(%dma_wait3A_546 : memref<32x1024xf32, #tpu.memory_space<vmem>>) dst(%dma_wait3A_542 : memref<32x1024xf32, #tpu.memory_space<hbm>>)
    %dma_start3A_547 = arith.constant 12 : i32
    %dma_start3A_548 = arith.constant 0 : i32
    %dma_start3A_549 = arith.constant 0 : i32
    %dma_start3A_550 = arith.constant 0 : i32
    %dma_start3A_551 = tpu.memref_slice %arg6[%dma_start3A_548, %dma_start3A_549, %dma_start3A_550] : memref<3x32x1024xf32, #tpu.memory_space<vmem>> -> memref<1x32x1024xf32, #tpu.memory_space<vmem>>
    %dma_start3A_552 = tpu.memref_squeeze %dma_start3A_551 : memref<1x32x1024xf32, #tpu.memory_space<vmem>> -> memref<32x1024xf32, #tpu.memory_space<vmem>>
    %dma_start3A_553 = arith.constant 0 : i32
    %dma_start3A_554 = tpu.memref_slice %arg5[%dma_start3A_547, %dma_start3A_553] : memref<32x32xi32, #tpu.memory_space<vmem>> -> memref<1x32xi32, #tpu.memory_space<vmem>>
    %dma_start3A_555 = tpu.memref_squeeze %dma_start3A_554 : memref<1x32xi32, #tpu.memory_space<vmem>> -> memref<32xi32, #tpu.memory_space<vmem>>
    %dma_start3A_556 = arith.constant 0 : i32
    %dma_start3A_557 = arith.constant 0 : i32
    %dma_start3A_558 = tpu.memref_slice %arg3[%dma_start3A_556, %dma_start3A_557] : memref<8192x1024xf32, #tpu.memory_space<hbm>> -> memref<8192x1024xf32, #tpu.memory_space<hbm>>
    tpu.enqueue_indirect_dma source(%dma_start3A_558 : memref<8192x1024xf32, #tpu.memory_space<hbm>>) target(%dma_start3A_552 : memref<32x1024xf32, #tpu.memory_space<vmem>>) offsets(%dma_start3A_555 : memref<32xi32, #tpu.memory_space<vmem>>) semaphore(%arg7 : memref<!tpu.dma_semaphore, #tpu.memory_space<semaphore_mem>>)
    %dma_wait3A_559 = arith.constant 10 : i32
    %dma_wait3A_560 = arith.constant 1 : i32
    %dma_wait3A_561 = arith.constant 0 : i32
    %dma_wait3A_562 = arith.constant 0 : i32
    %dma_wait3A_563 = tpu.memref_slice %arg6[%dma_wait3A_560, %dma_wait3A_561, %dma_wait3A_562] : memref<3x32x1024xf32, #tpu.memory_space<vmem>> -> memref<1x32x1024xf32, #tpu.memory_space<vmem>>
    %dma_wait3A_564 = tpu.memref_squeeze %dma_wait3A_563 : memref<1x32x1024xf32, #tpu.memory_space<vmem>> -> memref<32x1024xf32, #tpu.memory_space<vmem>>
    %dma_wait3A_565 = arith.constant 0 : i32
    %dma_wait3A_566 = tpu.memref_slice %arg5[%dma_wait3A_559, %dma_wait3A_565] : memref<32x32xi32, #tpu.memory_space<vmem>> -> memref<1x32xi32, #tpu.memory_space<vmem>>
    %dma_wait3A_567 = tpu.memref_squeeze %dma_wait3A_566 : memref<1x32xi32, #tpu.memory_space<vmem>> -> memref<32xi32, #tpu.memory_space<vmem>>
    %dma_wait3A_568 = arith.constant 0 : i32
    %dma_wait3A_569 = arith.constant 0 : i32
    %dma_wait3A_570 = tpu.memref_slice %arg3[%dma_wait3A_568, %dma_wait3A_569] : memref<8192x1024xf32, #tpu.memory_space<hbm>> -> memref<8192x1024xf32, #tpu.memory_space<hbm>>
    tpu.wait_indirect_dma semaphore(%arg7 : memref<!tpu.dma_semaphore, #tpu.memory_space<semaphore_mem>>) src(%dma_wait3A_570 : memref<8192x1024xf32, #tpu.memory_space<hbm>>) dst(%dma_wait3A_564 : memref<32x1024xf32, #tpu.memory_space<vmem>>)
    %add3A_571 = arith.constant 320 : i32
    %add3A_572 = arith.addi %mul3A_2, %add3A_571 : i32
    %dma_start3A_573 = arith.constant 1 : i32
    %dma_start3A_574 = arith.constant 0 : i32
    %dma_start3A_575 = arith.constant 0 : i32
    %dma_start3A_576 = tpu.memref_slice %arg6[%dma_start3A_573, %dma_start3A_574, %dma_start3A_575] : memref<3x32x1024xf32, #tpu.memory_space<vmem>> -> memref<1x32x1024xf32, #tpu.memory_space<vmem>>
    %dma_start3A_577 = tpu.memref_squeeze %dma_start3A_576 : memref<1x32x1024xf32, #tpu.memory_space<vmem>> -> memref<32x1024xf32, #tpu.memory_space<vmem>>
    %dma_start3A_578 = arith.constant 0 : i32
    %dma_start3A_579 = tpu.memref_slice %arg4[%add3A_572, %dma_start3A_578] : memref<32768x1024xf32, #tpu.memory_space<hbm>> -> memref<32x1024xf32, #tpu.memory_space<hbm>>
    %dma_start3A_580 = arith.constant 0 : i32
    %dma_start3A_581 = tpu.memref_slice %arg4[%add3A_572, %dma_start3A_580] : memref<32768x1024xf32, #tpu.memory_space<hbm>> -> memref<32x1024xf32, #tpu.memory_space<hbm>>
    %dma_start3A_582 = arith.constant 0 : i32
    %dma_start3A_583 = arith.constant 0 : i32
    %dma_start3A_584 = tpu.memref_slice %arg6[%dma_start3A_573, %dma_start3A_582, %dma_start3A_583] : memref<3x32x1024xf32, #tpu.memory_space<vmem>> -> memref<1x32x1024xf32, #tpu.memory_space<vmem>>
    %dma_start3A_585 = tpu.memref_squeeze %dma_start3A_584 : memref<1x32x1024xf32, #tpu.memory_space<vmem>> -> memref<32x1024xf32, #tpu.memory_space<vmem>>
    tpu.enqueue_dma source(%dma_start3A_585 : memref<32x1024xf32, #tpu.memory_space<vmem>>) target(%dma_start3A_581 : memref<32x1024xf32, #tpu.memory_space<hbm>>) target_semaphore(%arg8 : memref<!tpu.dma_semaphore, #tpu.memory_space<semaphore_mem>>)
    %dma_wait3A_586 = arith.constant 1 : i32
    %dma_wait3A_587 = arith.constant 0 : i32
    %dma_wait3A_588 = arith.constant 0 : i32
    %dma_wait3A_589 = tpu.memref_slice %arg6[%dma_wait3A_586, %dma_wait3A_587, %dma_wait3A_588] : memref<3x32x1024xf32, #tpu.memory_space<vmem>> -> memref<1x32x1024xf32, #tpu.memory_space<vmem>>
    %dma_wait3A_590 = tpu.memref_squeeze %dma_wait3A_589 : memref<1x32x1024xf32, #tpu.memory_space<vmem>> -> memref<32x1024xf32, #tpu.memory_space<vmem>>
    %dma_wait3A_591 = arith.constant 0 : i32
    %dma_wait3A_592 = tpu.memref_slice %arg4[%add3A_572, %dma_wait3A_591] : memref<32768x1024xf32, #tpu.memory_space<hbm>> -> memref<32x1024xf32, #tpu.memory_space<hbm>>
    %dma_wait3A_593 = arith.constant 0 : i32
    %dma_wait3A_594 = tpu.memref_slice %arg4[%add3A_572, %dma_wait3A_593] : memref<32768x1024xf32, #tpu.memory_space<hbm>> -> memref<32x1024xf32, #tpu.memory_space<hbm>>
    %dma_wait3A_595 = arith.constant 0 : i32
    %dma_wait3A_596 = arith.constant 0 : i32
    %dma_wait3A_597 = tpu.memref_slice %arg6[%dma_wait3A_586, %dma_wait3A_595, %dma_wait3A_596] : memref<3x32x1024xf32, #tpu.memory_space<vmem>> -> memref<1x32x1024xf32, #tpu.memory_space<vmem>>
    %dma_wait3A_598 = tpu.memref_squeeze %dma_wait3A_597 : memref<1x32x1024xf32, #tpu.memory_space<vmem>> -> memref<32x1024xf32, #tpu.memory_space<vmem>>
    tpu.wait_dma2 semaphore(%arg8 : memref<!tpu.dma_semaphore, #tpu.memory_space<semaphore_mem>>) src(%dma_wait3A_598 : memref<32x1024xf32, #tpu.memory_space<vmem>>) dst(%dma_wait3A_594 : memref<32x1024xf32, #tpu.memory_space<hbm>>)
    %dma_start3A_599 = arith.constant 13 : i32
    %dma_start3A_600 = arith.constant 1 : i32
    %dma_start3A_601 = arith.constant 0 : i32
    %dma_start3A_602 = arith.constant 0 : i32
    %dma_start3A_603 = tpu.memref_slice %arg6[%dma_start3A_600, %dma_start3A_601, %dma_start3A_602] : memref<3x32x1024xf32, #tpu.memory_space<vmem>> -> memref<1x32x1024xf32, #tpu.memory_space<vmem>>
    %dma_start3A_604 = tpu.memref_squeeze %dma_start3A_603 : memref<1x32x1024xf32, #tpu.memory_space<vmem>> -> memref<32x1024xf32, #tpu.memory_space<vmem>>
    %dma_start3A_605 = arith.constant 0 : i32
    %dma_start3A_606 = tpu.memref_slice %arg5[%dma_start3A_599, %dma_start3A_605] : memref<32x32xi32, #tpu.memory_space<vmem>> -> memref<1x32xi32, #tpu.memory_space<vmem>>
    %dma_start3A_607 = tpu.memref_squeeze %dma_start3A_606 : memref<1x32xi32, #tpu.memory_space<vmem>> -> memref<32xi32, #tpu.memory_space<vmem>>
    %dma_start3A_608 = arith.constant 0 : i32
    %dma_start3A_609 = arith.constant 0 : i32
    %dma_start3A_610 = tpu.memref_slice %arg3[%dma_start3A_608, %dma_start3A_609] : memref<8192x1024xf32, #tpu.memory_space<hbm>> -> memref<8192x1024xf32, #tpu.memory_space<hbm>>
    tpu.enqueue_indirect_dma source(%dma_start3A_610 : memref<8192x1024xf32, #tpu.memory_space<hbm>>) target(%dma_start3A_604 : memref<32x1024xf32, #tpu.memory_space<vmem>>) offsets(%dma_start3A_607 : memref<32xi32, #tpu.memory_space<vmem>>) semaphore(%arg7 : memref<!tpu.dma_semaphore, #tpu.memory_space<semaphore_mem>>)
    %dma_wait3A_611 = arith.constant 11 : i32
    %dma_wait3A_612 = arith.constant 2 : i32
    %dma_wait3A_613 = arith.constant 0 : i32
    %dma_wait3A_614 = arith.constant 0 : i32
    %dma_wait3A_615 = tpu.memref_slice %arg6[%dma_wait3A_612, %dma_wait3A_613, %dma_wait3A_614] : memref<3x32x1024xf32, #tpu.memory_space<vmem>> -> memref<1x32x1024xf32, #tpu.memory_space<vmem>>
    %dma_wait3A_616 = tpu.memref_squeeze %dma_wait3A_615 : memref<1x32x1024xf32, #tpu.memory_space<vmem>> -> memref<32x1024xf32, #tpu.memory_space<vmem>>
    %dma_wait3A_617 = arith.constant 0 : i32
    %dma_wait3A_618 = tpu.memref_slice %arg5[%dma_wait3A_611, %dma_wait3A_617] : memref<32x32xi32, #tpu.memory_space<vmem>> -> memref<1x32xi32, #tpu.memory_space<vmem>>
    %dma_wait3A_619 = tpu.memref_squeeze %dma_wait3A_618 : memref<1x32xi32, #tpu.memory_space<vmem>> -> memref<32xi32, #tpu.memory_space<vmem>>
    %dma_wait3A_620 = arith.constant 0 : i32
    %dma_wait3A_621 = arith.constant 0 : i32
    %dma_wait3A_622 = tpu.memref_slice %arg3[%dma_wait3A_620, %dma_wait3A_621] : memref<8192x1024xf32, #tpu.memory_space<hbm>> -> memref<8192x1024xf32, #tpu.memory_space<hbm>>
    tpu.wait_indirect_dma semaphore(%arg7 : memref<!tpu.dma_semaphore, #tpu.memory_space<semaphore_mem>>) src(%dma_wait3A_622 : memref<8192x1024xf32, #tpu.memory_space<hbm>>) dst(%dma_wait3A_616 : memref<32x1024xf32, #tpu.memory_space<vmem>>)
    %add3A_623 = arith.constant 352 : i32
    %add3A_624 = arith.addi %mul3A_2, %add3A_623 : i32
    %dma_start3A_625 = arith.constant 2 : i32
    %dma_start3A_626 = arith.constant 0 : i32
    %dma_start3A_627 = arith.constant 0 : i32
    %dma_start3A_628 = tpu.memref_slice %arg6[%dma_start3A_625, %dma_start3A_626, %dma_start3A_627] : memref<3x32x1024xf32, #tpu.memory_space<vmem>> -> memref<1x32x1024xf32, #tpu.memory_space<vmem>>
    %dma_start3A_629 = tpu.memref_squeeze %dma_start3A_628 : memref<1x32x1024xf32, #tpu.memory_space<vmem>> -> memref<32x1024xf32, #tpu.memory_space<vmem>>
    %dma_start3A_630 = arith.constant 0 : i32
    %dma_start3A_631 = tpu.memref_slice %arg4[%add3A_624, %dma_start3A_630] : memref<32768x1024xf32, #tpu.memory_space<hbm>> -> memref<32x1024xf32, #tpu.memory_space<hbm>>
    %dma_start3A_632 = arith.constant 0 : i32
    %dma_start3A_633 = tpu.memref_slice %arg4[%add3A_624, %dma_start3A_632] : memref<32768x1024xf32, #tpu.memory_space<hbm>> -> memref<32x1024xf32, #tpu.memory_space<hbm>>
    %dma_start3A_634 = arith.constant 0 : i32
    %dma_start3A_635 = arith.constant 0 : i32
    %dma_start3A_636 = tpu.memref_slice %arg6[%dma_start3A_625, %dma_start3A_634, %dma_start3A_635] : memref<3x32x1024xf32, #tpu.memory_space<vmem>> -> memref<1x32x1024xf32, #tpu.memory_space<vmem>>
    %dma_start3A_637 = tpu.memref_squeeze %dma_start3A_636 : memref<1x32x1024xf32, #tpu.memory_space<vmem>> -> memref<32x1024xf32, #tpu.memory_space<vmem>>
    tpu.enqueue_dma source(%dma_start3A_637 : memref<32x1024xf32, #tpu.memory_space<vmem>>) target(%dma_start3A_633 : memref<32x1024xf32, #tpu.memory_space<hbm>>) target_semaphore(%arg8 : memref<!tpu.dma_semaphore, #tpu.memory_space<semaphore_mem>>)
    %dma_wait3A_638 = arith.constant 2 : i32
    %dma_wait3A_639 = arith.constant 0 : i32
    %dma_wait3A_640 = arith.constant 0 : i32
    %dma_wait3A_641 = tpu.memref_slice %arg6[%dma_wait3A_638, %dma_wait3A_639, %dma_wait3A_640] : memref<3x32x1024xf32, #tpu.memory_space<vmem>> -> memref<1x32x1024xf32, #tpu.memory_space<vmem>>
    %dma_wait3A_642 = tpu.memref_squeeze %dma_wait3A_641 : memref<1x32x1024xf32, #tpu.memory_space<vmem>> -> memref<32x1024xf32, #tpu.memory_space<vmem>>
    %dma_wait3A_643 = arith.constant 0 : i32
    %dma_wait3A_644 = tpu.memref_slice %arg4[%add3A_624, %dma_wait3A_643] : memref<32768x1024xf32, #tpu.memory_space<hbm>> -> memref<32x1024xf32, #tpu.memory_space<hbm>>
    %dma_wait3A_645 = arith.constant 0 : i32
    %dma_wait3A_646 = tpu.memref_slice %arg4[%add3A_624, %dma_wait3A_645] : memref<32768x1024xf32, #tpu.memory_space<hbm>> -> memref<32x1024xf32, #tpu.memory_space<hbm>>
    %dma_wait3A_647 = arith.constant 0 : i32
    %dma_wait3A_648 = arith.constant 0 : i32
    %dma_wait3A_649 = tpu.memref_slice %arg6[%dma_wait3A_638, %dma_wait3A_647, %dma_wait3A_648] : memref<3x32x1024xf32, #tpu.memory_space<vmem>> -> memref<1x32x1024xf32, #tpu.memory_space<vmem>>
    %dma_wait3A_650 = tpu.memref_squeeze %dma_wait3A_649 : memref<1x32x1024xf32, #tpu.memory_space<vmem>> -> memref<32x1024xf32, #tpu.memory_space<vmem>>
    tpu.wait_dma2 semaphore(%arg8 : memref<!tpu.dma_semaphore, #tpu.memory_space<semaphore_mem>>) src(%dma_wait3A_650 : memref<32x1024xf32, #tpu.memory_space<vmem>>) dst(%dma_wait3A_646 : memref<32x1024xf32, #tpu.memory_space<hbm>>)
    %dma_start3A_651 = arith.constant 14 : i32
    %dma_start3A_652 = arith.constant 2 : i32
    %dma_start3A_653 = arith.constant 0 : i32
    %dma_start3A_654 = arith.constant 0 : i32
    %dma_start3A_655 = tpu.memref_slice %arg6[%dma_start3A_652, %dma_start3A_653, %dma_start3A_654] : memref<3x32x1024xf32, #tpu.memory_space<vmem>> -> memref<1x32x1024xf32, #tpu.memory_space<vmem>>
    %dma_start3A_656 = tpu.memref_squeeze %dma_start3A_655 : memref<1x32x1024xf32, #tpu.memory_space<vmem>> -> memref<32x1024xf32, #tpu.memory_space<vmem>>
    %dma_start3A_657 = arith.constant 0 : i32
    %dma_start3A_658 = tpu.memref_slice %arg5[%dma_start3A_651, %dma_start3A_657] : memref<32x32xi32, #tpu.memory_space<vmem>> -> memref<1x32xi32, #tpu.memory_space<vmem>>
    %dma_start3A_659 = tpu.memref_squeeze %dma_start3A_658 : memref<1x32xi32, #tpu.memory_space<vmem>> -> memref<32xi32, #tpu.memory_space<vmem>>
    %dma_start3A_660 = arith.constant 0 : i32
    %dma_start3A_661 = arith.constant 0 : i32
    %dma_start3A_662 = tpu.memref_slice %arg3[%dma_start3A_660, %dma_start3A_661] : memref<8192x1024xf32, #tpu.memory_space<hbm>> -> memref<8192x1024xf32, #tpu.memory_space<hbm>>
    tpu.enqueue_indirect_dma source(%dma_start3A_662 : memref<8192x1024xf32, #tpu.memory_space<hbm>>) target(%dma_start3A_656 : memref<32x1024xf32, #tpu.memory_space<vmem>>) offsets(%dma_start3A_659 : memref<32xi32, #tpu.memory_space<vmem>>) semaphore(%arg7 : memref<!tpu.dma_semaphore, #tpu.memory_space<semaphore_mem>>)
    %dma_wait3A_663 = arith.constant 12 : i32
    %dma_wait3A_664 = arith.constant 0 : i32
    %dma_wait3A_665 = arith.constant 0 : i32
    %dma_wait3A_666 = arith.constant 0 : i32
    %dma_wait3A_667 = tpu.memref_slice %arg6[%dma_wait3A_664, %dma_wait3A_665, %dma_wait3A_666] : memref<3x32x1024xf32, #tpu.memory_space<vmem>> -> memref<1x32x1024xf32, #tpu.memory_space<vmem>>
    %dma_wait3A_668 = tpu.memref_squeeze %dma_wait3A_667 : memref<1x32x1024xf32, #tpu.memory_space<vmem>> -> memref<32x1024xf32, #tpu.memory_space<vmem>>
    %dma_wait3A_669 = arith.constant 0 : i32
    %dma_wait3A_670 = tpu.memref_slice %arg5[%dma_wait3A_663, %dma_wait3A_669] : memref<32x32xi32, #tpu.memory_space<vmem>> -> memref<1x32xi32, #tpu.memory_space<vmem>>
    %dma_wait3A_671 = tpu.memref_squeeze %dma_wait3A_670 : memref<1x32xi32, #tpu.memory_space<vmem>> -> memref<32xi32, #tpu.memory_space<vmem>>
    %dma_wait3A_672 = arith.constant 0 : i32
    %dma_wait3A_673 = arith.constant 0 : i32
    %dma_wait3A_674 = tpu.memref_slice %arg3[%dma_wait3A_672, %dma_wait3A_673] : memref<8192x1024xf32, #tpu.memory_space<hbm>> -> memref<8192x1024xf32, #tpu.memory_space<hbm>>
    tpu.wait_indirect_dma semaphore(%arg7 : memref<!tpu.dma_semaphore, #tpu.memory_space<semaphore_mem>>) src(%dma_wait3A_674 : memref<8192x1024xf32, #tpu.memory_space<hbm>>) dst(%dma_wait3A_668 : memref<32x1024xf32, #tpu.memory_space<vmem>>)
    %add3A_675 = arith.constant 384 : i32
    %add3A_676 = arith.addi %mul3A_2, %add3A_675 : i32
    %dma_start3A_677 = arith.constant 0 : i32
    %dma_start3A_678 = arith.constant 0 : i32
    %dma_start3A_679 = arith.constant 0 : i32
    %dma_start3A_680 = tpu.memref_slice %arg6[%dma_start3A_677, %dma_start3A_678, %dma_start3A_679] : memref<3x32x1024xf32, #tpu.memory_space<vmem>> -> memref<1x32x1024xf32, #tpu.memory_space<vmem>>
    %dma_start3A_681 = tpu.memref_squeeze %dma_start3A_680 : memref<1x32x1024xf32, #tpu.memory_space<vmem>> -> memref<32x1024xf32, #tpu.memory_space<vmem>>
    %dma_start3A_682 = arith.constant 0 : i32
    %dma_start3A_683 = tpu.memref_slice %arg4[%add3A_676, %dma_start3A_682] : memref<32768x1024xf32, #tpu.memory_space<hbm>> -> memref<32x1024xf32, #tpu.memory_space<hbm>>
    %dma_start3A_684 = arith.constant 0 : i32
    %dma_start3A_685 = tpu.memref_slice %arg4[%add3A_676, %dma_start3A_684] : memref<32768x1024xf32, #tpu.memory_space<hbm>> -> memref<32x1024xf32, #tpu.memory_space<hbm>>
    %dma_start3A_686 = arith.constant 0 : i32
    %dma_start3A_687 = arith.constant 0 : i32
    %dma_start3A_688 = tpu.memref_slice %arg6[%dma_start3A_677, %dma_start3A_686, %dma_start3A_687] : memref<3x32x1024xf32, #tpu.memory_space<vmem>> -> memref<1x32x1024xf32, #tpu.memory_space<vmem>>
    %dma_start3A_689 = tpu.memref_squeeze %dma_start3A_688 : memref<1x32x1024xf32, #tpu.memory_space<vmem>> -> memref<32x1024xf32, #tpu.memory_space<vmem>>
    tpu.enqueue_dma source(%dma_start3A_689 : memref<32x1024xf32, #tpu.memory_space<vmem>>) target(%dma_start3A_685 : memref<32x1024xf32, #tpu.memory_space<hbm>>) target_semaphore(%arg8 : memref<!tpu.dma_semaphore, #tpu.memory_space<semaphore_mem>>)
    %dma_wait3A_690 = arith.constant 0 : i32
    %dma_wait3A_691 = arith.constant 0 : i32
    %dma_wait3A_692 = arith.constant 0 : i32
    %dma_wait3A_693 = tpu.memref_slice %arg6[%dma_wait3A_690, %dma_wait3A_691, %dma_wait3A_692] : memref<3x32x1024xf32, #tpu.memory_space<vmem>> -> memref<1x32x1024xf32, #tpu.memory_space<vmem>>
    %dma_wait3A_694 = tpu.memref_squeeze %dma_wait3A_693 : memref<1x32x1024xf32, #tpu.memory_space<vmem>> -> memref<32x1024xf32, #tpu.memory_space<vmem>>
    %dma_wait3A_695 = arith.constant 0 : i32
    %dma_wait3A_696 = tpu.memref_slice %arg4[%add3A_676, %dma_wait3A_695] : memref<32768x1024xf32, #tpu.memory_space<hbm>> -> memref<32x1024xf32, #tpu.memory_space<hbm>>
    %dma_wait3A_697 = arith.constant 0 : i32
    %dma_wait3A_698 = tpu.memref_slice %arg4[%add3A_676, %dma_wait3A_697] : memref<32768x1024xf32, #tpu.memory_space<hbm>> -> memref<32x1024xf32, #tpu.memory_space<hbm>>
    %dma_wait3A_699 = arith.constant 0 : i32
    %dma_wait3A_700 = arith.constant 0 : i32
    %dma_wait3A_701 = tpu.memref_slice %arg6[%dma_wait3A_690, %dma_wait3A_699, %dma_wait3A_700] : memref<3x32x1024xf32, #tpu.memory_space<vmem>> -> memref<1x32x1024xf32, #tpu.memory_space<vmem>>
    %dma_wait3A_702 = tpu.memref_squeeze %dma_wait3A_701 : memref<1x32x1024xf32, #tpu.memory_space<vmem>> -> memref<32x1024xf32, #tpu.memory_space<vmem>>
    tpu.wait_dma2 semaphore(%arg8 : memref<!tpu.dma_semaphore, #tpu.memory_space<semaphore_mem>>) src(%dma_wait3A_702 : memref<32x1024xf32, #tpu.memory_space<vmem>>) dst(%dma_wait3A_698 : memref<32x1024xf32, #tpu.memory_space<hbm>>)
    %dma_start3A_703 = arith.constant 15 : i32
    %dma_start3A_704 = arith.constant 0 : i32
    %dma_start3A_705 = arith.constant 0 : i32
    %dma_start3A_706 = arith.constant 0 : i32
    %dma_start3A_707 = tpu.memref_slice %arg6[%dma_start3A_704, %dma_start3A_705, %dma_start3A_706] : memref<3x32x1024xf32, #tpu.memory_space<vmem>> -> memref<1x32x1024xf32, #tpu.memory_space<vmem>>
    %dma_start3A_708 = tpu.memref_squeeze %dma_start3A_707 : memref<1x32x1024xf32, #tpu.memory_space<vmem>> -> memref<32x1024xf32, #tpu.memory_space<vmem>>
    %dma_start3A_709 = arith.constant 0 : i32
    %dma_start3A_710 = tpu.memref_slice %arg5[%dma_start3A_703, %dma_start3A_709] : memref<32x32xi32, #tpu.memory_space<vmem>> -> memref<1x32xi32, #tpu.memory_space<vmem>>
    %dma_start3A_711 = tpu.memref_squeeze %dma_start3A_710 : memref<1x32xi32, #tpu.memory_space<vmem>> -> memref<32xi32, #tpu.memory_space<vmem>>
    %dma_start3A_712 = arith.constant 0 : i32
    %dma_start3A_713 = arith.constant 0 : i32
    %dma_start3A_714 = tpu.memref_slice %arg3[%dma_start3A_712, %dma_start3A_713] : memref<8192x1024xf32, #tpu.memory_space<hbm>> -> memref<8192x1024xf32, #tpu.memory_space<hbm>>
    tpu.enqueue_indirect_dma source(%dma_start3A_714 : memref<8192x1024xf32, #tpu.memory_space<hbm>>) target(%dma_start3A_708 : memref<32x1024xf32, #tpu.memory_space<vmem>>) offsets(%dma_start3A_711 : memref<32xi32, #tpu.memory_space<vmem>>) semaphore(%arg7 : memref<!tpu.dma_semaphore, #tpu.memory_space<semaphore_mem>>)
    %dma_wait3A_715 = arith.constant 13 : i32
    %dma_wait3A_716 = arith.constant 1 : i32
    %dma_wait3A_717 = arith.constant 0 : i32
    %dma_wait3A_718 = arith.constant 0 : i32
    %dma_wait3A_719 = tpu.memref_slice %arg6[%dma_wait3A_716, %dma_wait3A_717, %dma_wait3A_718] : memref<3x32x1024xf32, #tpu.memory_space<vmem>> -> memref<1x32x1024xf32, #tpu.memory_space<vmem>>
    %dma_wait3A_720 = tpu.memref_squeeze %dma_wait3A_719 : memref<1x32x1024xf32, #tpu.memory_space<vmem>> -> memref<32x1024xf32, #tpu.memory_space<vmem>>
    %dma_wait3A_721 = arith.constant 0 : i32
    %dma_wait3A_722 = tpu.memref_slice %arg5[%dma_wait3A_715, %dma_wait3A_721] : memref<32x32xi32, #tpu.memory_space<vmem>> -> memref<1x32xi32, #tpu.memory_space<vmem>>
    %dma_wait3A_723 = tpu.memref_squeeze %dma_wait3A_722 : memref<1x32xi32, #tpu.memory_space<vmem>> -> memref<32xi32, #tpu.memory_space<vmem>>
    %dma_wait3A_724 = arith.constant 0 : i32
    %dma_wait3A_725 = arith.constant 0 : i32
    %dma_wait3A_726 = tpu.memref_slice %arg3[%dma_wait3A_724, %dma_wait3A_725] : memref<8192x1024xf32, #tpu.memory_space<hbm>> -> memref<8192x1024xf32, #tpu.memory_space<hbm>>
    tpu.wait_indirect_dma semaphore(%arg7 : memref<!tpu.dma_semaphore, #tpu.memory_space<semaphore_mem>>) src(%dma_wait3A_726 : memref<8192x1024xf32, #tpu.memory_space<hbm>>) dst(%dma_wait3A_720 : memref<32x1024xf32, #tpu.memory_space<vmem>>)
    %add3A_727 = arith.constant 416 : i32
    %add3A_728 = arith.addi %mul3A_2, %add3A_727 : i32
    %dma_start3A_729 = arith.constant 1 : i32
    %dma_start3A_730 = arith.constant 0 : i32
    %dma_start3A_731 = arith.constant 0 : i32
    %dma_start3A_732 = tpu.memref_slice %arg6[%dma_start3A_729, %dma_start3A_730, %dma_start3A_731] : memref<3x32x1024xf32, #tpu.memory_space<vmem>> -> memref<1x32x1024xf32, #tpu.memory_space<vmem>>
    %dma_start3A_733 = tpu.memref_squeeze %dma_start3A_732 : memref<1x32x1024xf32, #tpu.memory_space<vmem>> -> memref<32x1024xf32, #tpu.memory_space<vmem>>
    %dma_start3A_734 = arith.constant 0 : i32
    %dma_start3A_735 = tpu.memref_slice %arg4[%add3A_728, %dma_start3A_734] : memref<32768x1024xf32, #tpu.memory_space<hbm>> -> memref<32x1024xf32, #tpu.memory_space<hbm>>
    %dma_start3A_736 = arith.constant 0 : i32
    %dma_start3A_737 = tpu.memref_slice %arg4[%add3A_728, %dma_start3A_736] : memref<32768x1024xf32, #tpu.memory_space<hbm>> -> memref<32x1024xf32, #tpu.memory_space<hbm>>
    %dma_start3A_738 = arith.constant 0 : i32
    %dma_start3A_739 = arith.constant 0 : i32
    %dma_start3A_740 = tpu.memref_slice %arg6[%dma_start3A_729, %dma_start3A_738, %dma_start3A_739] : memref<3x32x1024xf32, #tpu.memory_space<vmem>> -> memref<1x32x1024xf32, #tpu.memory_space<vmem>>
    %dma_start3A_741 = tpu.memref_squeeze %dma_start3A_740 : memref<1x32x1024xf32, #tpu.memory_space<vmem>> -> memref<32x1024xf32, #tpu.memory_space<vmem>>
    tpu.enqueue_dma source(%dma_start3A_741 : memref<32x1024xf32, #tpu.memory_space<vmem>>) target(%dma_start3A_737 : memref<32x1024xf32, #tpu.memory_space<hbm>>) target_semaphore(%arg8 : memref<!tpu.dma_semaphore, #tpu.memory_space<semaphore_mem>>)
    %dma_wait3A_742 = arith.constant 1 : i32
    %dma_wait3A_743 = arith.constant 0 : i32
    %dma_wait3A_744 = arith.constant 0 : i32
    %dma_wait3A_745 = tpu.memref_slice %arg6[%dma_wait3A_742, %dma_wait3A_743, %dma_wait3A_744] : memref<3x32x1024xf32, #tpu.memory_space<vmem>> -> memref<1x32x1024xf32, #tpu.memory_space<vmem>>
    %dma_wait3A_746 = tpu.memref_squeeze %dma_wait3A_745 : memref<1x32x1024xf32, #tpu.memory_space<vmem>> -> memref<32x1024xf32, #tpu.memory_space<vmem>>
    %dma_wait3A_747 = arith.constant 0 : i32
    %dma_wait3A_748 = tpu.memref_slice %arg4[%add3A_728, %dma_wait3A_747] : memref<32768x1024xf32, #tpu.memory_space<hbm>> -> memref<32x1024xf32, #tpu.memory_space<hbm>>
    %dma_wait3A_749 = arith.constant 0 : i32
    %dma_wait3A_750 = tpu.memref_slice %arg4[%add3A_728, %dma_wait3A_749] : memref<32768x1024xf32, #tpu.memory_space<hbm>> -> memref<32x1024xf32, #tpu.memory_space<hbm>>
    %dma_wait3A_751 = arith.constant 0 : i32
    %dma_wait3A_752 = arith.constant 0 : i32
    %dma_wait3A_753 = tpu.memref_slice %arg6[%dma_wait3A_742, %dma_wait3A_751, %dma_wait3A_752] : memref<3x32x1024xf32, #tpu.memory_space<vmem>> -> memref<1x32x1024xf32, #tpu.memory_space<vmem>>
    %dma_wait3A_754 = tpu.memref_squeeze %dma_wait3A_753 : memref<1x32x1024xf32, #tpu.memory_space<vmem>> -> memref<32x1024xf32, #tpu.memory_space<vmem>>
    tpu.wait_dma2 semaphore(%arg8 : memref<!tpu.dma_semaphore, #tpu.memory_space<semaphore_mem>>) src(%dma_wait3A_754 : memref<32x1024xf32, #tpu.memory_space<vmem>>) dst(%dma_wait3A_750 : memref<32x1024xf32, #tpu.memory_space<hbm>>)
    %dma_start3A_755 = arith.constant 16 : i32
    %dma_start3A_756 = arith.constant 1 : i32
    %dma_start3A_757 = arith.constant 0 : i32
    %dma_start3A_758 = arith.constant 0 : i32
    %dma_start3A_759 = tpu.memref_slice %arg6[%dma_start3A_756, %dma_start3A_757, %dma_start3A_758] : memref<3x32x1024xf32, #tpu.memory_space<vmem>> -> memref<1x32x1024xf32, #tpu.memory_space<vmem>>
    %dma_start3A_760 = tpu.memref_squeeze %dma_start3A_759 : memref<1x32x1024xf32, #tpu.memory_space<vmem>> -> memref<32x1024xf32, #tpu.memory_space<vmem>>
    %dma_start3A_761 = arith.constant 0 : i32
    %dma_start3A_762 = tpu.memref_slice %arg5[%dma_start3A_755, %dma_start3A_761] : memref<32x32xi32, #tpu.memory_space<vmem>> -> memref<1x32xi32, #tpu.memory_space<vmem>>
    %dma_start3A_763 = tpu.memref_squeeze %dma_start3A_762 : memref<1x32xi32, #tpu.memory_space<vmem>> -> memref<32xi32, #tpu.memory_space<vmem>>
    %dma_start3A_764 = arith.constant 0 : i32
    %dma_start3A_765 = arith.constant 0 : i32
    %dma_start3A_766 = tpu.memref_slice %arg3[%dma_start3A_764, %dma_start3A_765] : memref<8192x1024xf32, #tpu.memory_space<hbm>> -> memref<8192x1024xf32, #tpu.memory_space<hbm>>
    tpu.enqueue_indirect_dma source(%dma_start3A_766 : memref<8192x1024xf32, #tpu.memory_space<hbm>>) target(%dma_start3A_760 : memref<32x1024xf32, #tpu.memory_space<vmem>>) offsets(%dma_start3A_763 : memref<32xi32, #tpu.memory_space<vmem>>) semaphore(%arg7 : memref<!tpu.dma_semaphore, #tpu.memory_space<semaphore_mem>>)
    %dma_wait3A_767 = arith.constant 14 : i32
    %dma_wait3A_768 = arith.constant 2 : i32
    %dma_wait3A_769 = arith.constant 0 : i32
    %dma_wait3A_770 = arith.constant 0 : i32
    %dma_wait3A_771 = tpu.memref_slice %arg6[%dma_wait3A_768, %dma_wait3A_769, %dma_wait3A_770] : memref<3x32x1024xf32, #tpu.memory_space<vmem>> -> memref<1x32x1024xf32, #tpu.memory_space<vmem>>
    %dma_wait3A_772 = tpu.memref_squeeze %dma_wait3A_771 : memref<1x32x1024xf32, #tpu.memory_space<vmem>> -> memref<32x1024xf32, #tpu.memory_space<vmem>>
    %dma_wait3A_773 = arith.constant 0 : i32
    %dma_wait3A_774 = tpu.memref_slice %arg5[%dma_wait3A_767, %dma_wait3A_773] : memref<32x32xi32, #tpu.memory_space<vmem>> -> memref<1x32xi32, #tpu.memory_space<vmem>>
    %dma_wait3A_775 = tpu.memref_squeeze %dma_wait3A_774 : memref<1x32xi32, #tpu.memory_space<vmem>> -> memref<32xi32, #tpu.memory_space<vmem>>
    %dma_wait3A_776 = arith.constant 0 : i32
    %dma_wait3A_777 = arith.constant 0 : i32
    %dma_wait3A_778 = tpu.memref_slice %arg3[%dma_wait3A_776, %dma_wait3A_777] : memref<8192x1024xf32, #tpu.memory_space<hbm>> -> memref<8192x1024xf32, #tpu.memory_space<hbm>>
    tpu.wait_indirect_dma semaphore(%arg7 : memref<!tpu.dma_semaphore, #tpu.memory_space<semaphore_mem>>) src(%dma_wait3A_778 : memref<8192x1024xf32, #tpu.memory_space<hbm>>) dst(%dma_wait3A_772 : memref<32x1024xf32, #tpu.memory_space<vmem>>)
    %add3A_779 = arith.constant 448 : i32
    %add3A_780 = arith.addi %mul3A_2, %add3A_779 : i32
    %dma_start3A_781 = arith.constant 2 : i32
    %dma_start3A_782 = arith.constant 0 : i32
    %dma_start3A_783 = arith.constant 0 : i32
    %dma_start3A_784 = tpu.memref_slice %arg6[%dma_start3A_781, %dma_start3A_782, %dma_start3A_783] : memref<3x32x1024xf32, #tpu.memory_space<vmem>> -> memref<1x32x1024xf32, #tpu.memory_space<vmem>>
    %dma_start3A_785 = tpu.memref_squeeze %dma_start3A_784 : memref<1x32x1024xf32, #tpu.memory_space<vmem>> -> memref<32x1024xf32, #tpu.memory_space<vmem>>
    %dma_start3A_786 = arith.constant 0 : i32
    %dma_start3A_787 = tpu.memref_slice %arg4[%add3A_780, %dma_start3A_786] : memref<32768x1024xf32, #tpu.memory_space<hbm>> -> memref<32x1024xf32, #tpu.memory_space<hbm>>
    %dma_start3A_788 = arith.constant 0 : i32
    %dma_start3A_789 = tpu.memref_slice %arg4[%add3A_780, %dma_start3A_788] : memref<32768x1024xf32, #tpu.memory_space<hbm>> -> memref<32x1024xf32, #tpu.memory_space<hbm>>
    %dma_start3A_790 = arith.constant 0 : i32
    %dma_start3A_791 = arith.constant 0 : i32
    %dma_start3A_792 = tpu.memref_slice %arg6[%dma_start3A_781, %dma_start3A_790, %dma_start3A_791] : memref<3x32x1024xf32, #tpu.memory_space<vmem>> -> memref<1x32x1024xf32, #tpu.memory_space<vmem>>
    %dma_start3A_793 = tpu.memref_squeeze %dma_start3A_792 : memref<1x32x1024xf32, #tpu.memory_space<vmem>> -> memref<32x1024xf32, #tpu.memory_space<vmem>>
    tpu.enqueue_dma source(%dma_start3A_793 : memref<32x1024xf32, #tpu.memory_space<vmem>>) target(%dma_start3A_789 : memref<32x1024xf32, #tpu.memory_space<hbm>>) target_semaphore(%arg8 : memref<!tpu.dma_semaphore, #tpu.memory_space<semaphore_mem>>)
    %dma_wait3A_794 = arith.constant 2 : i32
    %dma_wait3A_795 = arith.constant 0 : i32
    %dma_wait3A_796 = arith.constant 0 : i32
    %dma_wait3A_797 = tpu.memref_slice %arg6[%dma_wait3A_794, %dma_wait3A_795, %dma_wait3A_796] : memref<3x32x1024xf32, #tpu.memory_space<vmem>> -> memref<1x32x1024xf32, #tpu.memory_space<vmem>>
    %dma_wait3A_798 = tpu.memref_squeeze %dma_wait3A_797 : memref<1x32x1024xf32, #tpu.memory_space<vmem>> -> memref<32x1024xf32, #tpu.memory_space<vmem>>
    %dma_wait3A_799 = arith.constant 0 : i32
    %dma_wait3A_800 = tpu.memref_slice %arg4[%add3A_780, %dma_wait3A_799] : memref<32768x1024xf32, #tpu.memory_space<hbm>> -> memref<32x1024xf32, #tpu.memory_space<hbm>>
    %dma_wait3A_801 = arith.constant 0 : i32
    %dma_wait3A_802 = tpu.memref_slice %arg4[%add3A_780, %dma_wait3A_801] : memref<32768x1024xf32, #tpu.memory_space<hbm>> -> memref<32x1024xf32, #tpu.memory_space<hbm>>
    %dma_wait3A_803 = arith.constant 0 : i32
    %dma_wait3A_804 = arith.constant 0 : i32
    %dma_wait3A_805 = tpu.memref_slice %arg6[%dma_wait3A_794, %dma_wait3A_803, %dma_wait3A_804] : memref<3x32x1024xf32, #tpu.memory_space<vmem>> -> memref<1x32x1024xf32, #tpu.memory_space<vmem>>
    %dma_wait3A_806 = tpu.memref_squeeze %dma_wait3A_805 : memref<1x32x1024xf32, #tpu.memory_space<vmem>> -> memref<32x1024xf32, #tpu.memory_space<vmem>>
    tpu.wait_dma2 semaphore(%arg8 : memref<!tpu.dma_semaphore, #tpu.memory_space<semaphore_mem>>) src(%dma_wait3A_806 : memref<32x1024xf32, #tpu.memory_space<vmem>>) dst(%dma_wait3A_802 : memref<32x1024xf32, #tpu.memory_space<hbm>>)
    %dma_start3A_807 = arith.constant 17 : i32
    %dma_start3A_808 = arith.constant 2 : i32
    %dma_start3A_809 = arith.constant 0 : i32
    %dma_start3A_810 = arith.constant 0 : i32
    %dma_start3A_811 = tpu.memref_slice %arg6[%dma_start3A_808, %dma_start3A_809, %dma_start3A_810] : memref<3x32x1024xf32, #tpu.memory_space<vmem>> -> memref<1x32x1024xf32, #tpu.memory_space<vmem>>
    %dma_start3A_812 = tpu.memref_squeeze %dma_start3A_811 : memref<1x32x1024xf32, #tpu.memory_space<vmem>> -> memref<32x1024xf32, #tpu.memory_space<vmem>>
    %dma_start3A_813 = arith.constant 0 : i32
    %dma_start3A_814 = tpu.memref_slice %arg5[%dma_start3A_807, %dma_start3A_813] : memref<32x32xi32, #tpu.memory_space<vmem>> -> memref<1x32xi32, #tpu.memory_space<vmem>>
    %dma_start3A_815 = tpu.memref_squeeze %dma_start3A_814 : memref<1x32xi32, #tpu.memory_space<vmem>> -> memref<32xi32, #tpu.memory_space<vmem>>
    %dma_start3A_816 = arith.constant 0 : i32
    %dma_start3A_817 = arith.constant 0 : i32
    %dma_start3A_818 = tpu.memref_slice %arg3[%dma_start3A_816, %dma_start3A_817] : memref<8192x1024xf32, #tpu.memory_space<hbm>> -> memref<8192x1024xf32, #tpu.memory_space<hbm>>
    tpu.enqueue_indirect_dma source(%dma_start3A_818 : memref<8192x1024xf32, #tpu.memory_space<hbm>>) target(%dma_start3A_812 : memref<32x1024xf32, #tpu.memory_space<vmem>>) offsets(%dma_start3A_815 : memref<32xi32, #tpu.memory_space<vmem>>) semaphore(%arg7 : memref<!tpu.dma_semaphore, #tpu.memory_space<semaphore_mem>>)
    %dma_wait3A_819 = arith.constant 15 : i32
    %dma_wait3A_820 = arith.constant 0 : i32
    %dma_wait3A_821 = arith.constant 0 : i32
    %dma_wait3A_822 = arith.constant 0 : i32
    %dma_wait3A_823 = tpu.memref_slice %arg6[%dma_wait3A_820, %dma_wait3A_821, %dma_wait3A_822] : memref<3x32x1024xf32, #tpu.memory_space<vmem>> -> memref<1x32x1024xf32, #tpu.memory_space<vmem>>
    %dma_wait3A_824 = tpu.memref_squeeze %dma_wait3A_823 : memref<1x32x1024xf32, #tpu.memory_space<vmem>> -> memref<32x1024xf32, #tpu.memory_space<vmem>>
    %dma_wait3A_825 = arith.constant 0 : i32
    %dma_wait3A_826 = tpu.memref_slice %arg5[%dma_wait3A_819, %dma_wait3A_825] : memref<32x32xi32, #tpu.memory_space<vmem>> -> memref<1x32xi32, #tpu.memory_space<vmem>>
    %dma_wait3A_827 = tpu.memref_squeeze %dma_wait3A_826 : memref<1x32xi32, #tpu.memory_space<vmem>> -> memref<32xi32, #tpu.memory_space<vmem>>
    %dma_wait3A_828 = arith.constant 0 : i32
    %dma_wait3A_829 = arith.constant 0 : i32
    %dma_wait3A_830 = tpu.memref_slice %arg3[%dma_wait3A_828, %dma_wait3A_829] : memref<8192x1024xf32, #tpu.memory_space<hbm>> -> memref<8192x1024xf32, #tpu.memory_space<hbm>>
    tpu.wait_indirect_dma semaphore(%arg7 : memref<!tpu.dma_semaphore, #tpu.memory_space<semaphore_mem>>) src(%dma_wait3A_830 : memref<8192x1024xf32, #tpu.memory_space<hbm>>) dst(%dma_wait3A_824 : memref<32x1024xf32, #tpu.memory_space<vmem>>)
    %add3A_831 = arith.constant 480 : i32
    %add3A_832 = arith.addi %mul3A_2, %add3A_831 : i32
    %dma_start3A_833 = arith.constant 0 : i32
    %dma_start3A_834 = arith.constant 0 : i32
    %dma_start3A_835 = arith.constant 0 : i32
    %dma_start3A_836 = tpu.memref_slice %arg6[%dma_start3A_833, %dma_start3A_834, %dma_start3A_835] : memref<3x32x1024xf32, #tpu.memory_space<vmem>> -> memref<1x32x1024xf32, #tpu.memory_space<vmem>>
    %dma_start3A_837 = tpu.memref_squeeze %dma_start3A_836 : memref<1x32x1024xf32, #tpu.memory_space<vmem>> -> memref<32x1024xf32, #tpu.memory_space<vmem>>
    %dma_start3A_838 = arith.constant 0 : i32
    %dma_start3A_839 = tpu.memref_slice %arg4[%add3A_832, %dma_start3A_838] : memref<32768x1024xf32, #tpu.memory_space<hbm>> -> memref<32x1024xf32, #tpu.memory_space<hbm>>
    %dma_start3A_840 = arith.constant 0 : i32
    %dma_start3A_841 = tpu.memref_slice %arg4[%add3A_832, %dma_start3A_840] : memref<32768x1024xf32, #tpu.memory_space<hbm>> -> memref<32x1024xf32, #tpu.memory_space<hbm>>
    %dma_start3A_842 = arith.constant 0 : i32
    %dma_start3A_843 = arith.constant 0 : i32
    %dma_start3A_844 = tpu.memref_slice %arg6[%dma_start3A_833, %dma_start3A_842, %dma_start3A_843] : memref<3x32x1024xf32, #tpu.memory_space<vmem>> -> memref<1x32x1024xf32, #tpu.memory_space<vmem>>
    %dma_start3A_845 = tpu.memref_squeeze %dma_start3A_844 : memref<1x32x1024xf32, #tpu.memory_space<vmem>> -> memref<32x1024xf32, #tpu.memory_space<vmem>>
    tpu.enqueue_dma source(%dma_start3A_845 : memref<32x1024xf32, #tpu.memory_space<vmem>>) target(%dma_start3A_841 : memref<32x1024xf32, #tpu.memory_space<hbm>>) target_semaphore(%arg8 : memref<!tpu.dma_semaphore, #tpu.memory_space<semaphore_mem>>)
    %dma_wait3A_846 = arith.constant 0 : i32
    %dma_wait3A_847 = arith.constant 0 : i32
    %dma_wait3A_848 = arith.constant 0 : i32
    %dma_wait3A_849 = tpu.memref_slice %arg6[%dma_wait3A_846, %dma_wait3A_847, %dma_wait3A_848] : memref<3x32x1024xf32, #tpu.memory_space<vmem>> -> memref<1x32x1024xf32, #tpu.memory_space<vmem>>
    %dma_wait3A_850 = tpu.memref_squeeze %dma_wait3A_849 : memref<1x32x1024xf32, #tpu.memory_space<vmem>> -> memref<32x1024xf32, #tpu.memory_space<vmem>>
    %dma_wait3A_851 = arith.constant 0 : i32
    %dma_wait3A_852 = tpu.memref_slice %arg4[%add3A_832, %dma_wait3A_851] : memref<32768x1024xf32, #tpu.memory_space<hbm>> -> memref<32x1024xf32, #tpu.memory_space<hbm>>
    %dma_wait3A_853 = arith.constant 0 : i32
    %dma_wait3A_854 = tpu.memref_slice %arg4[%add3A_832, %dma_wait3A_853] : memref<32768x1024xf32, #tpu.memory_space<hbm>> -> memref<32x1024xf32, #tpu.memory_space<hbm>>
    %dma_wait3A_855 = arith.constant 0 : i32
    %dma_wait3A_856 = arith.constant 0 : i32
    %dma_wait3A_857 = tpu.memref_slice %arg6[%dma_wait3A_846, %dma_wait3A_855, %dma_wait3A_856] : memref<3x32x1024xf32, #tpu.memory_space<vmem>> -> memref<1x32x1024xf32, #tpu.memory_space<vmem>>
    %dma_wait3A_858 = tpu.memref_squeeze %dma_wait3A_857 : memref<1x32x1024xf32, #tpu.memory_space<vmem>> -> memref<32x1024xf32, #tpu.memory_space<vmem>>
    tpu.wait_dma2 semaphore(%arg8 : memref<!tpu.dma_semaphore, #tpu.memory_space<semaphore_mem>>) src(%dma_wait3A_858 : memref<32x1024xf32, #tpu.memory_space<vmem>>) dst(%dma_wait3A_854 : memref<32x1024xf32, #tpu.memory_space<hbm>>)
    %dma_start3A_859 = arith.constant 18 : i32
    %dma_start3A_860 = arith.constant 0 : i32
    %dma_start3A_861 = arith.constant 0 : i32
    %dma_start3A_862 = arith.constant 0 : i32
    %dma_start3A_863 = tpu.memref_slice %arg6[%dma_start3A_860, %dma_start3A_861, %dma_start3A_862] : memref<3x32x1024xf32, #tpu.memory_space<vmem>> -> memref<1x32x1024xf32, #tpu.memory_space<vmem>>
    %dma_start3A_864 = tpu.memref_squeeze %dma_start3A_863 : memref<1x32x1024xf32, #tpu.memory_space<vmem>> -> memref<32x1024xf32, #tpu.memory_space<vmem>>
    %dma_start3A_865 = arith.constant 0 : i32
    %dma_start3A_866 = tpu.memref_slice %arg5[%dma_start3A_859, %dma_start3A_865] : memref<32x32xi32, #tpu.memory_space<vmem>> -> memref<1x32xi32, #tpu.memory_space<vmem>>
    %dma_start3A_867 = tpu.memref_squeeze %dma_start3A_866 : memref<1x32xi32, #tpu.memory_space<vmem>> -> memref<32xi32, #tpu.memory_space<vmem>>
    %dma_start3A_868 = arith.constant 0 : i32
    %dma_start3A_869 = arith.constant 0 : i32
    %dma_start3A_870 = tpu.memref_slice %arg3[%dma_start3A_868, %dma_start3A_869] : memref<8192x1024xf32, #tpu.memory_space<hbm>> -> memref<8192x1024xf32, #tpu.memory_space<hbm>>
    tpu.enqueue_indirect_dma source(%dma_start3A_870 : memref<8192x1024xf32, #tpu.memory_space<hbm>>) target(%dma_start3A_864 : memref<32x1024xf32, #tpu.memory_space<vmem>>) offsets(%dma_start3A_867 : memref<32xi32, #tpu.memory_space<vmem>>) semaphore(%arg7 : memref<!tpu.dma_semaphore, #tpu.memory_space<semaphore_mem>>)
    %dma_wait3A_871 = arith.constant 16 : i32
    %dma_wait3A_872 = arith.constant 1 : i32
    %dma_wait3A_873 = arith.constant 0 : i32
    %dma_wait3A_874 = arith.constant 0 : i32
    %dma_wait3A_875 = tpu.memref_slice %arg6[%dma_wait3A_872, %dma_wait3A_873, %dma_wait3A_874] : memref<3x32x1024xf32, #tpu.memory_space<vmem>> -> memref<1x32x1024xf32, #tpu.memory_space<vmem>>
    %dma_wait3A_876 = tpu.memref_squeeze %dma_wait3A_875 : memref<1x32x1024xf32, #tpu.memory_space<vmem>> -> memref<32x1024xf32, #tpu.memory_space<vmem>>
    %dma_wait3A_877 = arith.constant 0 : i32
    %dma_wait3A_878 = tpu.memref_slice %arg5[%dma_wait3A_871, %dma_wait3A_877] : memref<32x32xi32, #tpu.memory_space<vmem>> -> memref<1x32xi32, #tpu.memory_space<vmem>>
    %dma_wait3A_879 = tpu.memref_squeeze %dma_wait3A_878 : memref<1x32xi32, #tpu.memory_space<vmem>> -> memref<32xi32, #tpu.memory_space<vmem>>
    %dma_wait3A_880 = arith.constant 0 : i32
    %dma_wait3A_881 = arith.constant 0 : i32
    %dma_wait3A_882 = tpu.memref_slice %arg3[%dma_wait3A_880, %dma_wait3A_881] : memref<8192x1024xf32, #tpu.memory_space<hbm>> -> memref<8192x1024xf32, #tpu.memory_space<hbm>>
    tpu.wait_indirect_dma semaphore(%arg7 : memref<!tpu.dma_semaphore, #tpu.memory_space<semaphore_mem>>) src(%dma_wait3A_882 : memref<8192x1024xf32, #tpu.memory_space<hbm>>) dst(%dma_wait3A_876 : memref<32x1024xf32, #tpu.memory_space<vmem>>)
    %add3A_883 = arith.constant 512 : i32
    %add3A_884 = arith.addi %mul3A_2, %add3A_883 : i32
    %dma_start3A_885 = arith.constant 1 : i32
    %dma_start3A_886 = arith.constant 0 : i32
    %dma_start3A_887 = arith.constant 0 : i32
    %dma_start3A_888 = tpu.memref_slice %arg6[%dma_start3A_885, %dma_start3A_886, %dma_start3A_887] : memref<3x32x1024xf32, #tpu.memory_space<vmem>> -> memref<1x32x1024xf32, #tpu.memory_space<vmem>>
    %dma_start3A_889 = tpu.memref_squeeze %dma_start3A_888 : memref<1x32x1024xf32, #tpu.memory_space<vmem>> -> memref<32x1024xf32, #tpu.memory_space<vmem>>
    %dma_start3A_890 = arith.constant 0 : i32
    %dma_start3A_891 = tpu.memref_slice %arg4[%add3A_884, %dma_start3A_890] : memref<32768x1024xf32, #tpu.memory_space<hbm>> -> memref<32x1024xf32, #tpu.memory_space<hbm>>
    %dma_start3A_892 = arith.constant 0 : i32
    %dma_start3A_893 = tpu.memref_slice %arg4[%add3A_884, %dma_start3A_892] : memref<32768x1024xf32, #tpu.memory_space<hbm>> -> memref<32x1024xf32, #tpu.memory_space<hbm>>
    %dma_start3A_894 = arith.constant 0 : i32
    %dma_start3A_895 = arith.constant 0 : i32
    %dma_start3A_896 = tpu.memref_slice %arg6[%dma_start3A_885, %dma_start3A_894, %dma_start3A_895] : memref<3x32x1024xf32, #tpu.memory_space<vmem>> -> memref<1x32x1024xf32, #tpu.memory_space<vmem>>
    %dma_start3A_897 = tpu.memref_squeeze %dma_start3A_896 : memref<1x32x1024xf32, #tpu.memory_space<vmem>> -> memref<32x1024xf32, #tpu.memory_space<vmem>>
    tpu.enqueue_dma source(%dma_start3A_897 : memref<32x1024xf32, #tpu.memory_space<vmem>>) target(%dma_start3A_893 : memref<32x1024xf32, #tpu.memory_space<hbm>>) target_semaphore(%arg8 : memref<!tpu.dma_semaphore, #tpu.memory_space<semaphore_mem>>)
    %dma_wait3A_898 = arith.constant 1 : i32
    %dma_wait3A_899 = arith.constant 0 : i32
    %dma_wait3A_900 = arith.constant 0 : i32
    %dma_wait3A_901 = tpu.memref_slice %arg6[%dma_wait3A_898, %dma_wait3A_899, %dma_wait3A_900] : memref<3x32x1024xf32, #tpu.memory_space<vmem>> -> memref<1x32x1024xf32, #tpu.memory_space<vmem>>
    %dma_wait3A_902 = tpu.memref_squeeze %dma_wait3A_901 : memref<1x32x1024xf32, #tpu.memory_space<vmem>> -> memref<32x1024xf32, #tpu.memory_space<vmem>>
    %dma_wait3A_903 = arith.constant 0 : i32
    %dma_wait3A_904 = tpu.memref_slice %arg4[%add3A_884, %dma_wait3A_903] : memref<32768x1024xf32, #tpu.memory_space<hbm>> -> memref<32x1024xf32, #tpu.memory_space<hbm>>
    %dma_wait3A_905 = arith.constant 0 : i32
    %dma_wait3A_906 = tpu.memref_slice %arg4[%add3A_884, %dma_wait3A_905] : memref<32768x1024xf32, #tpu.memory_space<hbm>> -> memref<32x1024xf32, #tpu.memory_space<hbm>>
    %dma_wait3A_907 = arith.constant 0 : i32
    %dma_wait3A_908 = arith.constant 0 : i32
    %dma_wait3A_909 = tpu.memref_slice %arg6[%dma_wait3A_898, %dma_wait3A_907, %dma_wait3A_908] : memref<3x32x1024xf32, #tpu.memory_space<vmem>> -> memref<1x32x1024xf32, #tpu.memory_space<vmem>>
    %dma_wait3A_910 = tpu.memref_squeeze %dma_wait3A_909 : memref<1x32x1024xf32, #tpu.memory_space<vmem>> -> memref<32x1024xf32, #tpu.memory_space<vmem>>
    tpu.wait_dma2 semaphore(%arg8 : memref<!tpu.dma_semaphore, #tpu.memory_space<semaphore_mem>>) src(%dma_wait3A_910 : memref<32x1024xf32, #tpu.memory_space<vmem>>) dst(%dma_wait3A_906 : memref<32x1024xf32, #tpu.memory_space<hbm>>)
    %dma_start3A_911 = arith.constant 19 : i32
    %dma_start3A_912 = arith.constant 1 : i32
    %dma_start3A_913 = arith.constant 0 : i32
    %dma_start3A_914 = arith.constant 0 : i32
    %dma_start3A_915 = tpu.memref_slice %arg6[%dma_start3A_912, %dma_start3A_913, %dma_start3A_914] : memref<3x32x1024xf32, #tpu.memory_space<vmem>> -> memref<1x32x1024xf32, #tpu.memory_space<vmem>>
    %dma_start3A_916 = tpu.memref_squeeze %dma_start3A_915 : memref<1x32x1024xf32, #tpu.memory_space<vmem>> -> memref<32x1024xf32, #tpu.memory_space<vmem>>
    %dma_start3A_917 = arith.constant 0 : i32
    %dma_start3A_918 = tpu.memref_slice %arg5[%dma_start3A_911, %dma_start3A_917] : memref<32x32xi32, #tpu.memory_space<vmem>> -> memref<1x32xi32, #tpu.memory_space<vmem>>
    %dma_start3A_919 = tpu.memref_squeeze %dma_start3A_918 : memref<1x32xi32, #tpu.memory_space<vmem>> -> memref<32xi32, #tpu.memory_space<vmem>>
    %dma_start3A_920 = arith.constant 0 : i32
    %dma_start3A_921 = arith.constant 0 : i32
    %dma_start3A_922 = tpu.memref_slice %arg3[%dma_start3A_920, %dma_start3A_921] : memref<8192x1024xf32, #tpu.memory_space<hbm>> -> memref<8192x1024xf32, #tpu.memory_space<hbm>>
    tpu.enqueue_indirect_dma source(%dma_start3A_922 : memref<8192x1024xf32, #tpu.memory_space<hbm>>) target(%dma_start3A_916 : memref<32x1024xf32, #tpu.memory_space<vmem>>) offsets(%dma_start3A_919 : memref<32xi32, #tpu.memory_space<vmem>>) semaphore(%arg7 : memref<!tpu.dma_semaphore, #tpu.memory_space<semaphore_mem>>)
    %dma_wait3A_923 = arith.constant 17 : i32
    %dma_wait3A_924 = arith.constant 2 : i32
    %dma_wait3A_925 = arith.constant 0 : i32
    %dma_wait3A_926 = arith.constant 0 : i32
    %dma_wait3A_927 = tpu.memref_slice %arg6[%dma_wait3A_924, %dma_wait3A_925, %dma_wait3A_926] : memref<3x32x1024xf32, #tpu.memory_space<vmem>> -> memref<1x32x1024xf32, #tpu.memory_space<vmem>>
    %dma_wait3A_928 = tpu.memref_squeeze %dma_wait3A_927 : memref<1x32x1024xf32, #tpu.memory_space<vmem>> -> memref<32x1024xf32, #tpu.memory_space<vmem>>
    %dma_wait3A_929 = arith.constant 0 : i32
    %dma_wait3A_930 = tpu.memref_slice %arg5[%dma_wait3A_923, %dma_wait3A_929] : memref<32x32xi32, #tpu.memory_space<vmem>> -> memref<1x32xi32, #tpu.memory_space<vmem>>
    %dma_wait3A_931 = tpu.memref_squeeze %dma_wait3A_930 : memref<1x32xi32, #tpu.memory_space<vmem>> -> memref<32xi32, #tpu.memory_space<vmem>>
    %dma_wait3A_932 = arith.constant 0 : i32
    %dma_wait3A_933 = arith.constant 0 : i32
    %dma_wait3A_934 = tpu.memref_slice %arg3[%dma_wait3A_932, %dma_wait3A_933] : memref<8192x1024xf32, #tpu.memory_space<hbm>> -> memref<8192x1024xf32, #tpu.memory_space<hbm>>
    tpu.wait_indirect_dma semaphore(%arg7 : memref<!tpu.dma_semaphore, #tpu.memory_space<semaphore_mem>>) src(%dma_wait3A_934 : memref<8192x1024xf32, #tpu.memory_space<hbm>>) dst(%dma_wait3A_928 : memref<32x1024xf32, #tpu.memory_space<vmem>>)
    %add3A_935 = arith.constant 544 : i32
    %add3A_936 = arith.addi %mul3A_2, %add3A_935 : i32
    %dma_start3A_937 = arith.constant 2 : i32
    %dma_start3A_938 = arith.constant 0 : i32
    %dma_start3A_939 = arith.constant 0 : i32
    %dma_start3A_940 = tpu.memref_slice %arg6[%dma_start3A_937, %dma_start3A_938, %dma_start3A_939] : memref<3x32x1024xf32, #tpu.memory_space<vmem>> -> memref<1x32x1024xf32, #tpu.memory_space<vmem>>
    %dma_start3A_941 = tpu.memref_squeeze %dma_start3A_940 : memref<1x32x1024xf32, #tpu.memory_space<vmem>> -> memref<32x1024xf32, #tpu.memory_space<vmem>>
    %dma_start3A_942 = arith.constant 0 : i32
    %dma_start3A_943 = tpu.memref_slice %arg4[%add3A_936, %dma_start3A_942] : memref<32768x1024xf32, #tpu.memory_space<hbm>> -> memref<32x1024xf32, #tpu.memory_space<hbm>>
    %dma_start3A_944 = arith.constant 0 : i32
    %dma_start3A_945 = tpu.memref_slice %arg4[%add3A_936, %dma_start3A_944] : memref<32768x1024xf32, #tpu.memory_space<hbm>> -> memref<32x1024xf32, #tpu.memory_space<hbm>>
    %dma_start3A_946 = arith.constant 0 : i32
    %dma_start3A_947 = arith.constant 0 : i32
    %dma_start3A_948 = tpu.memref_slice %arg6[%dma_start3A_937, %dma_start3A_946, %dma_start3A_947] : memref<3x32x1024xf32, #tpu.memory_space<vmem>> -> memref<1x32x1024xf32, #tpu.memory_space<vmem>>
    %dma_start3A_949 = tpu.memref_squeeze %dma_start3A_948 : memref<1x32x1024xf32, #tpu.memory_space<vmem>> -> memref<32x1024xf32, #tpu.memory_space<vmem>>
    tpu.enqueue_dma source(%dma_start3A_949 : memref<32x1024xf32, #tpu.memory_space<vmem>>) target(%dma_start3A_945 : memref<32x1024xf32, #tpu.memory_space<hbm>>) target_semaphore(%arg8 : memref<!tpu.dma_semaphore, #tpu.memory_space<semaphore_mem>>)
    %dma_wait3A_950 = arith.constant 2 : i32
    %dma_wait3A_951 = arith.constant 0 : i32
    %dma_wait3A_952 = arith.constant 0 : i32
    %dma_wait3A_953 = tpu.memref_slice %arg6[%dma_wait3A_950, %dma_wait3A_951, %dma_wait3A_952] : memref<3x32x1024xf32, #tpu.memory_space<vmem>> -> memref<1x32x1024xf32, #tpu.memory_space<vmem>>
    %dma_wait3A_954 = tpu.memref_squeeze %dma_wait3A_953 : memref<1x32x1024xf32, #tpu.memory_space<vmem>> -> memref<32x1024xf32, #tpu.memory_space<vmem>>
    %dma_wait3A_955 = arith.constant 0 : i32
    %dma_wait3A_956 = tpu.memref_slice %arg4[%add3A_936, %dma_wait3A_955] : memref<32768x1024xf32, #tpu.memory_space<hbm>> -> memref<32x1024xf32, #tpu.memory_space<hbm>>
    %dma_wait3A_957 = arith.constant 0 : i32
    %dma_wait3A_958 = tpu.memref_slice %arg4[%add3A_936, %dma_wait3A_957] : memref<32768x1024xf32, #tpu.memory_space<hbm>> -> memref<32x1024xf32, #tpu.memory_space<hbm>>
    %dma_wait3A_959 = arith.constant 0 : i32
    %dma_wait3A_960 = arith.constant 0 : i32
    %dma_wait3A_961 = tpu.memref_slice %arg6[%dma_wait3A_950, %dma_wait3A_959, %dma_wait3A_960] : memref<3x32x1024xf32, #tpu.memory_space<vmem>> -> memref<1x32x1024xf32, #tpu.memory_space<vmem>>
    %dma_wait3A_962 = tpu.memref_squeeze %dma_wait3A_961 : memref<1x32x1024xf32, #tpu.memory_space<vmem>> -> memref<32x1024xf32, #tpu.memory_space<vmem>>
    tpu.wait_dma2 semaphore(%arg8 : memref<!tpu.dma_semaphore, #tpu.memory_space<semaphore_mem>>) src(%dma_wait3A_962 : memref<32x1024xf32, #tpu.memory_space<vmem>>) dst(%dma_wait3A_958 : memref<32x1024xf32, #tpu.memory_space<hbm>>)
    %dma_start3A_963 = arith.constant 20 : i32
    %dma_start3A_964 = arith.constant 2 : i32
    %dma_start3A_965 = arith.constant 0 : i32
    %dma_start3A_966 = arith.constant 0 : i32
    %dma_start3A_967 = tpu.memref_slice %arg6[%dma_start3A_964, %dma_start3A_965, %dma_start3A_966] : memref<3x32x1024xf32, #tpu.memory_space<vmem>> -> memref<1x32x1024xf32, #tpu.memory_space<vmem>>
    %dma_start3A_968 = tpu.memref_squeeze %dma_start3A_967 : memref<1x32x1024xf32, #tpu.memory_space<vmem>> -> memref<32x1024xf32, #tpu.memory_space<vmem>>
    %dma_start3A_969 = arith.constant 0 : i32
    %dma_start3A_970 = tpu.memref_slice %arg5[%dma_start3A_963, %dma_start3A_969] : memref<32x32xi32, #tpu.memory_space<vmem>> -> memref<1x32xi32, #tpu.memory_space<vmem>>
    %dma_start3A_971 = tpu.memref_squeeze %dma_start3A_970 : memref<1x32xi32, #tpu.memory_space<vmem>> -> memref<32xi32, #tpu.memory_space<vmem>>
    %dma_start3A_972 = arith.constant 0 : i32
    %dma_start3A_973 = arith.constant 0 : i32
    %dma_start3A_974 = tpu.memref_slice %arg3[%dma_start3A_972, %dma_start3A_973] : memref<8192x1024xf32, #tpu.memory_space<hbm>> -> memref<8192x1024xf32, #tpu.memory_space<hbm>>
    tpu.enqueue_indirect_dma source(%dma_start3A_974 : memref<8192x1024xf32, #tpu.memory_space<hbm>>) target(%dma_start3A_968 : memref<32x1024xf32, #tpu.memory_space<vmem>>) offsets(%dma_start3A_971 : memref<32xi32, #tpu.memory_space<vmem>>) semaphore(%arg7 : memref<!tpu.dma_semaphore, #tpu.memory_space<semaphore_mem>>)
    %dma_wait3A_975 = arith.constant 18 : i32
    %dma_wait3A_976 = arith.constant 0 : i32
    %dma_wait3A_977 = arith.constant 0 : i32
    %dma_wait3A_978 = arith.constant 0 : i32
    %dma_wait3A_979 = tpu.memref_slice %arg6[%dma_wait3A_976, %dma_wait3A_977, %dma_wait3A_978] : memref<3x32x1024xf32, #tpu.memory_space<vmem>> -> memref<1x32x1024xf32, #tpu.memory_space<vmem>>
    %dma_wait3A_980 = tpu.memref_squeeze %dma_wait3A_979 : memref<1x32x1024xf32, #tpu.memory_space<vmem>> -> memref<32x1024xf32, #tpu.memory_space<vmem>>
    %dma_wait3A_981 = arith.constant 0 : i32
    %dma_wait3A_982 = tpu.memref_slice %arg5[%dma_wait3A_975, %dma_wait3A_981] : memref<32x32xi32, #tpu.memory_space<vmem>> -> memref<1x32xi32, #tpu.memory_space<vmem>>
    %dma_wait3A_983 = tpu.memref_squeeze %dma_wait3A_982 : memref<1x32xi32, #tpu.memory_space<vmem>> -> memref<32xi32, #tpu.memory_space<vmem>>
    %dma_wait3A_984 = arith.constant 0 : i32
    %dma_wait3A_985 = arith.constant 0 : i32
    %dma_wait3A_986 = tpu.memref_slice %arg3[%dma_wait3A_984, %dma_wait3A_985] : memref<8192x1024xf32, #tpu.memory_space<hbm>> -> memref<8192x1024xf32, #tpu.memory_space<hbm>>
    tpu.wait_indirect_dma semaphore(%arg7 : memref<!tpu.dma_semaphore, #tpu.memory_space<semaphore_mem>>) src(%dma_wait3A_986 : memref<8192x1024xf32, #tpu.memory_space<hbm>>) dst(%dma_wait3A_980 : memref<32x1024xf32, #tpu.memory_space<vmem>>)
    %add3A_987 = arith.constant 576 : i32
    %add3A_988 = arith.addi %mul3A_2, %add3A_987 : i32
    %dma_start3A_989 = arith.constant 0 : i32
    %dma_start3A_990 = arith.constant 0 : i32
    %dma_start3A_991 = arith.constant 0 : i32
    %dma_start3A_992 = tpu.memref_slice %arg6[%dma_start3A_989, %dma_start3A_990, %dma_start3A_991] : memref<3x32x1024xf32, #tpu.memory_space<vmem>> -> memref<1x32x1024xf32, #tpu.memory_space<vmem>>
    %dma_start3A_993 = tpu.memref_squeeze %dma_start3A_992 : memref<1x32x1024xf32, #tpu.memory_space<vmem>> -> memref<32x1024xf32, #tpu.memory_space<vmem>>
    %dma_start3A_994 = arith.constant 0 : i32
    %dma_start3A_995 = tpu.memref_slice %arg4[%add3A_988, %dma_start3A_994] : memref<32768x1024xf32, #tpu.memory_space<hbm>> -> memref<32x1024xf32, #tpu.memory_space<hbm>>
    %dma_start3A_996 = arith.constant 0 : i32
    %dma_start3A_997 = tpu.memref_slice %arg4[%add3A_988, %dma_start3A_996] : memref<32768x1024xf32, #tpu.memory_space<hbm>> -> memref<32x1024xf32, #tpu.memory_space<hbm>>
    %dma_start3A_998 = arith.constant 0 : i32
    %dma_start3A_999 = arith.constant 0 : i32
    %dma_start3A_1000 = tpu.memref_slice %arg6[%dma_start3A_989, %dma_start3A_998, %dma_start3A_999] : memref<3x32x1024xf32, #tpu.memory_space<vmem>> -> memref<1x32x1024xf32, #tpu.memory_space<vmem>>
    %dma_start3A_1001 = tpu.memref_squeeze %dma_start3A_1000 : memref<1x32x1024xf32, #tpu.memory_space<vmem>> -> memref<32x1024xf32, #tpu.memory_space<vmem>>
    tpu.enqueue_dma source(%dma_start3A_1001 : memref<32x1024xf32, #tpu.memory_space<vmem>>) target(%dma_start3A_997 : memref<32x1024xf32, #tpu.memory_space<hbm>>) target_semaphore(%arg8 : memref<!tpu.dma_semaphore, #tpu.memory_space<semaphore_mem>>)
    %dma_wait3A_1002 = arith.constant 0 : i32
    %dma_wait3A_1003 = arith.constant 0 : i32
    %dma_wait3A_1004 = arith.constant 0 : i32
    %dma_wait3A_1005 = tpu.memref_slice %arg6[%dma_wait3A_1002, %dma_wait3A_1003, %dma_wait3A_1004] : memref<3x32x1024xf32, #tpu.memory_space<vmem>> -> memref<1x32x1024xf32, #tpu.memory_space<vmem>>
    %dma_wait3A_1006 = tpu.memref_squeeze %dma_wait3A_1005 : memref<1x32x1024xf32, #tpu.memory_space<vmem>> -> memref<32x1024xf32, #tpu.memory_space<vmem>>
    %dma_wait3A_1007 = arith.constant 0 : i32
    %dma_wait3A_1008 = tpu.memref_slice %arg4[%add3A_988, %dma_wait3A_1007] : memref<32768x1024xf32, #tpu.memory_space<hbm>> -> memref<32x1024xf32, #tpu.memory_space<hbm>>
    %dma_wait3A_1009 = arith.constant 0 : i32
    %dma_wait3A_1010 = tpu.memref_slice %arg4[%add3A_988, %dma_wait3A_1009] : memref<32768x1024xf32, #tpu.memory_space<hbm>> -> memref<32x1024xf32, #tpu.memory_space<hbm>>
    %dma_wait3A_1011 = arith.constant 0 : i32
    %dma_wait3A_1012 = arith.constant 0 : i32
    %dma_wait3A_1013 = tpu.memref_slice %arg6[%dma_wait3A_1002, %dma_wait3A_1011, %dma_wait3A_1012] : memref<3x32x1024xf32, #tpu.memory_space<vmem>> -> memref<1x32x1024xf32, #tpu.memory_space<vmem>>
    %dma_wait3A_1014 = tpu.memref_squeeze %dma_wait3A_1013 : memref<1x32x1024xf32, #tpu.memory_space<vmem>> -> memref<32x1024xf32, #tpu.memory_space<vmem>>
    tpu.wait_dma2 semaphore(%arg8 : memref<!tpu.dma_semaphore, #tpu.memory_space<semaphore_mem>>) src(%dma_wait3A_1014 : memref<32x1024xf32, #tpu.memory_space<vmem>>) dst(%dma_wait3A_1010 : memref<32x1024xf32, #tpu.memory_space<hbm>>)
    %dma_start3A_1015 = arith.constant 21 : i32
    %dma_start3A_1016 = arith.constant 0 : i32
    %dma_start3A_1017 = arith.constant 0 : i32
    %dma_start3A_1018 = arith.constant 0 : i32
    %dma_start3A_1019 = tpu.memref_slice %arg6[%dma_start3A_1016, %dma_start3A_1017, %dma_start3A_1018] : memref<3x32x1024xf32, #tpu.memory_space<vmem>> -> memref<1x32x1024xf32, #tpu.memory_space<vmem>>
    %dma_start3A_1020 = tpu.memref_squeeze %dma_start3A_1019 : memref<1x32x1024xf32, #tpu.memory_space<vmem>> -> memref<32x1024xf32, #tpu.memory_space<vmem>>
    %dma_start3A_1021 = arith.constant 0 : i32
    %dma_start3A_1022 = tpu.memref_slice %arg5[%dma_start3A_1015, %dma_start3A_1021] : memref<32x32xi32, #tpu.memory_space<vmem>> -> memref<1x32xi32, #tpu.memory_space<vmem>>
    %dma_start3A_1023 = tpu.memref_squeeze %dma_start3A_1022 : memref<1x32xi32, #tpu.memory_space<vmem>> -> memref<32xi32, #tpu.memory_space<vmem>>
    %dma_start3A_1024 = arith.constant 0 : i32
    %dma_start3A_1025 = arith.constant 0 : i32
    %dma_start3A_1026 = tpu.memref_slice %arg3[%dma_start3A_1024, %dma_start3A_1025] : memref<8192x1024xf32, #tpu.memory_space<hbm>> -> memref<8192x1024xf32, #tpu.memory_space<hbm>>
    tpu.enqueue_indirect_dma source(%dma_start3A_1026 : memref<8192x1024xf32, #tpu.memory_space<hbm>>) target(%dma_start3A_1020 : memref<32x1024xf32, #tpu.memory_space<vmem>>) offsets(%dma_start3A_1023 : memref<32xi32, #tpu.memory_space<vmem>>) semaphore(%arg7 : memref<!tpu.dma_semaphore, #tpu.memory_space<semaphore_mem>>)
    %dma_wait3A_1027 = arith.constant 19 : i32
    %dma_wait3A_1028 = arith.constant 1 : i32
    %dma_wait3A_1029 = arith.constant 0 : i32
    %dma_wait3A_1030 = arith.constant 0 : i32
    %dma_wait3A_1031 = tpu.memref_slice %arg6[%dma_wait3A_1028, %dma_wait3A_1029, %dma_wait3A_1030] : memref<3x32x1024xf32, #tpu.memory_space<vmem>> -> memref<1x32x1024xf32, #tpu.memory_space<vmem>>
    %dma_wait3A_1032 = tpu.memref_squeeze %dma_wait3A_1031 : memref<1x32x1024xf32, #tpu.memory_space<vmem>> -> memref<32x1024xf32, #tpu.memory_space<vmem>>
    %dma_wait3A_1033 = arith.constant 0 : i32
    %dma_wait3A_1034 = tpu.memref_slice %arg5[%dma_wait3A_1027, %dma_wait3A_1033] : memref<32x32xi32, #tpu.memory_space<vmem>> -> memref<1x32xi32, #tpu.memory_space<vmem>>
    %dma_wait3A_1035 = tpu.memref_squeeze %dma_wait3A_1034 : memref<1x32xi32, #tpu.memory_space<vmem>> -> memref<32xi32, #tpu.memory_space<vmem>>
    %dma_wait3A_1036 = arith.constant 0 : i32
    %dma_wait3A_1037 = arith.constant 0 : i32
    %dma_wait3A_1038 = tpu.memref_slice %arg3[%dma_wait3A_1036, %dma_wait3A_1037] : memref<8192x1024xf32, #tpu.memory_space<hbm>> -> memref<8192x1024xf32, #tpu.memory_space<hbm>>
    tpu.wait_indirect_dma semaphore(%arg7 : memref<!tpu.dma_semaphore, #tpu.memory_space<semaphore_mem>>) src(%dma_wait3A_1038 : memref<8192x1024xf32, #tpu.memory_space<hbm>>) dst(%dma_wait3A_1032 : memref<32x1024xf32, #tpu.memory_space<vmem>>)
    %add3A_1039 = arith.constant 608 : i32
    %add3A_1040 = arith.addi %mul3A_2, %add3A_1039 : i32
    %dma_start3A_1041 = arith.constant 1 : i32
    %dma_start3A_1042 = arith.constant 0 : i32
    %dma_start3A_1043 = arith.constant 0 : i32
    %dma_start3A_1044 = tpu.memref_slice %arg6[%dma_start3A_1041, %dma_start3A_1042, %dma_start3A_1043] : memref<3x32x1024xf32, #tpu.memory_space<vmem>> -> memref<1x32x1024xf32, #tpu.memory_space<vmem>>
    %dma_start3A_1045 = tpu.memref_squeeze %dma_start3A_1044 : memref<1x32x1024xf32, #tpu.memory_space<vmem>> -> memref<32x1024xf32, #tpu.memory_space<vmem>>
    %dma_start3A_1046 = arith.constant 0 : i32
    %dma_start3A_1047 = tpu.memref_slice %arg4[%add3A_1040, %dma_start3A_1046] : memref<32768x1024xf32, #tpu.memory_space<hbm>> -> memref<32x1024xf32, #tpu.memory_space<hbm>>
    %dma_start3A_1048 = arith.constant 0 : i32
    %dma_start3A_1049 = tpu.memref_slice %arg4[%add3A_1040, %dma_start3A_1048] : memref<32768x1024xf32, #tpu.memory_space<hbm>> -> memref<32x1024xf32, #tpu.memory_space<hbm>>
    %dma_start3A_1050 = arith.constant 0 : i32
    %dma_start3A_1051 = arith.constant 0 : i32
    %dma_start3A_1052 = tpu.memref_slice %arg6[%dma_start3A_1041, %dma_start3A_1050, %dma_start3A_1051] : memref<3x32x1024xf32, #tpu.memory_space<vmem>> -> memref<1x32x1024xf32, #tpu.memory_space<vmem>>
    %dma_start3A_1053 = tpu.memref_squeeze %dma_start3A_1052 : memref<1x32x1024xf32, #tpu.memory_space<vmem>> -> memref<32x1024xf32, #tpu.memory_space<vmem>>
    tpu.enqueue_dma source(%dma_start3A_1053 : memref<32x1024xf32, #tpu.memory_space<vmem>>) target(%dma_start3A_1049 : memref<32x1024xf32, #tpu.memory_space<hbm>>) target_semaphore(%arg8 : memref<!tpu.dma_semaphore, #tpu.memory_space<semaphore_mem>>)
    %dma_wait3A_1054 = arith.constant 1 : i32
    %dma_wait3A_1055 = arith.constant 0 : i32
    %dma_wait3A_1056 = arith.constant 0 : i32
    %dma_wait3A_1057 = tpu.memref_slice %arg6[%dma_wait3A_1054, %dma_wait3A_1055, %dma_wait3A_1056] : memref<3x32x1024xf32, #tpu.memory_space<vmem>> -> memref<1x32x1024xf32, #tpu.memory_space<vmem>>
    %dma_wait3A_1058 = tpu.memref_squeeze %dma_wait3A_1057 : memref<1x32x1024xf32, #tpu.memory_space<vmem>> -> memref<32x1024xf32, #tpu.memory_space<vmem>>
    %dma_wait3A_1059 = arith.constant 0 : i32
    %dma_wait3A_1060 = tpu.memref_slice %arg4[%add3A_1040, %dma_wait3A_1059] : memref<32768x1024xf32, #tpu.memory_space<hbm>> -> memref<32x1024xf32, #tpu.memory_space<hbm>>
    %dma_wait3A_1061 = arith.constant 0 : i32
    %dma_wait3A_1062 = tpu.memref_slice %arg4[%add3A_1040, %dma_wait3A_1061] : memref<32768x1024xf32, #tpu.memory_space<hbm>> -> memref<32x1024xf32, #tpu.memory_space<hbm>>
    %dma_wait3A_1063 = arith.constant 0 : i32
    %dma_wait3A_1064 = arith.constant 0 : i32
    %dma_wait3A_1065 = tpu.memref_slice %arg6[%dma_wait3A_1054, %dma_wait3A_1063, %dma_wait3A_1064] : memref<3x32x1024xf32, #tpu.memory_space<vmem>> -> memref<1x32x1024xf32, #tpu.memory_space<vmem>>
    %dma_wait3A_1066 = tpu.memref_squeeze %dma_wait3A_1065 : memref<1x32x1024xf32, #tpu.memory_space<vmem>> -> memref<32x1024xf32, #tpu.memory_space<vmem>>
    tpu.wait_dma2 semaphore(%arg8 : memref<!tpu.dma_semaphore, #tpu.memory_space<semaphore_mem>>) src(%dma_wait3A_1066 : memref<32x1024xf32, #tpu.memory_space<vmem>>) dst(%dma_wait3A_1062 : memref<32x1024xf32, #tpu.memory_space<hbm>>)
    %dma_start3A_1067 = arith.constant 22 : i32
    %dma_start3A_1068 = arith.constant 1 : i32
    %dma_start3A_1069 = arith.constant 0 : i32
    %dma_start3A_1070 = arith.constant 0 : i32
    %dma_start3A_1071 = tpu.memref_slice %arg6[%dma_start3A_1068, %dma_start3A_1069, %dma_start3A_1070] : memref<3x32x1024xf32, #tpu.memory_space<vmem>> -> memref<1x32x1024xf32, #tpu.memory_space<vmem>>
    %dma_start3A_1072 = tpu.memref_squeeze %dma_start3A_1071 : memref<1x32x1024xf32, #tpu.memory_space<vmem>> -> memref<32x1024xf32, #tpu.memory_space<vmem>>
    %dma_start3A_1073 = arith.constant 0 : i32
    %dma_start3A_1074 = tpu.memref_slice %arg5[%dma_start3A_1067, %dma_start3A_1073] : memref<32x32xi32, #tpu.memory_space<vmem>> -> memref<1x32xi32, #tpu.memory_space<vmem>>
    %dma_start3A_1075 = tpu.memref_squeeze %dma_start3A_1074 : memref<1x32xi32, #tpu.memory_space<vmem>> -> memref<32xi32, #tpu.memory_space<vmem>>
    %dma_start3A_1076 = arith.constant 0 : i32
    %dma_start3A_1077 = arith.constant 0 : i32
    %dma_start3A_1078 = tpu.memref_slice %arg3[%dma_start3A_1076, %dma_start3A_1077] : memref<8192x1024xf32, #tpu.memory_space<hbm>> -> memref<8192x1024xf32, #tpu.memory_space<hbm>>
    tpu.enqueue_indirect_dma source(%dma_start3A_1078 : memref<8192x1024xf32, #tpu.memory_space<hbm>>) target(%dma_start3A_1072 : memref<32x1024xf32, #tpu.memory_space<vmem>>) offsets(%dma_start3A_1075 : memref<32xi32, #tpu.memory_space<vmem>>) semaphore(%arg7 : memref<!tpu.dma_semaphore, #tpu.memory_space<semaphore_mem>>)
    %dma_wait3A_1079 = arith.constant 20 : i32
    %dma_wait3A_1080 = arith.constant 2 : i32
    %dma_wait3A_1081 = arith.constant 0 : i32
    %dma_wait3A_1082 = arith.constant 0 : i32
    %dma_wait3A_1083 = tpu.memref_slice %arg6[%dma_wait3A_1080, %dma_wait3A_1081, %dma_wait3A_1082] : memref<3x32x1024xf32, #tpu.memory_space<vmem>> -> memref<1x32x1024xf32, #tpu.memory_space<vmem>>
    %dma_wait3A_1084 = tpu.memref_squeeze %dma_wait3A_1083 : memref<1x32x1024xf32, #tpu.memory_space<vmem>> -> memref<32x1024xf32, #tpu.memory_space<vmem>>
    %dma_wait3A_1085 = arith.constant 0 : i32
    %dma_wait3A_1086 = tpu.memref_slice %arg5[%dma_wait3A_1079, %dma_wait3A_1085] : memref<32x32xi32, #tpu.memory_space<vmem>> -> memref<1x32xi32, #tpu.memory_space<vmem>>
    %dma_wait3A_1087 = tpu.memref_squeeze %dma_wait3A_1086 : memref<1x32xi32, #tpu.memory_space<vmem>> -> memref<32xi32, #tpu.memory_space<vmem>>
    %dma_wait3A_1088 = arith.constant 0 : i32
    %dma_wait3A_1089 = arith.constant 0 : i32
    %dma_wait3A_1090 = tpu.memref_slice %arg3[%dma_wait3A_1088, %dma_wait3A_1089] : memref<8192x1024xf32, #tpu.memory_space<hbm>> -> memref<8192x1024xf32, #tpu.memory_space<hbm>>
    tpu.wait_indirect_dma semaphore(%arg7 : memref<!tpu.dma_semaphore, #tpu.memory_space<semaphore_mem>>) src(%dma_wait3A_1090 : memref<8192x1024xf32, #tpu.memory_space<hbm>>) dst(%dma_wait3A_1084 : memref<32x1024xf32, #tpu.memory_space<vmem>>)
    %add3A_1091 = arith.constant 640 : i32
    %add3A_1092 = arith.addi %mul3A_2, %add3A_1091 : i32
    %dma_start3A_1093 = arith.constant 2 : i32
    %dma_start3A_1094 = arith.constant 0 : i32
    %dma_start3A_1095 = arith.constant 0 : i32
    %dma_start3A_1096 = tpu.memref_slice %arg6[%dma_start3A_1093, %dma_start3A_1094, %dma_start3A_1095] : memref<3x32x1024xf32, #tpu.memory_space<vmem>> -> memref<1x32x1024xf32, #tpu.memory_space<vmem>>
    %dma_start3A_1097 = tpu.memref_squeeze %dma_start3A_1096 : memref<1x32x1024xf32, #tpu.memory_space<vmem>> -> memref<32x1024xf32, #tpu.memory_space<vmem>>
    %dma_start3A_1098 = arith.constant 0 : i32
    %dma_start3A_1099 = tpu.memref_slice %arg4[%add3A_1092, %dma_start3A_1098] : memref<32768x1024xf32, #tpu.memory_space<hbm>> -> memref<32x1024xf32, #tpu.memory_space<hbm>>
    %dma_start3A_1100 = arith.constant 0 : i32
    %dma_start3A_1101 = tpu.memref_slice %arg4[%add3A_1092, %dma_start3A_1100] : memref<32768x1024xf32, #tpu.memory_space<hbm>> -> memref<32x1024xf32, #tpu.memory_space<hbm>>
    %dma_start3A_1102 = arith.constant 0 : i32
    %dma_start3A_1103 = arith.constant 0 : i32
    %dma_start3A_1104 = tpu.memref_slice %arg6[%dma_start3A_1093, %dma_start3A_1102, %dma_start3A_1103] : memref<3x32x1024xf32, #tpu.memory_space<vmem>> -> memref<1x32x1024xf32, #tpu.memory_space<vmem>>
    %dma_start3A_1105 = tpu.memref_squeeze %dma_start3A_1104 : memref<1x32x1024xf32, #tpu.memory_space<vmem>> -> memref<32x1024xf32, #tpu.memory_space<vmem>>
    tpu.enqueue_dma source(%dma_start3A_1105 : memref<32x1024xf32, #tpu.memory_space<vmem>>) target(%dma_start3A_1101 : memref<32x1024xf32, #tpu.memory_space<hbm>>) target_semaphore(%arg8 : memref<!tpu.dma_semaphore, #tpu.memory_space<semaphore_mem>>)
    %dma_wait3A_1106 = arith.constant 2 : i32
    %dma_wait3A_1107 = arith.constant 0 : i32
    %dma_wait3A_1108 = arith.constant 0 : i32
    %dma_wait3A_1109 = tpu.memref_slice %arg6[%dma_wait3A_1106, %dma_wait3A_1107, %dma_wait3A_1108] : memref<3x32x1024xf32, #tpu.memory_space<vmem>> -> memref<1x32x1024xf32, #tpu.memory_space<vmem>>
    %dma_wait3A_1110 = tpu.memref_squeeze %dma_wait3A_1109 : memref<1x32x1024xf32, #tpu.memory_space<vmem>> -> memref<32x1024xf32, #tpu.memory_space<vmem>>
    %dma_wait3A_1111 = arith.constant 0 : i32
    %dma_wait3A_1112 = tpu.memref_slice %arg4[%add3A_1092, %dma_wait3A_1111] : memref<32768x1024xf32, #tpu.memory_space<hbm>> -> memref<32x1024xf32, #tpu.memory_space<hbm>>
    %dma_wait3A_1113 = arith.constant 0 : i32
    %dma_wait3A_1114 = tpu.memref_slice %arg4[%add3A_1092, %dma_wait3A_1113] : memref<32768x1024xf32, #tpu.memory_space<hbm>> -> memref<32x1024xf32, #tpu.memory_space<hbm>>
    %dma_wait3A_1115 = arith.constant 0 : i32
    %dma_wait3A_1116 = arith.constant 0 : i32
    %dma_wait3A_1117 = tpu.memref_slice %arg6[%dma_wait3A_1106, %dma_wait3A_1115, %dma_wait3A_1116] : memref<3x32x1024xf32, #tpu.memory_space<vmem>> -> memref<1x32x1024xf32, #tpu.memory_space<vmem>>
    %dma_wait3A_1118 = tpu.memref_squeeze %dma_wait3A_1117 : memref<1x32x1024xf32, #tpu.memory_space<vmem>> -> memref<32x1024xf32, #tpu.memory_space<vmem>>
    tpu.wait_dma2 semaphore(%arg8 : memref<!tpu.dma_semaphore, #tpu.memory_space<semaphore_mem>>) src(%dma_wait3A_1118 : memref<32x1024xf32, #tpu.memory_space<vmem>>) dst(%dma_wait3A_1114 : memref<32x1024xf32, #tpu.memory_space<hbm>>)
    %dma_start3A_1119 = arith.constant 23 : i32
    %dma_start3A_1120 = arith.constant 2 : i32
    %dma_start3A_1121 = arith.constant 0 : i32
    %dma_start3A_1122 = arith.constant 0 : i32
    %dma_start3A_1123 = tpu.memref_slice %arg6[%dma_start3A_1120, %dma_start3A_1121, %dma_start3A_1122] : memref<3x32x1024xf32, #tpu.memory_space<vmem>> -> memref<1x32x1024xf32, #tpu.memory_space<vmem>>
    %dma_start3A_1124 = tpu.memref_squeeze %dma_start3A_1123 : memref<1x32x1024xf32, #tpu.memory_space<vmem>> -> memref<32x1024xf32, #tpu.memory_space<vmem>>
    %dma_start3A_1125 = arith.constant 0 : i32
    %dma_start3A_1126 = tpu.memref_slice %arg5[%dma_start3A_1119, %dma_start3A_1125] : memref<32x32xi32, #tpu.memory_space<vmem>> -> memref<1x32xi32, #tpu.memory_space<vmem>>
    %dma_start3A_1127 = tpu.memref_squeeze %dma_start3A_1126 : memref<1x32xi32, #tpu.memory_space<vmem>> -> memref<32xi32, #tpu.memory_space<vmem>>
    %dma_start3A_1128 = arith.constant 0 : i32
    %dma_start3A_1129 = arith.constant 0 : i32
    %dma_start3A_1130 = tpu.memref_slice %arg3[%dma_start3A_1128, %dma_start3A_1129] : memref<8192x1024xf32, #tpu.memory_space<hbm>> -> memref<8192x1024xf32, #tpu.memory_space<hbm>>
    tpu.enqueue_indirect_dma source(%dma_start3A_1130 : memref<8192x1024xf32, #tpu.memory_space<hbm>>) target(%dma_start3A_1124 : memref<32x1024xf32, #tpu.memory_space<vmem>>) offsets(%dma_start3A_1127 : memref<32xi32, #tpu.memory_space<vmem>>) semaphore(%arg7 : memref<!tpu.dma_semaphore, #tpu.memory_space<semaphore_mem>>)
    %dma_wait3A_1131 = arith.constant 21 : i32
    %dma_wait3A_1132 = arith.constant 0 : i32
    %dma_wait3A_1133 = arith.constant 0 : i32
    %dma_wait3A_1134 = arith.constant 0 : i32
    %dma_wait3A_1135 = tpu.memref_slice %arg6[%dma_wait3A_1132, %dma_wait3A_1133, %dma_wait3A_1134] : memref<3x32x1024xf32, #tpu.memory_space<vmem>> -> memref<1x32x1024xf32, #tpu.memory_space<vmem>>
    %dma_wait3A_1136 = tpu.memref_squeeze %dma_wait3A_1135 : memref<1x32x1024xf32, #tpu.memory_space<vmem>> -> memref<32x1024xf32, #tpu.memory_space<vmem>>
    %dma_wait3A_1137 = arith.constant 0 : i32
    %dma_wait3A_1138 = tpu.memref_slice %arg5[%dma_wait3A_1131, %dma_wait3A_1137] : memref<32x32xi32, #tpu.memory_space<vmem>> -> memref<1x32xi32, #tpu.memory_space<vmem>>
    %dma_wait3A_1139 = tpu.memref_squeeze %dma_wait3A_1138 : memref<1x32xi32, #tpu.memory_space<vmem>> -> memref<32xi32, #tpu.memory_space<vmem>>
    %dma_wait3A_1140 = arith.constant 0 : i32
    %dma_wait3A_1141 = arith.constant 0 : i32
    %dma_wait3A_1142 = tpu.memref_slice %arg3[%dma_wait3A_1140, %dma_wait3A_1141] : memref<8192x1024xf32, #tpu.memory_space<hbm>> -> memref<8192x1024xf32, #tpu.memory_space<hbm>>
    tpu.wait_indirect_dma semaphore(%arg7 : memref<!tpu.dma_semaphore, #tpu.memory_space<semaphore_mem>>) src(%dma_wait3A_1142 : memref<8192x1024xf32, #tpu.memory_space<hbm>>) dst(%dma_wait3A_1136 : memref<32x1024xf32, #tpu.memory_space<vmem>>)
    %add3A_1143 = arith.constant 672 : i32
    %add3A_1144 = arith.addi %mul3A_2, %add3A_1143 : i32
    %dma_start3A_1145 = arith.constant 0 : i32
    %dma_start3A_1146 = arith.constant 0 : i32
    %dma_start3A_1147 = arith.constant 0 : i32
    %dma_start3A_1148 = tpu.memref_slice %arg6[%dma_start3A_1145, %dma_start3A_1146, %dma_start3A_1147] : memref<3x32x1024xf32, #tpu.memory_space<vmem>> -> memref<1x32x1024xf32, #tpu.memory_space<vmem>>
    %dma_start3A_1149 = tpu.memref_squeeze %dma_start3A_1148 : memref<1x32x1024xf32, #tpu.memory_space<vmem>> -> memref<32x1024xf32, #tpu.memory_space<vmem>>
    %dma_start3A_1150 = arith.constant 0 : i32
    %dma_start3A_1151 = tpu.memref_slice %arg4[%add3A_1144, %dma_start3A_1150] : memref<32768x1024xf32, #tpu.memory_space<hbm>> -> memref<32x1024xf32, #tpu.memory_space<hbm>>
    %dma_start3A_1152 = arith.constant 0 : i32
    %dma_start3A_1153 = tpu.memref_slice %arg4[%add3A_1144, %dma_start3A_1152] : memref<32768x1024xf32, #tpu.memory_space<hbm>> -> memref<32x1024xf32, #tpu.memory_space<hbm>>
    %dma_start3A_1154 = arith.constant 0 : i32
    %dma_start3A_1155 = arith.constant 0 : i32
    %dma_start3A_1156 = tpu.memref_slice %arg6[%dma_start3A_1145, %dma_start3A_1154, %dma_start3A_1155] : memref<3x32x1024xf32, #tpu.memory_space<vmem>> -> memref<1x32x1024xf32, #tpu.memory_space<vmem>>
    %dma_start3A_1157 = tpu.memref_squeeze %dma_start3A_1156 : memref<1x32x1024xf32, #tpu.memory_space<vmem>> -> memref<32x1024xf32, #tpu.memory_space<vmem>>
    tpu.enqueue_dma source(%dma_start3A_1157 : memref<32x1024xf32, #tpu.memory_space<vmem>>) target(%dma_start3A_1153 : memref<32x1024xf32, #tpu.memory_space<hbm>>) target_semaphore(%arg8 : memref<!tpu.dma_semaphore, #tpu.memory_space<semaphore_mem>>)
    %dma_wait3A_1158 = arith.constant 0 : i32
    %dma_wait3A_1159 = arith.constant 0 : i32
    %dma_wait3A_1160 = arith.constant 0 : i32
    %dma_wait3A_1161 = tpu.memref_slice %arg6[%dma_wait3A_1158, %dma_wait3A_1159, %dma_wait3A_1160] : memref<3x32x1024xf32, #tpu.memory_space<vmem>> -> memref<1x32x1024xf32, #tpu.memory_space<vmem>>
    %dma_wait3A_1162 = tpu.memref_squeeze %dma_wait3A_1161 : memref<1x32x1024xf32, #tpu.memory_space<vmem>> -> memref<32x1024xf32, #tpu.memory_space<vmem>>
    %dma_wait3A_1163 = arith.constant 0 : i32
    %dma_wait3A_1164 = tpu.memref_slice %arg4[%add3A_1144, %dma_wait3A_1163] : memref<32768x1024xf32, #tpu.memory_space<hbm>> -> memref<32x1024xf32, #tpu.memory_space<hbm>>
    %dma_wait3A_1165 = arith.constant 0 : i32
    %dma_wait3A_1166 = tpu.memref_slice %arg4[%add3A_1144, %dma_wait3A_1165] : memref<32768x1024xf32, #tpu.memory_space<hbm>> -> memref<32x1024xf32, #tpu.memory_space<hbm>>
    %dma_wait3A_1167 = arith.constant 0 : i32
    %dma_wait3A_1168 = arith.constant 0 : i32
    %dma_wait3A_1169 = tpu.memref_slice %arg6[%dma_wait3A_1158, %dma_wait3A_1167, %dma_wait3A_1168] : memref<3x32x1024xf32, #tpu.memory_space<vmem>> -> memref<1x32x1024xf32, #tpu.memory_space<vmem>>
    %dma_wait3A_1170 = tpu.memref_squeeze %dma_wait3A_1169 : memref<1x32x1024xf32, #tpu.memory_space<vmem>> -> memref<32x1024xf32, #tpu.memory_space<vmem>>
    tpu.wait_dma2 semaphore(%arg8 : memref<!tpu.dma_semaphore, #tpu.memory_space<semaphore_mem>>) src(%dma_wait3A_1170 : memref<32x1024xf32, #tpu.memory_space<vmem>>) dst(%dma_wait3A_1166 : memref<32x1024xf32, #tpu.memory_space<hbm>>)
    %dma_start3A_1171 = arith.constant 24 : i32
    %dma_start3A_1172 = arith.constant 0 : i32
    %dma_start3A_1173 = arith.constant 0 : i32
    %dma_start3A_1174 = arith.constant 0 : i32
    %dma_start3A_1175 = tpu.memref_slice %arg6[%dma_start3A_1172, %dma_start3A_1173, %dma_start3A_1174] : memref<3x32x1024xf32, #tpu.memory_space<vmem>> -> memref<1x32x1024xf32, #tpu.memory_space<vmem>>
    %dma_start3A_1176 = tpu.memref_squeeze %dma_start3A_1175 : memref<1x32x1024xf32, #tpu.memory_space<vmem>> -> memref<32x1024xf32, #tpu.memory_space<vmem>>
    %dma_start3A_1177 = arith.constant 0 : i32
    %dma_start3A_1178 = tpu.memref_slice %arg5[%dma_start3A_1171, %dma_start3A_1177] : memref<32x32xi32, #tpu.memory_space<vmem>> -> memref<1x32xi32, #tpu.memory_space<vmem>>
    %dma_start3A_1179 = tpu.memref_squeeze %dma_start3A_1178 : memref<1x32xi32, #tpu.memory_space<vmem>> -> memref<32xi32, #tpu.memory_space<vmem>>
    %dma_start3A_1180 = arith.constant 0 : i32
    %dma_start3A_1181 = arith.constant 0 : i32
    %dma_start3A_1182 = tpu.memref_slice %arg3[%dma_start3A_1180, %dma_start3A_1181] : memref<8192x1024xf32, #tpu.memory_space<hbm>> -> memref<8192x1024xf32, #tpu.memory_space<hbm>>
    tpu.enqueue_indirect_dma source(%dma_start3A_1182 : memref<8192x1024xf32, #tpu.memory_space<hbm>>) target(%dma_start3A_1176 : memref<32x1024xf32, #tpu.memory_space<vmem>>) offsets(%dma_start3A_1179 : memref<32xi32, #tpu.memory_space<vmem>>) semaphore(%arg7 : memref<!tpu.dma_semaphore, #tpu.memory_space<semaphore_mem>>)
    %dma_wait3A_1183 = arith.constant 22 : i32
    %dma_wait3A_1184 = arith.constant 1 : i32
    %dma_wait3A_1185 = arith.constant 0 : i32
    %dma_wait3A_1186 = arith.constant 0 : i32
    %dma_wait3A_1187 = tpu.memref_slice %arg6[%dma_wait3A_1184, %dma_wait3A_1185, %dma_wait3A_1186] : memref<3x32x1024xf32, #tpu.memory_space<vmem>> -> memref<1x32x1024xf32, #tpu.memory_space<vmem>>
    %dma_wait3A_1188 = tpu.memref_squeeze %dma_wait3A_1187 : memref<1x32x1024xf32, #tpu.memory_space<vmem>> -> memref<32x1024xf32, #tpu.memory_space<vmem>>
    %dma_wait3A_1189 = arith.constant 0 : i32
    %dma_wait3A_1190 = tpu.memref_slice %arg5[%dma_wait3A_1183, %dma_wait3A_1189] : memref<32x32xi32, #tpu.memory_space<vmem>> -> memref<1x32xi32, #tpu.memory_space<vmem>>
    %dma_wait3A_1191 = tpu.memref_squeeze %dma_wait3A_1190 : memref<1x32xi32, #tpu.memory_space<vmem>> -> memref<32xi32, #tpu.memory_space<vmem>>
    %dma_wait3A_1192 = arith.constant 0 : i32
    %dma_wait3A_1193 = arith.constant 0 : i32
    %dma_wait3A_1194 = tpu.memref_slice %arg3[%dma_wait3A_1192, %dma_wait3A_1193] : memref<8192x1024xf32, #tpu.memory_space<hbm>> -> memref<8192x1024xf32, #tpu.memory_space<hbm>>
    tpu.wait_indirect_dma semaphore(%arg7 : memref<!tpu.dma_semaphore, #tpu.memory_space<semaphore_mem>>) src(%dma_wait3A_1194 : memref<8192x1024xf32, #tpu.memory_space<hbm>>) dst(%dma_wait3A_1188 : memref<32x1024xf32, #tpu.memory_space<vmem>>)
    %add3A_1195 = arith.constant 704 : i32
    %add3A_1196 = arith.addi %mul3A_2, %add3A_1195 : i32
    %dma_start3A_1197 = arith.constant 1 : i32
    %dma_start3A_1198 = arith.constant 0 : i32
    %dma_start3A_1199 = arith.constant 0 : i32
    %dma_start3A_1200 = tpu.memref_slice %arg6[%dma_start3A_1197, %dma_start3A_1198, %dma_start3A_1199] : memref<3x32x1024xf32, #tpu.memory_space<vmem>> -> memref<1x32x1024xf32, #tpu.memory_space<vmem>>
    %dma_start3A_1201 = tpu.memref_squeeze %dma_start3A_1200 : memref<1x32x1024xf32, #tpu.memory_space<vmem>> -> memref<32x1024xf32, #tpu.memory_space<vmem>>
    %dma_start3A_1202 = arith.constant 0 : i32
    %dma_start3A_1203 = tpu.memref_slice %arg4[%add3A_1196, %dma_start3A_1202] : memref<32768x1024xf32, #tpu.memory_space<hbm>> -> memref<32x1024xf32, #tpu.memory_space<hbm>>
    %dma_start3A_1204 = arith.constant 0 : i32
    %dma_start3A_1205 = tpu.memref_slice %arg4[%add3A_1196, %dma_start3A_1204] : memref<32768x1024xf32, #tpu.memory_space<hbm>> -> memref<32x1024xf32, #tpu.memory_space<hbm>>
    %dma_start3A_1206 = arith.constant 0 : i32
    %dma_start3A_1207 = arith.constant 0 : i32
    %dma_start3A_1208 = tpu.memref_slice %arg6[%dma_start3A_1197, %dma_start3A_1206, %dma_start3A_1207] : memref<3x32x1024xf32, #tpu.memory_space<vmem>> -> memref<1x32x1024xf32, #tpu.memory_space<vmem>>
    %dma_start3A_1209 = tpu.memref_squeeze %dma_start3A_1208 : memref<1x32x1024xf32, #tpu.memory_space<vmem>> -> memref<32x1024xf32, #tpu.memory_space<vmem>>
    tpu.enqueue_dma source(%dma_start3A_1209 : memref<32x1024xf32, #tpu.memory_space<vmem>>) target(%dma_start3A_1205 : memref<32x1024xf32, #tpu.memory_space<hbm>>) target_semaphore(%arg8 : memref<!tpu.dma_semaphore, #tpu.memory_space<semaphore_mem>>)
    %dma_wait3A_1210 = arith.constant 1 : i32
    %dma_wait3A_1211 = arith.constant 0 : i32
    %dma_wait3A_1212 = arith.constant 0 : i32
    %dma_wait3A_1213 = tpu.memref_slice %arg6[%dma_wait3A_1210, %dma_wait3A_1211, %dma_wait3A_1212] : memref<3x32x1024xf32, #tpu.memory_space<vmem>> -> memref<1x32x1024xf32, #tpu.memory_space<vmem>>
    %dma_wait3A_1214 = tpu.memref_squeeze %dma_wait3A_1213 : memref<1x32x1024xf32, #tpu.memory_space<vmem>> -> memref<32x1024xf32, #tpu.memory_space<vmem>>
    %dma_wait3A_1215 = arith.constant 0 : i32
    %dma_wait3A_1216 = tpu.memref_slice %arg4[%add3A_1196, %dma_wait3A_1215] : memref<32768x1024xf32, #tpu.memory_space<hbm>> -> memref<32x1024xf32, #tpu.memory_space<hbm>>
    %dma_wait3A_1217 = arith.constant 0 : i32
    %dma_wait3A_1218 = tpu.memref_slice %arg4[%add3A_1196, %dma_wait3A_1217] : memref<32768x1024xf32, #tpu.memory_space<hbm>> -> memref<32x1024xf32, #tpu.memory_space<hbm>>
    %dma_wait3A_1219 = arith.constant 0 : i32
    %dma_wait3A_1220 = arith.constant 0 : i32
    %dma_wait3A_1221 = tpu.memref_slice %arg6[%dma_wait3A_1210, %dma_wait3A_1219, %dma_wait3A_1220] : memref<3x32x1024xf32, #tpu.memory_space<vmem>> -> memref<1x32x1024xf32, #tpu.memory_space<vmem>>
    %dma_wait3A_1222 = tpu.memref_squeeze %dma_wait3A_1221 : memref<1x32x1024xf32, #tpu.memory_space<vmem>> -> memref<32x1024xf32, #tpu.memory_space<vmem>>
    tpu.wait_dma2 semaphore(%arg8 : memref<!tpu.dma_semaphore, #tpu.memory_space<semaphore_mem>>) src(%dma_wait3A_1222 : memref<32x1024xf32, #tpu.memory_space<vmem>>) dst(%dma_wait3A_1218 : memref<32x1024xf32, #tpu.memory_space<hbm>>)
    %dma_start3A_1223 = arith.constant 25 : i32
    %dma_start3A_1224 = arith.constant 1 : i32
    %dma_start3A_1225 = arith.constant 0 : i32
    %dma_start3A_1226 = arith.constant 0 : i32
    %dma_start3A_1227 = tpu.memref_slice %arg6[%dma_start3A_1224, %dma_start3A_1225, %dma_start3A_1226] : memref<3x32x1024xf32, #tpu.memory_space<vmem>> -> memref<1x32x1024xf32, #tpu.memory_space<vmem>>
    %dma_start3A_1228 = tpu.memref_squeeze %dma_start3A_1227 : memref<1x32x1024xf32, #tpu.memory_space<vmem>> -> memref<32x1024xf32, #tpu.memory_space<vmem>>
    %dma_start3A_1229 = arith.constant 0 : i32
    %dma_start3A_1230 = tpu.memref_slice %arg5[%dma_start3A_1223, %dma_start3A_1229] : memref<32x32xi32, #tpu.memory_space<vmem>> -> memref<1x32xi32, #tpu.memory_space<vmem>>
    %dma_start3A_1231 = tpu.memref_squeeze %dma_start3A_1230 : memref<1x32xi32, #tpu.memory_space<vmem>> -> memref<32xi32, #tpu.memory_space<vmem>>
    %dma_start3A_1232 = arith.constant 0 : i32
    %dma_start3A_1233 = arith.constant 0 : i32
    %dma_start3A_1234 = tpu.memref_slice %arg3[%dma_start3A_1232, %dma_start3A_1233] : memref<8192x1024xf32, #tpu.memory_space<hbm>> -> memref<8192x1024xf32, #tpu.memory_space<hbm>>
    tpu.enqueue_indirect_dma source(%dma_start3A_1234 : memref<8192x1024xf32, #tpu.memory_space<hbm>>) target(%dma_start3A_1228 : memref<32x1024xf32, #tpu.memory_space<vmem>>) offsets(%dma_start3A_1231 : memref<32xi32, #tpu.memory_space<vmem>>) semaphore(%arg7 : memref<!tpu.dma_semaphore, #tpu.memory_space<semaphore_mem>>)
    %dma_wait3A_1235 = arith.constant 23 : i32
    %dma_wait3A_1236 = arith.constant 2 : i32
    %dma_wait3A_1237 = arith.constant 0 : i32
    %dma_wait3A_1238 = arith.constant 0 : i32
    %dma_wait3A_1239 = tpu.memref_slice %arg6[%dma_wait3A_1236, %dma_wait3A_1237, %dma_wait3A_1238] : memref<3x32x1024xf32, #tpu.memory_space<vmem>> -> memref<1x32x1024xf32, #tpu.memory_space<vmem>>
    %dma_wait3A_1240 = tpu.memref_squeeze %dma_wait3A_1239 : memref<1x32x1024xf32, #tpu.memory_space<vmem>> -> memref<32x1024xf32, #tpu.memory_space<vmem>>
    %dma_wait3A_1241 = arith.constant 0 : i32
    %dma_wait3A_1242 = tpu.memref_slice %arg5[%dma_wait3A_1235, %dma_wait3A_1241] : memref<32x32xi32, #tpu.memory_space<vmem>> -> memref<1x32xi32, #tpu.memory_space<vmem>>
    %dma_wait3A_1243 = tpu.memref_squeeze %dma_wait3A_1242 : memref<1x32xi32, #tpu.memory_space<vmem>> -> memref<32xi32, #tpu.memory_space<vmem>>
    %dma_wait3A_1244 = arith.constant 0 : i32
    %dma_wait3A_1245 = arith.constant 0 : i32
    %dma_wait3A_1246 = tpu.memref_slice %arg3[%dma_wait3A_1244, %dma_wait3A_1245] : memref<8192x1024xf32, #tpu.memory_space<hbm>> -> memref<8192x1024xf32, #tpu.memory_space<hbm>>
    tpu.wait_indirect_dma semaphore(%arg7 : memref<!tpu.dma_semaphore, #tpu.memory_space<semaphore_mem>>) src(%dma_wait3A_1246 : memref<8192x1024xf32, #tpu.memory_space<hbm>>) dst(%dma_wait3A_1240 : memref<32x1024xf32, #tpu.memory_space<vmem>>)
    %add3A_1247 = arith.constant 736 : i32
    %add3A_1248 = arith.addi %mul3A_2, %add3A_1247 : i32
    %dma_start3A_1249 = arith.constant 2 : i32
    %dma_start3A_1250 = arith.constant 0 : i32
    %dma_start3A_1251 = arith.constant 0 : i32
    %dma_start3A_1252 = tpu.memref_slice %arg6[%dma_start3A_1249, %dma_start3A_1250, %dma_start3A_1251] : memref<3x32x1024xf32, #tpu.memory_space<vmem>> -> memref<1x32x1024xf32, #tpu.memory_space<vmem>>
    %dma_start3A_1253 = tpu.memref_squeeze %dma_start3A_1252 : memref<1x32x1024xf32, #tpu.memory_space<vmem>> -> memref<32x1024xf32, #tpu.memory_space<vmem>>
    %dma_start3A_1254 = arith.constant 0 : i32
    %dma_start3A_1255 = tpu.memref_slice %arg4[%add3A_1248, %dma_start3A_1254] : memref<32768x1024xf32, #tpu.memory_space<hbm>> -> memref<32x1024xf32, #tpu.memory_space<hbm>>
    %dma_start3A_1256 = arith.constant 0 : i32
    %dma_start3A_1257 = tpu.memref_slice %arg4[%add3A_1248, %dma_start3A_1256] : memref<32768x1024xf32, #tpu.memory_space<hbm>> -> memref<32x1024xf32, #tpu.memory_space<hbm>>
    %dma_start3A_1258 = arith.constant 0 : i32
    %dma_start3A_1259 = arith.constant 0 : i32
    %dma_start3A_1260 = tpu.memref_slice %arg6[%dma_start3A_1249, %dma_start3A_1258, %dma_start3A_1259] : memref<3x32x1024xf32, #tpu.memory_space<vmem>> -> memref<1x32x1024xf32, #tpu.memory_space<vmem>>
    %dma_start3A_1261 = tpu.memref_squeeze %dma_start3A_1260 : memref<1x32x1024xf32, #tpu.memory_space<vmem>> -> memref<32x1024xf32, #tpu.memory_space<vmem>>
    tpu.enqueue_dma source(%dma_start3A_1261 : memref<32x1024xf32, #tpu.memory_space<vmem>>) target(%dma_start3A_1257 : memref<32x1024xf32, #tpu.memory_space<hbm>>) target_semaphore(%arg8 : memref<!tpu.dma_semaphore, #tpu.memory_space<semaphore_mem>>)
    %dma_wait3A_1262 = arith.constant 2 : i32
    %dma_wait3A_1263 = arith.constant 0 : i32
    %dma_wait3A_1264 = arith.constant 0 : i32
    %dma_wait3A_1265 = tpu.memref_slice %arg6[%dma_wait3A_1262, %dma_wait3A_1263, %dma_wait3A_1264] : memref<3x32x1024xf32, #tpu.memory_space<vmem>> -> memref<1x32x1024xf32, #tpu.memory_space<vmem>>
    %dma_wait3A_1266 = tpu.memref_squeeze %dma_wait3A_1265 : memref<1x32x1024xf32, #tpu.memory_space<vmem>> -> memref<32x1024xf32, #tpu.memory_space<vmem>>
    %dma_wait3A_1267 = arith.constant 0 : i32
    %dma_wait3A_1268 = tpu.memref_slice %arg4[%add3A_1248, %dma_wait3A_1267] : memref<32768x1024xf32, #tpu.memory_space<hbm>> -> memref<32x1024xf32, #tpu.memory_space<hbm>>
    %dma_wait3A_1269 = arith.constant 0 : i32
    %dma_wait3A_1270 = tpu.memref_slice %arg4[%add3A_1248, %dma_wait3A_1269] : memref<32768x1024xf32, #tpu.memory_space<hbm>> -> memref<32x1024xf32, #tpu.memory_space<hbm>>
    %dma_wait3A_1271 = arith.constant 0 : i32
    %dma_wait3A_1272 = arith.constant 0 : i32
    %dma_wait3A_1273 = tpu.memref_slice %arg6[%dma_wait3A_1262, %dma_wait3A_1271, %dma_wait3A_1272] : memref<3x32x1024xf32, #tpu.memory_space<vmem>> -> memref<1x32x1024xf32, #tpu.memory_space<vmem>>
    %dma_wait3A_1274 = tpu.memref_squeeze %dma_wait3A_1273 : memref<1x32x1024xf32, #tpu.memory_space<vmem>> -> memref<32x1024xf32, #tpu.memory_space<vmem>>
    tpu.wait_dma2 semaphore(%arg8 : memref<!tpu.dma_semaphore, #tpu.memory_space<semaphore_mem>>) src(%dma_wait3A_1274 : memref<32x1024xf32, #tpu.memory_space<vmem>>) dst(%dma_wait3A_1270 : memref<32x1024xf32, #tpu.memory_space<hbm>>)
    %dma_start3A_1275 = arith.constant 26 : i32
    %dma_start3A_1276 = arith.constant 2 : i32
    %dma_start3A_1277 = arith.constant 0 : i32
    %dma_start3A_1278 = arith.constant 0 : i32
    %dma_start3A_1279 = tpu.memref_slice %arg6[%dma_start3A_1276, %dma_start3A_1277, %dma_start3A_1278] : memref<3x32x1024xf32, #tpu.memory_space<vmem>> -> memref<1x32x1024xf32, #tpu.memory_space<vmem>>
    %dma_start3A_1280 = tpu.memref_squeeze %dma_start3A_1279 : memref<1x32x1024xf32, #tpu.memory_space<vmem>> -> memref<32x1024xf32, #tpu.memory_space<vmem>>
    %dma_start3A_1281 = arith.constant 0 : i32
    %dma_start3A_1282 = tpu.memref_slice %arg5[%dma_start3A_1275, %dma_start3A_1281] : memref<32x32xi32, #tpu.memory_space<vmem>> -> memref<1x32xi32, #tpu.memory_space<vmem>>
    %dma_start3A_1283 = tpu.memref_squeeze %dma_start3A_1282 : memref<1x32xi32, #tpu.memory_space<vmem>> -> memref<32xi32, #tpu.memory_space<vmem>>
    %dma_start3A_1284 = arith.constant 0 : i32
    %dma_start3A_1285 = arith.constant 0 : i32
    %dma_start3A_1286 = tpu.memref_slice %arg3[%dma_start3A_1284, %dma_start3A_1285] : memref<8192x1024xf32, #tpu.memory_space<hbm>> -> memref<8192x1024xf32, #tpu.memory_space<hbm>>
    tpu.enqueue_indirect_dma source(%dma_start3A_1286 : memref<8192x1024xf32, #tpu.memory_space<hbm>>) target(%dma_start3A_1280 : memref<32x1024xf32, #tpu.memory_space<vmem>>) offsets(%dma_start3A_1283 : memref<32xi32, #tpu.memory_space<vmem>>) semaphore(%arg7 : memref<!tpu.dma_semaphore, #tpu.memory_space<semaphore_mem>>)
    %dma_wait3A_1287 = arith.constant 24 : i32
    %dma_wait3A_1288 = arith.constant 0 : i32
    %dma_wait3A_1289 = arith.constant 0 : i32
    %dma_wait3A_1290 = arith.constant 0 : i32
    %dma_wait3A_1291 = tpu.memref_slice %arg6[%dma_wait3A_1288, %dma_wait3A_1289, %dma_wait3A_1290] : memref<3x32x1024xf32, #tpu.memory_space<vmem>> -> memref<1x32x1024xf32, #tpu.memory_space<vmem>>
    %dma_wait3A_1292 = tpu.memref_squeeze %dma_wait3A_1291 : memref<1x32x1024xf32, #tpu.memory_space<vmem>> -> memref<32x1024xf32, #tpu.memory_space<vmem>>
    %dma_wait3A_1293 = arith.constant 0 : i32
    %dma_wait3A_1294 = tpu.memref_slice %arg5[%dma_wait3A_1287, %dma_wait3A_1293] : memref<32x32xi32, #tpu.memory_space<vmem>> -> memref<1x32xi32, #tpu.memory_space<vmem>>
    %dma_wait3A_1295 = tpu.memref_squeeze %dma_wait3A_1294 : memref<1x32xi32, #tpu.memory_space<vmem>> -> memref<32xi32, #tpu.memory_space<vmem>>
    %dma_wait3A_1296 = arith.constant 0 : i32
    %dma_wait3A_1297 = arith.constant 0 : i32
    %dma_wait3A_1298 = tpu.memref_slice %arg3[%dma_wait3A_1296, %dma_wait3A_1297] : memref<8192x1024xf32, #tpu.memory_space<hbm>> -> memref<8192x1024xf32, #tpu.memory_space<hbm>>
    tpu.wait_indirect_dma semaphore(%arg7 : memref<!tpu.dma_semaphore, #tpu.memory_space<semaphore_mem>>) src(%dma_wait3A_1298 : memref<8192x1024xf32, #tpu.memory_space<hbm>>) dst(%dma_wait3A_1292 : memref<32x1024xf32, #tpu.memory_space<vmem>>)
    %add3A_1299 = arith.constant 768 : i32
    %add3A_1300 = arith.addi %mul3A_2, %add3A_1299 : i32
    %dma_start3A_1301 = arith.constant 0 : i32
    %dma_start3A_1302 = arith.constant 0 : i32
    %dma_start3A_1303 = arith.constant 0 : i32
    %dma_start3A_1304 = tpu.memref_slice %arg6[%dma_start3A_1301, %dma_start3A_1302, %dma_start3A_1303] : memref<3x32x1024xf32, #tpu.memory_space<vmem>> -> memref<1x32x1024xf32, #tpu.memory_space<vmem>>
    %dma_start3A_1305 = tpu.memref_squeeze %dma_start3A_1304 : memref<1x32x1024xf32, #tpu.memory_space<vmem>> -> memref<32x1024xf32, #tpu.memory_space<vmem>>
    %dma_start3A_1306 = arith.constant 0 : i32
    %dma_start3A_1307 = tpu.memref_slice %arg4[%add3A_1300, %dma_start3A_1306] : memref<32768x1024xf32, #tpu.memory_space<hbm>> -> memref<32x1024xf32, #tpu.memory_space<hbm>>
    %dma_start3A_1308 = arith.constant 0 : i32
    %dma_start3A_1309 = tpu.memref_slice %arg4[%add3A_1300, %dma_start3A_1308] : memref<32768x1024xf32, #tpu.memory_space<hbm>> -> memref<32x1024xf32, #tpu.memory_space<hbm>>
    %dma_start3A_1310 = arith.constant 0 : i32
    %dma_start3A_1311 = arith.constant 0 : i32
    %dma_start3A_1312 = tpu.memref_slice %arg6[%dma_start3A_1301, %dma_start3A_1310, %dma_start3A_1311] : memref<3x32x1024xf32, #tpu.memory_space<vmem>> -> memref<1x32x1024xf32, #tpu.memory_space<vmem>>
    %dma_start3A_1313 = tpu.memref_squeeze %dma_start3A_1312 : memref<1x32x1024xf32, #tpu.memory_space<vmem>> -> memref<32x1024xf32, #tpu.memory_space<vmem>>
    tpu.enqueue_dma source(%dma_start3A_1313 : memref<32x1024xf32, #tpu.memory_space<vmem>>) target(%dma_start3A_1309 : memref<32x1024xf32, #tpu.memory_space<hbm>>) target_semaphore(%arg8 : memref<!tpu.dma_semaphore, #tpu.memory_space<semaphore_mem>>)
    %dma_wait3A_1314 = arith.constant 0 : i32
    %dma_wait3A_1315 = arith.constant 0 : i32
    %dma_wait3A_1316 = arith.constant 0 : i32
    %dma_wait3A_1317 = tpu.memref_slice %arg6[%dma_wait3A_1314, %dma_wait3A_1315, %dma_wait3A_1316] : memref<3x32x1024xf32, #tpu.memory_space<vmem>> -> memref<1x32x1024xf32, #tpu.memory_space<vmem>>
    %dma_wait3A_1318 = tpu.memref_squeeze %dma_wait3A_1317 : memref<1x32x1024xf32, #tpu.memory_space<vmem>> -> memref<32x1024xf32, #tpu.memory_space<vmem>>
    %dma_wait3A_1319 = arith.constant 0 : i32
    %dma_wait3A_1320 = tpu.memref_slice %arg4[%add3A_1300, %dma_wait3A_1319] : memref<32768x1024xf32, #tpu.memory_space<hbm>> -> memref<32x1024xf32, #tpu.memory_space<hbm>>
    %dma_wait3A_1321 = arith.constant 0 : i32
    %dma_wait3A_1322 = tpu.memref_slice %arg4[%add3A_1300, %dma_wait3A_1321] : memref<32768x1024xf32, #tpu.memory_space<hbm>> -> memref<32x1024xf32, #tpu.memory_space<hbm>>
    %dma_wait3A_1323 = arith.constant 0 : i32
    %dma_wait3A_1324 = arith.constant 0 : i32
    %dma_wait3A_1325 = tpu.memref_slice %arg6[%dma_wait3A_1314, %dma_wait3A_1323, %dma_wait3A_1324] : memref<3x32x1024xf32, #tpu.memory_space<vmem>> -> memref<1x32x1024xf32, #tpu.memory_space<vmem>>
    %dma_wait3A_1326 = tpu.memref_squeeze %dma_wait3A_1325 : memref<1x32x1024xf32, #tpu.memory_space<vmem>> -> memref<32x1024xf32, #tpu.memory_space<vmem>>
    tpu.wait_dma2 semaphore(%arg8 : memref<!tpu.dma_semaphore, #tpu.memory_space<semaphore_mem>>) src(%dma_wait3A_1326 : memref<32x1024xf32, #tpu.memory_space<vmem>>) dst(%dma_wait3A_1322 : memref<32x1024xf32, #tpu.memory_space<hbm>>)
    %dma_start3A_1327 = arith.constant 27 : i32
    %dma_start3A_1328 = arith.constant 0 : i32
    %dma_start3A_1329 = arith.constant 0 : i32
    %dma_start3A_1330 = arith.constant 0 : i32
    %dma_start3A_1331 = tpu.memref_slice %arg6[%dma_start3A_1328, %dma_start3A_1329, %dma_start3A_1330] : memref<3x32x1024xf32, #tpu.memory_space<vmem>> -> memref<1x32x1024xf32, #tpu.memory_space<vmem>>
    %dma_start3A_1332 = tpu.memref_squeeze %dma_start3A_1331 : memref<1x32x1024xf32, #tpu.memory_space<vmem>> -> memref<32x1024xf32, #tpu.memory_space<vmem>>
    %dma_start3A_1333 = arith.constant 0 : i32
    %dma_start3A_1334 = tpu.memref_slice %arg5[%dma_start3A_1327, %dma_start3A_1333] : memref<32x32xi32, #tpu.memory_space<vmem>> -> memref<1x32xi32, #tpu.memory_space<vmem>>
    %dma_start3A_1335 = tpu.memref_squeeze %dma_start3A_1334 : memref<1x32xi32, #tpu.memory_space<vmem>> -> memref<32xi32, #tpu.memory_space<vmem>>
    %dma_start3A_1336 = arith.constant 0 : i32
    %dma_start3A_1337 = arith.constant 0 : i32
    %dma_start3A_1338 = tpu.memref_slice %arg3[%dma_start3A_1336, %dma_start3A_1337] : memref<8192x1024xf32, #tpu.memory_space<hbm>> -> memref<8192x1024xf32, #tpu.memory_space<hbm>>
    tpu.enqueue_indirect_dma source(%dma_start3A_1338 : memref<8192x1024xf32, #tpu.memory_space<hbm>>) target(%dma_start3A_1332 : memref<32x1024xf32, #tpu.memory_space<vmem>>) offsets(%dma_start3A_1335 : memref<32xi32, #tpu.memory_space<vmem>>) semaphore(%arg7 : memref<!tpu.dma_semaphore, #tpu.memory_space<semaphore_mem>>)
    %dma_wait3A_1339 = arith.constant 25 : i32
    %dma_wait3A_1340 = arith.constant 1 : i32
    %dma_wait3A_1341 = arith.constant 0 : i32
    %dma_wait3A_1342 = arith.constant 0 : i32
    %dma_wait3A_1343 = tpu.memref_slice %arg6[%dma_wait3A_1340, %dma_wait3A_1341, %dma_wait3A_1342] : memref<3x32x1024xf32, #tpu.memory_space<vmem>> -> memref<1x32x1024xf32, #tpu.memory_space<vmem>>
    %dma_wait3A_1344 = tpu.memref_squeeze %dma_wait3A_1343 : memref<1x32x1024xf32, #tpu.memory_space<vmem>> -> memref<32x1024xf32, #tpu.memory_space<vmem>>
    %dma_wait3A_1345 = arith.constant 0 : i32
    %dma_wait3A_1346 = tpu.memref_slice %arg5[%dma_wait3A_1339, %dma_wait3A_1345] : memref<32x32xi32, #tpu.memory_space<vmem>> -> memref<1x32xi32, #tpu.memory_space<vmem>>
    %dma_wait3A_1347 = tpu.memref_squeeze %dma_wait3A_1346 : memref<1x32xi32, #tpu.memory_space<vmem>> -> memref<32xi32, #tpu.memory_space<vmem>>
    %dma_wait3A_1348 = arith.constant 0 : i32
    %dma_wait3A_1349 = arith.constant 0 : i32
    %dma_wait3A_1350 = tpu.memref_slice %arg3[%dma_wait3A_1348, %dma_wait3A_1349] : memref<8192x1024xf32, #tpu.memory_space<hbm>> -> memref<8192x1024xf32, #tpu.memory_space<hbm>>
    tpu.wait_indirect_dma semaphore(%arg7 : memref<!tpu.dma_semaphore, #tpu.memory_space<semaphore_mem>>) src(%dma_wait3A_1350 : memref<8192x1024xf32, #tpu.memory_space<hbm>>) dst(%dma_wait3A_1344 : memref<32x1024xf32, #tpu.memory_space<vmem>>)
    %add3A_1351 = arith.constant 800 : i32
    %add3A_1352 = arith.addi %mul3A_2, %add3A_1351 : i32
    %dma_start3A_1353 = arith.constant 1 : i32
    %dma_start3A_1354 = arith.constant 0 : i32
    %dma_start3A_1355 = arith.constant 0 : i32
    %dma_start3A_1356 = tpu.memref_slice %arg6[%dma_start3A_1353, %dma_start3A_1354, %dma_start3A_1355] : memref<3x32x1024xf32, #tpu.memory_space<vmem>> -> memref<1x32x1024xf32, #tpu.memory_space<vmem>>
    %dma_start3A_1357 = tpu.memref_squeeze %dma_start3A_1356 : memref<1x32x1024xf32, #tpu.memory_space<vmem>> -> memref<32x1024xf32, #tpu.memory_space<vmem>>
    %dma_start3A_1358 = arith.constant 0 : i32
    %dma_start3A_1359 = tpu.memref_slice %arg4[%add3A_1352, %dma_start3A_1358] : memref<32768x1024xf32, #tpu.memory_space<hbm>> -> memref<32x1024xf32, #tpu.memory_space<hbm>>
    %dma_start3A_1360 = arith.constant 0 : i32
    %dma_start3A_1361 = tpu.memref_slice %arg4[%add3A_1352, %dma_start3A_1360] : memref<32768x1024xf32, #tpu.memory_space<hbm>> -> memref<32x1024xf32, #tpu.memory_space<hbm>>
    %dma_start3A_1362 = arith.constant 0 : i32
    %dma_start3A_1363 = arith.constant 0 : i32
    %dma_start3A_1364 = tpu.memref_slice %arg6[%dma_start3A_1353, %dma_start3A_1362, %dma_start3A_1363] : memref<3x32x1024xf32, #tpu.memory_space<vmem>> -> memref<1x32x1024xf32, #tpu.memory_space<vmem>>
    %dma_start3A_1365 = tpu.memref_squeeze %dma_start3A_1364 : memref<1x32x1024xf32, #tpu.memory_space<vmem>> -> memref<32x1024xf32, #tpu.memory_space<vmem>>
    tpu.enqueue_dma source(%dma_start3A_1365 : memref<32x1024xf32, #tpu.memory_space<vmem>>) target(%dma_start3A_1361 : memref<32x1024xf32, #tpu.memory_space<hbm>>) target_semaphore(%arg8 : memref<!tpu.dma_semaphore, #tpu.memory_space<semaphore_mem>>)
    %dma_wait3A_1366 = arith.constant 1 : i32
    %dma_wait3A_1367 = arith.constant 0 : i32
    %dma_wait3A_1368 = arith.constant 0 : i32
    %dma_wait3A_1369 = tpu.memref_slice %arg6[%dma_wait3A_1366, %dma_wait3A_1367, %dma_wait3A_1368] : memref<3x32x1024xf32, #tpu.memory_space<vmem>> -> memref<1x32x1024xf32, #tpu.memory_space<vmem>>
    %dma_wait3A_1370 = tpu.memref_squeeze %dma_wait3A_1369 : memref<1x32x1024xf32, #tpu.memory_space<vmem>> -> memref<32x1024xf32, #tpu.memory_space<vmem>>
    %dma_wait3A_1371 = arith.constant 0 : i32
    %dma_wait3A_1372 = tpu.memref_slice %arg4[%add3A_1352, %dma_wait3A_1371] : memref<32768x1024xf32, #tpu.memory_space<hbm>> -> memref<32x1024xf32, #tpu.memory_space<hbm>>
    %dma_wait3A_1373 = arith.constant 0 : i32
    %dma_wait3A_1374 = tpu.memref_slice %arg4[%add3A_1352, %dma_wait3A_1373] : memref<32768x1024xf32, #tpu.memory_space<hbm>> -> memref<32x1024xf32, #tpu.memory_space<hbm>>
    %dma_wait3A_1375 = arith.constant 0 : i32
    %dma_wait3A_1376 = arith.constant 0 : i32
    %dma_wait3A_1377 = tpu.memref_slice %arg6[%dma_wait3A_1366, %dma_wait3A_1375, %dma_wait3A_1376] : memref<3x32x1024xf32, #tpu.memory_space<vmem>> -> memref<1x32x1024xf32, #tpu.memory_space<vmem>>
    %dma_wait3A_1378 = tpu.memref_squeeze %dma_wait3A_1377 : memref<1x32x1024xf32, #tpu.memory_space<vmem>> -> memref<32x1024xf32, #tpu.memory_space<vmem>>
    tpu.wait_dma2 semaphore(%arg8 : memref<!tpu.dma_semaphore, #tpu.memory_space<semaphore_mem>>) src(%dma_wait3A_1378 : memref<32x1024xf32, #tpu.memory_space<vmem>>) dst(%dma_wait3A_1374 : memref<32x1024xf32, #tpu.memory_space<hbm>>)
    %dma_start3A_1379 = arith.constant 28 : i32
    %dma_start3A_1380 = arith.constant 1 : i32
    %dma_start3A_1381 = arith.constant 0 : i32
    %dma_start3A_1382 = arith.constant 0 : i32
    %dma_start3A_1383 = tpu.memref_slice %arg6[%dma_start3A_1380, %dma_start3A_1381, %dma_start3A_1382] : memref<3x32x1024xf32, #tpu.memory_space<vmem>> -> memref<1x32x1024xf32, #tpu.memory_space<vmem>>
    %dma_start3A_1384 = tpu.memref_squeeze %dma_start3A_1383 : memref<1x32x1024xf32, #tpu.memory_space<vmem>> -> memref<32x1024xf32, #tpu.memory_space<vmem>>
    %dma_start3A_1385 = arith.constant 0 : i32
    %dma_start3A_1386 = tpu.memref_slice %arg5[%dma_start3A_1379, %dma_start3A_1385] : memref<32x32xi32, #tpu.memory_space<vmem>> -> memref<1x32xi32, #tpu.memory_space<vmem>>
    %dma_start3A_1387 = tpu.memref_squeeze %dma_start3A_1386 : memref<1x32xi32, #tpu.memory_space<vmem>> -> memref<32xi32, #tpu.memory_space<vmem>>
    %dma_start3A_1388 = arith.constant 0 : i32
    %dma_start3A_1389 = arith.constant 0 : i32
    %dma_start3A_1390 = tpu.memref_slice %arg3[%dma_start3A_1388, %dma_start3A_1389] : memref<8192x1024xf32, #tpu.memory_space<hbm>> -> memref<8192x1024xf32, #tpu.memory_space<hbm>>
    tpu.enqueue_indirect_dma source(%dma_start3A_1390 : memref<8192x1024xf32, #tpu.memory_space<hbm>>) target(%dma_start3A_1384 : memref<32x1024xf32, #tpu.memory_space<vmem>>) offsets(%dma_start3A_1387 : memref<32xi32, #tpu.memory_space<vmem>>) semaphore(%arg7 : memref<!tpu.dma_semaphore, #tpu.memory_space<semaphore_mem>>)
    %dma_wait3A_1391 = arith.constant 26 : i32
    %dma_wait3A_1392 = arith.constant 2 : i32
    %dma_wait3A_1393 = arith.constant 0 : i32
    %dma_wait3A_1394 = arith.constant 0 : i32
    %dma_wait3A_1395 = tpu.memref_slice %arg6[%dma_wait3A_1392, %dma_wait3A_1393, %dma_wait3A_1394] : memref<3x32x1024xf32, #tpu.memory_space<vmem>> -> memref<1x32x1024xf32, #tpu.memory_space<vmem>>
    %dma_wait3A_1396 = tpu.memref_squeeze %dma_wait3A_1395 : memref<1x32x1024xf32, #tpu.memory_space<vmem>> -> memref<32x1024xf32, #tpu.memory_space<vmem>>
    %dma_wait3A_1397 = arith.constant 0 : i32
    %dma_wait3A_1398 = tpu.memref_slice %arg5[%dma_wait3A_1391, %dma_wait3A_1397] : memref<32x32xi32, #tpu.memory_space<vmem>> -> memref<1x32xi32, #tpu.memory_space<vmem>>
    %dma_wait3A_1399 = tpu.memref_squeeze %dma_wait3A_1398 : memref<1x32xi32, #tpu.memory_space<vmem>> -> memref<32xi32, #tpu.memory_space<vmem>>
    %dma_wait3A_1400 = arith.constant 0 : i32
    %dma_wait3A_1401 = arith.constant 0 : i32
    %dma_wait3A_1402 = tpu.memref_slice %arg3[%dma_wait3A_1400, %dma_wait3A_1401] : memref<8192x1024xf32, #tpu.memory_space<hbm>> -> memref<8192x1024xf32, #tpu.memory_space<hbm>>
    tpu.wait_indirect_dma semaphore(%arg7 : memref<!tpu.dma_semaphore, #tpu.memory_space<semaphore_mem>>) src(%dma_wait3A_1402 : memref<8192x1024xf32, #tpu.memory_space<hbm>>) dst(%dma_wait3A_1396 : memref<32x1024xf32, #tpu.memory_space<vmem>>)
    %add3A_1403 = arith.constant 832 : i32
    %add3A_1404 = arith.addi %mul3A_2, %add3A_1403 : i32
    %dma_start3A_1405 = arith.constant 2 : i32
    %dma_start3A_1406 = arith.constant 0 : i32
    %dma_start3A_1407 = arith.constant 0 : i32
    %dma_start3A_1408 = tpu.memref_slice %arg6[%dma_start3A_1405, %dma_start3A_1406, %dma_start3A_1407] : memref<3x32x1024xf32, #tpu.memory_space<vmem>> -> memref<1x32x1024xf32, #tpu.memory_space<vmem>>
    %dma_start3A_1409 = tpu.memref_squeeze %dma_start3A_1408 : memref<1x32x1024xf32, #tpu.memory_space<vmem>> -> memref<32x1024xf32, #tpu.memory_space<vmem>>
    %dma_start3A_1410 = arith.constant 0 : i32
    %dma_start3A_1411 = tpu.memref_slice %arg4[%add3A_1404, %dma_start3A_1410] : memref<32768x1024xf32, #tpu.memory_space<hbm>> -> memref<32x1024xf32, #tpu.memory_space<hbm>>
    %dma_start3A_1412 = arith.constant 0 : i32
    %dma_start3A_1413 = tpu.memref_slice %arg4[%add3A_1404, %dma_start3A_1412] : memref<32768x1024xf32, #tpu.memory_space<hbm>> -> memref<32x1024xf32, #tpu.memory_space<hbm>>
    %dma_start3A_1414 = arith.constant 0 : i32
    %dma_start3A_1415 = arith.constant 0 : i32
    %dma_start3A_1416 = tpu.memref_slice %arg6[%dma_start3A_1405, %dma_start3A_1414, %dma_start3A_1415] : memref<3x32x1024xf32, #tpu.memory_space<vmem>> -> memref<1x32x1024xf32, #tpu.memory_space<vmem>>
    %dma_start3A_1417 = tpu.memref_squeeze %dma_start3A_1416 : memref<1x32x1024xf32, #tpu.memory_space<vmem>> -> memref<32x1024xf32, #tpu.memory_space<vmem>>
    tpu.enqueue_dma source(%dma_start3A_1417 : memref<32x1024xf32, #tpu.memory_space<vmem>>) target(%dma_start3A_1413 : memref<32x1024xf32, #tpu.memory_space<hbm>>) target_semaphore(%arg8 : memref<!tpu.dma_semaphore, #tpu.memory_space<semaphore_mem>>)
    %dma_wait3A_1418 = arith.constant 2 : i32
    %dma_wait3A_1419 = arith.constant 0 : i32
    %dma_wait3A_1420 = arith.constant 0 : i32
    %dma_wait3A_1421 = tpu.memref_slice %arg6[%dma_wait3A_1418, %dma_wait3A_1419, %dma_wait3A_1420] : memref<3x32x1024xf32, #tpu.memory_space<vmem>> -> memref<1x32x1024xf32, #tpu.memory_space<vmem>>
    %dma_wait3A_1422 = tpu.memref_squeeze %dma_wait3A_1421 : memref<1x32x1024xf32, #tpu.memory_space<vmem>> -> memref<32x1024xf32, #tpu.memory_space<vmem>>
    %dma_wait3A_1423 = arith.constant 0 : i32
    %dma_wait3A_1424 = tpu.memref_slice %arg4[%add3A_1404, %dma_wait3A_1423] : memref<32768x1024xf32, #tpu.memory_space<hbm>> -> memref<32x1024xf32, #tpu.memory_space<hbm>>
    %dma_wait3A_1425 = arith.constant 0 : i32
    %dma_wait3A_1426 = tpu.memref_slice %arg4[%add3A_1404, %dma_wait3A_1425] : memref<32768x1024xf32, #tpu.memory_space<hbm>> -> memref<32x1024xf32, #tpu.memory_space<hbm>>
    %dma_wait3A_1427 = arith.constant 0 : i32
    %dma_wait3A_1428 = arith.constant 0 : i32
    %dma_wait3A_1429 = tpu.memref_slice %arg6[%dma_wait3A_1418, %dma_wait3A_1427, %dma_wait3A_1428] : memref<3x32x1024xf32, #tpu.memory_space<vmem>> -> memref<1x32x1024xf32, #tpu.memory_space<vmem>>
    %dma_wait3A_1430 = tpu.memref_squeeze %dma_wait3A_1429 : memref<1x32x1024xf32, #tpu.memory_space<vmem>> -> memref<32x1024xf32, #tpu.memory_space<vmem>>
    tpu.wait_dma2 semaphore(%arg8 : memref<!tpu.dma_semaphore, #tpu.memory_space<semaphore_mem>>) src(%dma_wait3A_1430 : memref<32x1024xf32, #tpu.memory_space<vmem>>) dst(%dma_wait3A_1426 : memref<32x1024xf32, #tpu.memory_space<hbm>>)
    %dma_start3A_1431 = arith.constant 29 : i32
    %dma_start3A_1432 = arith.constant 2 : i32
    %dma_start3A_1433 = arith.constant 0 : i32
    %dma_start3A_1434 = arith.constant 0 : i32
    %dma_start3A_1435 = tpu.memref_slice %arg6[%dma_start3A_1432, %dma_start3A_1433, %dma_start3A_1434] : memref<3x32x1024xf32, #tpu.memory_space<vmem>> -> memref<1x32x1024xf32, #tpu.memory_space<vmem>>
    %dma_start3A_1436 = tpu.memref_squeeze %dma_start3A_1435 : memref<1x32x1024xf32, #tpu.memory_space<vmem>> -> memref<32x1024xf32, #tpu.memory_space<vmem>>
    %dma_start3A_1437 = arith.constant 0 : i32
    %dma_start3A_1438 = tpu.memref_slice %arg5[%dma_start3A_1431, %dma_start3A_1437] : memref<32x32xi32, #tpu.memory_space<vmem>> -> memref<1x32xi32, #tpu.memory_space<vmem>>
    %dma_start3A_1439 = tpu.memref_squeeze %dma_start3A_1438 : memref<1x32xi32, #tpu.memory_space<vmem>> -> memref<32xi32, #tpu.memory_space<vmem>>
    %dma_start3A_1440 = arith.constant 0 : i32
    %dma_start3A_1441 = arith.constant 0 : i32
    %dma_start3A_1442 = tpu.memref_slice %arg3[%dma_start3A_1440, %dma_start3A_1441] : memref<8192x1024xf32, #tpu.memory_space<hbm>> -> memref<8192x1024xf32, #tpu.memory_space<hbm>>
    tpu.enqueue_indirect_dma source(%dma_start3A_1442 : memref<8192x1024xf32, #tpu.memory_space<hbm>>) target(%dma_start3A_1436 : memref<32x1024xf32, #tpu.memory_space<vmem>>) offsets(%dma_start3A_1439 : memref<32xi32, #tpu.memory_space<vmem>>) semaphore(%arg7 : memref<!tpu.dma_semaphore, #tpu.memory_space<semaphore_mem>>)
    %dma_wait3A_1443 = arith.constant 27 : i32
    %dma_wait3A_1444 = arith.constant 0 : i32
    %dma_wait3A_1445 = arith.constant 0 : i32
    %dma_wait3A_1446 = arith.constant 0 : i32
    %dma_wait3A_1447 = tpu.memref_slice %arg6[%dma_wait3A_1444, %dma_wait3A_1445, %dma_wait3A_1446] : memref<3x32x1024xf32, #tpu.memory_space<vmem>> -> memref<1x32x1024xf32, #tpu.memory_space<vmem>>
    %dma_wait3A_1448 = tpu.memref_squeeze %dma_wait3A_1447 : memref<1x32x1024xf32, #tpu.memory_space<vmem>> -> memref<32x1024xf32, #tpu.memory_space<vmem>>
    %dma_wait3A_1449 = arith.constant 0 : i32
    %dma_wait3A_1450 = tpu.memref_slice %arg5[%dma_wait3A_1443, %dma_wait3A_1449] : memref<32x32xi32, #tpu.memory_space<vmem>> -> memref<1x32xi32, #tpu.memory_space<vmem>>
    %dma_wait3A_1451 = tpu.memref_squeeze %dma_wait3A_1450 : memref<1x32xi32, #tpu.memory_space<vmem>> -> memref<32xi32, #tpu.memory_space<vmem>>
    %dma_wait3A_1452 = arith.constant 0 : i32
    %dma_wait3A_1453 = arith.constant 0 : i32
    %dma_wait3A_1454 = tpu.memref_slice %arg3[%dma_wait3A_1452, %dma_wait3A_1453] : memref<8192x1024xf32, #tpu.memory_space<hbm>> -> memref<8192x1024xf32, #tpu.memory_space<hbm>>
    tpu.wait_indirect_dma semaphore(%arg7 : memref<!tpu.dma_semaphore, #tpu.memory_space<semaphore_mem>>) src(%dma_wait3A_1454 : memref<8192x1024xf32, #tpu.memory_space<hbm>>) dst(%dma_wait3A_1448 : memref<32x1024xf32, #tpu.memory_space<vmem>>)
    %add3A_1455 = arith.constant 864 : i32
    %add3A_1456 = arith.addi %mul3A_2, %add3A_1455 : i32
    %dma_start3A_1457 = arith.constant 0 : i32
    %dma_start3A_1458 = arith.constant 0 : i32
    %dma_start3A_1459 = arith.constant 0 : i32
    %dma_start3A_1460 = tpu.memref_slice %arg6[%dma_start3A_1457, %dma_start3A_1458, %dma_start3A_1459] : memref<3x32x1024xf32, #tpu.memory_space<vmem>> -> memref<1x32x1024xf32, #tpu.memory_space<vmem>>
    %dma_start3A_1461 = tpu.memref_squeeze %dma_start3A_1460 : memref<1x32x1024xf32, #tpu.memory_space<vmem>> -> memref<32x1024xf32, #tpu.memory_space<vmem>>
    %dma_start3A_1462 = arith.constant 0 : i32
    %dma_start3A_1463 = tpu.memref_slice %arg4[%add3A_1456, %dma_start3A_1462] : memref<32768x1024xf32, #tpu.memory_space<hbm>> -> memref<32x1024xf32, #tpu.memory_space<hbm>>
    %dma_start3A_1464 = arith.constant 0 : i32
    %dma_start3A_1465 = tpu.memref_slice %arg4[%add3A_1456, %dma_start3A_1464] : memref<32768x1024xf32, #tpu.memory_space<hbm>> -> memref<32x1024xf32, #tpu.memory_space<hbm>>
    %dma_start3A_1466 = arith.constant 0 : i32
    %dma_start3A_1467 = arith.constant 0 : i32
    %dma_start3A_1468 = tpu.memref_slice %arg6[%dma_start3A_1457, %dma_start3A_1466, %dma_start3A_1467] : memref<3x32x1024xf32, #tpu.memory_space<vmem>> -> memref<1x32x1024xf32, #tpu.memory_space<vmem>>
    %dma_start3A_1469 = tpu.memref_squeeze %dma_start3A_1468 : memref<1x32x1024xf32, #tpu.memory_space<vmem>> -> memref<32x1024xf32, #tpu.memory_space<vmem>>
    tpu.enqueue_dma source(%dma_start3A_1469 : memref<32x1024xf32, #tpu.memory_space<vmem>>) target(%dma_start3A_1465 : memref<32x1024xf32, #tpu.memory_space<hbm>>) target_semaphore(%arg8 : memref<!tpu.dma_semaphore, #tpu.memory_space<semaphore_mem>>)
    %dma_wait3A_1470 = arith.constant 0 : i32
    %dma_wait3A_1471 = arith.constant 0 : i32
    %dma_wait3A_1472 = arith.constant 0 : i32
    %dma_wait3A_1473 = tpu.memref_slice %arg6[%dma_wait3A_1470, %dma_wait3A_1471, %dma_wait3A_1472] : memref<3x32x1024xf32, #tpu.memory_space<vmem>> -> memref<1x32x1024xf32, #tpu.memory_space<vmem>>
    %dma_wait3A_1474 = tpu.memref_squeeze %dma_wait3A_1473 : memref<1x32x1024xf32, #tpu.memory_space<vmem>> -> memref<32x1024xf32, #tpu.memory_space<vmem>>
    %dma_wait3A_1475 = arith.constant 0 : i32
    %dma_wait3A_1476 = tpu.memref_slice %arg4[%add3A_1456, %dma_wait3A_1475] : memref<32768x1024xf32, #tpu.memory_space<hbm>> -> memref<32x1024xf32, #tpu.memory_space<hbm>>
    %dma_wait3A_1477 = arith.constant 0 : i32
    %dma_wait3A_1478 = tpu.memref_slice %arg4[%add3A_1456, %dma_wait3A_1477] : memref<32768x1024xf32, #tpu.memory_space<hbm>> -> memref<32x1024xf32, #tpu.memory_space<hbm>>
    %dma_wait3A_1479 = arith.constant 0 : i32
    %dma_wait3A_1480 = arith.constant 0 : i32
    %dma_wait3A_1481 = tpu.memref_slice %arg6[%dma_wait3A_1470, %dma_wait3A_1479, %dma_wait3A_1480] : memref<3x32x1024xf32, #tpu.memory_space<vmem>> -> memref<1x32x1024xf32, #tpu.memory_space<vmem>>
    %dma_wait3A_1482 = tpu.memref_squeeze %dma_wait3A_1481 : memref<1x32x1024xf32, #tpu.memory_space<vmem>> -> memref<32x1024xf32, #tpu.memory_space<vmem>>
    tpu.wait_dma2 semaphore(%arg8 : memref<!tpu.dma_semaphore, #tpu.memory_space<semaphore_mem>>) src(%dma_wait3A_1482 : memref<32x1024xf32, #tpu.memory_space<vmem>>) dst(%dma_wait3A_1478 : memref<32x1024xf32, #tpu.memory_space<hbm>>)
    %dma_start3A_1483 = arith.constant 30 : i32
    %dma_start3A_1484 = arith.constant 0 : i32
    %dma_start3A_1485 = arith.constant 0 : i32
    %dma_start3A_1486 = arith.constant 0 : i32
    %dma_start3A_1487 = tpu.memref_slice %arg6[%dma_start3A_1484, %dma_start3A_1485, %dma_start3A_1486] : memref<3x32x1024xf32, #tpu.memory_space<vmem>> -> memref<1x32x1024xf32, #tpu.memory_space<vmem>>
    %dma_start3A_1488 = tpu.memref_squeeze %dma_start3A_1487 : memref<1x32x1024xf32, #tpu.memory_space<vmem>> -> memref<32x1024xf32, #tpu.memory_space<vmem>>
    %dma_start3A_1489 = arith.constant 0 : i32
    %dma_start3A_1490 = tpu.memref_slice %arg5[%dma_start3A_1483, %dma_start3A_1489] : memref<32x32xi32, #tpu.memory_space<vmem>> -> memref<1x32xi32, #tpu.memory_space<vmem>>
    %dma_start3A_1491 = tpu.memref_squeeze %dma_start3A_1490 : memref<1x32xi32, #tpu.memory_space<vmem>> -> memref<32xi32, #tpu.memory_space<vmem>>
    %dma_start3A_1492 = arith.constant 0 : i32
    %dma_start3A_1493 = arith.constant 0 : i32
    %dma_start3A_1494 = tpu.memref_slice %arg3[%dma_start3A_1492, %dma_start3A_1493] : memref<8192x1024xf32, #tpu.memory_space<hbm>> -> memref<8192x1024xf32, #tpu.memory_space<hbm>>
    tpu.enqueue_indirect_dma source(%dma_start3A_1494 : memref<8192x1024xf32, #tpu.memory_space<hbm>>) target(%dma_start3A_1488 : memref<32x1024xf32, #tpu.memory_space<vmem>>) offsets(%dma_start3A_1491 : memref<32xi32, #tpu.memory_space<vmem>>) semaphore(%arg7 : memref<!tpu.dma_semaphore, #tpu.memory_space<semaphore_mem>>)
    %dma_wait3A_1495 = arith.constant 28 : i32
    %dma_wait3A_1496 = arith.constant 1 : i32
    %dma_wait3A_1497 = arith.constant 0 : i32
    %dma_wait3A_1498 = arith.constant 0 : i32
    %dma_wait3A_1499 = tpu.memref_slice %arg6[%dma_wait3A_1496, %dma_wait3A_1497, %dma_wait3A_1498] : memref<3x32x1024xf32, #tpu.memory_space<vmem>> -> memref<1x32x1024xf32, #tpu.memory_space<vmem>>
    %dma_wait3A_1500 = tpu.memref_squeeze %dma_wait3A_1499 : memref<1x32x1024xf32, #tpu.memory_space<vmem>> -> memref<32x1024xf32, #tpu.memory_space<vmem>>
    %dma_wait3A_1501 = arith.constant 0 : i32
    %dma_wait3A_1502 = tpu.memref_slice %arg5[%dma_wait3A_1495, %dma_wait3A_1501] : memref<32x32xi32, #tpu.memory_space<vmem>> -> memref<1x32xi32, #tpu.memory_space<vmem>>
    %dma_wait3A_1503 = tpu.memref_squeeze %dma_wait3A_1502 : memref<1x32xi32, #tpu.memory_space<vmem>> -> memref<32xi32, #tpu.memory_space<vmem>>
    %dma_wait3A_1504 = arith.constant 0 : i32
    %dma_wait3A_1505 = arith.constant 0 : i32
    %dma_wait3A_1506 = tpu.memref_slice %arg3[%dma_wait3A_1504, %dma_wait3A_1505] : memref<8192x1024xf32, #tpu.memory_space<hbm>> -> memref<8192x1024xf32, #tpu.memory_space<hbm>>
    tpu.wait_indirect_dma semaphore(%arg7 : memref<!tpu.dma_semaphore, #tpu.memory_space<semaphore_mem>>) src(%dma_wait3A_1506 : memref<8192x1024xf32, #tpu.memory_space<hbm>>) dst(%dma_wait3A_1500 : memref<32x1024xf32, #tpu.memory_space<vmem>>)
    %add3A_1507 = arith.constant 896 : i32
    %add3A_1508 = arith.addi %mul3A_2, %add3A_1507 : i32
    %dma_start3A_1509 = arith.constant 1 : i32
    %dma_start3A_1510 = arith.constant 0 : i32
    %dma_start3A_1511 = arith.constant 0 : i32
    %dma_start3A_1512 = tpu.memref_slice %arg6[%dma_start3A_1509, %dma_start3A_1510, %dma_start3A_1511] : memref<3x32x1024xf32, #tpu.memory_space<vmem>> -> memref<1x32x1024xf32, #tpu.memory_space<vmem>>
    %dma_start3A_1513 = tpu.memref_squeeze %dma_start3A_1512 : memref<1x32x1024xf32, #tpu.memory_space<vmem>> -> memref<32x1024xf32, #tpu.memory_space<vmem>>
    %dma_start3A_1514 = arith.constant 0 : i32
    %dma_start3A_1515 = tpu.memref_slice %arg4[%add3A_1508, %dma_start3A_1514] : memref<32768x1024xf32, #tpu.memory_space<hbm>> -> memref<32x1024xf32, #tpu.memory_space<hbm>>
    %dma_start3A_1516 = arith.constant 0 : i32
    %dma_start3A_1517 = tpu.memref_slice %arg4[%add3A_1508, %dma_start3A_1516] : memref<32768x1024xf32, #tpu.memory_space<hbm>> -> memref<32x1024xf32, #tpu.memory_space<hbm>>
    %dma_start3A_1518 = arith.constant 0 : i32
    %dma_start3A_1519 = arith.constant 0 : i32
    %dma_start3A_1520 = tpu.memref_slice %arg6[%dma_start3A_1509, %dma_start3A_1518, %dma_start3A_1519] : memref<3x32x1024xf32, #tpu.memory_space<vmem>> -> memref<1x32x1024xf32, #tpu.memory_space<vmem>>
    %dma_start3A_1521 = tpu.memref_squeeze %dma_start3A_1520 : memref<1x32x1024xf32, #tpu.memory_space<vmem>> -> memref<32x1024xf32, #tpu.memory_space<vmem>>
    tpu.enqueue_dma source(%dma_start3A_1521 : memref<32x1024xf32, #tpu.memory_space<vmem>>) target(%dma_start3A_1517 : memref<32x1024xf32, #tpu.memory_space<hbm>>) target_semaphore(%arg8 : memref<!tpu.dma_semaphore, #tpu.memory_space<semaphore_mem>>)
    %dma_wait3A_1522 = arith.constant 1 : i32
    %dma_wait3A_1523 = arith.constant 0 : i32
    %dma_wait3A_1524 = arith.constant 0 : i32
    %dma_wait3A_1525 = tpu.memref_slice %arg6[%dma_wait3A_1522, %dma_wait3A_1523, %dma_wait3A_1524] : memref<3x32x1024xf32, #tpu.memory_space<vmem>> -> memref<1x32x1024xf32, #tpu.memory_space<vmem>>
    %dma_wait3A_1526 = tpu.memref_squeeze %dma_wait3A_1525 : memref<1x32x1024xf32, #tpu.memory_space<vmem>> -> memref<32x1024xf32, #tpu.memory_space<vmem>>
    %dma_wait3A_1527 = arith.constant 0 : i32
    %dma_wait3A_1528 = tpu.memref_slice %arg4[%add3A_1508, %dma_wait3A_1527] : memref<32768x1024xf32, #tpu.memory_space<hbm>> -> memref<32x1024xf32, #tpu.memory_space<hbm>>
    %dma_wait3A_1529 = arith.constant 0 : i32
    %dma_wait3A_1530 = tpu.memref_slice %arg4[%add3A_1508, %dma_wait3A_1529] : memref<32768x1024xf32, #tpu.memory_space<hbm>> -> memref<32x1024xf32, #tpu.memory_space<hbm>>
    %dma_wait3A_1531 = arith.constant 0 : i32
    %dma_wait3A_1532 = arith.constant 0 : i32
    %dma_wait3A_1533 = tpu.memref_slice %arg6[%dma_wait3A_1522, %dma_wait3A_1531, %dma_wait3A_1532] : memref<3x32x1024xf32, #tpu.memory_space<vmem>> -> memref<1x32x1024xf32, #tpu.memory_space<vmem>>
    %dma_wait3A_1534 = tpu.memref_squeeze %dma_wait3A_1533 : memref<1x32x1024xf32, #tpu.memory_space<vmem>> -> memref<32x1024xf32, #tpu.memory_space<vmem>>
    tpu.wait_dma2 semaphore(%arg8 : memref<!tpu.dma_semaphore, #tpu.memory_space<semaphore_mem>>) src(%dma_wait3A_1534 : memref<32x1024xf32, #tpu.memory_space<vmem>>) dst(%dma_wait3A_1530 : memref<32x1024xf32, #tpu.memory_space<hbm>>)
    %dma_start3A_1535 = arith.constant 31 : i32
    %dma_start3A_1536 = arith.constant 1 : i32
    %dma_start3A_1537 = arith.constant 0 : i32
    %dma_start3A_1538 = arith.constant 0 : i32
    %dma_start3A_1539 = tpu.memref_slice %arg6[%dma_start3A_1536, %dma_start3A_1537, %dma_start3A_1538] : memref<3x32x1024xf32, #tpu.memory_space<vmem>> -> memref<1x32x1024xf32, #tpu.memory_space<vmem>>
    %dma_start3A_1540 = tpu.memref_squeeze %dma_start3A_1539 : memref<1x32x1024xf32, #tpu.memory_space<vmem>> -> memref<32x1024xf32, #tpu.memory_space<vmem>>
    %dma_start3A_1541 = arith.constant 0 : i32
    %dma_start3A_1542 = tpu.memref_slice %arg5[%dma_start3A_1535, %dma_start3A_1541] : memref<32x32xi32, #tpu.memory_space<vmem>> -> memref<1x32xi32, #tpu.memory_space<vmem>>
    %dma_start3A_1543 = tpu.memref_squeeze %dma_start3A_1542 : memref<1x32xi32, #tpu.memory_space<vmem>> -> memref<32xi32, #tpu.memory_space<vmem>>
    %dma_start3A_1544 = arith.constant 0 : i32
    %dma_start3A_1545 = arith.constant 0 : i32
    %dma_start3A_1546 = tpu.memref_slice %arg3[%dma_start3A_1544, %dma_start3A_1545] : memref<8192x1024xf32, #tpu.memory_space<hbm>> -> memref<8192x1024xf32, #tpu.memory_space<hbm>>
    tpu.enqueue_indirect_dma source(%dma_start3A_1546 : memref<8192x1024xf32, #tpu.memory_space<hbm>>) target(%dma_start3A_1540 : memref<32x1024xf32, #tpu.memory_space<vmem>>) offsets(%dma_start3A_1543 : memref<32xi32, #tpu.memory_space<vmem>>) semaphore(%arg7 : memref<!tpu.dma_semaphore, #tpu.memory_space<semaphore_mem>>)
    %dma_wait3A_1547 = arith.constant 29 : i32
    %dma_wait3A_1548 = arith.constant 2 : i32
    %dma_wait3A_1549 = arith.constant 0 : i32
    %dma_wait3A_1550 = arith.constant 0 : i32
    %dma_wait3A_1551 = tpu.memref_slice %arg6[%dma_wait3A_1548, %dma_wait3A_1549, %dma_wait3A_1550] : memref<3x32x1024xf32, #tpu.memory_space<vmem>> -> memref<1x32x1024xf32, #tpu.memory_space<vmem>>
    %dma_wait3A_1552 = tpu.memref_squeeze %dma_wait3A_1551 : memref<1x32x1024xf32, #tpu.memory_space<vmem>> -> memref<32x1024xf32, #tpu.memory_space<vmem>>
    %dma_wait3A_1553 = arith.constant 0 : i32
    %dma_wait3A_1554 = tpu.memref_slice %arg5[%dma_wait3A_1547, %dma_wait3A_1553] : memref<32x32xi32, #tpu.memory_space<vmem>> -> memref<1x32xi32, #tpu.memory_space<vmem>>
    %dma_wait3A_1555 = tpu.memref_squeeze %dma_wait3A_1554 : memref<1x32xi32, #tpu.memory_space<vmem>> -> memref<32xi32, #tpu.memory_space<vmem>>
    %dma_wait3A_1556 = arith.constant 0 : i32
    %dma_wait3A_1557 = arith.constant 0 : i32
    %dma_wait3A_1558 = tpu.memref_slice %arg3[%dma_wait3A_1556, %dma_wait3A_1557] : memref<8192x1024xf32, #tpu.memory_space<hbm>> -> memref<8192x1024xf32, #tpu.memory_space<hbm>>
    tpu.wait_indirect_dma semaphore(%arg7 : memref<!tpu.dma_semaphore, #tpu.memory_space<semaphore_mem>>) src(%dma_wait3A_1558 : memref<8192x1024xf32, #tpu.memory_space<hbm>>) dst(%dma_wait3A_1552 : memref<32x1024xf32, #tpu.memory_space<vmem>>)
    %add3A_1559 = arith.constant 928 : i32
    %add3A_1560 = arith.addi %mul3A_2, %add3A_1559 : i32
    %dma_start3A_1561 = arith.constant 2 : i32
    %dma_start3A_1562 = arith.constant 0 : i32
    %dma_start3A_1563 = arith.constant 0 : i32
    %dma_start3A_1564 = tpu.memref_slice %arg6[%dma_start3A_1561, %dma_start3A_1562, %dma_start3A_1563] : memref<3x32x1024xf32, #tpu.memory_space<vmem>> -> memref<1x32x1024xf32, #tpu.memory_space<vmem>>
    %dma_start3A_1565 = tpu.memref_squeeze %dma_start3A_1564 : memref<1x32x1024xf32, #tpu.memory_space<vmem>> -> memref<32x1024xf32, #tpu.memory_space<vmem>>
    %dma_start3A_1566 = arith.constant 0 : i32
    %dma_start3A_1567 = tpu.memref_slice %arg4[%add3A_1560, %dma_start3A_1566] : memref<32768x1024xf32, #tpu.memory_space<hbm>> -> memref<32x1024xf32, #tpu.memory_space<hbm>>
    %dma_start3A_1568 = arith.constant 0 : i32
    %dma_start3A_1569 = tpu.memref_slice %arg4[%add3A_1560, %dma_start3A_1568] : memref<32768x1024xf32, #tpu.memory_space<hbm>> -> memref<32x1024xf32, #tpu.memory_space<hbm>>
    %dma_start3A_1570 = arith.constant 0 : i32
    %dma_start3A_1571 = arith.constant 0 : i32
    %dma_start3A_1572 = tpu.memref_slice %arg6[%dma_start3A_1561, %dma_start3A_1570, %dma_start3A_1571] : memref<3x32x1024xf32, #tpu.memory_space<vmem>> -> memref<1x32x1024xf32, #tpu.memory_space<vmem>>
    %dma_start3A_1573 = tpu.memref_squeeze %dma_start3A_1572 : memref<1x32x1024xf32, #tpu.memory_space<vmem>> -> memref<32x1024xf32, #tpu.memory_space<vmem>>
    tpu.enqueue_dma source(%dma_start3A_1573 : memref<32x1024xf32, #tpu.memory_space<vmem>>) target(%dma_start3A_1569 : memref<32x1024xf32, #tpu.memory_space<hbm>>) target_semaphore(%arg8 : memref<!tpu.dma_semaphore, #tpu.memory_space<semaphore_mem>>)
    %dma_wait3A_1574 = arith.constant 30 : i32
    %dma_wait3A_1575 = arith.constant 0 : i32
    %dma_wait3A_1576 = arith.constant 0 : i32
    %dma_wait3A_1577 = arith.constant 0 : i32
    %dma_wait3A_1578 = tpu.memref_slice %arg6[%dma_wait3A_1575, %dma_wait3A_1576, %dma_wait3A_1577] : memref<3x32x1024xf32, #tpu.memory_space<vmem>> -> memref<1x32x1024xf32, #tpu.memory_space<vmem>>
    %dma_wait3A_1579 = tpu.memref_squeeze %dma_wait3A_1578 : memref<1x32x1024xf32, #tpu.memory_space<vmem>> -> memref<32x1024xf32, #tpu.memory_space<vmem>>
    %dma_wait3A_1580 = arith.constant 0 : i32
    %dma_wait3A_1581 = tpu.memref_slice %arg5[%dma_wait3A_1574, %dma_wait3A_1580] : memref<32x32xi32, #tpu.memory_space<vmem>> -> memref<1x32xi32, #tpu.memory_space<vmem>>
    %dma_wait3A_1582 = tpu.memref_squeeze %dma_wait3A_1581 : memref<1x32xi32, #tpu.memory_space<vmem>> -> memref<32xi32, #tpu.memory_space<vmem>>
    %dma_wait3A_1583 = arith.constant 0 : i32
    %dma_wait3A_1584 = arith.constant 0 : i32
    %dma_wait3A_1585 = tpu.memref_slice %arg3[%dma_wait3A_1583, %dma_wait3A_1584] : memref<8192x1024xf32, #tpu.memory_space<hbm>> -> memref<8192x1024xf32, #tpu.memory_space<hbm>>
    tpu.wait_indirect_dma semaphore(%arg7 : memref<!tpu.dma_semaphore, #tpu.memory_space<semaphore_mem>>) src(%dma_wait3A_1585 : memref<8192x1024xf32, #tpu.memory_space<hbm>>) dst(%dma_wait3A_1579 : memref<32x1024xf32, #tpu.memory_space<vmem>>)
    %add3A_1586 = arith.constant 960 : i32
    %add3A_1587 = arith.addi %mul3A_2, %add3A_1586 : i32
    %dma_start3A_1588 = arith.constant 0 : i32
    %dma_start3A_1589 = arith.constant 0 : i32
    %dma_start3A_1590 = arith.constant 0 : i32
    %dma_start3A_1591 = tpu.memref_slice %arg6[%dma_start3A_1588, %dma_start3A_1589, %dma_start3A_1590] : memref<3x32x1024xf32, #tpu.memory_space<vmem>> -> memref<1x32x1024xf32, #tpu.memory_space<vmem>>
    %dma_start3A_1592 = tpu.memref_squeeze %dma_start3A_1591 : memref<1x32x1024xf32, #tpu.memory_space<vmem>> -> memref<32x1024xf32, #tpu.memory_space<vmem>>
    %dma_start3A_1593 = arith.constant 0 : i32
    %dma_start3A_1594 = tpu.memref_slice %arg4[%add3A_1587, %dma_start3A_1593] : memref<32768x1024xf32, #tpu.memory_space<hbm>> -> memref<32x1024xf32, #tpu.memory_space<hbm>>
    %dma_start3A_1595 = arith.constant 0 : i32
    %dma_start3A_1596 = tpu.memref_slice %arg4[%add3A_1587, %dma_start3A_1595] : memref<32768x1024xf32, #tpu.memory_space<hbm>> -> memref<32x1024xf32, #tpu.memory_space<hbm>>
    %dma_start3A_1597 = arith.constant 0 : i32
    %dma_start3A_1598 = arith.constant 0 : i32
    %dma_start3A_1599 = tpu.memref_slice %arg6[%dma_start3A_1588, %dma_start3A_1597, %dma_start3A_1598] : memref<3x32x1024xf32, #tpu.memory_space<vmem>> -> memref<1x32x1024xf32, #tpu.memory_space<vmem>>
    %dma_start3A_1600 = tpu.memref_squeeze %dma_start3A_1599 : memref<1x32x1024xf32, #tpu.memory_space<vmem>> -> memref<32x1024xf32, #tpu.memory_space<vmem>>
    tpu.enqueue_dma source(%dma_start3A_1600 : memref<32x1024xf32, #tpu.memory_space<vmem>>) target(%dma_start3A_1596 : memref<32x1024xf32, #tpu.memory_space<hbm>>) target_semaphore(%arg8 : memref<!tpu.dma_semaphore, #tpu.memory_space<semaphore_mem>>)
    %dma_wait3A_1601 = arith.constant 31 : i32
    %dma_wait3A_1602 = arith.constant 1 : i32
    %dma_wait3A_1603 = arith.constant 0 : i32
    %dma_wait3A_1604 = arith.constant 0 : i32
    %dma_wait3A_1605 = tpu.memref_slice %arg6[%dma_wait3A_1602, %dma_wait3A_1603, %dma_wait3A_1604] : memref<3x32x1024xf32, #tpu.memory_space<vmem>> -> memref<1x32x1024xf32, #tpu.memory_space<vmem>>
    %dma_wait3A_1606 = tpu.memref_squeeze %dma_wait3A_1605 : memref<1x32x1024xf32, #tpu.memory_space<vmem>> -> memref<32x1024xf32, #tpu.memory_space<vmem>>
    %dma_wait3A_1607 = arith.constant 0 : i32
    %dma_wait3A_1608 = tpu.memref_slice %arg5[%dma_wait3A_1601, %dma_wait3A_1607] : memref<32x32xi32, #tpu.memory_space<vmem>> -> memref<1x32xi32, #tpu.memory_space<vmem>>
    %dma_wait3A_1609 = tpu.memref_squeeze %dma_wait3A_1608 : memref<1x32xi32, #tpu.memory_space<vmem>> -> memref<32xi32, #tpu.memory_space<vmem>>
    %dma_wait3A_1610 = arith.constant 0 : i32
    %dma_wait3A_1611 = arith.constant 0 : i32
    %dma_wait3A_1612 = tpu.memref_slice %arg3[%dma_wait3A_1610, %dma_wait3A_1611] : memref<8192x1024xf32, #tpu.memory_space<hbm>> -> memref<8192x1024xf32, #tpu.memory_space<hbm>>
    tpu.wait_indirect_dma semaphore(%arg7 : memref<!tpu.dma_semaphore, #tpu.memory_space<semaphore_mem>>) src(%dma_wait3A_1612 : memref<8192x1024xf32, #tpu.memory_space<hbm>>) dst(%dma_wait3A_1606 : memref<32x1024xf32, #tpu.memory_space<vmem>>)
    %add3A_1613 = arith.constant 992 : i32
    %add3A_1614 = arith.addi %mul3A_2, %add3A_1613 : i32
    %dma_start3A_1615 = arith.constant 1 : i32
    %dma_start3A_1616 = arith.constant 0 : i32
    %dma_start3A_1617 = arith.constant 0 : i32
    %dma_start3A_1618 = tpu.memref_slice %arg6[%dma_start3A_1615, %dma_start3A_1616, %dma_start3A_1617] : memref<3x32x1024xf32, #tpu.memory_space<vmem>> -> memref<1x32x1024xf32, #tpu.memory_space<vmem>>
    %dma_start3A_1619 = tpu.memref_squeeze %dma_start3A_1618 : memref<1x32x1024xf32, #tpu.memory_space<vmem>> -> memref<32x1024xf32, #tpu.memory_space<vmem>>
    %dma_start3A_1620 = arith.constant 0 : i32
    %dma_start3A_1621 = tpu.memref_slice %arg4[%add3A_1614, %dma_start3A_1620] : memref<32768x1024xf32, #tpu.memory_space<hbm>> -> memref<32x1024xf32, #tpu.memory_space<hbm>>
    %dma_start3A_1622 = arith.constant 0 : i32
    %dma_start3A_1623 = tpu.memref_slice %arg4[%add3A_1614, %dma_start3A_1622] : memref<32768x1024xf32, #tpu.memory_space<hbm>> -> memref<32x1024xf32, #tpu.memory_space<hbm>>
    %dma_start3A_1624 = arith.constant 0 : i32
    %dma_start3A_1625 = arith.constant 0 : i32
    %dma_start3A_1626 = tpu.memref_slice %arg6[%dma_start3A_1615, %dma_start3A_1624, %dma_start3A_1625] : memref<3x32x1024xf32, #tpu.memory_space<vmem>> -> memref<1x32x1024xf32, #tpu.memory_space<vmem>>
    %dma_start3A_1627 = tpu.memref_squeeze %dma_start3A_1626 : memref<1x32x1024xf32, #tpu.memory_space<vmem>> -> memref<32x1024xf32, #tpu.memory_space<vmem>>
    tpu.enqueue_dma source(%dma_start3A_1627 : memref<32x1024xf32, #tpu.memory_space<vmem>>) target(%dma_start3A_1623 : memref<32x1024xf32, #tpu.memory_space<hbm>>) target_semaphore(%arg8 : memref<!tpu.dma_semaphore, #tpu.memory_space<semaphore_mem>>)
    %dma_wait3A_1628 = arith.constant 2 : i32
    %dma_wait3A_1629 = arith.constant 0 : i32
    %dma_wait3A_1630 = arith.constant 0 : i32
    %dma_wait3A_1631 = tpu.memref_slice %arg6[%dma_wait3A_1628, %dma_wait3A_1629, %dma_wait3A_1630] : memref<3x32x1024xf32, #tpu.memory_space<vmem>> -> memref<1x32x1024xf32, #tpu.memory_space<vmem>>
    %dma_wait3A_1632 = tpu.memref_squeeze %dma_wait3A_1631 : memref<1x32x1024xf32, #tpu.memory_space<vmem>> -> memref<32x1024xf32, #tpu.memory_space<vmem>>
    %dma_wait3A_1633 = arith.constant 0 : i32
    %dma_wait3A_1634 = tpu.memref_slice %arg4[%add3A_1560, %dma_wait3A_1633] : memref<32768x1024xf32, #tpu.memory_space<hbm>> -> memref<32x1024xf32, #tpu.memory_space<hbm>>
    %dma_wait3A_1635 = arith.constant 0 : i32
    %dma_wait3A_1636 = tpu.memref_slice %arg4[%add3A_1560, %dma_wait3A_1635] : memref<32768x1024xf32, #tpu.memory_space<hbm>> -> memref<32x1024xf32, #tpu.memory_space<hbm>>
    %dma_wait3A_1637 = arith.constant 0 : i32
    %dma_wait3A_1638 = arith.constant 0 : i32
    %dma_wait3A_1639 = tpu.memref_slice %arg6[%dma_wait3A_1628, %dma_wait3A_1637, %dma_wait3A_1638] : memref<3x32x1024xf32, #tpu.memory_space<vmem>> -> memref<1x32x1024xf32, #tpu.memory_space<vmem>>
    %dma_wait3A_1640 = tpu.memref_squeeze %dma_wait3A_1639 : memref<1x32x1024xf32, #tpu.memory_space<vmem>> -> memref<32x1024xf32, #tpu.memory_space<vmem>>
    tpu.wait_dma2 semaphore(%arg8 : memref<!tpu.dma_semaphore, #tpu.memory_space<semaphore_mem>>) src(%dma_wait3A_1640 : memref<32x1024xf32, #tpu.memory_space<vmem>>) dst(%dma_wait3A_1636 : memref<32x1024xf32, #tpu.memory_space<hbm>>)
    %dma_wait3A_1641 = arith.constant 0 : i32
    %dma_wait3A_1642 = arith.constant 0 : i32
    %dma_wait3A_1643 = arith.constant 0 : i32
    %dma_wait3A_1644 = tpu.memref_slice %arg6[%dma_wait3A_1641, %dma_wait3A_1642, %dma_wait3A_1643] : memref<3x32x1024xf32, #tpu.memory_space<vmem>> -> memref<1x32x1024xf32, #tpu.memory_space<vmem>>
    %dma_wait3A_1645 = tpu.memref_squeeze %dma_wait3A_1644 : memref<1x32x1024xf32, #tpu.memory_space<vmem>> -> memref<32x1024xf32, #tpu.memory_space<vmem>>
    %dma_wait3A_1646 = arith.constant 0 : i32
    %dma_wait3A_1647 = tpu.memref_slice %arg4[%add3A_1587, %dma_wait3A_1646] : memref<32768x1024xf32, #tpu.memory_space<hbm>> -> memref<32x1024xf32, #tpu.memory_space<hbm>>
    %dma_wait3A_1648 = arith.constant 0 : i32
    %dma_wait3A_1649 = tpu.memref_slice %arg4[%add3A_1587, %dma_wait3A_1648] : memref<32768x1024xf32, #tpu.memory_space<hbm>> -> memref<32x1024xf32, #tpu.memory_space<hbm>>
    %dma_wait3A_1650 = arith.constant 0 : i32
    %dma_wait3A_1651 = arith.constant 0 : i32
    %dma_wait3A_1652 = tpu.memref_slice %arg6[%dma_wait3A_1641, %dma_wait3A_1650, %dma_wait3A_1651] : memref<3x32x1024xf32, #tpu.memory_space<vmem>> -> memref<1x32x1024xf32, #tpu.memory_space<vmem>>
    %dma_wait3A_1653 = tpu.memref_squeeze %dma_wait3A_1652 : memref<1x32x1024xf32, #tpu.memory_space<vmem>> -> memref<32x1024xf32, #tpu.memory_space<vmem>>
    tpu.wait_dma2 semaphore(%arg8 : memref<!tpu.dma_semaphore, #tpu.memory_space<semaphore_mem>>) src(%dma_wait3A_1653 : memref<32x1024xf32, #tpu.memory_space<vmem>>) dst(%dma_wait3A_1649 : memref<32x1024xf32, #tpu.memory_space<hbm>>)
    %dma_wait3A_1654 = arith.constant 1 : i32
    %dma_wait3A_1655 = arith.constant 0 : i32
    %dma_wait3A_1656 = arith.constant 0 : i32
    %dma_wait3A_1657 = tpu.memref_slice %arg6[%dma_wait3A_1654, %dma_wait3A_1655, %dma_wait3A_1656] : memref<3x32x1024xf32, #tpu.memory_space<vmem>> -> memref<1x32x1024xf32, #tpu.memory_space<vmem>>
    %dma_wait3A_1658 = tpu.memref_squeeze %dma_wait3A_1657 : memref<1x32x1024xf32, #tpu.memory_space<vmem>> -> memref<32x1024xf32, #tpu.memory_space<vmem>>
    %dma_wait3A_1659 = arith.constant 0 : i32
    %dma_wait3A_1660 = tpu.memref_slice %arg4[%add3A_1614, %dma_wait3A_1659] : memref<32768x1024xf32, #tpu.memory_space<hbm>> -> memref<32x1024xf32, #tpu.memory_space<hbm>>
    %dma_wait3A_1661 = arith.constant 0 : i32
    %dma_wait3A_1662 = tpu.memref_slice %arg4[%add3A_1614, %dma_wait3A_1661] : memref<32768x1024xf32, #tpu.memory_space<hbm>> -> memref<32x1024xf32, #tpu.memory_space<hbm>>
    %dma_wait3A_1663 = arith.constant 0 : i32
    %dma_wait3A_1664 = arith.constant 0 : i32
    %dma_wait3A_1665 = tpu.memref_slice %arg6[%dma_wait3A_1654, %dma_wait3A_1663, %dma_wait3A_1664] : memref<3x32x1024xf32, #tpu.memory_space<vmem>> -> memref<1x32x1024xf32, #tpu.memory_space<vmem>>
    %dma_wait3A_1666 = tpu.memref_squeeze %dma_wait3A_1665 : memref<1x32x1024xf32, #tpu.memory_space<vmem>> -> memref<32x1024xf32, #tpu.memory_space<vmem>>
    tpu.wait_dma2 semaphore(%arg8 : memref<!tpu.dma_semaphore, #tpu.memory_space<semaphore_mem>>) src(%dma_wait3A_1666 : memref<32x1024xf32, #tpu.memory_space<vmem>>) dst(%dma_wait3A_1662 : memref<32x1024xf32, #tpu.memory_space<hbm>>)
    return
  }
}

module attributes {stable_mosaic.version = 14 : i64} {
  func.func @_pair_table_body(%arg0: i32, %arg1: memref<8x1024xf32, #tpu.memory_space<vmem>>, %arg2: memref<128x1024xf32, #tpu.memory_space<vmem>>, %arg3: memref<4096xi32, #tpu.memory_space<vmem>>, %arg4: memref<4096xi32, #tpu.memory_space<vmem>>, %arg5: memref<1024x1024xf32, #tpu.memory_space<vmem>>, %arg6: memref<4096xi32, #tpu.memory_space<vmem>>) attributes {dimension_semantics = [#tpu.dimension_semantics<arbitrary>], iteration_bounds = array<i64: 8>, scalar_prefetch = 0 : i64, scratch_operands = 0 : i64, tpu.core_type = #tpu.core_type<tc>, window_params = [{transform_indices = @transform_0, window_bounds = array<i64: 8, 1024>}, {pipeline_mode = #tpu.pipeline_mode<synchronous>, transform_indices = @transform_1, window_bounds = array<i64: 128, 1024>}, {transform_indices = @transform_2, window_bounds = array<i64: 4096>}, {transform_indices = @transform_3, window_bounds = array<i64: 4096>}, {transform_indices = @transform_4, window_bounds = array<i64: 1024, 1024>}, {transform_indices = @transform_5, window_bounds = array<i64: 4096>}]} {
    %get3A = arith.constant 0 : index
    %get3A_0 = arith.constant 0 : index
    %get3A_1 = vector.load %arg2[%get3A, %get3A_0] : memref<128x1024xf32, #tpu.memory_space<vmem>>, vector<128x1024xf32>
    %get3A_2 = arith.constant 0 : index
    %get3A_3 = arith.constant 0 : index
    %get3A_4 = vector.load %arg1[%get3A_2, %get3A_3] : memref<8x1024xf32, #tpu.memory_space<vmem>>, vector<1x1024xf32>
    %get3A_5 = vector.shape_cast %get3A_4 : vector<1x1024xf32> to vector<1024xf32>
    %broadcast_in_dim3A = vector.shape_cast %get3A_5 : vector<1024xf32> to vector<1x1024xf32>
    %add3A = vector.broadcast %broadcast_in_dim3A : vector<1x1024xf32> to vector<128x1024xf32>
    %add3A_6 = arith.addf %get3A_1, %add3A : vector<128x1024xf32>
    %swap3A = arith.constant 0 : index
    %swap3A_7 = arith.constant 0 : index
    %swap3A_8 = vector.load %arg5[%swap3A, %swap3A_7] : memref<1024x1024xf32, #tpu.memory_space<vmem>>, vector<128x1024xf32>
    tpu.vector_store %arg5[%swap3A, %swap3A_7], %add3A_6 {strides = array<i32>} : memref<1024x1024xf32, #tpu.memory_space<vmem>>, vector<128x1024xf32>,
    %get3A_9 = arith.constant 0 : index
    %get3A_10 = arith.constant 0 : index
    %get3A_11 = vector.load %arg2[%get3A_9, %get3A_10] : memref<128x1024xf32, #tpu.memory_space<vmem>>, vector<128x1024xf32>
    %get3A_12 = arith.constant 1 : index
    %get3A_13 = arith.constant 0 : index
    %get3A_14 = vector.load %arg1[%get3A_12, %get3A_13] : memref<8x1024xf32, #tpu.memory_space<vmem>>, vector<1x1024xf32>
    %get3A_15 = vector.shape_cast %get3A_14 : vector<1x1024xf32> to vector<1024xf32>
    %broadcast_in_dim3A_16 = vector.shape_cast %get3A_15 : vector<1024xf32> to vector<1x1024xf32>
    %add3A_17 = vector.broadcast %broadcast_in_dim3A_16 : vector<1x1024xf32> to vector<128x1024xf32>
    %add3A_18 = arith.addf %get3A_11, %add3A_17 : vector<128x1024xf32>
    %swap3A_19 = arith.constant 128 : index
    %swap3A_20 = arith.constant 0 : index
    %swap3A_21 = vector.load %arg5[%swap3A_19, %swap3A_20] : memref<1024x1024xf32, #tpu.memory_space<vmem>>, vector<128x1024xf32>
    tpu.vector_store %arg5[%swap3A_19, %swap3A_20], %add3A_18 {strides = array<i32>} : memref<1024x1024xf32, #tpu.memory_space<vmem>>, vector<128x1024xf32>,
    %get3A_22 = arith.constant 0 : index
    %get3A_23 = arith.constant 0 : index
    %get3A_24 = vector.load %arg2[%get3A_22, %get3A_23] : memref<128x1024xf32, #tpu.memory_space<vmem>>, vector<128x1024xf32>
    %get3A_25 = arith.constant 2 : index
    %get3A_26 = arith.constant 0 : index
    %get3A_27 = vector.load %arg1[%get3A_25, %get3A_26] : memref<8x1024xf32, #tpu.memory_space<vmem>>, vector<1x1024xf32>
    %get3A_28 = vector.shape_cast %get3A_27 : vector<1x1024xf32> to vector<1024xf32>
    %broadcast_in_dim3A_29 = vector.shape_cast %get3A_28 : vector<1024xf32> to vector<1x1024xf32>
    %add3A_30 = vector.broadcast %broadcast_in_dim3A_29 : vector<1x1024xf32> to vector<128x1024xf32>
    %add3A_31 = arith.addf %get3A_24, %add3A_30 : vector<128x1024xf32>
    %swap3A_32 = arith.constant 256 : index
    %swap3A_33 = arith.constant 0 : index
    %swap3A_34 = vector.load %arg5[%swap3A_32, %swap3A_33] : memref<1024x1024xf32, #tpu.memory_space<vmem>>, vector<128x1024xf32>
    tpu.vector_store %arg5[%swap3A_32, %swap3A_33], %add3A_31 {strides = array<i32>} : memref<1024x1024xf32, #tpu.memory_space<vmem>>, vector<128x1024xf32>,
    %get3A_35 = arith.constant 0 : index
    %get3A_36 = arith.constant 0 : index
    %get3A_37 = vector.load %arg2[%get3A_35, %get3A_36] : memref<128x1024xf32, #tpu.memory_space<vmem>>, vector<128x1024xf32>
    %get3A_38 = arith.constant 3 : index
    %get3A_39 = arith.constant 0 : index
    %get3A_40 = vector.load %arg1[%get3A_38, %get3A_39] : memref<8x1024xf32, #tpu.memory_space<vmem>>, vector<1x1024xf32>
    %get3A_41 = vector.shape_cast %get3A_40 : vector<1x1024xf32> to vector<1024xf32>
    %broadcast_in_dim3A_42 = vector.shape_cast %get3A_41 : vector<1024xf32> to vector<1x1024xf32>
    %add3A_43 = vector.broadcast %broadcast_in_dim3A_42 : vector<1x1024xf32> to vector<128x1024xf32>
    %add3A_44 = arith.addf %get3A_37, %add3A_43 : vector<128x1024xf32>
    %swap3A_45 = arith.constant 384 : index
    %swap3A_46 = arith.constant 0 : index
    %swap3A_47 = vector.load %arg5[%swap3A_45, %swap3A_46] : memref<1024x1024xf32, #tpu.memory_space<vmem>>, vector<128x1024xf32>
    tpu.vector_store %arg5[%swap3A_45, %swap3A_46], %add3A_44 {strides = array<i32>} : memref<1024x1024xf32, #tpu.memory_space<vmem>>, vector<128x1024xf32>,
    %get3A_48 = arith.constant 0 : index
    %get3A_49 = arith.constant 0 : index
    %get3A_50 = vector.load %arg2[%get3A_48, %get3A_49] : memref<128x1024xf32, #tpu.memory_space<vmem>>, vector<128x1024xf32>
    %get3A_51 = arith.constant 4 : index
    %get3A_52 = arith.constant 0 : index
    %get3A_53 = vector.load %arg1[%get3A_51, %get3A_52] : memref<8x1024xf32, #tpu.memory_space<vmem>>, vector<1x1024xf32>
    %get3A_54 = vector.shape_cast %get3A_53 : vector<1x1024xf32> to vector<1024xf32>
    %broadcast_in_dim3A_55 = vector.shape_cast %get3A_54 : vector<1024xf32> to vector<1x1024xf32>
    %add3A_56 = vector.broadcast %broadcast_in_dim3A_55 : vector<1x1024xf32> to vector<128x1024xf32>
    %add3A_57 = arith.addf %get3A_50, %add3A_56 : vector<128x1024xf32>
    %swap3A_58 = arith.constant 512 : index
    %swap3A_59 = arith.constant 0 : index
    %swap3A_60 = vector.load %arg5[%swap3A_58, %swap3A_59] : memref<1024x1024xf32, #tpu.memory_space<vmem>>, vector<128x1024xf32>
    tpu.vector_store %arg5[%swap3A_58, %swap3A_59], %add3A_57 {strides = array<i32>} : memref<1024x1024xf32, #tpu.memory_space<vmem>>, vector<128x1024xf32>,
    %get3A_61 = arith.constant 0 : index
    %get3A_62 = arith.constant 0 : index
    %get3A_63 = vector.load %arg2[%get3A_61, %get3A_62] : memref<128x1024xf32, #tpu.memory_space<vmem>>, vector<128x1024xf32>
    %get3A_64 = arith.constant 5 : index
    %get3A_65 = arith.constant 0 : index
    %get3A_66 = vector.load %arg1[%get3A_64, %get3A_65] : memref<8x1024xf32, #tpu.memory_space<vmem>>, vector<1x1024xf32>
    %get3A_67 = vector.shape_cast %get3A_66 : vector<1x1024xf32> to vector<1024xf32>
    %broadcast_in_dim3A_68 = vector.shape_cast %get3A_67 : vector<1024xf32> to vector<1x1024xf32>
    %add3A_69 = vector.broadcast %broadcast_in_dim3A_68 : vector<1x1024xf32> to vector<128x1024xf32>
    %add3A_70 = arith.addf %get3A_63, %add3A_69 : vector<128x1024xf32>
    %swap3A_71 = arith.constant 640 : index
    %swap3A_72 = arith.constant 0 : index
    %swap3A_73 = vector.load %arg5[%swap3A_71, %swap3A_72] : memref<1024x1024xf32, #tpu.memory_space<vmem>>, vector<128x1024xf32>
    tpu.vector_store %arg5[%swap3A_71, %swap3A_72], %add3A_70 {strides = array<i32>} : memref<1024x1024xf32, #tpu.memory_space<vmem>>, vector<128x1024xf32>,
    %get3A_74 = arith.constant 0 : index
    %get3A_75 = arith.constant 0 : index
    %get3A_76 = vector.load %arg2[%get3A_74, %get3A_75] : memref<128x1024xf32, #tpu.memory_space<vmem>>, vector<128x1024xf32>
    %get3A_77 = arith.constant 6 : index
    %get3A_78 = arith.constant 0 : index
    %get3A_79 = vector.load %arg1[%get3A_77, %get3A_78] : memref<8x1024xf32, #tpu.memory_space<vmem>>, vector<1x1024xf32>
    %get3A_80 = vector.shape_cast %get3A_79 : vector<1x1024xf32> to vector<1024xf32>
    %broadcast_in_dim3A_81 = vector.shape_cast %get3A_80 : vector<1024xf32> to vector<1x1024xf32>
    %add3A_82 = vector.broadcast %broadcast_in_dim3A_81 : vector<1x1024xf32> to vector<128x1024xf32>
    %add3A_83 = arith.addf %get3A_76, %add3A_82 : vector<128x1024xf32>
    %swap3A_84 = arith.constant 768 : index
    %swap3A_85 = arith.constant 0 : index
    %swap3A_86 = vector.load %arg5[%swap3A_84, %swap3A_85] : memref<1024x1024xf32, #tpu.memory_space<vmem>>, vector<128x1024xf32>
    tpu.vector_store %arg5[%swap3A_84, %swap3A_85], %add3A_83 {strides = array<i32>} : memref<1024x1024xf32, #tpu.memory_space<vmem>>, vector<128x1024xf32>,
    %get3A_87 = arith.constant 0 : index
    %get3A_88 = arith.constant 0 : index
    %get3A_89 = vector.load %arg2[%get3A_87, %get3A_88] : memref<128x1024xf32, #tpu.memory_space<vmem>>, vector<128x1024xf32>
    %get3A_90 = arith.constant 7 : index
    %get3A_91 = arith.constant 0 : index
    %get3A_92 = vector.load %arg1[%get3A_90, %get3A_91] : memref<8x1024xf32, #tpu.memory_space<vmem>>, vector<1x1024xf32>
    %get3A_93 = vector.shape_cast %get3A_92 : vector<1x1024xf32> to vector<1024xf32>
    %broadcast_in_dim3A_94 = vector.shape_cast %get3A_93 : vector<1024xf32> to vector<1x1024xf32>
    %add3A_95 = vector.broadcast %broadcast_in_dim3A_94 : vector<1x1024xf32> to vector<128x1024xf32>
    %add3A_96 = arith.addf %get3A_89, %add3A_95 : vector<128x1024xf32>
    %swap3A_97 = arith.constant 896 : index
    %swap3A_98 = arith.constant 0 : index
    %swap3A_99 = vector.load %arg5[%swap3A_97, %swap3A_98] : memref<1024x1024xf32, #tpu.memory_space<vmem>>, vector<128x1024xf32>
    tpu.vector_store %arg5[%swap3A_97, %swap3A_98], %add3A_96 {strides = array<i32>} : memref<1024x1024xf32, #tpu.memory_space<vmem>>, vector<128x1024xf32>,
    %get3A_100 = arith.constant 0 : index
    %get3A_101 = vector.load %arg3[%get3A_100] : memref<4096xi32, #tpu.memory_space<vmem>>, vector<4096xi32>
    %mul3A = arith.constant 128 : i32
    %mul3A_102 = vector.broadcast %mul3A : i32 to vector<4096xi32>
    %mul3A_103 = arith.muli %get3A_101, %mul3A_102 : vector<4096xi32>
    %get3A_104 = arith.constant 0 : index
    %get3A_105 = vector.load %arg4[%get3A_104] : memref<4096xi32, #tpu.memory_space<vmem>>, vector<4096xi32>
    %add3A_106 = arith.addi %mul3A_103, %get3A_105 : vector<4096xi32>
    %swap3A_107 = arith.constant 0 : index
    %swap3A_108 = vector.load %arg6[%swap3A_107] : memref<4096xi32, #tpu.memory_space<vmem>>, vector<4096xi32>
    tpu.vector_store %arg6[%swap3A_107], %add3A_106 {strides = array<i32>} : memref<4096xi32, #tpu.memory_space<vmem>>, vector<4096xi32>,
    return
  }
  func.func @transform_0(%arg0: i32) -> (i32, i32) {
    %c0_i32 = arith.constant 0 : i32
    %c0_i32_0 = arith.constant 0 : i32
    return %arg0, %c0_i32 : i32, i32
  }
  func.func @transform_1(%arg0: i32) -> (i32, i32) {
    %c0_i32 = arith.constant 0 : i32
    %c0_i32_0 = arith.constant 0 : i32
    %c0_i32_1 = arith.constant 0 : i32
    return %c0_i32, %c0_i32_0 : i32, i32
  }
  func.func @transform_2(%arg0: i32) -> i32 {
    %c0_i32 = arith.constant 0 : i32
    return %arg0 : i32
  }
  func.func @transform_3(%arg0: i32) -> i32 {
    %c0_i32 = arith.constant 0 : i32
    return %arg0 : i32
  }
  func.func @transform_4(%arg0: i32) -> (i32, i32) {
    %c0_i32 = arith.constant 0 : i32
    %c0_i32_0 = arith.constant 0 : i32
    return %arg0, %c0_i32 : i32, i32
  }
  func.func @transform_5(%arg0: i32) -> i32 {
    %c0_i32 = arith.constant 0 : i32
    return %arg0 : i32
  }
}

</mosaic_0001>

<sc_bundles>
// kernel: kernel.4.cloned.1.call-start
scs
__scs_entry_jumppad:
0x0: {  	(pc) =	sbr.rel $0x88, $3  }
0x1: {  	(tag) =	ssettag $0x0;
	lr =	simm.s32 $0x1  }
0x2: {  	[smem:$0x3F9D] =	sst lr;
	_ =	strace $0xD0000000  }
0x3: {  	_ = 	snop  }
0x4: {  	_ = 	snop  }
0x5: {  	_ = 	snop  }
0x6: {  	_ = 	snop  }
0x7: {  	_ = 	snop  }
__scs_overlays_trampoline_lowered:
0x8: {  	[smem:$0x3FAC] =	sst s0  }
0x9: {  	[smem:$0x3FAD] =	sst s1  }
0xa: {  	[smem:$0x3FAE] =	sst s2  }
0xb: {  	[smem:$0x3FAF] =	sst s3  }
0xc: {  	[smem:$0x3FB0] =	sst s4  }
0xd: {  	[smem:$0x3FB1] =	sst s5  }
0xe: {  	[smem:$0x3FB2] =	sst s6  }
0xf: {  	[smem:$0x3FB3] =	sst s7  }
0x10: {  	[smem:$0x3FB4] =	sst s8  }
0x11: {  	[smem:$0x3FB5] =	sst s9;
	s0 =	simm.s32 @!p0 $0x0  }
0x12: {  	s1 =	sld [smem:$0x3F9B];
	s0 =	simm.s32 @p0 $0x1  }
0x13: {  	[smem:$0x3FB6] =	sst s0;
	s0 =	simm.s32 @!p1 $0x0  }
0x14: {  	s2 =	sld [smem:$0x3F9A];
	s0 =	simm.s32 @p1 $0x1  }
0x15: {  	[smem:$0x3FB7] =	sst s0;
	s0 =	simm.s32 @!p2 $0x0  }
0x16: {  	s3 =	sld [smem:$0x3FDB];
	s0 =	simm.s32 @p2 $0x1  }
0x17: {  	s4 =	simm.s32 $0x1BF5;
	[smem:$0x3FB9] =	sst s0  }
0x18: {  	s0 =	sld [smem:$0x3F9C];
	_ =	swait.ge [sflag:s4], $0x0  }
0x19: {  	s7 =	sld [smem:$0x3F9D]  }
0x1a: {  	s8 =	sadd.s32 $0xFFFFE003, lr  }
0x1b: {  	s9 =	sadd.s32 $0xFFFFFEF7, lr;
	s5 =	simm.s32 $0xFFFFFFFF;
	p2 =	slt.u32 s8, $0xFFFFF086  }
0x1c: {  	p1 =	slt.u32 s9, $0xF7A;
	s5 =	simm.s32 @!p2 $0x0  }
0x1d: {  	s5 =	simm.s32 @p1 $0x1;
	p0 =	seq.s32 s7, s2  }
0x1e: {  	s7 =	smul.u32 @!p0 $0xF7A, s2;
	p2 =	seq.s32 @!p0 s5, $0x0  }
0x1f: {  	s9 =	smul.u32 $0xF7A, s1;
	s8 =	simm.s32 @!p0 $0x1BF5;
	p2 =	por !p2, p0  }
0x20: {  	[sflag:s8] =	ssyncset.s32 @!p0 $0xFFFFF086;
	s6 =	sadd.s32 @!p0 s3, s7;
	s7 =	simm.s32 @!p0 $0x108  }
0x21: {  	s3 =	sadd.s32 s3, s9;
	s6 =	sadd.s32 @!p0 $0x88, s6;
	s7 =	simm.s32 @p2 $0x1082  }
0x22: {  	[simem:s7], [sflag:s8] =	dma.local @!p0 [hbm:s6], $0xF7A  }
0x23: {  	s9 =	sor.u32 $0xD0000000, s2;
	s6 =	simm.s32 $0x108;
	_ =	swait.ge @!p0 [sflag:s8], $0x0  }
0x24: {  	s3 =	sadd.s32 $0x88, s3;
	s6 =	simm.s32 @!p1 $0x1082;
	[sflag:s4] =	ssyncset.s32 $0xFFFFF086  }
0x25: {  	[simem:s6], [sflag:s4] =	dma.local [hbm:s3], $0xF7A  }
0x26: {  	[smem:$0x3F9D] =	sst s1;
	(tag) =	ssettag s2;
	_ =	strace s9  }
0x27: {  	s1 =	sld [smem:$0x3FAD]  }
0x28: {  	s2 =	sld [smem:$0x3FAE]  }
0x29: {  	s4 =	sld [smem:$0x3FB0]  }
0x2a: {  	p0 =	seq.s32 s5, $0x0;
	s5 =	sld [smem:$0x3FB1]  }
0x2b: {  	s6 =	sld [smem:$0x3FB2]  }
0x2c: {  	s7 =	sld [smem:$0x3FB3]  }
0x2d: {  	s3 =	simm.s32 $0x108;
	s8 =	sld [smem:$0x3FB4]  }
0x2e: {  	s3 =	simm.s32 @!p0 $0x1082;
	s9 =	sld [smem:$0x3FB5]  }
0x2f: {  	lr =	sadd.s32 s0, s3;
	s0 =	sld [smem:$0x3FAC]  }
0x30: {  	s3 =	sld [smem:$0x3FAF]  }
0x31: {  	[smem:$0x3FB8] =	sst s10  }
0x32: {  	s10 =	sld [smem:$0x3FB6];
	_ =	sdelay $0x3  }
0x33: {  	p0 =	seq.s32 s10, $0x1;
	s10 =	sld [smem:$0x3FB8];
	_ =	sdelay $0x3  }
0x34: {  	[smem:$0x3FB8] =	sst s10  }
0x35: {  	s10 =	sld [smem:$0x3FB7];
	_ =	sdelay $0x3  }
0x36: {  	p1 =	seq.s32 s10, $0x1;
	s10 =	sld [smem:$0x3FB8];
	_ =	sdelay $0x3  }
0x37: {  	[smem:$0x3FB8] =	sst s10  }
0x38: {  	s10 =	sld [smem:$0x3FB9]  }
0x39: {  	_ = 	snop;
	(pc) =	sbr.ind lr, $3  }
0x3a: {  	_ = 	snop  }
0x3b: {  	_ = 	snop  }
0x3c: {  	p2 =	seq.s32 s10, $0x1;
	s10 =	sld [smem:$0x3FB8]  }
0x3d: {  	_ =	shalt  }
0x3e: {  	_ =	shalt  }
0x3f: {  	_ =	shalt  }
0x40: {  	_ =	shalt  }
0x41: {  	_ =	shalt  }
0x42: {  	_ =	shalt  }
0x43: {  	_ =	shalt  }
0x44: {  	_ =	shalt  }
0x45: {  	_ =	shalt  }
0x46: {  	_ =	shalt  }
0x47: {  	_ =	shalt  }
0x48: {  	_ =	shalt  }
0x49: {  	_ =	shalt  }
0x4a: {  	_ =	shalt  }
0x4b: {  	_ =	shalt  }
0x4c: {  	_ =	shalt  }
0x4d: {  	_ =	shalt  }
0x4e: {  	_ =	shalt  }
0x4f: {  	_ =	shalt  }
0x50: {  	_ =	shalt  }
0x51: {  	_ =	shalt  }
0x52: {  	_ =	shalt  }
0x53: {  	_ =	shalt  }
0x54: {  	_ =	shalt  }
0x55: {  	_ =	shalt  }
0x56: {  	_ =	shalt  }
0x57: {  	_ =	shalt  }
0x58: {  	_ =	shalt  }
0x59: {  	_ =	shalt  }
0x5a: {  	_ =	shalt  }
0x5b: {  	_ =	shalt  }
0x5c: {  	_ =	shalt  }
0x5d: {  	_ =	shalt  }
0x5e: {  	_ =	shalt  }
0x5f: {  	_ =	shalt  }
0x60: {  	_ =	shalt  }
0x61: {  	_ =	shalt  }
0x62: {  	_ =	shalt  }
0x63: {  	_ =	shalt  }
0x64: {  	_ =	shalt  }
0x65: {  	_ =	shalt  }
0x66: {  	_ =	shalt  }
0x67: {  	_ =	shalt  }
0x68: {  	_ =	shalt  }
0x69: {  	_ =	shalt  }
0x6a: {  	_ =	shalt  }
0x6b: {  	_ =	shalt  }
0x6c: {  	_ =	shalt  }
0x6d: {  	_ =	shalt  }
0x6e: {  	_ =	shalt  }
0x6f: {  	_ =	shalt  }
0x70: {  	_ =	shalt  }
0x71: {  	_ =	shalt  }
0x72: {  	_ =	shalt  }
0x73: {  	_ =	shalt  }
0x74: {  	_ =	shalt  }
0x75: {  	_ =	shalt  }
0x76: {  	_ =	shalt  }
0x77: {  	_ =	shalt  }
0x78: {  	_ =	shalt  }
0x79: {  	_ =	shalt  }
0x7a: {  	_ =	shalt  }
0x7b: {  	_ =	shalt  }
0x7c: {  	_ =	shalt  }
0x7d: {  	_ =	shalt  }
0x7e: {  	_ =	shalt  }
0x7f: {  	_ =	shalt  }
0x80: {  	_ =	shalt  }
0x81: {  	_ =	shalt  }
0x82: {  	_ =	shalt  }
0x83: {  	_ =	shalt  }
0x84: {  	_ =	shalt  }
0x85: {  	_ =	shalt  }
0x86: {  	_ =	shalt  }
0x87: {  	_ =	shalt  }
.Lfunc_end0:
.L_simem_size_0:
called_computation_lowered:
.L_overlay_start_0:
0x88: {  	s2 =	sld [smem:$0x3FD9]  }
0x89: {  	s3 =	sld [smem:$0x3FFE];
	_ =	sdelay $0x1  }
0x8a: {  	s1 =	srdreg.scid  }
0x8b: {  	s0 =	sand.u32 $0x1, s1  }
0x8c: {  	s17 =	sshll.u32 s0, $0xA;
	s2 =	sadd.s32 s3, s2  }
0x8d: {  	s2 =	sadd.s32 s2, s17  }
0x8e: {  	[smem:$0x3FC4] =	sst s2  }
0x8f: {  	_ = 	snop  }
0x90: {  	s2 =	sld [smem:$0x3FD0];
	(tm) =	ssettm $0x1  }
0x91: {  	s18 =	sld [smem:$0x3FFB];
	_ =	sdelay $0x3  }
0x92: {  	_ =	strace s18  }
0x93: {  	s3 =	sld [smem:$0x3FFC];
	_ =	sdelay $0x3  }
0x94: {  	_ =	strace s3  }
0x95: {  	s3 =	sld [smem:$0x3FFD];
	_ =	sdelay $0x3  }
0x96: {  	_ =	strace s3  }
0x97: {  	_ =	strace $0x8FFFFFFF  }
0x98: {  	s19 =	sld [smem:$0x3FDB];
	_ =	sdelay $0x1  }
0x99: {  	s4 =	simm.s32 $_scs_section_size  }
0x9a: {  	s5 =	simm.s32 $_size__tile_overlayer_lowered;
	s6 =	simm.s32 $_tile_overlayer_lowered  }
0x9b: {  	s22 =	simm.s32 $0x1BFF;
	s21 =	sshll.u32 s6, $0x1;
	s3 =	sadd.s32 s4, s19  }
0x9c: {  	s7 =	simm.s32 $0x0;
	s20 =	sshll.u32 s5, $0x1;
	s5 =	sadd.s32 s21, s3  }
0x9d: {  	[timem:s7], [sflag:s22] =	dma.local [hbm:s5], s20  }
0x9e: {  	_ =	swait.ge [sflag:s22], s20  }
0x9f: {  	s4 =	ssub.s32 $0x0, s20;
	[sflag:s22] =	ssyncset.done $0x0  }
0xa0: {  	[sflag:s22] =	ssyncadd.s32 s4;
	_ =	sdelay $0x1  }
0xa1: {  	s23 =	simm.s32 $0x1B8B  }
0xa2: {  	_ =	swait.ge [sflag:s23], $0x1  }
0xa3: {  	[sflag:s23] =	ssyncset.done $0x0  }
0xa4: {  	s25 =	simm.s32 $0x1B8E;
	s24 =	sld [smem:$0x3FFE];
	[sflag:s23] =	ssyncadd.s32 $0xFFFFFFFF  }
0xa5: {  	s26 =	simm.s32 $execute0_lowered;
	[smem:$0x3FD2] =	sst s25  }
0xa6: {  	s5 =	sshll.u32 s26, $0x1;
	_ =	strace $0x80000046;
	[dreg:$0x1] =	wrdreg $0xFFFFFFFF  }
0xa7: {  	s28 =	simm.s32 $_size_execute0_lowered;
	s3 =	sadd.s32 s3, s5;
	[dreg:$0x0] =	wrdreg $0x0  }
0xa8: {  	s5 =	sshll.u32 s28, $0x1;
	[dreg:$0x2] =	wrdreg s3  }
0xa9: {  	[dreg:$0x3] =	wrdreg s5  }
0xaa: {  	[dreg:$0x4] =	wrdreg $0xC0  }
0xab: {  	_ =	task [dreg:s7], $0x5FFFF  }
0xac: {  	[dreg:$0x1] =	wrdreg $0xFFFFFFFF  }
0xad: {  	[dreg:$0x0] =	wrdreg $0x60  }
0xae: {  	[dreg:$0x2] =	wrdreg s24  }
0xaf: {  	[dreg:$0x3] =	wrdreg s2  }
0xb0: {  	[dreg:$0x4] =	wrdreg $0x9  }
0xb1: {  	_ =	task.clear_ibuf [dreg:s7], $0x5FFFF;
	_ =	strace $0x90000046  }
0xb2: {  	s29 =	simm.s32 $0x9;
	_ =	strace $0x80000048  }
0xb3: {  	_ =	swait.ge [sflag:s29], $0x1  }
0xb4: {  	[sflag:s29] =	ssyncadd.s32 $0xFFFFFFFF  }
0xb5: {  	_ =	strace $0x90000048  }
0xb6: {  	_ =	sfence  }
0xb7: {  	s30 =	sld [smem:$0x0];
	_ =	sdelay $0x2  }
0xb8: {  	s31 =	sshll.u32 s1, $0xD;
	s1 =	sshrl.u32 s1, $0x2  }
0xb9: {  	s3 =	sand.u32 $0x4000, s31;
	s1 =	sadd.s32 s1, s30  }
0xba: {  	s0 =	sor.u32 s3, s0;
	s1 =	sshll.u32 s1, $0x11  }
0xbb: {  	s0 =	sor.u32 s1, s0  }
0xbc: {  	s0 =	sadd.s32 $0x8F2B, s0  }
0xbd: {  	[sflag:s0] =	ssyncadd.remote.s32 $0x1  }
0xbe: {  	_ =	sfence.sel $0xFFFF  }
0xbf: {  	[dreg:$0x0] =	wrdreg $0xFFFFFFFF;
	(pc) =	sbr.abs _section_cstart, $3  }
0xc0: {  	[dreg:$0x1] =	wrdreg $0xFFFFFFFF  }
0xc1: {  	_ =	task.clear_ibuf [dreg:s7], $0x2FFFF;
	_ =	strace $0x9FFFFFFF  }
0xc2: {  	(tm) =	ssettm $0x7FFFFFFF  }
0xc3: {  	_ =	shalt  }
tec
execute0_lowered:
.L_overlay_start_1:
0x0: {  	(tag) =	ssettag $0x1  }
0x1: {  	s1 =	srdreg.scid;
	s2 =	stileid.u32  }
0x2: {  	s0 =	rddreg [dreg:$0x0];
	s1 =	sand.u32 $0x1, s1;
	s2 =	sshll.u32 s2, $0x1  }
0x3: {  	s3 =	rddreg [dreg:$0x1];
	s4 =	sor.u32 s1, s2;
	s2 =	simm.s32 $0x0  }
0x4: {  	s5 =	sshll.u32 s4, $0x9;
	[smem:$0x7FF] =	sst s2;
	s4 =	sshll.u32 s4, $0x11  }
0x5: {  	s5 =	sadd.s32 s5, s0;
	_ =	strace $0x80000047;
	s7 =	sadd.s32 s3, s4  }
0x6: {  	s5 =	sadd.s32 $0x100A00, s5;
	[smem:$0x7FC] =	sst s7  }
0x7: {  	s3 =	sadd.s32 $0x1000, s7;
	[dreg:$0x3] =	wrdreg s5  }
0x8: {  	s24 =	sadd.s32 $0x2000, s7;
	[dreg:$0x4] =	wrdreg s3  }
0x9: {  	s25 =	sadd.s32 $0x3000, s7;
	[dreg:$0x5] =	wrdreg s24  }
0xa: {  	s26 =	sadd.s32 $0x4000, s7;
	[dreg:$0x6] =	wrdreg s25  }
0xb: {  	s28 =	sadd.s32 $0x5000, s7;
	[dreg:$0x7] =	wrdreg s26  }
0xc: {  	s30 =	sadd.s32 $0x6000, s7;
	[dreg:$0x8] =	wrdreg s28  }
0xd: {  	s31 =	sadd.s32 $0x7000, s7;
	[dreg:$0x9] =	wrdreg s30  }
0xe: {  	s4 =	sadd.s32 $0x8000, s7;
	[dreg:$0xa] =	wrdreg s31  }
0xf: {  	s6 =	sadd.s32 $0xA000, s7;
	[dreg:$0xb] =	wrdreg s4  }
0x10: {  	s8 =	sadd.s32 $0xB000, s7;
	[dreg:$0xd] =	wrdreg s6  }
0x11: {  	s9 =	sadd.s32 $0xC000, s7;
	[dreg:$0xe] =	wrdreg s8  }
0x12: {  	s10 =	sadd.s32 $0xD000, s7;
	[dreg:$0xf] =	wrdreg s9  }
0x13: {  	s11 =	sadd.s32 $0xE000, s7;
	[dreg:$0x10] =	wrdreg s10  }
0x14: {  	s12 =	sadd.s32 $0xF000, s7;
	[dreg:$0x11] =	wrdreg s11  }
0x15: {  	s13 =	sadd.s32 $0x10000, s7;
	[dreg:$0x12] =	wrdreg s12  }
0x16: {  	s14 =	sadd.s32 $0x11000, s7;
	[dreg:$0x13] =	wrdreg s13  }
0x17: {  	s15 =	sadd.s32 $0x12000, s7;
	[dreg:$0x14] =	wrdreg s14  }
0x18: {  	s16 =	sadd.s32 $0x13000, s7;
	[dreg:$0x15] =	wrdreg s15  }
0x19: {  	s17 =	sadd.s32 $0x14000, s7;
	[dreg:$0x16] =	wrdreg s16  }
0x1a: {  	s18 =	sadd.s32 $0x15000, s7;
	[dreg:$0x17] =	wrdreg s17  }
0x1b: {  	s19 =	sadd.s32 $0x16000, s7;
	[dreg:$0x18] =	wrdreg s18  }
0x1c: {  	s20 =	sadd.s32 $0x17000, s7;
	[dreg:$0x19] =	wrdreg s19  }
0x1d: {  	s21 =	sadd.s32 $0x18000, s7;
	[dreg:$0x1a] =	wrdreg s20  }
0x1e: {  	s29 =	simm.s32 $0x1000;
	s22 =	sadd.s32 $0x19000, s7;
	[dreg:$0x1b] =	wrdreg s21  }
0x1f: {  	s1 =	ssub.s32 $0x2, s1;
	s23 =	sadd.s32 $0x1A000, s7;
	[dreg:$0x1c] =	wrdreg s22  }
0x20: {  	s5 =	sadd.s32 $0x9000, s7;
	s4 =	sadd.s32 $0xA00, s0;
	[dreg:$0x1d] =	wrdreg s23  }
0x21: {  	s24 =	sadd.s32 $0x1B000, s7;
	s25 =	sshrl.u32 s1, $0x1;
	s26 =	sadd.s32 $0x1C000, s7  }
0x22: {  	s28 =	sadd.s32 $0x1D000, s7;
	s30 =	sadd.s32 $0x1E000, s7;
	[dreg:$0xc] =	wrdreg s5  }
0x23: {  	s6 =	sadd.s32 $0xC00, s0;
	s31 =	sadd.s32 $0x1F000, s7;
	[dreg:$0x1e] =	wrdreg s24  }
0x24: {  	s7 =	sadd.s32 $0xD00, s0;
	s19 =	simm.s32 $0x1;
	[dreg:$0x1f] =	wrdreg s26  }
0x25: {  	v2 =	vlaneseq.u32;
	s20 =	simm.s32 $0x2;
	s10 =	simm.s32 $0x11000;
	[smem:$0x7FA] =	sst s28  }
0x26: {  	vm0 =	vmmov $0xffff;
	v1 =	vshrl.u32 v2, $0x3;
	s1 =	ssub.s32 s1, s25;
	s5 =	sadd.s32 $0xB00, s0;
	[smem:$0x7FB] =	sst s30  }
0x27: {  	v0 =	vand.u32 $0x7, v2;
	v2 =	vor.u32 $0x8, v2;
	v1 =	vmul.u32 $0x8, v1;
	[smem:$0x7FD] =	sst s31;
	s26 =	simm.s32 $0x9000;
	s0 =	smax.u32 s1, $0x1  }
.LBB2_1:
0x28: {  	[smem:$0x7F9] =	sst s0  }
0x29: {  	s21 =	rddreg [dreg:$0x3];
	s1 =	simm.s32 $0x3  }
0x2a: {  	[tilespmem:s2], [sflag:$0x3] =	stream.linear.gather [hbm4b:s21+s2], $0x1000, $0x38;
	[tilespmem:$0x19000] =	vst v63  }
0x2b: {  	_ =	swait.ge [sflag:s1], $0x1000  }
0x2c: {  	[sflag:s1] =	ssyncset.done $0x0  }
0x2d: {  	[sflag:s1] =	ssyncadd.s32 $0xFFFFF000  }
0x2e: {  	v3 =	vld [tilespmem:$0x0];
	_ =	sdelay $0x4  }
0x2f: {  	v4 =	vshll.u32 v3, $0x3  }
0x30: {  	v3 =	vand.u32 $0x7, v3;
	v4 =	vand.u32 $0xFFFFFFC0, v4  }
0x31: {  	v3 =	vor.u32 v3, v4  }
0x32: {  	v4 =	vperm.xlane v3, v0;
	_ =	sdelay $0x1  }
0x33: {  	v4 =	vadd.s32 v1, v4;
	_ =	sdelay $0x4  }
0x34: {  	[tilespmem:s29], [sflag:$0x1] =	stream.indirect_vreg.gather [hbm4b:s4+s2], $0x80, v4, vm0, $0xb8;
	[tilespmem:$0x19000] =	vst v63  }
0x35: {  	s3 =	simm.s32 $0x1800;
	v3 =	vperm.xlane v3, v2  }
0x36: {  	[tilespmem:s3], [sflag:$0x1] =	stream.indirect_vreg.gather [hbm4b:s5+s2], $0x80, v4, vm0, $0xb8;
	[tilespmem:$0x19000] =	vst v63  }
0x37: {  	s8 =	simm.s32 $0x2000;
	v3 =	vadd.s32 v1, v3  }
0x38: {  	[tilespmem:s8], [sflag:$0x1] =	stream.indirect_vreg.gather [hbm4b:s6+s2], $0x80, v4, vm0, $0xb8;
	[tilespmem:$0x19000] =	vst v63  }
0x39: {  	s9 =	simm.s32 $0x2800  }
0x3a: {  	[tilespmem:s9], [sflag:$0x1] =	stream.indirect_vreg.gather [hbm4b:s7+s2], $0x80, v4, vm0, $0xb8;
	[tilespmem:$0x19000] =	vst v63  }
0x3b: {  	s11 =	simm.s32 $0x3000  }
0x3c: {  	[tilespmem:s11], [sflag:$0x1] =	stream.indirect_vreg.gather [hbm4b:s4+s2], $0x80, v3, vm0, $0xb8;
	[tilespmem:$0x19000] =	vst v63  }
0x3d: {  	s12 =	simm.s32 $0x3800  }
0x3e: {  	[tilespmem:s12], [sflag:$0x1] =	stream.indirect_vreg.gather [hbm4b:s5+s2], $0x80, v3, vm0, $0xb8;
	[tilespmem:$0x19000] =	vst v63  }
0x3f: {  	s13 =	simm.s32 $0x4000  }
0x40: {  	[tilespmem:s13], [sflag:$0x1] =	stream.indirect_vreg.gather [hbm4b:s6+s2], $0x80, v3, vm0, $0xb8;
	[tilespmem:$0x19000] =	vst v63  }
0x41: {  	s14 =	simm.s32 $0x4800  }
0x42: {  	[tilespmem:s14], [sflag:$0x1] =	stream.indirect_vreg.gather [hbm4b:s7+s2], $0x80, v3, vm0, $0xb8;
	[tilespmem:$0x19000] =	vst v63  }
0x43: {  	v3 =	vld [tilespmem:$0x10];
	_ =	sdelay $0x4  }
0x44: {  	v57 =	vshll.u32 v3, $0x3  }
0x45: {  	v3 =	vand.u32 $0x7, v3;
	v4 =	vand.u32 $0xFFFFFFC0, v57  }
0x46: {  	v3 =	vor.u32 v3, v4  }
0x47: {  	v4 =	vperm.xlane v3, v0;
	_ =	sdelay $0x1  }
0x48: {  	v4 =	vadd.s32 v1, v4;
	_ =	sdelay $0x3  }
0x49: {  	s15 =	simm.s32 $0x5000  }
0x4a: {  	[tilespmem:s15], [sflag:$0x1] =	stream.indirect_vreg.gather [hbm4b:s4+s2], $0x80, v4, vm0, $0xb8;
	[tilespmem:$0x19000] =	vst v63  }
0x4b: {  	s16 =	simm.s32 $0x5800;
	v3 =	vperm.xlane v3, v2  }
0x4c: {  	[tilespmem:s16], [sflag:$0x1] =	stream.indirect_vreg.gather [hbm4b:s5+s2], $0x80, v4, vm0, $0xb8;
	[tilespmem:$0x19000] =	vst v63  }
0x4d: {  	s17 =	simm.s32 $0x6000;
	v3 =	vadd.s32 v1, v3  }
0x4e: {  	[tilespmem:s17], [sflag:$0x1] =	stream.indirect_vreg.gather [hbm4b:s6+s2], $0x80, v4, vm0, $0xb8;
	[tilespmem:$0x19000] =	vst v63  }
0x4f: {  	s21 =	simm.s32 $0x6800  }
0x50: {  	[tilespmem:s21], [sflag:$0x1] =	stream.indirect_vreg.gather [hbm4b:s7+s2], $0x80, v4, vm0, $0xb8;
	[tilespmem:$0x19000] =	vst v63  }
0x51: {  	s22 =	simm.s32 $0x7000  }
0x52: {  	[tilespmem:s22], [sflag:$0x1] =	stream.indirect_vreg.gather [hbm4b:s4+s2], $0x80, v3, vm0, $0xb8;
	[tilespmem:$0x19000] =	vst v63  }
0x53: {  	s23 =	simm.s32 $0x7800  }
0x54: {  	[tilespmem:s23], [sflag:$0x1] =	stream.indirect_vreg.gather [hbm4b:s5+s2], $0x80, v3, vm0, $0xb8;
	[tilespmem:$0x19000] =	vst v63  }
0x55: {  	s31 =	simm.s32 $0x8000  }
0x56: {  	[tilespmem:s31], [sflag:$0x1] =	stream.indirect_vreg.gather [hbm4b:s6+s2], $0x80, v3, vm0, $0xb8;
	[tilespmem:$0x19000] =	vst v63  }
0x57: {  	s11 =	simm.s32 $0x8800  }
0x58: {  	[tilespmem:s11], [sflag:$0x1] =	stream.indirect_vreg.gather [hbm4b:s7+s2], $0x80, v3, vm0, $0xb8;
	[tilespmem:$0x19000] =	vst v63  }
0x59: {  	v3 =	vld [tilespmem:$0x80];
	_ =	sdelay $0x4  }
0x5a: {  	v58 =	vshll.u32 v3, $0x3  }
0x5b: {  	v3 =	vand.u32 $0x7, v3;
	v4 =	vand.u32 $0xFFFFFFC0, v58  }
0x5c: {  	v3 =	vor.u32 v3, v4  }
0x5d: {  	v4 =	vperm.xlane v3, v0;
	_ =	sdelay $0x1  }
0x5e: {  	v4 =	vadd.s32 v1, v4;
	_ =	sdelay $0x4  }
0x5f: {  	[tilespmem:s26], [sflag:$0x1] =	stream.indirect_vreg.gather [hbm4b:s4+s2], $0x80, v4, vm0, $0xb8;
	[tilespmem:$0x19000] =	vst v63  }
0x60: {  	s12 =	simm.s32 $0x9800;
	v3 =	vperm.xlane v3, v2  }
0x61: {  	[tilespmem:s12], [sflag:$0x1] =	stream.indirect_vreg.gather [hbm4b:s5+s2], $0x80, v4, vm0, $0xb8;
	[tilespmem:$0x19000] =	vst v63  }
0x62: {  	s13 =	simm.s32 $0xA000;
	v3 =	vadd.s32 v1, v3  }
0x63: {  	[tilespmem:s13], [sflag:$0x1] =	stream.indirect_vreg.gather [hbm4b:s6+s2], $0x80, v4, vm0, $0xb8;
	[tilespmem:$0x19000] =	vst v63  }
0x64: {  	s14 =	simm.s32 $0xA800  }
0x65: {  	[tilespmem:s14], [sflag:$0x1] =	stream.indirect_vreg.gather [hbm4b:s7+s2], $0x80, v4, vm0, $0xb8;
	[tilespmem:$0x19000] =	vst v63  }
0x66: {  	s15 =	simm.s32 $0xB000  }
0x67: {  	[tilespmem:s15], [sflag:$0x1] =	stream.indirect_vreg.gather [hbm4b:s4+s2], $0x80, v3, vm0, $0xb8;
	[tilespmem:$0x19000] =	vst v63  }
0x68: {  	s16 =	simm.s32 $0xB800  }
0x69: {  	[tilespmem:s16], [sflag:$0x1] =	stream.indirect_vreg.gather [hbm4b:s5+s2], $0x80, v3, vm0, $0xb8;
	[tilespmem:$0x19000] =	vst v63  }
0x6a: {  	s17 =	simm.s32 $0xC000  }
0x6b: {  	[tilespmem:s17], [sflag:$0x1] =	stream.indirect_vreg.gather [hbm4b:s6+s2], $0x80, v3, vm0, $0xb8;
	[tilespmem:$0x19000] =	vst v63  }
0x6c: {  	s21 =	simm.s32 $0xC800  }
0x6d: {  	[tilespmem:s21], [sflag:$0x1] =	stream.indirect_vreg.gather [hbm4b:s7+s2], $0x80, v3, vm0, $0xb8;
	[tilespmem:$0x19000] =	vst v63  }
0x6e: {  	v3 =	vld [tilespmem:$0x90];
	_ =	sdelay $0x4  }
0x6f: {  	v59 =	vshll.u32 v3, $0x3  }
0x70: {  	v3 =	vand.u32 $0x7, v3;
	v4 =	vand.u32 $0xFFFFFFC0, v59  }
0x71: {  	v3 =	vor.u32 v3, v4  }
0x72: {  	v4 =	vperm.xlane v3, v0;
	_ =	sdelay $0x1  }
0x73: {  	v4 =	vadd.s32 v1, v4;
	_ =	sdelay $0x3  }
0x74: {  	s22 =	simm.s32 $0xD000  }
0x75: {  	[tilespmem:s22], [sflag:$0x1] =	stream.indirect_vreg.gather [hbm4b:s4+s2], $0x80, v4, vm0, $0xb8;
	[tilespmem:$0x19000] =	vst v63  }
0x76: {  	s31 =	simm.s32 $0xD800;
	v3 =	vperm.xlane v3, v2  }
0x77: {  	[tilespmem:s31], [sflag:$0x1] =	stream.indirect_vreg.gather [hbm4b:s5+s2], $0x80, v4, vm0, $0xb8;
	[tilespmem:$0x19000] =	vst v63  }
0x78: {  	s11 =	simm.s32 $0xE000;
	v3 =	vadd.s32 v1, v3  }
0x79: {  	[tilespmem:s11], [sflag:$0x1] =	stream.indirect_vreg.gather [hbm4b:s6+s2], $0x80, v4, vm0, $0xb8;
	[tilespmem:$0x19000] =	vst v63  }
0x7a: {  	s12 =	simm.s32 $0xE800  }
0x7b: {  	[tilespmem:s12], [sflag:$0x1] =	stream.indirect_vreg.gather [hbm4b:s7+s2], $0x80, v4, vm0, $0xb8;
	[tilespmem:$0x19000] =	vst v63  }
0x7c: {  	s13 =	simm.s32 $0xF000  }
0x7d: {  	[tilespmem:s13], [sflag:$0x1] =	stream.indirect_vreg.gather [hbm4b:s4+s2], $0x80, v3, vm0, $0xb8;
	[tilespmem:$0x19000] =	vst v63  }
0x7e: {  	s14 =	simm.s32 $0xF800  }
0x7f: {  	[tilespmem:s14], [sflag:$0x1] =	stream.indirect_vreg.gather [hbm4b:s5+s2], $0x80, v3, vm0, $0xb8;
	[tilespmem:$0x19000] =	vst v63  }
0x80: {  	s21 =	simm.s32 $0x10000  }
0x81: {  	[tilespmem:s21], [sflag:$0x1] =	stream.indirect_vreg.gather [hbm4b:s6+s2], $0x80, v3, vm0, $0xb8;
	[tilespmem:$0x19000] =	vst v63  }
0x82: {  	s22 =	simm.s32 $0x10800  }
0x83: {  	[tilespmem:s22], [sflag:$0x1] =	stream.indirect_vreg.gather [hbm4b:s7+s2], $0x80, v3, vm0, $0xb8;
	[tilespmem:$0x19000] =	vst v63  }
0x84: {  	v3 =	vld [tilespmem:$0x100];
	_ =	sdelay $0x4  }
0x85: {  	v60 =	vshll.u32 v3, $0x3  }
0x86: {  	v3 =	vand.u32 $0x7, v3;
	v4 =	vand.u32 $0xFFFFFFC0, v60  }
0x87: {  	v3 =	vor.u32 v3, v4  }
0x88: {  	v4 =	vperm.xlane v3, v0;
	_ =	sdelay $0x1  }
0x89: {  	v4 =	vadd.s32 v1, v4;
	_ =	sdelay $0x4  }
0x8a: {  	[tilespmem:s10], [sflag:$0x1] =	stream.indirect_vreg.gather [hbm4b:s4+s2], $0x80, v4, vm0, $0xb8;
	[tilespmem:$0x19000] =	vst v63  }
0x8b: {  	s31 =	simm.s32 $0x11800;
	v3 =	vperm.xlane v3, v2  }
0x8c: {  	[tilespmem:s31], [sflag:$0x1] =	stream.indirect_vreg.gather [hbm4b:s5+s2], $0x80, v4, vm0, $0xb8;
	[tilespmem:$0x19000] =	vst v63  }
0x8d: {  	s21 =	simm.s32 $0x12000;
	v3 =	vadd.s32 v1, v3  }
0x8e: {  	[tilespmem:s21], [sflag:$0x1] =	stream.indirect_vreg.gather [hbm4b:s6+s2], $0x80, v4, vm0, $0xb8;
	[tilespmem:$0x19000] =	vst v63  }
0x8f: {  	s21 =	simm.s32 $0x12800  }
0x90: {  	[tilespmem:s21], [sflag:$0x1] =	stream.indirect_vreg.gather [hbm4b:s7+s2], $0x80, v4, vm0, $0xb8;
	[tilespmem:$0x19000] =	vst v63  }
0x91: {  	s21 =	simm.s32 $0x13000  }
0x92: {  	[tilespmem:s21], [sflag:$0x1] =	stream.indirect_vreg.gather [hbm4b:s4+s2], $0x80, v3, vm0, $0xb8;
	[tilespmem:$0x19000] =	vst v63  }
0x93: {  	s21 =	simm.s32 $0x13800  }
0x94: {  	[tilespmem:s21], [sflag:$0x1] =	stream.indirect_vreg.gather [hbm4b:s5+s2], $0x80, v3, vm0, $0xb8;
	[tilespmem:$0x19000] =	vst v63  }
0x95: {  	s21 =	simm.s32 $0x14000  }
0x96: {  	[tilespmem:s21], [sflag:$0x1] =	stream.indirect_vreg.gather [hbm4b:s6+s2], $0x80, v3, vm0, $0xb8;
	[tilespmem:$0x19000] =	vst v63  }
0x97: {  	s21 =	simm.s32 $0x14800  }
0x98: {  	[tilespmem:s21], [sflag:$0x1] =	stream.indirect_vreg.gather [hbm4b:s7+s2], $0x80, v3, vm0, $0xb8;
	[tilespmem:$0x19000] =	vst v63  }
0x99: {  	v3 =	vld [tilespmem:$0x110];
	_ =	sdelay $0x4  }
0x9a: {  	v61 =	vshll.u32 v3, $0x3  }
0x9b: {  	v3 =	vand.u32 $0x7, v3;
	v4 =	vand.u32 $0xFFFFFFC0, v61  }
0x9c: {  	v3 =	vor.u32 v3, v4  }
0x9d: {  	v4 =	vperm.xlane v3, v0;
	_ =	sdelay $0x1  }
0x9e: {  	v4 =	vadd.s32 v1, v4;
	_ =	sdelay $0x3  }
0x9f: {  	s21 =	simm.s32 $0x15000  }
0xa0: {  	[tilespmem:s21], [sflag:$0x1] =	stream.indirect_vreg.gather [hbm4b:s4+s2], $0x80, v4, vm0, $0xb8;
	[tilespmem:$0x19000] =	vst v63  }
0xa1: {  	v3 =	vperm.xlane v3, v2;
	s21 =	simm.s32 $0x15800  }
0xa2: {  	[tilespmem:s21], [sflag:$0x1] =	stream.indirect_vreg.gather [hbm4b:s5+s2], $0x80, v4, vm0, $0xb8;
	[tilespmem:$0x19000] =	vst v63  }
0xa3: {  	v3 =	vadd.s32 v1, v3;
	s21 =	simm.s32 $0x16000  }
0xa4: {  	[tilespmem:s21], [sflag:$0x1] =	stream.indirect_vreg.gather [hbm4b:s6+s2], $0x80, v4, vm0, $0xb8;
	[tilespmem:$0x19000] =	vst v63  }
0xa5: {  	s21 =	simm.s32 $0x16800  }
0xa6: {  	[tilespmem:s21], [sflag:$0x1] =	stream.indirect_vreg.gather [hbm4b:s7+s2], $0x80, v4, vm0, $0xb8;
	[tilespmem:$0x19000] =	vst v63  }
0xa7: {  	s21 =	simm.s32 $0x17000  }
0xa8: {  	[tilespmem:s21], [sflag:$0x1] =	stream.indirect_vreg.gather [hbm4b:s4+s2], $0x80, v3, vm0, $0xb8;
	[tilespmem:$0x19000] =	vst v63  }
0xa9: {  	s21 =	simm.s32 $0x17800  }
0xaa: {  	[tilespmem:s21], [sflag:$0x1] =	stream.indirect_vreg.gather [hbm4b:s5+s2], $0x80, v3, vm0, $0xb8;
	[tilespmem:$0x19000] =	vst v63  }
0xab: {  	s21 =	simm.s32 $0x18000  }
0xac: {  	[tilespmem:s21], [sflag:$0x1] =	stream.indirect_vreg.gather [hbm4b:s6+s2], $0x80, v3, vm0, $0xb8;
	[tilespmem:$0x19000] =	vst v63  }
0xad: {  	s21 =	simm.s32 $0x18800  }
0xae: {  	[tilespmem:s21], [sflag:$0x1] =	stream.indirect_vreg.gather [hbm4b:s7+s2], $0x80, v3, vm0, $0xb8;
	[tilespmem:$0x19000] =	vst v63  }
0xaf: {  	_ =	swait.ge [sflag:s19], $0x8000  }
0xb0: {  	s0 =	sld [smem:$0x7FC]  }
0xb1: {  	[sflag:s19] =	ssyncset.done $0x0  }
0xb2: {  	[sflag:s19] =	ssyncadd.s32 $0xFFFF8000  }
0xb3: {  	[hbm4b:s0+s2] =	stream.linear.scatter [tilespmem:s29], [sflag:$0x2], $0x8000, $0x38;
	[tilespmem:$0x19000] =	vst v63  }
0xb4: {  	_ =	swait.ge [sflag:s20], $0x8000  }
0xb5: {  	[sflag:s20] =	ssyncset.done $0x0  }
0xb6: {  	[sflag:s20] =	ssyncadd.s32 $0xFFFF8000  }
0xb7: {  	v3 =	vld [tilespmem:$0x180];
	_ =	sdelay $0x4  }
0xb8: {  	v62 =	vshll.u32 v3, $0x3  }
0xb9: {  	v3 =	vand.u32 $0x7, v3;
	v4 =	vand.u32 $0xFFFFFFC0, v62  }
0xba: {  	v3 =	vor.u32 v3, v4  }
0xbb: {  	v4 =	vperm.xlane v3, v0;
	_ =	sdelay $0x1  }
0xbc: {  	v4 =	vadd.s32 v1, v4;
	_ =	sdelay $0x4  }
0xbd: {  	[tilespmem:s29], [sflag:$0x1] =	stream.indirect_vreg.gather [hbm4b:s4+s2], $0x80, v4, vm0, $0xb8;
	[tilespmem:$0x19000] =	vst v63  }
0xbe: {  	s1 =	simm.s32 $0x1800;
	v3 =	vperm.xlane v3, v2  }
0xbf: {  	[tilespmem:s1], [sflag:$0x1] =	stream.indirect_vreg.gather [hbm4b:s5+s2], $0x80, v4, vm0, $0xb8;
	[tilespmem:$0x19000] =	vst v63  }
0xc0: {  	s18 =	simm.s32 $0x2000;
	v3 =	vadd.s32 v1, v3  }
0xc1: {  	[tilespmem:s18], [sflag:$0x1] =	stream.indirect_vreg.gather [hbm4b:s6+s2], $0x80, v4, vm0, $0xb8;
	[tilespmem:$0x19000] =	vst v63  }
0xc2: {  	s24 =	simm.s32 $0x2800  }
0xc3: {  	[tilespmem:s24], [sflag:$0x1] =	stream.indirect_vreg.gather [hbm4b:s7+s2], $0x80, v4, vm0, $0xb8;
	[tilespmem:$0x19000] =	vst v63  }
0xc4: {  	s25 =	simm.s32 $0x3000  }
0xc5: {  	[tilespmem:s25], [sflag:$0x1] =	stream.indirect_vreg.gather [hbm4b:s4+s2], $0x80, v3, vm0, $0xb8;
	[tilespmem:$0x19000] =	vst v63  }
0xc6: {  	s28 =	simm.s32 $0x3800  }
0xc7: {  	[tilespmem:s28], [sflag:$0x1] =	stream.indirect_vreg.gather [hbm4b:s5+s2], $0x80, v3, vm0, $0xb8;
	[tilespmem:$0x19000] =	vst v63  }
0xc8: {  	s30 =	simm.s32 $0x4000  }
0xc9: {  	[tilespmem:s30], [sflag:$0x1] =	stream.indirect_vreg.gather [hbm4b:s6+s2], $0x80, v3, vm0, $0xb8;
	[tilespmem:$0x19000] =	vst v63  }
0xca: {  	s3 =	simm.s32 $0x4800  }
0xcb: {  	[tilespmem:s3], [sflag:$0x1] =	stream.indirect_vreg.gather [hbm4b:s7+s2], $0x80, v3, vm0, $0xb8;
	[tilespmem:$0x19000] =	vst v63  }
0xcc: {  	v3 =	vld [tilespmem:$0x190];
	_ =	sdelay $0x4  }
0xcd: {  	v63 =	vshll.u32 v3, $0x3  }
0xce: {  	v3 =	vand.u32 $0x7, v3;
	v4 =	vand.u32 $0xFFFFFFC0, v63  }
0xcf: {  	v3 =	vor.u32 v3, v4  }
0xd0: {  	v4 =	vperm.xlane v3, v0;
	_ =	sdelay $0x1  }
0xd1: {  	v4 =	vadd.s32 v1, v4;
	_ =	sdelay $0x3  }
0xd2: {  	s8 =	simm.s32 $0x5000  }
0xd3: {  	[tilespmem:s8], [sflag:$0x1] =	stream.indirect_vreg.gather [hbm4b:s4+s2], $0x80, v4, vm0, $0xb8;
	[tilespmem:$0x19000] =	vst v63  }
0xd4: {  	s9 =	simm.s32 $0x5800;
	v3 =	vperm.xlane v3, v2  }
0xd5: {  	[tilespmem:s9], [sflag:$0x1] =	stream.indirect_vreg.gather [hbm4b:s5+s2], $0x80, v4, vm0, $0xb8;
	[tilespmem:$0x19000] =	vst v63  }
0xd6: {  	s30 =	simm.s32 $0x6000;
	v3 =	vadd.s32 v1, v3  }
0xd7: {  	[tilespmem:s30], [sflag:$0x1] =	stream.indirect_vreg.gather [hbm4b:s6+s2], $0x80, v4, vm0, $0xb8;
	[tilespmem:$0x19000] =	vst v63  }
0xd8: {  	s1 =	simm.s32 $0x6800  }
0xd9: {  	[tilespmem:s1], [sflag:$0x1] =	stream.indirect_vreg.gather [hbm4b:s7+s2], $0x80, v4, vm0, $0xb8;
	[tilespmem:$0x19000] =	vst v63  }
0xda: {  	s3 =	simm.s32 $0x7000  }
0xdb: {  	[tilespmem:s3], [sflag:$0x1] =	stream.indirect_vreg.gather [hbm4b:s4+s2], $0x80, v3, vm0, $0xb8;
	[tilespmem:$0x19000] =	vst v63  }
0xdc: {  	s8 =	simm.s32 $0x7800  }
0xdd: {  	[tilespmem:s8], [sflag:$0x1] =	stream.indirect_vreg.gather [hbm4b:s5+s2], $0x80, v3, vm0, $0xb8;
	[tilespmem:$0x19000] =	vst v63  }
0xde: {  	s9 =	simm.s32 $0x8000  }
0xdf: {  	[tilespmem:s9], [sflag:$0x1] =	stream.indirect_vreg.gather [hbm4b:s6+s2], $0x80, v3, vm0, $0xb8;
	[tilespmem:$0x19000] =	vst v63  }
0xe0: {  	s18 =	simm.s32 $0x8800  }
0xe1: {  	[tilespmem:s18], [sflag:$0x1] =	stream.indirect_vreg.gather [hbm4b:s7+s2], $0x80, v3, vm0, $0xb8;
	[tilespmem:$0x19000] =	vst v63  }
0xe2: {  	_ =	swait.ge [sflag:s19], $0x8000  }
0xe3: {  	[sflag:s19] =	ssyncset.done $0x0  }
0xe4: {  	s24 =	rddreg [dreg:$0x4];
	[sflag:s19] =	ssyncadd.s32 $0xFFFF8000  }
0xe5: {  	[hbm4b:s24+s2] =	stream.linear.scatter [tilespmem:s26], [sflag:$0x2], $0x8000, $0x38;
	[tilespmem:$0x19000] =	vst v63  }
0xe6: {  	_ =	swait.ge [sflag:s20], $0x8000  }
0xe7: {  	[sflag:s20] =	ssyncset.done $0x0  }
0xe8: {  	[sflag:s20] =	ssyncadd.s32 $0xFFFF8000  }
0xe9: {  	v3 =	vld [tilespmem:$0x200];
	_ =	sdelay $0x4  }
0xea: {  	v8 =	vshll.u32 v3, $0x3  }
0xeb: {  	v3 =	vand.u32 $0x7, v3;
	v4 =	vand.u32 $0xFFFFFFC0, v8  }
0xec: {  	v3 =	vor.u32 v3, v4  }
0xed: {  	v4 =	vperm.xlane v3, v0;
	_ =	sdelay $0x1  }
0xee: {  	v4 =	vadd.s32 v1, v4;
	_ =	sdelay $0x4  }
0xef: {  	[tilespmem:s26], [sflag:$0x1] =	stream.indirect_vreg.gather [hbm4b:s4+s2], $0x80, v4, vm0, $0xb8;
	[tilespmem:$0x19000] =	vst v63  }
0xf0: {  	s23 =	simm.s32 $0x9800;
	v3 =	vperm.xlane v3, v2  }
0xf1: {  	[tilespmem:s23], [sflag:$0x1] =	stream.indirect_vreg.gather [hbm4b:s5+s2], $0x80, v4, vm0, $0xb8;
	[tilespmem:$0x19000] =	vst v63  }
0xf2: {  	s0 =	simm.s32 $0xA000;
	v3 =	vadd.s32 v1, v3  }
0xf3: {  	[tilespmem:s0], [sflag:$0x1] =	stream.indirect_vreg.gather [hbm4b:s6+s2], $0x80, v4, vm0, $0xb8;
	[tilespmem:$0x19000] =	vst v63  }
0xf4: {  	s25 =	simm.s32 $0xA800  }
0xf5: {  	[tilespmem:s25], [sflag:$0x1] =	stream.indirect_vreg.gather [hbm4b:s7+s2], $0x80, v4, vm0, $0xb8;
	[tilespmem:$0x19000] =	vst v63  }
0xf6: {  	s28 =	simm.s32 $0xB000  }
0xf7: {  	[tilespmem:s28], [sflag:$0x1] =	stream.indirect_vreg.gather [hbm4b:s4+s2], $0x80, v3, vm0, $0xb8;
	[tilespmem:$0x19000] =	vst v63  }
0xf8: {  	s23 =	simm.s32 $0xB800  }
0xf9: {  	[tilespmem:s23], [sflag:$0x1] =	stream.indirect_vreg.gather [hbm4b:s5+s2], $0x80, v3, vm0, $0xb8;
	[tilespmem:$0x19000] =	vst v63  }
0xfa: {  	s24 =	simm.s32 $0xC000  }
0xfb: {  	[tilespmem:s24], [sflag:$0x1] =	stream.indirect_vreg.gather [hbm4b:s6+s2], $0x80, v3, vm0, $0xb8;
	[tilespmem:$0x19000] =	vst v63  }
0xfc: {  	s15 =	simm.s32 $0xC800  }
0xfd: {  	[tilespmem:s15], [sflag:$0x1] =	stream.indirect_vreg.gather [hbm4b:s7+s2], $0x80, v3, vm0, $0xb8;
	[tilespmem:$0x19000] =	vst v63  }
0xfe: {  	v3 =	vld [tilespmem:$0x210];
	_ =	sdelay $0x4  }
0xff: {  	v9 =	vshll.u32 v3, $0x3  }
0x100: {  	v3 =	vand.u32 $0x7, v3;
	v4 =	vand.u32 $0xFFFFFFC0, v9  }
0x101: {  	v3 =	vor.u32 v3, v4  }
0x102: {  	v4 =	vperm.xlane v3, v0;
	_ =	sdelay $0x1  }
0x103: {  	v4 =	vadd.s32 v1, v4;
	_ =	sdelay $0x3  }
0x104: {  	s16 =	simm.s32 $0xD000  }
0x105: {  	[tilespmem:s16], [sflag:$0x1] =	stream.indirect_vreg.gather [hbm4b:s4+s2], $0x80, v4, vm0, $0xb8;
	[tilespmem:$0x19000] =	vst v63  }
0x106: {  	s17 =	simm.s32 $0xD800;
	v3 =	vperm.xlane v3, v2  }
0x107: {  	[tilespmem:s17], [sflag:$0x1] =	stream.indirect_vreg.gather [hbm4b:s5+s2], $0x80, v4, vm0, $0xb8;
	[tilespmem:$0x19000] =	vst v63  }
0x108: {  	s25 =	simm.s32 $0xE000;
	v3 =	vadd.s32 v1, v3  }
0x109: {  	[tilespmem:s25], [sflag:$0x1] =	stream.indirect_vreg.gather [hbm4b:s6+s2], $0x80, v4, vm0, $0xb8;
	[tilespmem:$0x19000] =	vst v63  }
0x10a: {  	s11 =	simm.s32 $0xE800  }
0x10b: {  	[tilespmem:s11], [sflag:$0x1] =	stream.indirect_vreg.gather [hbm4b:s7+s2], $0x80, v4, vm0, $0xb8;
	[tilespmem:$0x19000] =	vst v63  }
0x10c: {  	s12 =	simm.s32 $0xF000  }
0x10d: {  	[tilespmem:s12], [sflag:$0x1] =	stream.indirect_vreg.gather [hbm4b:s4+s2], $0x80, v3, vm0, $0xb8;
	[tilespmem:$0x19000] =	vst v63  }
0x10e: {  	s13 =	simm.s32 $0xF800  }
0x10f: {  	[tilespmem:s13], [sflag:$0x1] =	stream.indirect_vreg.gather [hbm4b:s5+s2], $0x80, v3, vm0, $0xb8;
	[tilespmem:$0x19000] =	vst v63  }
0x110: {  	s14 =	simm.s32 $0x10000  }
0x111: {  	[tilespmem:s14], [sflag:$0x1] =	stream.indirect_vreg.gather [hbm4b:s6+s2], $0x80, v3, vm0, $0xb8;
	[tilespmem:$0x19000] =	vst v63  }
0x112: {  	s22 =	simm.s32 $0x10800  }
0x113: {  	[tilespmem:s22], [sflag:$0x1] =	stream.indirect_vreg.gather [hbm4b:s7+s2], $0x80, v3, vm0, $0xb8;
	[tilespmem:$0x19000] =	vst v63  }
0x114: {  	_ =	swait.ge [sflag:s19], $0x8000  }
0x115: {  	[sflag:s19] =	ssyncset.done $0x0  }
0x116: {  	s28 =	rddreg [dreg:$0x5];
	[sflag:s19] =	ssyncadd.s32 $0xFFFF8000  }
0x117: {  	[hbm4b:s28+s2] =	stream.linear.scatter [tilespmem:s10], [sflag:$0x2], $0x8000, $0x38;
	[tilespmem:$0x19000] =	vst v63  }
0x118: {  	_ =	swait.ge [sflag:s20], $0x8000  }
0x119: {  	[sflag:s20] =	ssyncset.done $0x0  }
0x11a: {  	[sflag:s20] =	ssyncadd.s32 $0xFFFF8000  }
0x11b: {  	v3 =	vld [tilespmem:$0x280];
	_ =	sdelay $0x4  }
0x11c: {  	v10 =	vshll.u32 v3, $0x3  }
0x11d: {  	v3 =	vand.u32 $0x7, v3;
	v4 =	vand.u32 $0xFFFFFFC0, v10  }
0x11e: {  	v3 =	vor.u32 v3, v4  }
0x11f: {  	v4 =	vperm.xlane v3, v0;
	_ =	sdelay $0x1  }
0x120: {  	v4 =	vadd.s32 v1, v4;
	_ =	sdelay $0x4  }
0x121: {  	[tilespmem:s10], [sflag:$0x1] =	stream.indirect_vreg.gather [hbm4b:s4+s2], $0x80, v4, vm0, $0xb8;
	[tilespmem:$0x19000] =	vst v63  }
0x122: {  	s31 =	simm.s32 $0x11800;
	v3 =	vperm.xlane v3, v2  }
0x123: {  	[tilespmem:s31], [sflag:$0x1] =	stream.indirect_vreg.gather [hbm4b:s5+s2], $0x80, v4, vm0, $0xb8;
	[tilespmem:$0x19000] =	vst v63  }
0x124: {  	s11 =	simm.s32 $0x12000;
	v3 =	vadd.s32 v1, v3  }
0x125: {  	[tilespmem:s11], [sflag:$0x1] =	stream.indirect_vreg.gather [hbm4b:s6+s2], $0x80, v4, vm0, $0xb8;
	[tilespmem:$0x19000] =	vst v63  }
0x126: {  	s12 =	simm.s32 $0x12800  }
0x127: {  	[tilespmem:s12], [sflag:$0x1] =	stream.indirect_vreg.gather [hbm4b:s7+s2], $0x80, v4, vm0, $0xb8;
	[tilespmem:$0x19000] =	vst v63  }
0x128: {  	s13 =	simm.s32 $0x13000  }
0x129: {  	[tilespmem:s13], [sflag:$0x1] =	stream.indirect_vreg.gather [hbm4b:s4+s2], $0x80, v3, vm0, $0xb8;
	[tilespmem:$0x19000] =	vst v63  }
0x12a: {  	s14 =	simm.s32 $0x13800  }
0x12b: {  	[tilespmem:s14], [sflag:$0x1] =	stream.indirect_vreg.gather [hbm4b:s5+s2], $0x80, v3, vm0, $0xb8;
	[tilespmem:$0x19000] =	vst v63  }
0x12c: {  	s15 =	simm.s32 $0x14000  }
0x12d: {  	[tilespmem:s15], [sflag:$0x1] =	stream.indirect_vreg.gather [hbm4b:s6+s2], $0x80, v3, vm0, $0xb8;
	[tilespmem:$0x19000] =	vst v63  }
0x12e: {  	s24 =	simm.s32 $0x14800  }
0x12f: {  	[tilespmem:s24], [sflag:$0x1] =	stream.indirect_vreg.gather [hbm4b:s7+s2], $0x80, v3, vm0, $0xb8;
	[tilespmem:$0x19000] =	vst v63  }
0x130: {  	v3 =	vld [tilespmem:$0x290];
	_ =	sdelay $0x4  }
0x131: {  	v11 =	vshll.u32 v3, $0x3  }
0x132: {  	v3 =	vand.u32 $0x7, v3;
	v4 =	vand.u32 $0xFFFFFFC0, v11  }
0x133: {  	v3 =	vor.u32 v3, v4  }
0x134: {  	v4 =	vperm.xlane v3, v0;
	_ =	sdelay $0x1  }
0x135: {  	v4 =	vadd.s32 v1, v4;
	_ =	sdelay $0x3  }
0x136: {  	s25 =	simm.s32 $0x15000  }
0x137: {  	[tilespmem:s25], [sflag:$0x1] =	stream.indirect_vreg.gather [hbm4b:s4+s2], $0x80, v4, vm0, $0xb8;
	[tilespmem:$0x19000] =	vst v63  }
0x138: {  	s28 =	simm.s32 $0x15800;
	v3 =	vperm.xlane v3, v2  }
0x139: {  	[tilespmem:s28], [sflag:$0x1] =	stream.indirect_vreg.gather [hbm4b:s5+s2], $0x80, v4, vm0, $0xb8;
	[tilespmem:$0x19000] =	vst v63  }
0x13a: {  	s16 =	simm.s32 $0x16000;
	v3 =	vadd.s32 v1, v3  }
0x13b: {  	[tilespmem:s16], [sflag:$0x1] =	stream.indirect_vreg.gather [hbm4b:s6+s2], $0x80, v4, vm0, $0xb8;
	[tilespmem:$0x19000] =	vst v63  }
0x13c: {  	s17 =	simm.s32 $0x16800  }
0x13d: {  	[tilespmem:s17], [sflag:$0x1] =	stream.indirect_vreg.gather [hbm4b:s7+s2], $0x80, v4, vm0, $0xb8;
	[tilespmem:$0x19000] =	vst v63  }
0x13e: {  	s22 =	simm.s32 $0x17000  }
0x13f: {  	[tilespmem:s22], [sflag:$0x1] =	stream.indirect_vreg.gather [hbm4b:s4+s2], $0x80, v3, vm0, $0xb8;
	[tilespmem:$0x19000] =	vst v63  }
0x140: {  	s23 =	simm.s32 $0x17800  }
0x141: {  	[tilespmem:s23], [sflag:$0x1] =	stream.indirect_vreg.gather [hbm4b:s5+s2], $0x80, v3, vm0, $0xb8;
	[tilespmem:$0x19000] =	vst v63  }
0x142: {  	s31 =	simm.s32 $0x18000  }
0x143: {  	[tilespmem:s31], [sflag:$0x1] =	stream.indirect_vreg.gather [hbm4b:s6+s2], $0x80, v3, vm0, $0xb8;
	[tilespmem:$0x19000] =	vst v63  }
0x144: {  	s21 =	simm.s32 $0x18800  }
0x145: {  	[tilespmem:s21], [sflag:$0x1] =	stream.indirect_vreg.gather [hbm4b:s7+s2], $0x80, v3, vm0, $0xb8;
	[tilespmem:$0x19000] =	vst v63  }
0x146: {  	_ =	swait.ge [sflag:s19], $0x8000  }
0x147: {  	[sflag:s19] =	ssyncset.done $0x0  }
0x148: {  	s21 =	rddreg [dreg:$0x6];
	[sflag:s19] =	ssyncadd.s32 $0xFFFF8000  }
0x149: {  	[hbm4b:s21+s2] =	stream.linear.scatter [tilespmem:s29], [sflag:$0x2], $0x8000, $0x38;
	[tilespmem:$0x19000] =	vst v63  }
0x14a: {  	_ =	swait.ge [sflag:s20], $0x8000  }
0x14b: {  	[sflag:s20] =	ssyncset.done $0x0  }
0x14c: {  	[sflag:s20] =	ssyncadd.s32 $0xFFFF8000  }
0x14d: {  	v3 =	vld [tilespmem:$0x300];
	_ =	sdelay $0x4  }
0x14e: {  	v12 =	vshll.u32 v3, $0x3  }
0x14f: {  	v3 =	vand.u32 $0x7, v3;
	v4 =	vand.u32 $0xFFFFFFC0, v12  }
0x150: {  	v3 =	vor.u32 v3, v4  }
0x151: {  	v4 =	vperm.xlane v3, v0;
	_ =	sdelay $0x1  }
0x152: {  	v4 =	vadd.s32 v1, v4;
	_ =	sdelay $0x4  }
0x153: {  	[tilespmem:s29], [sflag:$0x1] =	stream.indirect_vreg.gather [hbm4b:s4+s2], $0x80, v4, vm0, $0xb8;
	[tilespmem:$0x19000] =	vst v63  }
0x154: {  	s21 =	simm.s32 $0x1800;
	v3 =	vperm.xlane v3, v2  }
0x155: {  	[tilespmem:s21], [sflag:$0x1] =	stream.indirect_vreg.gather [hbm4b:s5+s2], $0x80, v4, vm0, $0xb8;
	[tilespmem:$0x19000] =	vst v63  }
0x156: {  	v3 =	vadd.s32 v1, v3;
	s21 =	simm.s32 $0x2000  }
0x157: {  	[tilespmem:s21], [sflag:$0x1] =	stream.indirect_vreg.gather [hbm4b:s6+s2], $0x80, v4, vm0, $0xb8;
	[tilespmem:$0x19000] =	vst v63  }
0x158: {  	s21 =	simm.s32 $0x2800  }
0x159: {  	[tilespmem:s21], [sflag:$0x1] =	stream.indirect_vreg.gather [hbm4b:s7+s2], $0x80, v4, vm0, $0xb8;
	[tilespmem:$0x19000] =	vst v63  }
0x15a: {  	s21 =	simm.s32 $0x3000  }
0x15b: {  	[tilespmem:s21], [sflag:$0x1] =	stream.indirect_vreg.gather [hbm4b:s4+s2], $0x80, v3, vm0, $0xb8;
	[tilespmem:$0x19000] =	vst v63  }
0x15c: {  	s21 =	simm.s32 $0x3800  }
0x15d: {  	[tilespmem:s21], [sflag:$0x1] =	stream.indirect_vreg.gather [hbm4b:s5+s2], $0x80, v3, vm0, $0xb8;
	[tilespmem:$0x19000] =	vst v63  }
0x15e: {  	s21 =	simm.s32 $0x4000  }
0x15f: {  	[tilespmem:s21], [sflag:$0x1] =	stream.indirect_vreg.gather [hbm4b:s6+s2], $0x80, v3, vm0, $0xb8;
	[tilespmem:$0x19000] =	vst v63  }
0x160: {  	s21 =	simm.s32 $0x4800  }
0x161: {  	[tilespmem:s21], [sflag:$0x1] =	stream.indirect_vreg.gather [hbm4b:s7+s2], $0x80, v3, vm0, $0xb8;
	[tilespmem:$0x19000] =	vst v63  }
0x162: {  	v3 =	vld [tilespmem:$0x310];
	_ =	sdelay $0x4  }
0x163: {  	v13 =	vshll.u32 v3, $0x3  }
0x164: {  	v3 =	vand.u32 $0x7, v3;
	v4 =	vand.u32 $0xFFFFFFC0, v13  }
0x165: {  	v3 =	vor.u32 v3, v4  }
0x166: {  	v4 =	vperm.xlane v3, v0;
	_ =	sdelay $0x1  }
0x167: {  	v4 =	vadd.s32 v1, v4;
	_ =	sdelay $0x3  }
0x168: {  	s21 =	simm.s32 $0x5000  }
0x169: {  	[tilespmem:s21], [sflag:$0x1] =	stream.indirect_vreg.gather [hbm4b:s4+s2], $0x80, v4, vm0, $0xb8;
	[tilespmem:$0x19000] =	vst v63  }
0x16a: {  	v3 =	vperm.xlane v3, v2;
	s21 =	simm.s32 $0x5800  }
0x16b: {  	[tilespmem:s21], [sflag:$0x1] =	stream.indirect_vreg.gather [hbm4b:s5+s2], $0x80, v4, vm0, $0xb8;
	[tilespmem:$0x19000] =	vst v63  }
0x16c: {  	v3 =	vadd.s32 v1, v3  }
0x16d: {  	[tilespmem:s30], [sflag:$0x1] =	stream.indirect_vreg.gather [hbm4b:s6+s2], $0x80, v4, vm0, $0xb8;
	[tilespmem:$0x19000] =	vst v63  }
0x16e: {  	_ = 	snop  }
0x16f: {  	[tilespmem:s1], [sflag:$0x1] =	stream.indirect_vreg.gather [hbm4b:s7+s2], $0x80, v4, vm0, $0xb8;
	[tilespmem:$0x19000] =	vst v63  }
0x170: {  	_ = 	snop  }
0x171: {  	[tilespmem:s3], [sflag:$0x1] =	stream.indirect_vreg.gather [hbm4b:s4+s2], $0x80, v3, vm0, $0xb8;
	[tilespmem:$0x19000] =	vst v63  }
0x172: {  	_ = 	snop  }
0x173: {  	[tilespmem:s8], [sflag:$0x1] =	stream.indirect_vreg.gather [hbm4b:s5+s2], $0x80, v3, vm0, $0xb8;
	[tilespmem:$0x19000] =	vst v63  }
0x174: {  	_ = 	snop  }
0x175: {  	[tilespmem:s9], [sflag:$0x1] =	stream.indirect_vreg.gather [hbm4b:s6+s2], $0x80, v3, vm0, $0xb8;
	[tilespmem:$0x19000] =	vst v63  }
0x176: {  	_ = 	snop  }
0x177: {  	[tilespmem:s18], [sflag:$0x1] =	stream.indirect_vreg.gather [hbm4b:s7+s2], $0x80, v3, vm0, $0xb8;
	[tilespmem:$0x19000] =	vst v63  }
0x178: {  	_ =	swait.ge [sflag:s19], $0x8000  }
0x179: {  	[sflag:s19] =	ssyncset.done $0x0  }
0x17a: {  	s1 =	rddreg [dreg:$0x7];
	[sflag:s19] =	ssyncadd.s32 $0xFFFF8000  }
0x17b: {  	[hbm4b:s1+s2] =	stream.linear.scatter [tilespmem:s26], [sflag:$0x2], $0x8000, $0x38;
	[tilespmem:$0x19000] =	vst v63  }
0x17c: {  	_ =	swait.ge [sflag:s20], $0x8000  }
0x17d: {  	[sflag:s20] =	ssyncset.done $0x0  }
0x17e: {  	[sflag:s20] =	ssyncadd.s32 $0xFFFF8000  }
0x17f: {  	v3 =	vld [tilespmem:$0x380];
	_ =	sdelay $0x4  }
0x180: {  	v14 =	vshll.u32 v3, $0x3  }
0x181: {  	v3 =	vand.u32 $0x7, v3;
	v4 =	vand.u32 $0xFFFFFFC0, v14  }
0x182: {  	v3 =	vor.u32 v3, v4  }
0x183: {  	v4 =	vperm.xlane v3, v0;
	_ =	sdelay $0x1  }
0x184: {  	v4 =	vadd.s32 v1, v4;
	_ =	sdelay $0x4  }
0x185: {  	[tilespmem:s26], [sflag:$0x1] =	stream.indirect_vreg.gather [hbm4b:s4+s2], $0x80, v4, vm0, $0xb8;
	[tilespmem:$0x19000] =	vst v63  }
0x186: {  	s21 =	simm.s32 $0x9800;
	v3 =	vperm.xlane v3, v2  }
0x187: {  	[tilespmem:s21], [sflag:$0x1] =	stream.indirect_vreg.gather [hbm4b:s5+s2], $0x80, v4, vm0, $0xb8;
	[tilespmem:$0x19000] =	vst v63  }
0x188: {  	v3 =	vadd.s32 v1, v3  }
0x189: {  	[tilespmem:s0], [sflag:$0x1] =	stream.indirect_vreg.gather [hbm4b:s6+s2], $0x80, v4, vm0, $0xb8;
	[tilespmem:$0x19000] =	vst v63  }
0x18a: {  	s21 =	simm.s32 $0xA800  }
0x18b: {  	[tilespmem:s21], [sflag:$0x1] =	stream.indirect_vreg.gather [hbm4b:s7+s2], $0x80, v4, vm0, $0xb8;
	[tilespmem:$0x19000] =	vst v63  }
0x18c: {  	s21 =	simm.s32 $0xB000  }
0x18d: {  	[tilespmem:s21], [sflag:$0x1] =	stream.indirect_vreg.gather [hbm4b:s4+s2], $0x80, v3, vm0, $0xb8;
	[tilespmem:$0x19000] =	vst v63  }
0x18e: {  	s21 =	simm.s32 $0xB800  }
0x18f: {  	[tilespmem:s21], [sflag:$0x1] =	stream.indirect_vreg.gather [hbm4b:s5+s2], $0x80, v3, vm0, $0xb8;
	[tilespmem:$0x19000] =	vst v63  }
0x190: {  	s21 =	simm.s32 $0xC000  }
0x191: {  	[tilespmem:s21], [sflag:$0x1] =	stream.indirect_vreg.gather [hbm4b:s6+s2], $0x80, v3, vm0, $0xb8;
	[tilespmem:$0x19000] =	vst v63  }
0x192: {  	s21 =	simm.s32 $0xC800  }
0x193: {  	[tilespmem:s21], [sflag:$0x1] =	stream.indirect_vreg.gather [hbm4b:s7+s2], $0x80, v3, vm0, $0xb8;
	[tilespmem:$0x19000] =	vst v63  }
0x194: {  	v3 =	vld [tilespmem:$0x390];
	_ =	sdelay $0x4  }
0x195: {  	v15 =	vshll.u32 v3, $0x3  }
0x196: {  	v3 =	vand.u32 $0x7, v3;
	v4 =	vand.u32 $0xFFFFFFC0, v15  }
0x197: {  	v3 =	vor.u32 v3, v4  }
0x198: {  	v4 =	vperm.xlane v3, v0;
	_ =	sdelay $0x1  }
0x199: {  	v4 =	vadd.s32 v1, v4;
	_ =	sdelay $0x3  }
0x19a: {  	s21 =	simm.s32 $0xD000  }
0x19b: {  	[tilespmem:s21], [sflag:$0x1] =	stream.indirect_vreg.gather [hbm4b:s4+s2], $0x80, v4, vm0, $0xb8;
	[tilespmem:$0x19000] =	vst v63  }
0x19c: {  	v3 =	vperm.xlane v3, v2;
	s21 =	simm.s32 $0xD800  }
0x19d: {  	[tilespmem:s21], [sflag:$0x1] =	stream.indirect_vreg.gather [hbm4b:s5+s2], $0x80, v4, vm0, $0xb8;
	[tilespmem:$0x19000] =	vst v63  }
0x19e: {  	v3 =	vadd.s32 v1, v3;
	s21 =	simm.s32 $0xE000  }
0x19f: {  	[tilespmem:s21], [sflag:$0x1] =	stream.indirect_vreg.gather [hbm4b:s6+s2], $0x80, v4, vm0, $0xb8;
	[tilespmem:$0x19000] =	vst v63  }
0x1a0: {  	s21 =	simm.s32 $0xE800  }
0x1a1: {  	[tilespmem:s21], [sflag:$0x1] =	stream.indirect_vreg.gather [hbm4b:s7+s2], $0x80, v4, vm0, $0xb8;
	[tilespmem:$0x19000] =	vst v63  }
0x1a2: {  	s21 =	simm.s32 $0xF000  }
0x1a3: {  	[tilespmem:s21], [sflag:$0x1] =	stream.indirect_vreg.gather [hbm4b:s4+s2], $0x80, v3, vm0, $0xb8;
	[tilespmem:$0x19000] =	vst v63  }
0x1a4: {  	s21 =	simm.s32 $0xF800  }
0x1a5: {  	[tilespmem:s21], [sflag:$0x1] =	stream.indirect_vreg.gather [hbm4b:s5+s2], $0x80, v3, vm0, $0xb8;
	[tilespmem:$0x19000] =	vst v63  }
0x1a6: {  	s21 =	simm.s32 $0x10000  }
0x1a7: {  	[tilespmem:s21], [sflag:$0x1] =	stream.indirect_vreg.gather [hbm4b:s6+s2], $0x80, v3, vm0, $0xb8;
	[tilespmem:$0x19000] =	vst v63  }
0x1a8: {  	s21 =	simm.s32 $0x10800  }
0x1a9: {  	[tilespmem:s21], [sflag:$0x1] =	stream.indirect_vreg.gather [hbm4b:s7+s2], $0x80, v3, vm0, $0xb8;
	[tilespmem:$0x19000] =	vst v63  }
0x1aa: {  	s0 =	sld [smem:$0x7F9];
	_ =	swait.ge [sflag:s19], $0x8000  }
0x1ab: {  	[sflag:s19] =	ssyncset.done $0x0  }
0x1ac: {  	s21 =	rddreg [dreg:$0x8];
	[sflag:s19] =	ssyncadd.s32 $0xFFFF8000  }
0x1ad: {  	[hbm4b:s21+s2] =	stream.linear.scatter [tilespmem:s10], [sflag:$0x2], $0x8000, $0x38;
	[tilespmem:$0x19000] =	vst v63  }
0x1ae: {  	_ =	swait.ge [sflag:s20], $0x8000  }
0x1af: {  	[sflag:s20] =	ssyncset.done $0x0  }
0x1b0: {  	[sflag:s20] =	ssyncadd.s32 $0xFFFF8000  }
0x1b1: {  	v3 =	vld [tilespmem:$0x400];
	_ =	sdelay $0x4  }
0x1b2: {  	v16 =	vshll.u32 v3, $0x3  }
0x1b3: {  	v3 =	vand.u32 $0x7, v3;
	v4 =	vand.u32 $0xFFFFFFC0, v16  }
0x1b4: {  	v3 =	vor.u32 v3, v4  }
0x1b5: {  	v4 =	vperm.xlane v3, v0;
	_ =	sdelay $0x1  }
0x1b6: {  	v4 =	vadd.s32 v1, v4;
	_ =	sdelay $0x4  }
0x1b7: {  	[tilespmem:s10], [sflag:$0x1] =	stream.indirect_vreg.gather [hbm4b:s4+s2], $0x80, v4, vm0, $0xb8;
	[tilespmem:$0x19000] =	vst v63  }
0x1b8: {  	s21 =	simm.s32 $0x11800;
	v3 =	vperm.xlane v3, v2  }
0x1b9: {  	[tilespmem:s21], [sflag:$0x1] =	stream.indirect_vreg.gather [hbm4b:s5+s2], $0x80, v4, vm0, $0xb8;
	[tilespmem:$0x19000] =	vst v63  }
0x1ba: {  	v3 =	vadd.s32 v1, v3  }
0x1bb: {  	[tilespmem:s11], [sflag:$0x1] =	stream.indirect_vreg.gather [hbm4b:s6+s2], $0x80, v4, vm0, $0xb8;
	[tilespmem:$0x19000] =	vst v63  }
0x1bc: {  	_ = 	snop  }
0x1bd: {  	[tilespmem:s12], [sflag:$0x1] =	stream.indirect_vreg.gather [hbm4b:s7+s2], $0x80, v4, vm0, $0xb8;
	[tilespmem:$0x19000] =	vst v63  }
0x1be: {  	_ = 	snop  }
0x1bf: {  	[tilespmem:s13], [sflag:$0x1] =	stream.indirect_vreg.gather [hbm4b:s4+s2], $0x80, v3, vm0, $0xb8;
	[tilespmem:$0x19000] =	vst v63  }
0x1c0: {  	_ = 	snop  }
0x1c1: {  	[tilespmem:s14], [sflag:$0x1] =	stream.indirect_vreg.gather [hbm4b:s5+s2], $0x80, v3, vm0, $0xb8;
	[tilespmem:$0x19000] =	vst v63  }
0x1c2: {  	_ = 	snop  }
0x1c3: {  	[tilespmem:s15], [sflag:$0x1] =	stream.indirect_vreg.gather [hbm4b:s6+s2], $0x80, v3, vm0, $0xb8;
	[tilespmem:$0x19000] =	vst v63  }
0x1c4: {  	_ = 	snop  }
0x1c5: {  	[tilespmem:s24], [sflag:$0x1] =	stream.indirect_vreg.gather [hbm4b:s7+s2], $0x80, v3, vm0, $0xb8;
	[tilespmem:$0x19000] =	vst v63  }
0x1c6: {  	v3 =	vld [tilespmem:$0x410];
	_ =	sdelay $0x4  }
0x1c7: {  	v17 =	vshll.u32 v3, $0x3  }
0x1c8: {  	v3 =	vand.u32 $0x7, v3;
	v4 =	vand.u32 $0xFFFFFFC0, v17  }
0x1c9: {  	v3 =	vor.u32 v3, v4  }
0x1ca: {  	v4 =	vperm.xlane v3, v0;
	_ =	sdelay $0x1  }
0x1cb: {  	v4 =	vadd.s32 v1, v4;
	_ =	sdelay $0x4  }
0x1cc: {  	[tilespmem:s25], [sflag:$0x1] =	stream.indirect_vreg.gather [hbm4b:s4+s2], $0x80, v4, vm0, $0xb8;
	[tilespmem:$0x19000] =	vst v63  }
0x1cd: {  	v3 =	vperm.xlane v3, v2  }
0x1ce: {  	[tilespmem:s28], [sflag:$0x1] =	stream.indirect_vreg.gather [hbm4b:s5+s2], $0x80, v4, vm0, $0xb8;
	[tilespmem:$0x19000] =	vst v63  }
0x1cf: {  	v3 =	vadd.s32 v1, v3  }
0x1d0: {  	[tilespmem:s16], [sflag:$0x1] =	stream.indirect_vreg.gather [hbm4b:s6+s2], $0x80, v4, vm0, $0xb8;
	[tilespmem:$0x19000] =	vst v63  }
0x1d1: {  	_ = 	snop  }
0x1d2: {  	[tilespmem:s17], [sflag:$0x1] =	stream.indirect_vreg.gather [hbm4b:s7+s2], $0x80, v4, vm0, $0xb8;
	[tilespmem:$0x19000] =	vst v63  }
0x1d3: {  	_ = 	snop  }
0x1d4: {  	[tilespmem:s22], [sflag:$0x1] =	stream.indirect_vreg.gather [hbm4b:s4+s2], $0x80, v3, vm0, $0xb8;
	[tilespmem:$0x19000] =	vst v63  }
0x1d5: {  	_ = 	snop  }
0x1d6: {  	[tilespmem:s23], [sflag:$0x1] =	stream.indirect_vreg.gather [hbm4b:s5+s2], $0x80, v3, vm0, $0xb8;
	[tilespmem:$0x19000] =	vst v63  }
0x1d7: {  	_ = 	snop  }
0x1d8: {  	[tilespmem:s31], [sflag:$0x1] =	stream.indirect_vreg.gather [hbm4b:s6+s2], $0x80, v3, vm0, $0xb8;
	[tilespmem:$0x19000] =	vst v63  }
0x1d9: {  	s31 =	simm.s32 $0x18800  }
0x1da: {  	[tilespmem:s31], [sflag:$0x1] =	stream.indirect_vreg.gather [hbm4b:s7+s2], $0x80, v3, vm0, $0xb8;
	[tilespmem:$0x19000] =	vst v63  }
0x1db: {  	_ =	swait.ge [sflag:s19], $0x8000  }
0x1dc: {  	[sflag:s19] =	ssyncset.done $0x0  }
0x1dd: {  	s31 =	rddreg [dreg:$0x9];
	[sflag:s19] =	ssyncadd.s32 $0xFFFF8000  }
0x1de: {  	[hbm4b:s31+s2] =	stream.linear.scatter [tilespmem:s29], [sflag:$0x2], $0x8000, $0x38;
	[tilespmem:$0x19000] =	vst v63  }
0x1df: {  	_ =	swait.ge [sflag:s20], $0x8000  }
0x1e0: {  	[sflag:s20] =	ssyncset.done $0x0  }
0x1e1: {  	[sflag:s20] =	ssyncadd.s32 $0xFFFF8000  }
0x1e2: {  	v3 =	vld [tilespmem:$0x480];
	_ =	sdelay $0x4  }
0x1e3: {  	v18 =	vshll.u32 v3, $0x3  }
0x1e4: {  	v3 =	vand.u32 $0x7, v3;
	v4 =	vand.u32 $0xFFFFFFC0, v18  }
0x1e5: {  	v3 =	vor.u32 v3, v4  }
0x1e6: {  	v4 =	vperm.xlane v3, v0;
	_ =	sdelay $0x1  }
0x1e7: {  	v4 =	vadd.s32 v1, v4;
	_ =	sdelay $0x4  }
0x1e8: {  	[tilespmem:s29], [sflag:$0x1] =	stream.indirect_vreg.gather [hbm4b:s4+s2], $0x80, v4, vm0, $0xb8;
	[tilespmem:$0x19000] =	vst v63  }
0x1e9: {  	s31 =	simm.s32 $0x1800;
	v3 =	vperm.xlane v3, v2  }
0x1ea: {  	[tilespmem:s31], [sflag:$0x1] =	stream.indirect_vreg.gather [hbm4b:s5+s2], $0x80, v4, vm0, $0xb8;
	[tilespmem:$0x19000] =	vst v63  }
0x1eb: {  	v3 =	vadd.s32 v1, v3;
	s31 =	simm.s32 $0x2000  }
0x1ec: {  	[tilespmem:s31], [sflag:$0x1] =	stream.indirect_vreg.gather [hbm4b:s6+s2], $0x80, v4, vm0, $0xb8;
	[tilespmem:$0x19000] =	vst v63  }
0x1ed: {  	s31 =	simm.s32 $0x2800  }
0x1ee: {  	[tilespmem:s31], [sflag:$0x1] =	stream.indirect_vreg.gather [hbm4b:s7+s2], $0x80, v4, vm0, $0xb8;
	[tilespmem:$0x19000] =	vst v63  }
0x1ef: {  	s31 =	simm.s32 $0x3000  }
0x1f0: {  	[tilespmem:s31], [sflag:$0x1] =	stream.indirect_vreg.gather [hbm4b:s4+s2], $0x80, v3, vm0, $0xb8;
	[tilespmem:$0x19000] =	vst v63  }
0x1f1: {  	s31 =	simm.s32 $0x3800  }
0x1f2: {  	[tilespmem:s31], [sflag:$0x1] =	stream.indirect_vreg.gather [hbm4b:s5+s2], $0x80, v3, vm0, $0xb8;
	[tilespmem:$0x19000] =	vst v63  }
0x1f3: {  	s31 =	simm.s32 $0x4000  }
0x1f4: {  	[tilespmem:s31], [sflag:$0x1] =	stream.indirect_vreg.gather [hbm4b:s6+s2], $0x80, v3, vm0, $0xb8;
	[tilespmem:$0x19000] =	vst v63  }
0x1f5: {  	s31 =	simm.s32 $0x4800  }
0x1f6: {  	[tilespmem:s31], [sflag:$0x1] =	stream.indirect_vreg.gather [hbm4b:s7+s2], $0x80, v3, vm0, $0xb8;
	[tilespmem:$0x19000] =	vst v63  }
0x1f7: {  	v3 =	vld [tilespmem:$0x490];
	_ =	sdelay $0x4  }
0x1f8: {  	v19 =	vshll.u32 v3, $0x3  }
0x1f9: {  	v3 =	vand.u32 $0x7, v3;
	v4 =	vand.u32 $0xFFFFFFC0, v19  }
0x1fa: {  	v3 =	vor.u32 v3, v4  }
0x1fb: {  	v4 =	vperm.xlane v3, v0;
	_ =	sdelay $0x1  }
0x1fc: {  	v4 =	vadd.s32 v1, v4;
	_ =	sdelay $0x3  }
0x1fd: {  	s31 =	simm.s32 $0x5000  }
0x1fe: {  	[tilespmem:s31], [sflag:$0x1] =	stream.indirect_vreg.gather [hbm4b:s4+s2], $0x80, v4, vm0, $0xb8;
	[tilespmem:$0x19000] =	vst v63  }
0x1ff: {  	v3 =	vperm.xlane v3, v2;
	s31 =	simm.s32 $0x5800  }
0x200: {  	[tilespmem:s31], [sflag:$0x1] =	stream.indirect_vreg.gather [hbm4b:s5+s2], $0x80, v4, vm0, $0xb8;
	[tilespmem:$0x19000] =	vst v63  }
0x201: {  	s30 =	simm.s32 $0x6000;
	v3 =	vadd.s32 v1, v3  }
0x202: {  	[tilespmem:s30], [sflag:$0x1] =	stream.indirect_vreg.gather [hbm4b:s6+s2], $0x80, v4, vm0, $0xb8;
	[tilespmem:$0x19000] =	vst v63  }
0x203: {  	s31 =	simm.s32 $0x6800  }
0x204: {  	[tilespmem:s31], [sflag:$0x1] =	stream.indirect_vreg.gather [hbm4b:s7+s2], $0x80, v4, vm0, $0xb8;
	[tilespmem:$0x19000] =	vst v63  }
0x205: {  	s3 =	simm.s32 $0x7000  }
0x206: {  	[tilespmem:s3], [sflag:$0x1] =	stream.indirect_vreg.gather [hbm4b:s4+s2], $0x80, v3, vm0, $0xb8;
	[tilespmem:$0x19000] =	vst v63  }
0x207: {  	s8 =	simm.s32 $0x7800  }
0x208: {  	[tilespmem:s8], [sflag:$0x1] =	stream.indirect_vreg.gather [hbm4b:s5+s2], $0x80, v3, vm0, $0xb8;
	[tilespmem:$0x19000] =	vst v63  }
0x209: {  	s9 =	simm.s32 $0x8000  }
0x20a: {  	[tilespmem:s9], [sflag:$0x1] =	stream.indirect_vreg.gather [hbm4b:s6+s2], $0x80, v3, vm0, $0xb8;
	[tilespmem:$0x19000] =	vst v63  }
0x20b: {  	s18 =	simm.s32 $0x8800  }
0x20c: {  	[tilespmem:s18], [sflag:$0x1] =	stream.indirect_vreg.gather [hbm4b:s7+s2], $0x80, v3, vm0, $0xb8;
	[tilespmem:$0x19000] =	vst v63  }
0x20d: {  	_ =	swait.ge [sflag:s19], $0x8000  }
0x20e: {  	[sflag:s19] =	ssyncset.done $0x0  }
0x20f: {  	s21 =	rddreg [dreg:$0xa];
	[sflag:s19] =	ssyncadd.s32 $0xFFFF8000  }
0x210: {  	[hbm4b:s21+s2] =	stream.linear.scatter [tilespmem:s26], [sflag:$0x2], $0x8000, $0x38;
	[tilespmem:$0x19000] =	vst v63  }
0x211: {  	_ =	swait.ge [sflag:s20], $0x8000  }
0x212: {  	[sflag:s20] =	ssyncset.done $0x0  }
0x213: {  	[sflag:s20] =	ssyncadd.s32 $0xFFFF8000  }
0x214: {  	v3 =	vld [tilespmem:$0x500];
	_ =	sdelay $0x4  }
0x215: {  	v20 =	vshll.u32 v3, $0x3  }
0x216: {  	v3 =	vand.u32 $0x7, v3;
	v4 =	vand.u32 $0xFFFFFFC0, v20  }
0x217: {  	v3 =	vor.u32 v3, v4  }
0x218: {  	v4 =	vperm.xlane v3, v0;
	_ =	sdelay $0x1  }
0x219: {  	v4 =	vadd.s32 v1, v4;
	_ =	sdelay $0x4  }
0x21a: {  	[tilespmem:s26], [sflag:$0x1] =	stream.indirect_vreg.gather [hbm4b:s4+s2], $0x80, v4, vm0, $0xb8;
	[tilespmem:$0x19000] =	vst v63  }
0x21b: {  	s21 =	simm.s32 $0x9800;
	v3 =	vperm.xlane v3, v2  }
0x21c: {  	[tilespmem:s21], [sflag:$0x1] =	stream.indirect_vreg.gather [hbm4b:s5+s2], $0x80, v4, vm0, $0xb8;
	[tilespmem:$0x19000] =	vst v63  }
0x21d: {  	s1 =	simm.s32 $0xA000;
	v3 =	vadd.s32 v1, v3  }
0x21e: {  	[tilespmem:s1], [sflag:$0x1] =	stream.indirect_vreg.gather [hbm4b:s6+s2], $0x80, v4, vm0, $0xb8;
	[tilespmem:$0x19000] =	vst v63  }
0x21f: {  	s21 =	simm.s32 $0xA800  }
0x220: {  	[tilespmem:s21], [sflag:$0x1] =	stream.indirect_vreg.gather [hbm4b:s7+s2], $0x80, v4, vm0, $0xb8;
	[tilespmem:$0x19000] =	vst v63  }
0x221: {  	s21 =	simm.s32 $0xB000  }
0x222: {  	[tilespmem:s21], [sflag:$0x1] =	stream.indirect_vreg.gather [hbm4b:s4+s2], $0x80, v3, vm0, $0xb8;
	[tilespmem:$0x19000] =	vst v63  }
0x223: {  	s21 =	simm.s32 $0xB800  }
0x224: {  	[tilespmem:s21], [sflag:$0x1] =	stream.indirect_vreg.gather [hbm4b:s5+s2], $0x80, v3, vm0, $0xb8;
	[tilespmem:$0x19000] =	vst v63  }
0x225: {  	s21 =	simm.s32 $0xC000  }
0x226: {  	[tilespmem:s21], [sflag:$0x1] =	stream.indirect_vreg.gather [hbm4b:s6+s2], $0x80, v3, vm0, $0xb8;
	[tilespmem:$0x19000] =	vst v63  }
0x227: {  	s21 =	simm.s32 $0xC800  }
0x228: {  	[tilespmem:s21], [sflag:$0x1] =	stream.indirect_vreg.gather [hbm4b:s7+s2], $0x80, v3, vm0, $0xb8;
	[tilespmem:$0x19000] =	vst v63  }
0x229: {  	v3 =	vld [tilespmem:$0x510];
	_ =	sdelay $0x4  }
0x22a: {  	v21 =	vshll.u32 v3, $0x3  }
0x22b: {  	v3 =	vand.u32 $0x7, v3;
	v4 =	vand.u32 $0xFFFFFFC0, v21  }
0x22c: {  	v3 =	vor.u32 v3, v4  }
0x22d: {  	v4 =	vperm.xlane v3, v0;
	_ =	sdelay $0x1  }
0x22e: {  	v4 =	vadd.s32 v1, v4;
	_ =	sdelay $0x3  }
0x22f: {  	s21 =	simm.s32 $0xD000  }
0x230: {  	[tilespmem:s21], [sflag:$0x1] =	stream.indirect_vreg.gather [hbm4b:s4+s2], $0x80, v4, vm0, $0xb8;
	[tilespmem:$0x19000] =	vst v63  }
0x231: {  	v3 =	vperm.xlane v3, v2;
	s21 =	simm.s32 $0xD800  }
0x232: {  	[tilespmem:s21], [sflag:$0x1] =	stream.indirect_vreg.gather [hbm4b:s5+s2], $0x80, v4, vm0, $0xb8;
	[tilespmem:$0x19000] =	vst v63  }
0x233: {  	v3 =	vadd.s32 v1, v3;
	s21 =	simm.s32 $0xE000  }
0x234: {  	[tilespmem:s21], [sflag:$0x1] =	stream.indirect_vreg.gather [hbm4b:s6+s2], $0x80, v4, vm0, $0xb8;
	[tilespmem:$0x19000] =	vst v63  }
0x235: {  	s21 =	simm.s32 $0xE800  }
0x236: {  	[tilespmem:s21], [sflag:$0x1] =	stream.indirect_vreg.gather [hbm4b:s7+s2], $0x80, v4, vm0, $0xb8;
	[tilespmem:$0x19000] =	vst v63  }
0x237: {  	s21 =	simm.s32 $0xF000  }
0x238: {  	[tilespmem:s21], [sflag:$0x1] =	stream.indirect_vreg.gather [hbm4b:s4+s2], $0x80, v3, vm0, $0xb8;
	[tilespmem:$0x19000] =	vst v63  }
0x239: {  	s21 =	simm.s32 $0xF800  }
0x23a: {  	[tilespmem:s21], [sflag:$0x1] =	stream.indirect_vreg.gather [hbm4b:s5+s2], $0x80, v3, vm0, $0xb8;
	[tilespmem:$0x19000] =	vst v63  }
0x23b: {  	s21 =	simm.s32 $0x10000  }
0x23c: {  	[tilespmem:s21], [sflag:$0x1] =	stream.indirect_vreg.gather [hbm4b:s6+s2], $0x80, v3, vm0, $0xb8;
	[tilespmem:$0x19000] =	vst v63  }
0x23d: {  	s21 =	simm.s32 $0x10800  }
0x23e: {  	[tilespmem:s21], [sflag:$0x1] =	stream.indirect_vreg.gather [hbm4b:s7+s2], $0x80, v3, vm0, $0xb8;
	[tilespmem:$0x19000] =	vst v63  }
0x23f: {  	_ =	swait.ge [sflag:s19], $0x8000  }
0x240: {  	[sflag:s19] =	ssyncset.done $0x0  }
0x241: {  	s21 =	rddreg [dreg:$0xb];
	[sflag:s19] =	ssyncadd.s32 $0xFFFF8000  }
0x242: {  	[hbm4b:s21+s2] =	stream.linear.scatter [tilespmem:s10], [sflag:$0x2], $0x8000, $0x38;
	[tilespmem:$0x19000] =	vst v63  }
0x243: {  	_ =	swait.ge [sflag:s20], $0x8000  }
0x244: {  	[sflag:s20] =	ssyncset.done $0x0  }
0x245: {  	[sflag:s20] =	ssyncadd.s32 $0xFFFF8000  }
0x246: {  	v3 =	vld [tilespmem:$0x580];
	_ =	sdelay $0x4  }
0x247: {  	v22 =	vshll.u32 v3, $0x3  }
0x248: {  	v3 =	vand.u32 $0x7, v3;
	v4 =	vand.u32 $0xFFFFFFC0, v22  }
0x249: {  	v3 =	vor.u32 v3, v4  }
0x24a: {  	v4 =	vperm.xlane v3, v0;
	_ =	sdelay $0x1  }
0x24b: {  	v4 =	vadd.s32 v1, v4;
	_ =	sdelay $0x4  }
0x24c: {  	[tilespmem:s10], [sflag:$0x1] =	stream.indirect_vreg.gather [hbm4b:s4+s2], $0x80, v4, vm0, $0xb8;
	[tilespmem:$0x19000] =	vst v63  }
0x24d: {  	s21 =	simm.s32 $0x11800;
	v3 =	vperm.xlane v3, v2  }
0x24e: {  	[tilespmem:s21], [sflag:$0x1] =	stream.indirect_vreg.gather [hbm4b:s5+s2], $0x80, v4, vm0, $0xb8;
	[tilespmem:$0x19000] =	vst v63  }
0x24f: {  	s11 =	simm.s32 $0x12000;
	v3 =	vadd.s32 v1, v3  }
0x250: {  	[tilespmem:s11], [sflag:$0x1] =	stream.indirect_vreg.gather [hbm4b:s6+s2], $0x80, v4, vm0, $0xb8;
	[tilespmem:$0x19000] =	vst v63  }
0x251: {  	s12 =	simm.s32 $0x12800  }
0x252: {  	[tilespmem:s12], [sflag:$0x1] =	stream.indirect_vreg.gather [hbm4b:s7+s2], $0x80, v4, vm0, $0xb8;
	[tilespmem:$0x19000] =	vst v63  }
0x253: {  	s13 =	simm.s32 $0x13000  }
0x254: {  	[tilespmem:s13], [sflag:$0x1] =	stream.indirect_vreg.gather [hbm4b:s4+s2], $0x80, v3, vm0, $0xb8;
	[tilespmem:$0x19000] =	vst v63  }
0x255: {  	s14 =	simm.s32 $0x13800  }
0x256: {  	[tilespmem:s14], [sflag:$0x1] =	stream.indirect_vreg.gather [hbm4b:s5+s2], $0x80, v3, vm0, $0xb8;
	[tilespmem:$0x19000] =	vst v63  }
0x257: {  	s15 =	simm.s32 $0x14000  }
0x258: {  	[tilespmem:s15], [sflag:$0x1] =	stream.indirect_vreg.gather [hbm4b:s6+s2], $0x80, v3, vm0, $0xb8;
	[tilespmem:$0x19000] =	vst v63  }
0x259: {  	s21 =	simm.s32 $0x14800  }
0x25a: {  	[tilespmem:s21], [sflag:$0x1] =	stream.indirect_vreg.gather [hbm4b:s7+s2], $0x80, v3, vm0, $0xb8;
	[tilespmem:$0x19000] =	vst v63  }
0x25b: {  	v3 =	vld [tilespmem:$0x590];
	_ =	sdelay $0x4  }
0x25c: {  	v23 =	vshll.u32 v3, $0x3  }
0x25d: {  	v3 =	vand.u32 $0x7, v3;
	v4 =	vand.u32 $0xFFFFFFC0, v23  }
0x25e: {  	v3 =	vor.u32 v3, v4  }
0x25f: {  	v4 =	vperm.xlane v3, v0;
	_ =	sdelay $0x1  }
0x260: {  	v4 =	vadd.s32 v1, v4;
	_ =	sdelay $0x3  }
0x261: {  	s25 =	simm.s32 $0x15000  }
0x262: {  	[tilespmem:s25], [sflag:$0x1] =	stream.indirect_vreg.gather [hbm4b:s4+s2], $0x80, v4, vm0, $0xb8;
	[tilespmem:$0x19000] =	vst v63  }
0x263: {  	s28 =	simm.s32 $0x15800;
	v3 =	vperm.xlane v3, v2  }
0x264: {  	[tilespmem:s28], [sflag:$0x1] =	stream.indirect_vreg.gather [hbm4b:s5+s2], $0x80, v4, vm0, $0xb8;
	[tilespmem:$0x19000] =	vst v63  }
0x265: {  	s16 =	simm.s32 $0x16000;
	v3 =	vadd.s32 v1, v3  }
0x266: {  	[tilespmem:s16], [sflag:$0x1] =	stream.indirect_vreg.gather [hbm4b:s6+s2], $0x80, v4, vm0, $0xb8;
	[tilespmem:$0x19000] =	vst v63  }
0x267: {  	s17 =	simm.s32 $0x16800  }
0x268: {  	[tilespmem:s17], [sflag:$0x1] =	stream.indirect_vreg.gather [hbm4b:s7+s2], $0x80, v4, vm0, $0xb8;
	[tilespmem:$0x19000] =	vst v63  }
0x269: {  	s22 =	simm.s32 $0x17000  }
0x26a: {  	[tilespmem:s22], [sflag:$0x1] =	stream.indirect_vreg.gather [hbm4b:s4+s2], $0x80, v3, vm0, $0xb8;
	[tilespmem:$0x19000] =	vst v63  }
0x26b: {  	s23 =	simm.s32 $0x17800  }
0x26c: {  	[tilespmem:s23], [sflag:$0x1] =	stream.indirect_vreg.gather [hbm4b:s5+s2], $0x80, v3, vm0, $0xb8;
	[tilespmem:$0x19000] =	vst v63  }
0x26d: {  	s24 =	simm.s32 $0x18000  }
0x26e: {  	[tilespmem:s24], [sflag:$0x1] =	stream.indirect_vreg.gather [hbm4b:s6+s2], $0x80, v3, vm0, $0xb8;
	[tilespmem:$0x19000] =	vst v63  }
0x26f: {  	s21 =	simm.s32 $0x18800  }
0x270: {  	[tilespmem:s21], [sflag:$0x1] =	stream.indirect_vreg.gather [hbm4b:s7+s2], $0x80, v3, vm0, $0xb8;
	[tilespmem:$0x19000] =	vst v63  }
0x271: {  	_ =	swait.ge [sflag:s19], $0x8000  }
0x272: {  	[sflag:s19] =	ssyncset.done $0x0  }
0x273: {  	s21 =	rddreg [dreg:$0xc];
	[sflag:s19] =	ssyncadd.s32 $0xFFFF8000  }
0x274: {  	[hbm4b:s21+s2] =	stream.linear.scatter [tilespmem:s29], [sflag:$0x2], $0x8000, $0x38;
	[tilespmem:$0x19000] =	vst v63  }
0x275: {  	_ =	swait.ge [sflag:s20], $0x8000  }
0x276: {  	[sflag:s20] =	ssyncset.done $0x0  }
0x277: {  	[sflag:s20] =	ssyncadd.s32 $0xFFFF8000  }
0x278: {  	v3 =	vld [tilespmem:$0x600];
	_ =	sdelay $0x4  }
0x279: {  	v24 =	vshll.u32 v3, $0x3  }
0x27a: {  	v3 =	vand.u32 $0x7, v3;
	v4 =	vand.u32 $0xFFFFFFC0, v24  }
0x27b: {  	v3 =	vor.u32 v3, v4  }
0x27c: {  	v4 =	vperm.xlane v3, v0;
	_ =	sdelay $0x1  }
0x27d: {  	v4 =	vadd.s32 v1, v4;
	_ =	sdelay $0x4  }
0x27e: {  	[tilespmem:s29], [sflag:$0x1] =	stream.indirect_vreg.gather [hbm4b:s4+s2], $0x80, v4, vm0, $0xb8;
	[tilespmem:$0x19000] =	vst v63  }
0x27f: {  	s21 =	simm.s32 $0x1800;
	v3 =	vperm.xlane v3, v2  }
0x280: {  	[tilespmem:s21], [sflag:$0x1] =	stream.indirect_vreg.gather [hbm4b:s5+s2], $0x80, v4, vm0, $0xb8;
	[tilespmem:$0x19000] =	vst v63  }
0x281: {  	v3 =	vadd.s32 v1, v3;
	s21 =	simm.s32 $0x2000  }
0x282: {  	[tilespmem:s21], [sflag:$0x1] =	stream.indirect_vreg.gather [hbm4b:s6+s2], $0x80, v4, vm0, $0xb8;
	[tilespmem:$0x19000] =	vst v63  }
0x283: {  	s21 =	simm.s32 $0x2800  }
0x284: {  	[tilespmem:s21], [sflag:$0x1] =	stream.indirect_vreg.gather [hbm4b:s7+s2], $0x80, v4, vm0, $0xb8;
	[tilespmem:$0x19000] =	vst v63  }
0x285: {  	s21 =	simm.s32 $0x3000  }
0x286: {  	[tilespmem:s21], [sflag:$0x1] =	stream.indirect_vreg.gather [hbm4b:s4+s2], $0x80, v3, vm0, $0xb8;
	[tilespmem:$0x19000] =	vst v63  }
0x287: {  	s21 =	simm.s32 $0x3800  }
0x288: {  	[tilespmem:s21], [sflag:$0x1] =	stream.indirect_vreg.gather [hbm4b:s5+s2], $0x80, v3, vm0, $0xb8;
	[tilespmem:$0x19000] =	vst v63  }
0x289: {  	s21 =	simm.s32 $0x4000  }
0x28a: {  	[tilespmem:s21], [sflag:$0x1] =	stream.indirect_vreg.gather [hbm4b:s6+s2], $0x80, v3, vm0, $0xb8;
	[tilespmem:$0x19000] =	vst v63  }
0x28b: {  	s21 =	simm.s32 $0x4800  }
0x28c: {  	[tilespmem:s21], [sflag:$0x1] =	stream.indirect_vreg.gather [hbm4b:s7+s2], $0x80, v3, vm0, $0xb8;
	[tilespmem:$0x19000] =	vst v63  }
0x28d: {  	v3 =	vld [tilespmem:$0x610];
	_ =	sdelay $0x4  }
0x28e: {  	v25 =	vshll.u32 v3, $0x3  }
0x28f: {  	v3 =	vand.u32 $0x7, v3;
	v4 =	vand.u32 $0xFFFFFFC0, v25  }
0x290: {  	v3 =	vor.u32 v3, v4  }
0x291: {  	v4 =	vperm.xlane v3, v0;
	_ =	sdelay $0x1  }
0x292: {  	v4 =	vadd.s32 v1, v4;
	_ =	sdelay $0x3  }
0x293: {  	s21 =	simm.s32 $0x5000  }
0x294: {  	[tilespmem:s21], [sflag:$0x1] =	stream.indirect_vreg.gather [hbm4b:s4+s2], $0x80, v4, vm0, $0xb8;
	[tilespmem:$0x19000] =	vst v63  }
0x295: {  	v3 =	vperm.xlane v3, v2;
	s21 =	simm.s32 $0x5800  }
0x296: {  	[tilespmem:s21], [sflag:$0x1] =	stream.indirect_vreg.gather [hbm4b:s5+s2], $0x80, v4, vm0, $0xb8;
	[tilespmem:$0x19000] =	vst v63  }
0x297: {  	s30 =	simm.s32 $0x6000;
	v3 =	vadd.s32 v1, v3  }
0x298: {  	[tilespmem:s30], [sflag:$0x1] =	stream.indirect_vreg.gather [hbm4b:s6+s2], $0x80, v4, vm0, $0xb8;
	[tilespmem:$0x19000] =	vst v63  }
0x299: {  	s31 =	simm.s32 $0x6800  }
0x29a: {  	[tilespmem:s31], [sflag:$0x1] =	stream.indirect_vreg.gather [hbm4b:s7+s2], $0x80, v4, vm0, $0xb8;
	[tilespmem:$0x19000] =	vst v63  }
0x29b: {  	s3 =	simm.s32 $0x7000  }
0x29c: {  	[tilespmem:s3], [sflag:$0x1] =	stream.indirect_vreg.gather [hbm4b:s4+s2], $0x80, v3, vm0, $0xb8;
	[tilespmem:$0x19000] =	vst v63  }
0x29d: {  	s8 =	simm.s32 $0x7800  }
0x29e: {  	[tilespmem:s8], [sflag:$0x1] =	stream.indirect_vreg.gather [hbm4b:s5+s2], $0x80, v3, vm0, $0xb8;
	[tilespmem:$0x19000] =	vst v63  }
0x29f: {  	s9 =	simm.s32 $0x8000  }
0x2a0: {  	[tilespmem:s9], [sflag:$0x1] =	stream.indirect_vreg.gather [hbm4b:s6+s2], $0x80, v3, vm0, $0xb8;
	[tilespmem:$0x19000] =	vst v63  }
0x2a1: {  	s18 =	simm.s32 $0x8800  }
0x2a2: {  	[tilespmem:s18], [sflag:$0x1] =	stream.indirect_vreg.gather [hbm4b:s7+s2], $0x80, v3, vm0, $0xb8;
	[tilespmem:$0x19000] =	vst v63  }
0x2a3: {  	_ =	swait.ge [sflag:s19], $0x8000  }
0x2a4: {  	[sflag:s19] =	ssyncset.done $0x0  }
0x2a5: {  	s21 =	rddreg [dreg:$0xd];
	[sflag:s19] =	ssyncadd.s32 $0xFFFF8000  }
0x2a6: {  	[hbm4b:s21+s2] =	stream.linear.scatter [tilespmem:s26], [sflag:$0x2], $0x8000, $0x38;
	[tilespmem:$0x19000] =	vst v63  }
0x2a7: {  	_ =	swait.ge [sflag:s20], $0x8000  }
0x2a8: {  	[sflag:s20] =	ssyncset.done $0x0  }
0x2a9: {  	[sflag:s20] =	ssyncadd.s32 $0xFFFF8000  }
0x2aa: {  	v3 =	vld [tilespmem:$0x680];
	_ =	sdelay $0x4  }
0x2ab: {  	v26 =	vshll.u32 v3, $0x3  }
0x2ac: {  	v3 =	vand.u32 $0x7, v3;
	v4 =	vand.u32 $0xFFFFFFC0, v26  }
0x2ad: {  	v3 =	vor.u32 v3, v4  }
0x2ae: {  	v4 =	vperm.xlane v3, v0;
	_ =	sdelay $0x1  }
0x2af: {  	v4 =	vadd.s32 v1, v4;
	_ =	sdelay $0x4  }
0x2b0: {  	[tilespmem:s26], [sflag:$0x1] =	stream.indirect_vreg.gather [hbm4b:s4+s2], $0x80, v4, vm0, $0xb8;
	[tilespmem:$0x19000] =	vst v63  }
0x2b1: {  	s21 =	simm.s32 $0x9800;
	v3 =	vperm.xlane v3, v2  }
0x2b2: {  	[tilespmem:s21], [sflag:$0x1] =	stream.indirect_vreg.gather [hbm4b:s5+s2], $0x80, v4, vm0, $0xb8;
	[tilespmem:$0x19000] =	vst v63  }
0x2b3: {  	s1 =	simm.s32 $0xA000;
	v3 =	vadd.s32 v1, v3  }
0x2b4: {  	[tilespmem:s1], [sflag:$0x1] =	stream.indirect_vreg.gather [hbm4b:s6+s2], $0x80, v4, vm0, $0xb8;
	[tilespmem:$0x19000] =	vst v63  }
0x2b5: {  	s21 =	simm.s32 $0xA800  }
0x2b6: {  	[tilespmem:s21], [sflag:$0x1] =	stream.indirect_vreg.gather [hbm4b:s7+s2], $0x80, v4, vm0, $0xb8;
	[tilespmem:$0x19000] =	vst v63  }
0x2b7: {  	s21 =	simm.s32 $0xB000  }
0x2b8: {  	[tilespmem:s21], [sflag:$0x1] =	stream.indirect_vreg.gather [hbm4b:s4+s2], $0x80, v3, vm0, $0xb8;
	[tilespmem:$0x19000] =	vst v63  }
0x2b9: {  	s21 =	simm.s32 $0xB800  }
0x2ba: {  	[tilespmem:s21], [sflag:$0x1] =	stream.indirect_vreg.gather [hbm4b:s5+s2], $0x80, v3, vm0, $0xb8;
	[tilespmem:$0x19000] =	vst v63  }
0x2bb: {  	s21 =	simm.s32 $0xC000  }
0x2bc: {  	[tilespmem:s21], [sflag:$0x1] =	stream.indirect_vreg.gather [hbm4b:s6+s2], $0x80, v3, vm0, $0xb8;
	[tilespmem:$0x19000] =	vst v63  }
0x2bd: {  	s21 =	simm.s32 $0xC800  }
0x2be: {  	[tilespmem:s21], [sflag:$0x1] =	stream.indirect_vreg.gather [hbm4b:s7+s2], $0x80, v3, vm0, $0xb8;
	[tilespmem:$0x19000] =	vst v63  }
0x2bf: {  	v3 =	vld [tilespmem:$0x690];
	_ =	sdelay $0x4  }
0x2c0: {  	v27 =	vshll.u32 v3, $0x3  }
0x2c1: {  	v3 =	vand.u32 $0x7, v3;
	v4 =	vand.u32 $0xFFFFFFC0, v27  }
0x2c2: {  	v3 =	vor.u32 v3, v4  }
0x2c3: {  	v4 =	vperm.xlane v3, v0;
	_ =	sdelay $0x1  }
0x2c4: {  	v4 =	vadd.s32 v1, v4;
	_ =	sdelay $0x3  }
0x2c5: {  	s21 =	simm.s32 $0xD000  }
0x2c6: {  	[tilespmem:s21], [sflag:$0x1] =	stream.indirect_vreg.gather [hbm4b:s4+s2], $0x80, v4, vm0, $0xb8;
	[tilespmem:$0x19000] =	vst v63  }
0x2c7: {  	v3 =	vperm.xlane v3, v2;
	s21 =	simm.s32 $0xD800  }
0x2c8: {  	[tilespmem:s21], [sflag:$0x1] =	stream.indirect_vreg.gather [hbm4b:s5+s2], $0x80, v4, vm0, $0xb8;
	[tilespmem:$0x19000] =	vst v63  }
0x2c9: {  	v3 =	vadd.s32 v1, v3;
	s21 =	simm.s32 $0xE000  }
0x2ca: {  	[tilespmem:s21], [sflag:$0x1] =	stream.indirect_vreg.gather [hbm4b:s6+s2], $0x80, v4, vm0, $0xb8;
	[tilespmem:$0x19000] =	vst v63  }
0x2cb: {  	s21 =	simm.s32 $0xE800  }
0x2cc: {  	[tilespmem:s21], [sflag:$0x1] =	stream.indirect_vreg.gather [hbm4b:s7+s2], $0x80, v4, vm0, $0xb8;
	[tilespmem:$0x19000] =	vst v63  }
0x2cd: {  	s21 =	simm.s32 $0xF000  }
0x2ce: {  	[tilespmem:s21], [sflag:$0x1] =	stream.indirect_vreg.gather [hbm4b:s4+s2], $0x80, v3, vm0, $0xb8;
	[tilespmem:$0x19000] =	vst v63  }
0x2cf: {  	s21 =	simm.s32 $0xF800  }
0x2d0: {  	[tilespmem:s21], [sflag:$0x1] =	stream.indirect_vreg.gather [hbm4b:s5+s2], $0x80, v3, vm0, $0xb8;
	[tilespmem:$0x19000] =	vst v63  }
0x2d1: {  	s21 =	simm.s32 $0x10000  }
0x2d2: {  	[tilespmem:s21], [sflag:$0x1] =	stream.indirect_vreg.gather [hbm4b:s6+s2], $0x80, v3, vm0, $0xb8;
	[tilespmem:$0x19000] =	vst v63  }
0x2d3: {  	s21 =	simm.s32 $0x10800  }
0x2d4: {  	[tilespmem:s21], [sflag:$0x1] =	stream.indirect_vreg.gather [hbm4b:s7+s2], $0x80, v3, vm0, $0xb8;
	[tilespmem:$0x19000] =	vst v63  }
0x2d5: {  	_ =	swait.ge [sflag:s19], $0x8000  }
0x2d6: {  	[sflag:s19] =	ssyncset.done $0x0  }
0x2d7: {  	s21 =	rddreg [dreg:$0xe];
	[sflag:s19] =	ssyncadd.s32 $0xFFFF8000  }
0x2d8: {  	[hbm4b:s21+s2] =	stream.linear.scatter [tilespmem:s10], [sflag:$0x2], $0x8000, $0x38;
	[tilespmem:$0x19000] =	vst v63  }
0x2d9: {  	_ =	swait.ge [sflag:s20], $0x8000  }
0x2da: {  	[sflag:s20] =	ssyncset.done $0x0  }
0x2db: {  	[sflag:s20] =	ssyncadd.s32 $0xFFFF8000  }
0x2dc: {  	v3 =	vld [tilespmem:$0x700];
	_ =	sdelay $0x4  }
0x2dd: {  	v28 =	vshll.u32 v3, $0x3  }
0x2de: {  	v3 =	vand.u32 $0x7, v3;
	v4 =	vand.u32 $0xFFFFFFC0, v28  }
0x2df: {  	v3 =	vor.u32 v3, v4  }
0x2e0: {  	v4 =	vperm.xlane v3, v0;
	_ =	sdelay $0x1  }
0x2e1: {  	v4 =	vadd.s32 v1, v4;
	_ =	sdelay $0x4  }
0x2e2: {  	[tilespmem:s10], [sflag:$0x1] =	stream.indirect_vreg.gather [hbm4b:s4+s2], $0x80, v4, vm0, $0xb8;
	[tilespmem:$0x19000] =	vst v63  }
0x2e3: {  	s21 =	simm.s32 $0x11800;
	v3 =	vperm.xlane v3, v2  }
0x2e4: {  	[tilespmem:s21], [sflag:$0x1] =	stream.indirect_vreg.gather [hbm4b:s5+s2], $0x80, v4, vm0, $0xb8;
	[tilespmem:$0x19000] =	vst v63  }
0x2e5: {  	s11 =	simm.s32 $0x12000;
	v3 =	vadd.s32 v1, v3  }
0x2e6: {  	[tilespmem:s11], [sflag:$0x1] =	stream.indirect_vreg.gather [hbm4b:s6+s2], $0x80, v4, vm0, $0xb8;
	[tilespmem:$0x19000] =	vst v63  }
0x2e7: {  	s12 =	simm.s32 $0x12800  }
0x2e8: {  	[tilespmem:s12], [sflag:$0x1] =	stream.indirect_vreg.gather [hbm4b:s7+s2], $0x80, v4, vm0, $0xb8;
	[tilespmem:$0x19000] =	vst v63  }
0x2e9: {  	s13 =	simm.s32 $0x13000  }
0x2ea: {  	[tilespmem:s13], [sflag:$0x1] =	stream.indirect_vreg.gather [hbm4b:s4+s2], $0x80, v3, vm0, $0xb8;
	[tilespmem:$0x19000] =	vst v63  }
0x2eb: {  	s14 =	simm.s32 $0x13800  }
0x2ec: {  	[tilespmem:s14], [sflag:$0x1] =	stream.indirect_vreg.gather [hbm4b:s5+s2], $0x80, v3, vm0, $0xb8;
	[tilespmem:$0x19000] =	vst v63  }
0x2ed: {  	s15 =	simm.s32 $0x14000  }
0x2ee: {  	[tilespmem:s15], [sflag:$0x1] =	stream.indirect_vreg.gather [hbm4b:s6+s2], $0x80, v3, vm0, $0xb8;
	[tilespmem:$0x19000] =	vst v63  }
0x2ef: {  	s21 =	simm.s32 $0x14800  }
0x2f0: {  	[tilespmem:s21], [sflag:$0x1] =	stream.indirect_vreg.gather [hbm4b:s7+s2], $0x80, v3, vm0, $0xb8;
	[tilespmem:$0x19000] =	vst v63  }
0x2f1: {  	v3 =	vld [tilespmem:$0x710];
	_ =	sdelay $0x4  }
0x2f2: {  	v29 =	vshll.u32 v3, $0x3  }
0x2f3: {  	v3 =	vand.u32 $0x7, v3;
	v4 =	vand.u32 $0xFFFFFFC0, v29  }
0x2f4: {  	v3 =	vor.u32 v3, v4  }
0x2f5: {  	v4 =	vperm.xlane v3, v0;
	_ =	sdelay $0x1  }
0x2f6: {  	v4 =	vadd.s32 v1, v4;
	_ =	sdelay $0x3  }
0x2f7: {  	s25 =	simm.s32 $0x15000  }
0x2f8: {  	[tilespmem:s25], [sflag:$0x1] =	stream.indirect_vreg.gather [hbm4b:s4+s2], $0x80, v4, vm0, $0xb8;
	[tilespmem:$0x19000] =	vst v63  }
0x2f9: {  	s28 =	simm.s32 $0x15800;
	v3 =	vperm.xlane v3, v2  }
0x2fa: {  	[tilespmem:s28], [sflag:$0x1] =	stream.indirect_vreg.gather [hbm4b:s5+s2], $0x80, v4, vm0, $0xb8;
	[tilespmem:$0x19000] =	vst v63  }
0x2fb: {  	s16 =	simm.s32 $0x16000;
	v3 =	vadd.s32 v1, v3  }
0x2fc: {  	[tilespmem:s16], [sflag:$0x1] =	stream.indirect_vreg.gather [hbm4b:s6+s2], $0x80, v4, vm0, $0xb8;
	[tilespmem:$0x19000] =	vst v63  }
0x2fd: {  	s17 =	simm.s32 $0x16800  }
0x2fe: {  	[tilespmem:s17], [sflag:$0x1] =	stream.indirect_vreg.gather [hbm4b:s7+s2], $0x80, v4, vm0, $0xb8;
	[tilespmem:$0x19000] =	vst v63  }
0x2ff: {  	s22 =	simm.s32 $0x17000  }
0x300: {  	[tilespmem:s22], [sflag:$0x1] =	stream.indirect_vreg.gather [hbm4b:s4+s2], $0x80, v3, vm0, $0xb8;
	[tilespmem:$0x19000] =	vst v63  }
0x301: {  	s23 =	simm.s32 $0x17800  }
0x302: {  	[tilespmem:s23], [sflag:$0x1] =	stream.indirect_vreg.gather [hbm4b:s5+s2], $0x80, v3, vm0, $0xb8;
	[tilespmem:$0x19000] =	vst v63  }
0x303: {  	s24 =	simm.s32 $0x18000  }
0x304: {  	[tilespmem:s24], [sflag:$0x1] =	stream.indirect_vreg.gather [hbm4b:s6+s2], $0x80, v3, vm0, $0xb8;
	[tilespmem:$0x19000] =	vst v63  }
0x305: {  	s21 =	simm.s32 $0x18800  }
0x306: {  	[tilespmem:s21], [sflag:$0x1] =	stream.indirect_vreg.gather [hbm4b:s7+s2], $0x80, v3, vm0, $0xb8;
	[tilespmem:$0x19000] =	vst v63  }
0x307: {  	_ =	swait.ge [sflag:s19], $0x8000  }
0x308: {  	[sflag:s19] =	ssyncset.done $0x0  }
0x309: {  	s21 =	rddreg [dreg:$0xf];
	[sflag:s19] =	ssyncadd.s32 $0xFFFF8000  }
0x30a: {  	[hbm4b:s21+s2] =	stream.linear.scatter [tilespmem:s29], [sflag:$0x2], $0x8000, $0x38;
	[tilespmem:$0x19000] =	vst v63  }
0x30b: {  	_ =	swait.ge [sflag:s20], $0x8000  }
0x30c: {  	[sflag:s20] =	ssyncset.done $0x0  }
0x30d: {  	[sflag:s20] =	ssyncadd.s32 $0xFFFF8000  }
0x30e: {  	v3 =	vld [tilespmem:$0x780];
	_ =	sdelay $0x4  }
0x30f: {  	v30 =	vshll.u32 v3, $0x3  }
0x310: {  	v3 =	vand.u32 $0x7, v3;
	v4 =	vand.u32 $0xFFFFFFC0, v30  }
0x311: {  	v3 =	vor.u32 v3, v4  }
0x312: {  	v4 =	vperm.xlane v3, v0;
	_ =	sdelay $0x1  }
0x313: {  	v4 =	vadd.s32 v1, v4;
	_ =	sdelay $0x4  }
0x314: {  	[tilespmem:s29], [sflag:$0x1] =	stream.indirect_vreg.gather [hbm4b:s4+s2], $0x80, v4, vm0, $0xb8;
	[tilespmem:$0x19000] =	vst v63  }
0x315: {  	s21 =	simm.s32 $0x1800;
	v3 =	vperm.xlane v3, v2  }
0x316: {  	[tilespmem:s21], [sflag:$0x1] =	stream.indirect_vreg.gather [hbm4b:s5+s2], $0x80, v4, vm0, $0xb8;
	[tilespmem:$0x19000] =	vst v63  }
0x317: {  	v3 =	vadd.s32 v1, v3;
	s21 =	simm.s32 $0x2000  }
0x318: {  	[tilespmem:s21], [sflag:$0x1] =	stream.indirect_vreg.gather [hbm4b:s6+s2], $0x80, v4, vm0, $0xb8;
	[tilespmem:$0x19000] =	vst v63  }
0x319: {  	s21 =	simm.s32 $0x2800  }
0x31a: {  	[tilespmem:s21], [sflag:$0x1] =	stream.indirect_vreg.gather [hbm4b:s7+s2], $0x80, v4, vm0, $0xb8;
	[tilespmem:$0x19000] =	vst v63  }
0x31b: {  	s21 =	simm.s32 $0x3000  }
0x31c: {  	[tilespmem:s21], [sflag:$0x1] =	stream.indirect_vreg.gather [hbm4b:s4+s2], $0x80, v3, vm0, $0xb8;
	[tilespmem:$0x19000] =	vst v63  }
0x31d: {  	s21 =	simm.s32 $0x3800  }
0x31e: {  	[tilespmem:s21], [sflag:$0x1] =	stream.indirect_vreg.gather [hbm4b:s5+s2], $0x80, v3, vm0, $0xb8;
	[tilespmem:$0x19000] =	vst v63  }
0x31f: {  	s21 =	simm.s32 $0x4000  }
0x320: {  	[tilespmem:s21], [sflag:$0x1] =	stream.indirect_vreg.gather [hbm4b:s6+s2], $0x80, v3, vm0, $0xb8;
	[tilespmem:$0x19000] =	vst v63  }
0x321: {  	s21 =	simm.s32 $0x4800  }
0x322: {  	[tilespmem:s21], [sflag:$0x1] =	stream.indirect_vreg.gather [hbm4b:s7+s2], $0x80, v3, vm0, $0xb8;
	[tilespmem:$0x19000] =	vst v63  }
0x323: {  	v3 =	vld [tilespmem:$0x790];
	_ =	sdelay $0x4  }
0x324: {  	v31 =	vshll.u32 v3, $0x3  }
0x325: {  	v3 =	vand.u32 $0x7, v3;
	v4 =	vand.u32 $0xFFFFFFC0, v31  }
0x326: {  	v3 =	vor.u32 v3, v4  }
0x327: {  	v4 =	vperm.xlane v3, v0;
	_ =	sdelay $0x1  }
0x328: {  	v4 =	vadd.s32 v1, v4;
	_ =	sdelay $0x3  }
0x329: {  	s21 =	simm.s32 $0x5000  }
0x32a: {  	[tilespmem:s21], [sflag:$0x1] =	stream.indirect_vreg.gather [hbm4b:s4+s2], $0x80, v4, vm0, $0xb8;
	[tilespmem:$0x19000] =	vst v63  }
0x32b: {  	v3 =	vperm.xlane v3, v2;
	s21 =	simm.s32 $0x5800  }
0x32c: {  	[tilespmem:s21], [sflag:$0x1] =	stream.indirect_vreg.gather [hbm4b:s5+s2], $0x80, v4, vm0, $0xb8;
	[tilespmem:$0x19000] =	vst v63  }
0x32d: {  	s30 =	simm.s32 $0x6000;
	v3 =	vadd.s32 v1, v3  }
0x32e: {  	[tilespmem:s30], [sflag:$0x1] =	stream.indirect_vreg.gather [hbm4b:s6+s2], $0x80, v4, vm0, $0xb8;
	[tilespmem:$0x19000] =	vst v63  }
0x32f: {  	s31 =	simm.s32 $0x6800  }
0x330: {  	[tilespmem:s31], [sflag:$0x1] =	stream.indirect_vreg.gather [hbm4b:s7+s2], $0x80, v4, vm0, $0xb8;
	[tilespmem:$0x19000] =	vst v63  }
0x331: {  	s3 =	simm.s32 $0x7000  }
0x332: {  	[tilespmem:s3], [sflag:$0x1] =	stream.indirect_vreg.gather [hbm4b:s4+s2], $0x80, v3, vm0, $0xb8;
	[tilespmem:$0x19000] =	vst v63  }
0x333: {  	s8 =	simm.s32 $0x7800  }
0x334: {  	[tilespmem:s8], [sflag:$0x1] =	stream.indirect_vreg.gather [hbm4b:s5+s2], $0x80, v3, vm0, $0xb8;
	[tilespmem:$0x19000] =	vst v63  }
0x335: {  	s9 =	simm.s32 $0x8000  }
0x336: {  	[tilespmem:s9], [sflag:$0x1] =	stream.indirect_vreg.gather [hbm4b:s6+s2], $0x80, v3, vm0, $0xb8;
	[tilespmem:$0x19000] =	vst v63  }
0x337: {  	s18 =	simm.s32 $0x8800  }
0x338: {  	[tilespmem:s18], [sflag:$0x1] =	stream.indirect_vreg.gather [hbm4b:s7+s2], $0x80, v3, vm0, $0xb8;
	[tilespmem:$0x19000] =	vst v63  }
0x339: {  	_ =	swait.ge [sflag:s19], $0x8000  }
0x33a: {  	[sflag:s19] =	ssyncset.done $0x0  }
0x33b: {  	s21 =	rddreg [dreg:$0x10];
	[sflag:s19] =	ssyncadd.s32 $0xFFFF8000  }
0x33c: {  	[hbm4b:s21+s2] =	stream.linear.scatter [tilespmem:s26], [sflag:$0x2], $0x8000, $0x38;
	[tilespmem:$0x19000] =	vst v63  }
0x33d: {  	_ =	swait.ge [sflag:s20], $0x8000  }
0x33e: {  	[sflag:s20] =	ssyncset.done $0x0  }
0x33f: {  	[sflag:s20] =	ssyncadd.s32 $0xFFFF8000  }
0x340: {  	v3 =	vld [tilespmem:$0x800];
	_ =	sdelay $0x4  }
0x341: {  	v32 =	vshll.u32 v3, $0x3  }
0x342: {  	v3 =	vand.u32 $0x7, v3;
	v4 =	vand.u32 $0xFFFFFFC0, v32  }
0x343: {  	v3 =	vor.u32 v3, v4  }
0x344: {  	v4 =	vperm.xlane v3, v0;
	_ =	sdelay $0x1  }
0x345: {  	v4 =	vadd.s32 v1, v4;
	_ =	sdelay $0x4  }
0x346: {  	[tilespmem:s26], [sflag:$0x1] =	stream.indirect_vreg.gather [hbm4b:s4+s2], $0x80, v4, vm0, $0xb8;
	[tilespmem:$0x19000] =	vst v63  }
0x347: {  	s21 =	simm.s32 $0x9800;
	v3 =	vperm.xlane v3, v2  }
0x348: {  	[tilespmem:s21], [sflag:$0x1] =	stream.indirect_vreg.gather [hbm4b:s5+s2], $0x80, v4, vm0, $0xb8;
	[tilespmem:$0x19000] =	vst v63  }
0x349: {  	s1 =	simm.s32 $0xA000;
	v3 =	vadd.s32 v1, v3  }
0x34a: {  	[tilespmem:s1], [sflag:$0x1] =	stream.indirect_vreg.gather [hbm4b:s6+s2], $0x80, v4, vm0, $0xb8;
	[tilespmem:$0x19000] =	vst v63  }
0x34b: {  	s21 =	simm.s32 $0xA800  }
0x34c: {  	[tilespmem:s21], [sflag:$0x1] =	stream.indirect_vreg.gather [hbm4b:s7+s2], $0x80, v4, vm0, $0xb8;
	[tilespmem:$0x19000] =	vst v63  }
0x34d: {  	s21 =	simm.s32 $0xB000  }
0x34e: {  	[tilespmem:s21], [sflag:$0x1] =	stream.indirect_vreg.gather [hbm4b:s4+s2], $0x80, v3, vm0, $0xb8;
	[tilespmem:$0x19000] =	vst v63  }
0x34f: {  	s21 =	simm.s32 $0xB800  }
0x350: {  	[tilespmem:s21], [sflag:$0x1] =	stream.indirect_vreg.gather [hbm4b:s5+s2], $0x80, v3, vm0, $0xb8;
	[tilespmem:$0x19000] =	vst v63  }
0x351: {  	s21 =	simm.s32 $0xC000  }
0x352: {  	[tilespmem:s21], [sflag:$0x1] =	stream.indirect_vreg.gather [hbm4b:s6+s2], $0x80, v3, vm0, $0xb8;
	[tilespmem:$0x19000] =	vst v63  }
0x353: {  	s21 =	simm.s32 $0xC800  }
0x354: {  	[tilespmem:s21], [sflag:$0x1] =	stream.indirect_vreg.gather [hbm4b:s7+s2], $0x80, v3, vm0, $0xb8;
	[tilespmem:$0x19000] =	vst v63  }
0x355: {  	v3 =	vld [tilespmem:$0x810];
	_ =	sdelay $0x4  }
0x356: {  	v33 =	vshll.u32 v3, $0x3  }
0x357: {  	v3 =	vand.u32 $0x7, v3;
	v4 =	vand.u32 $0xFFFFFFC0, v33  }
0x358: {  	v3 =	vor.u32 v3, v4  }
0x359: {  	v4 =	vperm.xlane v3, v0;
	_ =	sdelay $0x1  }
0x35a: {  	v4 =	vadd.s32 v1, v4;
	_ =	sdelay $0x3  }
0x35b: {  	s21 =	simm.s32 $0xD000  }
0x35c: {  	[tilespmem:s21], [sflag:$0x1] =	stream.indirect_vreg.gather [hbm4b:s4+s2], $0x80, v4, vm0, $0xb8;
	[tilespmem:$0x19000] =	vst v63  }
0x35d: {  	v3 =	vperm.xlane v3, v2;
	s21 =	simm.s32 $0xD800  }
0x35e: {  	[tilespmem:s21], [sflag:$0x1] =	stream.indirect_vreg.gather [hbm4b:s5+s2], $0x80, v4, vm0, $0xb8;
	[tilespmem:$0x19000] =	vst v63  }
0x35f: {  	v3 =	vadd.s32 v1, v3;
	s21 =	simm.s32 $0xE000  }
0x360: {  	[tilespmem:s21], [sflag:$0x1] =	stream.indirect_vreg.gather [hbm4b:s6+s2], $0x80, v4, vm0, $0xb8;
	[tilespmem:$0x19000] =	vst v63  }
0x361: {  	s21 =	simm.s32 $0xE800  }
0x362: {  	[tilespmem:s21], [sflag:$0x1] =	stream.indirect_vreg.gather [hbm4b:s7+s2], $0x80, v4, vm0, $0xb8;
	[tilespmem:$0x19000] =	vst v63  }
0x363: {  	s21 =	simm.s32 $0xF000  }
0x364: {  	[tilespmem:s21], [sflag:$0x1] =	stream.indirect_vreg.gather [hbm4b:s4+s2], $0x80, v3, vm0, $0xb8;
	[tilespmem:$0x19000] =	vst v63  }
0x365: {  	s21 =	simm.s32 $0xF800  }
0x366: {  	[tilespmem:s21], [sflag:$0x1] =	stream.indirect_vreg.gather [hbm4b:s5+s2], $0x80, v3, vm0, $0xb8;
	[tilespmem:$0x19000] =	vst v63  }
0x367: {  	s21 =	simm.s32 $0x10000  }
0x368: {  	[tilespmem:s21], [sflag:$0x1] =	stream.indirect_vreg.gather [hbm4b:s6+s2], $0x80, v3, vm0, $0xb8;
	[tilespmem:$0x19000] =	vst v63  }
0x369: {  	s21 =	simm.s32 $0x10800  }
0x36a: {  	[tilespmem:s21], [sflag:$0x1] =	stream.indirect_vreg.gather [hbm4b:s7+s2], $0x80, v3, vm0, $0xb8;
	[tilespmem:$0x19000] =	vst v63  }
0x36b: {  	_ =	swait.ge [sflag:s19], $0x8000  }
0x36c: {  	[sflag:s19] =	ssyncset.done $0x0  }
0x36d: {  	s21 =	rddreg [dreg:$0x11];
	[sflag:s19] =	ssyncadd.s32 $0xFFFF8000  }
0x36e: {  	[hbm4b:s21+s2] =	stream.linear.scatter [tilespmem:s10], [sflag:$0x2], $0x8000, $0x38;
	[tilespmem:$0x19000] =	vst v63  }
0x36f: {  	_ =	swait.ge [sflag:s20], $0x8000  }
0x370: {  	[sflag:s20] =	ssyncset.done $0x0  }
0x371: {  	[sflag:s20] =	ssyncadd.s32 $0xFFFF8000  }
0x372: {  	v3 =	vld [tilespmem:$0x880];
	_ =	sdelay $0x4  }
0x373: {  	v34 =	vshll.u32 v3, $0x3  }
0x374: {  	v3 =	vand.u32 $0x7, v3;
	v4 =	vand.u32 $0xFFFFFFC0, v34  }
0x375: {  	v3 =	vor.u32 v3, v4  }
0x376: {  	v4 =	vperm.xlane v3, v0;
	_ =	sdelay $0x1  }
0x377: {  	v4 =	vadd.s32 v1, v4;
	_ =	sdelay $0x4  }
0x378: {  	[tilespmem:s10], [sflag:$0x1] =	stream.indirect_vreg.gather [hbm4b:s4+s2], $0x80, v4, vm0, $0xb8;
	[tilespmem:$0x19000] =	vst v63  }
0x379: {  	s21 =	simm.s32 $0x11800;
	v3 =	vperm.xlane v3, v2  }
0x37a: {  	[tilespmem:s21], [sflag:$0x1] =	stream.indirect_vreg.gather [hbm4b:s5+s2], $0x80, v4, vm0, $0xb8;
	[tilespmem:$0x19000] =	vst v63  }
0x37b: {  	s11 =	simm.s32 $0x12000;
	v3 =	vadd.s32 v1, v3  }
0x37c: {  	[tilespmem:s11], [sflag:$0x1] =	stream.indirect_vreg.gather [hbm4b:s6+s2], $0x80, v4, vm0, $0xb8;
	[tilespmem:$0x19000] =	vst v63  }
0x37d: {  	s12 =	simm.s32 $0x12800  }
0x37e: {  	[tilespmem:s12], [sflag:$0x1] =	stream.indirect_vreg.gather [hbm4b:s7+s2], $0x80, v4, vm0, $0xb8;
	[tilespmem:$0x19000] =	vst v63  }
0x37f: {  	s13 =	simm.s32 $0x13000  }
0x380: {  	[tilespmem:s13], [sflag:$0x1] =	stream.indirect_vreg.gather [hbm4b:s4+s2], $0x80, v3, vm0, $0xb8;
	[tilespmem:$0x19000] =	vst v63  }
0x381: {  	s14 =	simm.s32 $0x13800  }
0x382: {  	[tilespmem:s14], [sflag:$0x1] =	stream.indirect_vreg.gather [hbm4b:s5+s2], $0x80, v3, vm0, $0xb8;
	[tilespmem:$0x19000] =	vst v63  }
0x383: {  	s15 =	simm.s32 $0x14000  }
0x384: {  	[tilespmem:s15], [sflag:$0x1] =	stream.indirect_vreg.gather [hbm4b:s6+s2], $0x80, v3, vm0, $0xb8;
	[tilespmem:$0x19000] =	vst v63  }
0x385: {  	s21 =	simm.s32 $0x14800  }
0x386: {  	[tilespmem:s21], [sflag:$0x1] =	stream.indirect_vreg.gather [hbm4b:s7+s2], $0x80, v3, vm0, $0xb8;
	[tilespmem:$0x19000] =	vst v63  }
0x387: {  	v3 =	vld [tilespmem:$0x890];
	_ =	sdelay $0x4  }
0x388: {  	v35 =	vshll.u32 v3, $0x3  }
0x389: {  	v3 =	vand.u32 $0x7, v3;
	v4 =	vand.u32 $0xFFFFFFC0, v35  }
0x38a: {  	v3 =	vor.u32 v3, v4  }
0x38b: {  	v4 =	vperm.xlane v3, v0;
	_ =	sdelay $0x1  }
0x38c: {  	v4 =	vadd.s32 v1, v4;
	_ =	sdelay $0x3  }
0x38d: {  	s25 =	simm.s32 $0x15000  }
0x38e: {  	[tilespmem:s25], [sflag:$0x1] =	stream.indirect_vreg.gather [hbm4b:s4+s2], $0x80, v4, vm0, $0xb8;
	[tilespmem:$0x19000] =	vst v63  }
0x38f: {  	s28 =	simm.s32 $0x15800;
	v3 =	vperm.xlane v3, v2  }
0x390: {  	[tilespmem:s28], [sflag:$0x1] =	stream.indirect_vreg.gather [hbm4b:s5+s2], $0x80, v4, vm0, $0xb8;
	[tilespmem:$0x19000] =	vst v63  }
0x391: {  	s16 =	simm.s32 $0x16000;
	v3 =	vadd.s32 v1, v3  }
0x392: {  	[tilespmem:s16], [sflag:$0x1] =	stream.indirect_vreg.gather [hbm4b:s6+s2], $0x80, v4, vm0, $0xb8;
	[tilespmem:$0x19000] =	vst v63  }
0x393: {  	s17 =	simm.s32 $0x16800  }
0x394: {  	[tilespmem:s17], [sflag:$0x1] =	stream.indirect_vreg.gather [hbm4b:s7+s2], $0x80, v4, vm0, $0xb8;
	[tilespmem:$0x19000] =	vst v63  }
0x395: {  	s22 =	simm.s32 $0x17000  }
0x396: {  	[tilespmem:s22], [sflag:$0x1] =	stream.indirect_vreg.gather [hbm4b:s4+s2], $0x80, v3, vm0, $0xb8;
	[tilespmem:$0x19000] =	vst v63  }
0x397: {  	s23 =	simm.s32 $0x17800  }
0x398: {  	[tilespmem:s23], [sflag:$0x1] =	stream.indirect_vreg.gather [hbm4b:s5+s2], $0x80, v3, vm0, $0xb8;
	[tilespmem:$0x19000] =	vst v63  }
0x399: {  	s24 =	simm.s32 $0x18000  }
0x39a: {  	[tilespmem:s24], [sflag:$0x1] =	stream.indirect_vreg.gather [hbm4b:s6+s2], $0x80, v3, vm0, $0xb8;
	[tilespmem:$0x19000] =	vst v63  }
0x39b: {  	s21 =	simm.s32 $0x18800  }
0x39c: {  	[tilespmem:s21], [sflag:$0x1] =	stream.indirect_vreg.gather [hbm4b:s7+s2], $0x80, v3, vm0, $0xb8;
	[tilespmem:$0x19000] =	vst v63  }
0x39d: {  	_ =	swait.ge [sflag:s19], $0x8000  }
0x39e: {  	[sflag:s19] =	ssyncset.done $0x0  }
0x39f: {  	s21 =	rddreg [dreg:$0x12];
	[sflag:s19] =	ssyncadd.s32 $0xFFFF8000  }
0x3a0: {  	[hbm4b:s21+s2] =	stream.linear.scatter [tilespmem:s29], [sflag:$0x2], $0x8000, $0x38;
	[tilespmem:$0x19000] =	vst v63  }
0x3a1: {  	_ =	swait.ge [sflag:s20], $0x8000  }
0x3a2: {  	[sflag:s20] =	ssyncset.done $0x0  }
0x3a3: {  	[sflag:s20] =	ssyncadd.s32 $0xFFFF8000  }
0x3a4: {  	v3 =	vld [tilespmem:$0x900];
	_ =	sdelay $0x4  }
0x3a5: {  	v36 =	vshll.u32 v3, $0x3  }
0x3a6: {  	v3 =	vand.u32 $0x7, v3;
	v4 =	vand.u32 $0xFFFFFFC0, v36  }
0x3a7: {  	v3 =	vor.u32 v3, v4  }
0x3a8: {  	v4 =	vperm.xlane v3, v0;
	_ =	sdelay $0x1  }
0x3a9: {  	v4 =	vadd.s32 v1, v4;
	_ =	sdelay $0x4  }
0x3aa: {  	[tilespmem:s29], [sflag:$0x1] =	stream.indirect_vreg.gather [hbm4b:s4+s2], $0x80, v4, vm0, $0xb8;
	[tilespmem:$0x19000] =	vst v63  }
0x3ab: {  	s21 =	simm.s32 $0x1800;
	v3 =	vperm.xlane v3, v2  }
0x3ac: {  	[tilespmem:s21], [sflag:$0x1] =	stream.indirect_vreg.gather [hbm4b:s5+s2], $0x80, v4, vm0, $0xb8;
	[tilespmem:$0x19000] =	vst v63  }
0x3ad: {  	v3 =	vadd.s32 v1, v3;
	s21 =	simm.s32 $0x2000  }
0x3ae: {  	[tilespmem:s21], [sflag:$0x1] =	stream.indirect_vreg.gather [hbm4b:s6+s2], $0x80, v4, vm0, $0xb8;
	[tilespmem:$0x19000] =	vst v63  }
0x3af: {  	s21 =	simm.s32 $0x2800  }
0x3b0: {  	[tilespmem:s21], [sflag:$0x1] =	stream.indirect_vreg.gather [hbm4b:s7+s2], $0x80, v4, vm0, $0xb8;
	[tilespmem:$0x19000] =	vst v63  }
0x3b1: {  	s21 =	simm.s32 $0x3000  }
0x3b2: {  	[tilespmem:s21], [sflag:$0x1] =	stream.indirect_vreg.gather [hbm4b:s4+s2], $0x80, v3, vm0, $0xb8;
	[tilespmem:$0x19000] =	vst v63  }
0x3b3: {  	s21 =	simm.s32 $0x3800  }
0x3b4: {  	[tilespmem:s21], [sflag:$0x1] =	stream.indirect_vreg.gather [hbm4b:s5+s2], $0x80, v3, vm0, $0xb8;
	[tilespmem:$0x19000] =	vst v63  }
0x3b5: {  	s21 =	simm.s32 $0x4000  }
0x3b6: {  	[tilespmem:s21], [sflag:$0x1] =	stream.indirect_vreg.gather [hbm4b:s6+s2], $0x80, v3, vm0, $0xb8;
	[tilespmem:$0x19000] =	vst v63  }
0x3b7: {  	s21 =	simm.s32 $0x4800  }
0x3b8: {  	[tilespmem:s21], [sflag:$0x1] =	stream.indirect_vreg.gather [hbm4b:s7+s2], $0x80, v3, vm0, $0xb8;
	[tilespmem:$0x19000] =	vst v63  }
0x3b9: {  	v3 =	vld [tilespmem:$0x910];
	_ =	sdelay $0x4  }
0x3ba: {  	v37 =	vshll.u32 v3, $0x3  }
0x3bb: {  	v3 =	vand.u32 $0x7, v3;
	v4 =	vand.u32 $0xFFFFFFC0, v37  }
0x3bc: {  	v3 =	vor.u32 v3, v4  }
0x3bd: {  	v4 =	vperm.xlane v3, v0;
	_ =	sdelay $0x1  }
0x3be: {  	v4 =	vadd.s32 v1, v4;
	_ =	sdelay $0x3  }
0x3bf: {  	s21 =	simm.s32 $0x5000  }
0x3c0: {  	[tilespmem:s21], [sflag:$0x1] =	stream.indirect_vreg.gather [hbm4b:s4+s2], $0x80, v4, vm0, $0xb8;
	[tilespmem:$0x19000] =	vst v63  }
0x3c1: {  	v3 =	vperm.xlane v3, v2;
	s21 =	simm.s32 $0x5800  }
0x3c2: {  	[tilespmem:s21], [sflag:$0x1] =	stream.indirect_vreg.gather [hbm4b:s5+s2], $0x80, v4, vm0, $0xb8;
	[tilespmem:$0x19000] =	vst v63  }
0x3c3: {  	s30 =	simm.s32 $0x6000;
	v3 =	vadd.s32 v1, v3  }
0x3c4: {  	[tilespmem:s30], [sflag:$0x1] =	stream.indirect_vreg.gather [hbm4b:s6+s2], $0x80, v4, vm0, $0xb8;
	[tilespmem:$0x19000] =	vst v63  }
0x3c5: {  	s31 =	simm.s32 $0x6800  }
0x3c6: {  	[tilespmem:s31], [sflag:$0x1] =	stream.indirect_vreg.gather [hbm4b:s7+s2], $0x80, v4, vm0, $0xb8;
	[tilespmem:$0x19000] =	vst v63  }
0x3c7: {  	s3 =	simm.s32 $0x7000  }
0x3c8: {  	[tilespmem:s3], [sflag:$0x1] =	stream.indirect_vreg.gather [hbm4b:s4+s2], $0x80, v3, vm0, $0xb8;
	[tilespmem:$0x19000] =	vst v63  }
0x3c9: {  	s8 =	simm.s32 $0x7800  }
0x3ca: {  	[tilespmem:s8], [sflag:$0x1] =	stream.indirect_vreg.gather [hbm4b:s5+s2], $0x80, v3, vm0, $0xb8;
	[tilespmem:$0x19000] =	vst v63  }
0x3cb: {  	s9 =	simm.s32 $0x8000  }
0x3cc: {  	[tilespmem:s9], [sflag:$0x1] =	stream.indirect_vreg.gather [hbm4b:s6+s2], $0x80, v3, vm0, $0xb8;
	[tilespmem:$0x19000] =	vst v63  }
0x3cd: {  	s18 =	simm.s32 $0x8800  }
0x3ce: {  	[tilespmem:s18], [sflag:$0x1] =	stream.indirect_vreg.gather [hbm4b:s7+s2], $0x80, v3, vm0, $0xb8;
	[tilespmem:$0x19000] =	vst v63  }
0x3cf: {  	_ =	swait.ge [sflag:s19], $0x8000  }
0x3d0: {  	[sflag:s19] =	ssyncset.done $0x0  }
0x3d1: {  	s21 =	rddreg [dreg:$0x13];
	[sflag:s19] =	ssyncadd.s32 $0xFFFF8000  }
0x3d2: {  	[hbm4b:s21+s2] =	stream.linear.scatter [tilespmem:s26], [sflag:$0x2], $0x8000, $0x38;
	[tilespmem:$0x19000] =	vst v63  }
0x3d3: {  	_ =	swait.ge [sflag:s20], $0x8000  }
0x3d4: {  	[sflag:s20] =	ssyncset.done $0x0  }
0x3d5: {  	[sflag:s20] =	ssyncadd.s32 $0xFFFF8000  }
0x3d6: {  	v3 =	vld [tilespmem:$0x980];
	_ =	sdelay $0x4  }
0x3d7: {  	v38 =	vshll.u32 v3, $0x3  }
0x3d8: {  	v3 =	vand.u32 $0x7, v3;
	v4 =	vand.u32 $0xFFFFFFC0, v38  }
0x3d9: {  	v3 =	vor.u32 v3, v4  }
0x3da: {  	v4 =	vperm.xlane v3, v0;
	_ =	sdelay $0x1  }
0x3db: {  	v4 =	vadd.s32 v1, v4;
	_ =	sdelay $0x4  }
0x3dc: {  	[tilespmem:s26], [sflag:$0x1] =	stream.indirect_vreg.gather [hbm4b:s4+s2], $0x80, v4, vm0, $0xb8;
	[tilespmem:$0x19000] =	vst v63  }
0x3dd: {  	s21 =	simm.s32 $0x9800;
	v3 =	vperm.xlane v3, v2  }
0x3de: {  	[tilespmem:s21], [sflag:$0x1] =	stream.indirect_vreg.gather [hbm4b:s5+s2], $0x80, v4, vm0, $0xb8;
	[tilespmem:$0x19000] =	vst v63  }
0x3df: {  	s1 =	simm.s32 $0xA000;
	v3 =	vadd.s32 v1, v3  }
0x3e0: {  	[tilespmem:s1], [sflag:$0x1] =	stream.indirect_vreg.gather [hbm4b:s6+s2], $0x80, v4, vm0, $0xb8;
	[tilespmem:$0x19000] =	vst v63  }
0x3e1: {  	s21 =	simm.s32 $0xA800  }
0x3e2: {  	[tilespmem:s21], [sflag:$0x1] =	stream.indirect_vreg.gather [hbm4b:s7+s2], $0x80, v4, vm0, $0xb8;
	[tilespmem:$0x19000] =	vst v63  }
0x3e3: {  	s21 =	simm.s32 $0xB000  }
0x3e4: {  	[tilespmem:s21], [sflag:$0x1] =	stream.indirect_vreg.gather [hbm4b:s4+s2], $0x80, v3, vm0, $0xb8;
	[tilespmem:$0x19000] =	vst v63  }
0x3e5: {  	s21 =	simm.s32 $0xB800  }
0x3e6: {  	[tilespmem:s21], [sflag:$0x1] =	stream.indirect_vreg.gather [hbm4b:s5+s2], $0x80, v3, vm0, $0xb8;
	[tilespmem:$0x19000] =	vst v63  }
0x3e7: {  	s21 =	simm.s32 $0xC000  }
0x3e8: {  	[tilespmem:s21], [sflag:$0x1] =	stream.indirect_vreg.gather [hbm4b:s6+s2], $0x80, v3, vm0, $0xb8;
	[tilespmem:$0x19000] =	vst v63  }
0x3e9: {  	s21 =	simm.s32 $0xC800  }
0x3ea: {  	[tilespmem:s21], [sflag:$0x1] =	stream.indirect_vreg.gather [hbm4b:s7+s2], $0x80, v3, vm0, $0xb8;
	[tilespmem:$0x19000] =	vst v63  }
0x3eb: {  	v3 =	vld [tilespmem:$0x990];
	_ =	sdelay $0x4  }
0x3ec: {  	v39 =	vshll.u32 v3, $0x3  }
0x3ed: {  	v3 =	vand.u32 $0x7, v3;
	v4 =	vand.u32 $0xFFFFFFC0, v39  }
0x3ee: {  	v3 =	vor.u32 v3, v4  }
0x3ef: {  	v4 =	vperm.xlane v3, v0;
	_ =	sdelay $0x1  }
0x3f0: {  	v4 =	vadd.s32 v1, v4;
	_ =	sdelay $0x3  }
0x3f1: {  	s21 =	simm.s32 $0xD000  }
0x3f2: {  	[tilespmem:s21], [sflag:$0x1] =	stream.indirect_vreg.gather [hbm4b:s4+s2], $0x80, v4, vm0, $0xb8;
	[tilespmem:$0x19000] =	vst v63  }
0x3f3: {  	v3 =	vperm.xlane v3, v2;
	s21 =	simm.s32 $0xD800  }
0x3f4: {  	[tilespmem:s21], [sflag:$0x1] =	stream.indirect_vreg.gather [hbm4b:s5+s2], $0x80, v4, vm0, $0xb8;
	[tilespmem:$0x19000] =	vst v63  }
0x3f5: {  	v3 =	vadd.s32 v1, v3;
	s21 =	simm.s32 $0xE000  }
0x3f6: {  	[tilespmem:s21], [sflag:$0x1] =	stream.indirect_vreg.gather [hbm4b:s6+s2], $0x80, v4, vm0, $0xb8;
	[tilespmem:$0x19000] =	vst v63  }
0x3f7: {  	s21 =	simm.s32 $0xE800  }
0x3f8: {  	[tilespmem:s21], [sflag:$0x1] =	stream.indirect_vreg.gather [hbm4b:s7+s2], $0x80, v4, vm0, $0xb8;
	[tilespmem:$0x19000] =	vst v63  }
0x3f9: {  	s21 =	simm.s32 $0xF000  }
0x3fa: {  	[tilespmem:s21], [sflag:$0x1] =	stream.indirect_vreg.gather [hbm4b:s4+s2], $0x80, v3, vm0, $0xb8;
	[tilespmem:$0x19000] =	vst v63  }
0x3fb: {  	s21 =	simm.s32 $0xF800  }
0x3fc: {  	[tilespmem:s21], [sflag:$0x1] =	stream.indirect_vreg.gather [hbm4b:s5+s2], $0x80, v3, vm0, $0xb8;
	[tilespmem:$0x19000] =	vst v63  }
0x3fd: {  	s21 =	simm.s32 $0x10000  }
0x3fe: {  	[tilespmem:s21], [sflag:$0x1] =	stream.indirect_vreg.gather [hbm4b:s6+s2], $0x80, v3, vm0, $0xb8;
	[tilespmem:$0x19000] =	vst v63  }
0x3ff: {  	s21 =	simm.s32 $0x10800  }
0x400: {  	[tilespmem:s21], [sflag:$0x1] =	stream.indirect_vreg.gather [hbm4b:s7+s2], $0x80, v3, vm0, $0xb8;
	[tilespmem:$0x19000] =	vst v63  }
0x401: {  	_ =	swait.ge [sflag:s19], $0x8000  }
0x402: {  	[sflag:s19] =	ssyncset.done $0x0  }
0x403: {  	s21 =	rddreg [dreg:$0x14];
	[sflag:s19] =	ssyncadd.s32 $0xFFFF8000  }
0x404: {  	[hbm4b:s21+s2] =	stream.linear.scatter [tilespmem:s10], [sflag:$0x2], $0x8000, $0x38;
	[tilespmem:$0x19000] =	vst v63  }
0x405: {  	_ =	swait.ge [sflag:s20], $0x8000  }
0x406: {  	[sflag:s20] =	ssyncset.done $0x0  }
0x407: {  	[sflag:s20] =	ssyncadd.s32 $0xFFFF8000  }
0x408: {  	v3 =	vld [tilespmem:$0xA00];
	_ =	sdelay $0x4  }
0x409: {  	v40 =	vshll.u32 v3, $0x3  }
0x40a: {  	v3 =	vand.u32 $0x7, v3;
	v4 =	vand.u32 $0xFFFFFFC0, v40  }
0x40b: {  	v3 =	vor.u32 v3, v4  }
0x40c: {  	v4 =	vperm.xlane v3, v0;
	_ =	sdelay $0x1  }
0x40d: {  	v4 =	vadd.s32 v1, v4;
	_ =	sdelay $0x4  }
0x40e: {  	[tilespmem:s10], [sflag:$0x1] =	stream.indirect_vreg.gather [hbm4b:s4+s2], $0x80, v4, vm0, $0xb8;
	[tilespmem:$0x19000] =	vst v63  }
0x40f: {  	s21 =	simm.s32 $0x11800;
	v3 =	vperm.xlane v3, v2  }
0x410: {  	[tilespmem:s21], [sflag:$0x1] =	stream.indirect_vreg.gather [hbm4b:s5+s2], $0x80, v4, vm0, $0xb8;
	[tilespmem:$0x19000] =	vst v63  }
0x411: {  	s11 =	simm.s32 $0x12000;
	v3 =	vadd.s32 v1, v3  }
0x412: {  	[tilespmem:s11], [sflag:$0x1] =	stream.indirect_vreg.gather [hbm4b:s6+s2], $0x80, v4, vm0, $0xb8;
	[tilespmem:$0x19000] =	vst v63  }
0x413: {  	s12 =	simm.s32 $0x12800  }
0x414: {  	[tilespmem:s12], [sflag:$0x1] =	stream.indirect_vreg.gather [hbm4b:s7+s2], $0x80, v4, vm0, $0xb8;
	[tilespmem:$0x19000] =	vst v63  }
0x415: {  	s13 =	simm.s32 $0x13000  }
0x416: {  	[tilespmem:s13], [sflag:$0x1] =	stream.indirect_vreg.gather [hbm4b:s4+s2], $0x80, v3, vm0, $0xb8;
	[tilespmem:$0x19000] =	vst v63  }
0x417: {  	s14 =	simm.s32 $0x13800  }
0x418: {  	[tilespmem:s14], [sflag:$0x1] =	stream.indirect_vreg.gather [hbm4b:s5+s2], $0x80, v3, vm0, $0xb8;
	[tilespmem:$0x19000] =	vst v63  }
0x419: {  	s15 =	simm.s32 $0x14000  }
0x41a: {  	[tilespmem:s15], [sflag:$0x1] =	stream.indirect_vreg.gather [hbm4b:s6+s2], $0x80, v3, vm0, $0xb8;
	[tilespmem:$0x19000] =	vst v63  }
0x41b: {  	s21 =	simm.s32 $0x14800  }
0x41c: {  	[tilespmem:s21], [sflag:$0x1] =	stream.indirect_vreg.gather [hbm4b:s7+s2], $0x80, v3, vm0, $0xb8;
	[tilespmem:$0x19000] =	vst v63  }
0x41d: {  	v3 =	vld [tilespmem:$0xA10];
	_ =	sdelay $0x4  }
0x41e: {  	v41 =	vshll.u32 v3, $0x3  }
0x41f: {  	v3 =	vand.u32 $0x7, v3;
	v4 =	vand.u32 $0xFFFFFFC0, v41  }
0x420: {  	v3 =	vor.u32 v3, v4  }
0x421: {  	v4 =	vperm.xlane v3, v0;
	_ =	sdelay $0x1  }
0x422: {  	v4 =	vadd.s32 v1, v4;
	_ =	sdelay $0x3  }
0x423: {  	s25 =	simm.s32 $0x15000  }
0x424: {  	[tilespmem:s25], [sflag:$0x1] =	stream.indirect_vreg.gather [hbm4b:s4+s2], $0x80, v4, vm0, $0xb8;
	[tilespmem:$0x19000] =	vst v63  }
0x425: {  	s28 =	simm.s32 $0x15800;
	v3 =	vperm.xlane v3, v2  }
0x426: {  	[tilespmem:s28], [sflag:$0x1] =	stream.indirect_vreg.gather [hbm4b:s5+s2], $0x80, v4, vm0, $0xb8;
	[tilespmem:$0x19000] =	vst v63  }
0x427: {  	s16 =	simm.s32 $0x16000;
	v3 =	vadd.s32 v1, v3  }
0x428: {  	[tilespmem:s16], [sflag:$0x1] =	stream.indirect_vreg.gather [hbm4b:s6+s2], $0x80, v4, vm0, $0xb8;
	[tilespmem:$0x19000] =	vst v63  }
0x429: {  	s17 =	simm.s32 $0x16800  }
0x42a: {  	[tilespmem:s17], [sflag:$0x1] =	stream.indirect_vreg.gather [hbm4b:s7+s2], $0x80, v4, vm0, $0xb8;
	[tilespmem:$0x19000] =	vst v63  }
0x42b: {  	s22 =	simm.s32 $0x17000  }
0x42c: {  	[tilespmem:s22], [sflag:$0x1] =	stream.indirect_vreg.gather [hbm4b:s4+s2], $0x80, v3, vm0, $0xb8;
	[tilespmem:$0x19000] =	vst v63  }
0x42d: {  	s23 =	simm.s32 $0x17800  }
0x42e: {  	[tilespmem:s23], [sflag:$0x1] =	stream.indirect_vreg.gather [hbm4b:s5+s2], $0x80, v3, vm0, $0xb8;
	[tilespmem:$0x19000] =	vst v63  }
0x42f: {  	s24 =	simm.s32 $0x18000  }
0x430: {  	[tilespmem:s24], [sflag:$0x1] =	stream.indirect_vreg.gather [hbm4b:s6+s2], $0x80, v3, vm0, $0xb8;
	[tilespmem:$0x19000] =	vst v63  }
0x431: {  	s21 =	simm.s32 $0x18800  }
0x432: {  	[tilespmem:s21], [sflag:$0x1] =	stream.indirect_vreg.gather [hbm4b:s7+s2], $0x80, v3, vm0, $0xb8;
	[tilespmem:$0x19000] =	vst v63  }
0x433: {  	_ =	swait.ge [sflag:s19], $0x8000  }
0x434: {  	[sflag:s19] =	ssyncset.done $0x0  }
0x435: {  	s21 =	rddreg [dreg:$0x15];
	[sflag:s19] =	ssyncadd.s32 $0xFFFF8000  }
0x436: {  	[hbm4b:s21+s2] =	stream.linear.scatter [tilespmem:s29], [sflag:$0x2], $0x8000, $0x38;
	[tilespmem:$0x19000] =	vst v63  }
0x437: {  	_ =	swait.ge [sflag:s20], $0x8000  }
0x438: {  	[sflag:s20] =	ssyncset.done $0x0  }
0x439: {  	[sflag:s20] =	ssyncadd.s32 $0xFFFF8000  }
0x43a: {  	v3 =	vld [tilespmem:$0xA80];
	_ =	sdelay $0x4  }
0x43b: {  	v42 =	vshll.u32 v3, $0x3  }
0x43c: {  	v3 =	vand.u32 $0x7, v3;
	v4 =	vand.u32 $0xFFFFFFC0, v42  }
0x43d: {  	v3 =	vor.u32 v3, v4  }
0x43e: {  	v4 =	vperm.xlane v3, v0;
	_ =	sdelay $0x1  }
0x43f: {  	v4 =	vadd.s32 v1, v4;
	_ =	sdelay $0x4  }
0x440: {  	[tilespmem:s29], [sflag:$0x1] =	stream.indirect_vreg.gather [hbm4b:s4+s2], $0x80, v4, vm0, $0xb8;
	[tilespmem:$0x19000] =	vst v63  }
0x441: {  	s21 =	simm.s32 $0x1800;
	v3 =	vperm.xlane v3, v2  }
0x442: {  	[tilespmem:s21], [sflag:$0x1] =	stream.indirect_vreg.gather [hbm4b:s5+s2], $0x80, v4, vm0, $0xb8;
	[tilespmem:$0x19000] =	vst v63  }
0x443: {  	v3 =	vadd.s32 v1, v3;
	s21 =	simm.s32 $0x2000  }
0x444: {  	[tilespmem:s21], [sflag:$0x1] =	stream.indirect_vreg.gather [hbm4b:s6+s2], $0x80, v4, vm0, $0xb8;
	[tilespmem:$0x19000] =	vst v63  }
0x445: {  	s21 =	simm.s32 $0x2800  }
0x446: {  	[tilespmem:s21], [sflag:$0x1] =	stream.indirect_vreg.gather [hbm4b:s7+s2], $0x80, v4, vm0, $0xb8;
	[tilespmem:$0x19000] =	vst v63  }
0x447: {  	s21 =	simm.s32 $0x3000  }
0x448: {  	[tilespmem:s21], [sflag:$0x1] =	stream.indirect_vreg.gather [hbm4b:s4+s2], $0x80, v3, vm0, $0xb8;
	[tilespmem:$0x19000] =	vst v63  }
0x449: {  	s21 =	simm.s32 $0x3800  }
0x44a: {  	[tilespmem:s21], [sflag:$0x1] =	stream.indirect_vreg.gather [hbm4b:s5+s2], $0x80, v3, vm0, $0xb8;
	[tilespmem:$0x19000] =	vst v63  }
0x44b: {  	s21 =	simm.s32 $0x4000  }
0x44c: {  	[tilespmem:s21], [sflag:$0x1] =	stream.indirect_vreg.gather [hbm4b:s6+s2], $0x80, v3, vm0, $0xb8;
	[tilespmem:$0x19000] =	vst v63  }
0x44d: {  	s21 =	simm.s32 $0x4800  }
0x44e: {  	[tilespmem:s21], [sflag:$0x1] =	stream.indirect_vreg.gather [hbm4b:s7+s2], $0x80, v3, vm0, $0xb8;
	[tilespmem:$0x19000] =	vst v63  }
0x44f: {  	v3 =	vld [tilespmem:$0xA90];
	_ =	sdelay $0x4  }
0x450: {  	v43 =	vshll.u32 v3, $0x3  }
0x451: {  	v3 =	vand.u32 $0x7, v3;
	v4 =	vand.u32 $0xFFFFFFC0, v43  }
0x452: {  	v3 =	vor.u32 v3, v4  }
0x453: {  	v4 =	vperm.xlane v3, v0;
	_ =	sdelay $0x1  }
0x454: {  	v4 =	vadd.s32 v1, v4;
	_ =	sdelay $0x3  }
0x455: {  	s21 =	simm.s32 $0x5000  }
0x456: {  	[tilespmem:s21], [sflag:$0x1] =	stream.indirect_vreg.gather [hbm4b:s4+s2], $0x80, v4, vm0, $0xb8;
	[tilespmem:$0x19000] =	vst v63  }
0x457: {  	v3 =	vperm.xlane v3, v2;
	s21 =	simm.s32 $0x5800  }
0x458: {  	[tilespmem:s21], [sflag:$0x1] =	stream.indirect_vreg.gather [hbm4b:s5+s2], $0x80, v4, vm0, $0xb8;
	[tilespmem:$0x19000] =	vst v63  }
0x459: {  	s30 =	simm.s32 $0x6000;
	v3 =	vadd.s32 v1, v3  }
0x45a: {  	[tilespmem:s30], [sflag:$0x1] =	stream.indirect_vreg.gather [hbm4b:s6+s2], $0x80, v4, vm0, $0xb8;
	[tilespmem:$0x19000] =	vst v63  }
0x45b: {  	s31 =	simm.s32 $0x6800  }
0x45c: {  	[tilespmem:s31], [sflag:$0x1] =	stream.indirect_vreg.gather [hbm4b:s7+s2], $0x80, v4, vm0, $0xb8;
	[tilespmem:$0x19000] =	vst v63  }
0x45d: {  	s3 =	simm.s32 $0x7000  }
0x45e: {  	[tilespmem:s3], [sflag:$0x1] =	stream.indirect_vreg.gather [hbm4b:s4+s2], $0x80, v3, vm0, $0xb8;
	[tilespmem:$0x19000] =	vst v63  }
0x45f: {  	s8 =	simm.s32 $0x7800  }
0x460: {  	[tilespmem:s8], [sflag:$0x1] =	stream.indirect_vreg.gather [hbm4b:s5+s2], $0x80, v3, vm0, $0xb8;
	[tilespmem:$0x19000] =	vst v63  }
0x461: {  	s9 =	simm.s32 $0x8000  }
0x462: {  	[tilespmem:s9], [sflag:$0x1] =	stream.indirect_vreg.gather [hbm4b:s6+s2], $0x80, v3, vm0, $0xb8;
	[tilespmem:$0x19000] =	vst v63  }
0x463: {  	s18 =	simm.s32 $0x8800  }
0x464: {  	[tilespmem:s18], [sflag:$0x1] =	stream.indirect_vreg.gather [hbm4b:s7+s2], $0x80, v3, vm0, $0xb8;
	[tilespmem:$0x19000] =	vst v63  }
0x465: {  	_ =	swait.ge [sflag:s19], $0x8000  }
0x466: {  	[sflag:s19] =	ssyncset.done $0x0  }
0x467: {  	s21 =	rddreg [dreg:$0x16];
	[sflag:s19] =	ssyncadd.s32 $0xFFFF8000  }
0x468: {  	[hbm4b:s21+s2] =	stream.linear.scatter [tilespmem:s26], [sflag:$0x2], $0x8000, $0x38;
	[tilespmem:$0x19000] =	vst v63  }
0x469: {  	_ =	swait.ge [sflag:s20], $0x8000  }
0x46a: {  	[sflag:s20] =	ssyncset.done $0x0  }
0x46b: {  	[sflag:s20] =	ssyncadd.s32 $0xFFFF8000  }
0x46c: {  	v3 =	vld [tilespmem:$0xB00];
	_ =	sdelay $0x4  }
0x46d: {  	v44 =	vshll.u32 v3, $0x3  }
0x46e: {  	v3 =	vand.u32 $0x7, v3;
	v4 =	vand.u32 $0xFFFFFFC0, v44  }
0x46f: {  	v3 =	vor.u32 v3, v4  }
0x470: {  	v4 =	vperm.xlane v3, v0;
	_ =	sdelay $0x1  }
0x471: {  	v4 =	vadd.s32 v1, v4;
	_ =	sdelay $0x4  }
0x472: {  	[tilespmem:s26], [sflag:$0x1] =	stream.indirect_vreg.gather [hbm4b:s4+s2], $0x80, v4, vm0, $0xb8;
	[tilespmem:$0x19000] =	vst v63  }
0x473: {  	s21 =	simm.s32 $0x9800;
	v3 =	vperm.xlane v3, v2  }
0x474: {  	[tilespmem:s21], [sflag:$0x1] =	stream.indirect_vreg.gather [hbm4b:s5+s2], $0x80, v4, vm0, $0xb8;
	[tilespmem:$0x19000] =	vst v63  }
0x475: {  	s1 =	simm.s32 $0xA000;
	v3 =	vadd.s32 v1, v3  }
0x476: {  	[tilespmem:s1], [sflag:$0x1] =	stream.indirect_vreg.gather [hbm4b:s6+s2], $0x80, v4, vm0, $0xb8;
	[tilespmem:$0x19000] =	vst v63  }
0x477: {  	s21 =	simm.s32 $0xA800  }
0x478: {  	[tilespmem:s21], [sflag:$0x1] =	stream.indirect_vreg.gather [hbm4b:s7+s2], $0x80, v4, vm0, $0xb8;
	[tilespmem:$0x19000] =	vst v63  }
0x479: {  	s21 =	simm.s32 $0xB000  }
0x47a: {  	[tilespmem:s21], [sflag:$0x1] =	stream.indirect_vreg.gather [hbm4b:s4+s2], $0x80, v3, vm0, $0xb8;
	[tilespmem:$0x19000] =	vst v63  }
0x47b: {  	s21 =	simm.s32 $0xB800  }
0x47c: {  	[tilespmem:s21], [sflag:$0x1] =	stream.indirect_vreg.gather [hbm4b:s5+s2], $0x80, v3, vm0, $0xb8;
	[tilespmem:$0x19000] =	vst v63  }
0x47d: {  	s21 =	simm.s32 $0xC000  }
0x47e: {  	[tilespmem:s21], [sflag:$0x1] =	stream.indirect_vreg.gather [hbm4b:s6+s2], $0x80, v3, vm0, $0xb8;
	[tilespmem:$0x19000] =	vst v63  }
0x47f: {  	s21 =	simm.s32 $0xC800  }
0x480: {  	[tilespmem:s21], [sflag:$0x1] =	stream.indirect_vreg.gather [hbm4b:s7+s2], $0x80, v3, vm0, $0xb8;
	[tilespmem:$0x19000] =	vst v63  }
0x481: {  	v3 =	vld [tilespmem:$0xB10];
	_ =	sdelay $0x4  }
0x482: {  	v45 =	vshll.u32 v3, $0x3  }
0x483: {  	v3 =	vand.u32 $0x7, v3;
	v4 =	vand.u32 $0xFFFFFFC0, v45  }
0x484: {  	v3 =	vor.u32 v3, v4  }
0x485: {  	v4 =	vperm.xlane v3, v0;
	_ =	sdelay $0x1  }
0x486: {  	v4 =	vadd.s32 v1, v4;
	_ =	sdelay $0x3  }
0x487: {  	s21 =	simm.s32 $0xD000  }
0x488: {  	[tilespmem:s21], [sflag:$0x1] =	stream.indirect_vreg.gather [hbm4b:s4+s2], $0x80, v4, vm0, $0xb8;
	[tilespmem:$0x19000] =	vst v63  }
0x489: {  	v3 =	vperm.xlane v3, v2;
	s21 =	simm.s32 $0xD800  }
0x48a: {  	[tilespmem:s21], [sflag:$0x1] =	stream.indirect_vreg.gather [hbm4b:s5+s2], $0x80, v4, vm0, $0xb8;
	[tilespmem:$0x19000] =	vst v63  }
0x48b: {  	v3 =	vadd.s32 v1, v3;
	s21 =	simm.s32 $0xE000  }
0x48c: {  	[tilespmem:s21], [sflag:$0x1] =	stream.indirect_vreg.gather [hbm4b:s6+s2], $0x80, v4, vm0, $0xb8;
	[tilespmem:$0x19000] =	vst v63  }
0x48d: {  	s21 =	simm.s32 $0xE800  }
0x48e: {  	[tilespmem:s21], [sflag:$0x1] =	stream.indirect_vreg.gather [hbm4b:s7+s2], $0x80, v4, vm0, $0xb8;
	[tilespmem:$0x19000] =	vst v63  }
0x48f: {  	s21 =	simm.s32 $0xF000  }
0x490: {  	[tilespmem:s21], [sflag:$0x1] =	stream.indirect_vreg.gather [hbm4b:s4+s2], $0x80, v3, vm0, $0xb8;
	[tilespmem:$0x19000] =	vst v63  }
0x491: {  	s21 =	simm.s32 $0xF800  }
0x492: {  	[tilespmem:s21], [sflag:$0x1] =	stream.indirect_vreg.gather [hbm4b:s5+s2], $0x80, v3, vm0, $0xb8;
	[tilespmem:$0x19000] =	vst v63  }
0x493: {  	s21 =	simm.s32 $0x10000  }
0x494: {  	[tilespmem:s21], [sflag:$0x1] =	stream.indirect_vreg.gather [hbm4b:s6+s2], $0x80, v3, vm0, $0xb8;
	[tilespmem:$0x19000] =	vst v63  }
0x495: {  	s21 =	simm.s32 $0x10800  }
0x496: {  	[tilespmem:s21], [sflag:$0x1] =	stream.indirect_vreg.gather [hbm4b:s7+s2], $0x80, v3, vm0, $0xb8;
	[tilespmem:$0x19000] =	vst v63  }
0x497: {  	_ =	swait.ge [sflag:s19], $0x8000  }
0x498: {  	[sflag:s19] =	ssyncset.done $0x0  }
0x499: {  	s21 =	rddreg [dreg:$0x17];
	[sflag:s19] =	ssyncadd.s32 $0xFFFF8000  }
0x49a: {  	[hbm4b:s21+s2] =	stream.linear.scatter [tilespmem:s10], [sflag:$0x2], $0x8000, $0x38;
	[tilespmem:$0x19000] =	vst v63  }
0x49b: {  	_ =	swait.ge [sflag:s20], $0x8000  }
0x49c: {  	[sflag:s20] =	ssyncset.done $0x0  }
0x49d: {  	[sflag:s20] =	ssyncadd.s32 $0xFFFF8000  }
0x49e: {  	v3 =	vld [tilespmem:$0xB80];
	_ =	sdelay $0x4  }
0x49f: {  	v46 =	vshll.u32 v3, $0x3  }
0x4a0: {  	v3 =	vand.u32 $0x7, v3;
	v4 =	vand.u32 $0xFFFFFFC0, v46  }
0x4a1: {  	v3 =	vor.u32 v3, v4  }
0x4a2: {  	v4 =	vperm.xlane v3, v0;
	_ =	sdelay $0x1  }
0x4a3: {  	v4 =	vadd.s32 v1, v4;
	_ =	sdelay $0x4  }
0x4a4: {  	[tilespmem:s10], [sflag:$0x1] =	stream.indirect_vreg.gather [hbm4b:s4+s2], $0x80, v4, vm0, $0xb8;
	[tilespmem:$0x19000] =	vst v63  }
0x4a5: {  	s21 =	simm.s32 $0x11800;
	v3 =	vperm.xlane v3, v2  }
0x4a6: {  	[tilespmem:s21], [sflag:$0x1] =	stream.indirect_vreg.gather [hbm4b:s5+s2], $0x80, v4, vm0, $0xb8;
	[tilespmem:$0x19000] =	vst v63  }
0x4a7: {  	s11 =	simm.s32 $0x12000;
	v3 =	vadd.s32 v1, v3  }
0x4a8: {  	[tilespmem:s11], [sflag:$0x1] =	stream.indirect_vreg.gather [hbm4b:s6+s2], $0x80, v4, vm0, $0xb8;
	[tilespmem:$0x19000] =	vst v63  }
0x4a9: {  	s12 =	simm.s32 $0x12800  }
0x4aa: {  	[tilespmem:s12], [sflag:$0x1] =	stream.indirect_vreg.gather [hbm4b:s7+s2], $0x80, v4, vm0, $0xb8;
	[tilespmem:$0x19000] =	vst v63  }
0x4ab: {  	s13 =	simm.s32 $0x13000  }
0x4ac: {  	[tilespmem:s13], [sflag:$0x1] =	stream.indirect_vreg.gather [hbm4b:s4+s2], $0x80, v3, vm0, $0xb8;
	[tilespmem:$0x19000] =	vst v63  }
0x4ad: {  	s14 =	simm.s32 $0x13800  }
0x4ae: {  	[tilespmem:s14], [sflag:$0x1] =	stream.indirect_vreg.gather [hbm4b:s5+s2], $0x80, v3, vm0, $0xb8;
	[tilespmem:$0x19000] =	vst v63  }
0x4af: {  	s15 =	simm.s32 $0x14000  }
0x4b0: {  	[tilespmem:s15], [sflag:$0x1] =	stream.indirect_vreg.gather [hbm4b:s6+s2], $0x80, v3, vm0, $0xb8;
	[tilespmem:$0x19000] =	vst v63  }
0x4b1: {  	s21 =	simm.s32 $0x14800  }
0x4b2: {  	[tilespmem:s21], [sflag:$0x1] =	stream.indirect_vreg.gather [hbm4b:s7+s2], $0x80, v3, vm0, $0xb8;
	[tilespmem:$0x19000] =	vst v63  }
0x4b3: {  	v3 =	vld [tilespmem:$0xB90];
	_ =	sdelay $0x4  }
0x4b4: {  	v47 =	vshll.u32 v3, $0x3  }
0x4b5: {  	v3 =	vand.u32 $0x7, v3;
	v4 =	vand.u32 $0xFFFFFFC0, v47  }
0x4b6: {  	v3 =	vor.u32 v3, v4  }
0x4b7: {  	v4 =	vperm.xlane v3, v0;
	_ =	sdelay $0x1  }
0x4b8: {  	v4 =	vadd.s32 v1, v4;
	_ =	sdelay $0x3  }
0x4b9: {  	s25 =	simm.s32 $0x15000  }
0x4ba: {  	[tilespmem:s25], [sflag:$0x1] =	stream.indirect_vreg.gather [hbm4b:s4+s2], $0x80, v4, vm0, $0xb8;
	[tilespmem:$0x19000] =	vst v63  }
0x4bb: {  	s28 =	simm.s32 $0x15800;
	v3 =	vperm.xlane v3, v2  }
0x4bc: {  	[tilespmem:s28], [sflag:$0x1] =	stream.indirect_vreg.gather [hbm4b:s5+s2], $0x80, v4, vm0, $0xb8;
	[tilespmem:$0x19000] =	vst v63  }
0x4bd: {  	s16 =	simm.s32 $0x16000;
	v3 =	vadd.s32 v1, v3  }
0x4be: {  	[tilespmem:s16], [sflag:$0x1] =	stream.indirect_vreg.gather [hbm4b:s6+s2], $0x80, v4, vm0, $0xb8;
	[tilespmem:$0x19000] =	vst v63  }
0x4bf: {  	s17 =	simm.s32 $0x16800  }
0x4c0: {  	[tilespmem:s17], [sflag:$0x1] =	stream.indirect_vreg.gather [hbm4b:s7+s2], $0x80, v4, vm0, $0xb8;
	[tilespmem:$0x19000] =	vst v63  }
0x4c1: {  	s22 =	simm.s32 $0x17000  }
0x4c2: {  	[tilespmem:s22], [sflag:$0x1] =	stream.indirect_vreg.gather [hbm4b:s4+s2], $0x80, v3, vm0, $0xb8;
	[tilespmem:$0x19000] =	vst v63  }
0x4c3: {  	s23 =	simm.s32 $0x17800  }
0x4c4: {  	[tilespmem:s23], [sflag:$0x1] =	stream.indirect_vreg.gather [hbm4b:s5+s2], $0x80, v3, vm0, $0xb8;
	[tilespmem:$0x19000] =	vst v63  }
0x4c5: {  	s24 =	simm.s32 $0x18000  }
0x4c6: {  	[tilespmem:s24], [sflag:$0x1] =	stream.indirect_vreg.gather [hbm4b:s6+s2], $0x80, v3, vm0, $0xb8;
	[tilespmem:$0x19000] =	vst v63  }
0x4c7: {  	s21 =	simm.s32 $0x18800  }
0x4c8: {  	[tilespmem:s21], [sflag:$0x1] =	stream.indirect_vreg.gather [hbm4b:s7+s2], $0x80, v3, vm0, $0xb8;
	[tilespmem:$0x19000] =	vst v63  }
0x4c9: {  	_ =	swait.ge [sflag:s19], $0x8000  }
0x4ca: {  	[sflag:s19] =	ssyncset.done $0x0  }
0x4cb: {  	s21 =	rddreg [dreg:$0x18];
	[sflag:s19] =	ssyncadd.s32 $0xFFFF8000  }
0x4cc: {  	[hbm4b:s21+s2] =	stream.linear.scatter [tilespmem:s29], [sflag:$0x2], $0x8000, $0x38;
	[tilespmem:$0x19000] =	vst v63  }
0x4cd: {  	_ =	swait.ge [sflag:s20], $0x8000  }
0x4ce: {  	[sflag:s20] =	ssyncset.done $0x0  }
0x4cf: {  	[sflag:s20] =	ssyncadd.s32 $0xFFFF8000  }
0x4d0: {  	v3 =	vld [tilespmem:$0xC00];
	_ =	sdelay $0x4  }
0x4d1: {  	v48 =	vshll.u32 v3, $0x3  }
0x4d2: {  	v3 =	vand.u32 $0x7, v3;
	v4 =	vand.u32 $0xFFFFFFC0, v48  }
0x4d3: {  	v3 =	vor.u32 v3, v4  }
0x4d4: {  	v4 =	vperm.xlane v3, v0;
	_ =	sdelay $0x1  }
0x4d5: {  	v4 =	vadd.s32 v1, v4;
	_ =	sdelay $0x4  }
0x4d6: {  	[tilespmem:s29], [sflag:$0x1] =	stream.indirect_vreg.gather [hbm4b:s4+s2], $0x80, v4, vm0, $0xb8;
	[tilespmem:$0x19000] =	vst v63  }
0x4d7: {  	s21 =	simm.s32 $0x1800;
	v3 =	vperm.xlane v3, v2  }
0x4d8: {  	[tilespmem:s21], [sflag:$0x1] =	stream.indirect_vreg.gather [hbm4b:s5+s2], $0x80, v4, vm0, $0xb8;
	[tilespmem:$0x19000] =	vst v63  }
0x4d9: {  	v3 =	vadd.s32 v1, v3;
	s21 =	simm.s32 $0x2000  }
0x4da: {  	[tilespmem:s21], [sflag:$0x1] =	stream.indirect_vreg.gather [hbm4b:s6+s2], $0x80, v4, vm0, $0xb8;
	[tilespmem:$0x19000] =	vst v63  }
0x4db: {  	s21 =	simm.s32 $0x2800  }
0x4dc: {  	[tilespmem:s21], [sflag:$0x1] =	stream.indirect_vreg.gather [hbm4b:s7+s2], $0x80, v4, vm0, $0xb8;
	[tilespmem:$0x19000] =	vst v63  }
0x4dd: {  	s21 =	simm.s32 $0x3000  }
0x4de: {  	[tilespmem:s21], [sflag:$0x1] =	stream.indirect_vreg.gather [hbm4b:s4+s2], $0x80, v3, vm0, $0xb8;
	[tilespmem:$0x19000] =	vst v63  }
0x4df: {  	s21 =	simm.s32 $0x3800  }
0x4e0: {  	[tilespmem:s21], [sflag:$0x1] =	stream.indirect_vreg.gather [hbm4b:s5+s2], $0x80, v3, vm0, $0xb8;
	[tilespmem:$0x19000] =	vst v63  }
0x4e1: {  	s21 =	simm.s32 $0x4000  }
0x4e2: {  	[tilespmem:s21], [sflag:$0x1] =	stream.indirect_vreg.gather [hbm4b:s6+s2], $0x80, v3, vm0, $0xb8;
	[tilespmem:$0x19000] =	vst v63  }
0x4e3: {  	s21 =	simm.s32 $0x4800  }
0x4e4: {  	[tilespmem:s21], [sflag:$0x1] =	stream.indirect_vreg.gather [hbm4b:s7+s2], $0x80, v3, vm0, $0xb8;
	[tilespmem:$0x19000] =	vst v63  }
0x4e5: {  	v3 =	vld [tilespmem:$0xC10];
	_ =	sdelay $0x4  }
0x4e6: {  	v49 =	vshll.u32 v3, $0x3  }
0x4e7: {  	v3 =	vand.u32 $0x7, v3;
	v4 =	vand.u32 $0xFFFFFFC0, v49  }
0x4e8: {  	v3 =	vor.u32 v3, v4  }
0x4e9: {  	v4 =	vperm.xlane v3, v0;
	_ =	sdelay $0x1  }
0x4ea: {  	v4 =	vadd.s32 v1, v4;
	_ =	sdelay $0x3  }
0x4eb: {  	s21 =	simm.s32 $0x5000  }
0x4ec: {  	[tilespmem:s21], [sflag:$0x1] =	stream.indirect_vreg.gather [hbm4b:s4+s2], $0x80, v4, vm0, $0xb8;
	[tilespmem:$0x19000] =	vst v63  }
0x4ed: {  	v3 =	vperm.xlane v3, v2;
	s21 =	simm.s32 $0x5800  }
0x4ee: {  	[tilespmem:s21], [sflag:$0x1] =	stream.indirect_vreg.gather [hbm4b:s5+s2], $0x80, v4, vm0, $0xb8;
	[tilespmem:$0x19000] =	vst v63  }
0x4ef: {  	s30 =	simm.s32 $0x6000;
	v3 =	vadd.s32 v1, v3  }
0x4f0: {  	[tilespmem:s30], [sflag:$0x1] =	stream.indirect_vreg.gather [hbm4b:s6+s2], $0x80, v4, vm0, $0xb8;
	[tilespmem:$0x19000] =	vst v63  }
0x4f1: {  	s31 =	simm.s32 $0x6800  }
0x4f2: {  	[tilespmem:s31], [sflag:$0x1] =	stream.indirect_vreg.gather [hbm4b:s7+s2], $0x80, v4, vm0, $0xb8;
	[tilespmem:$0x19000] =	vst v63  }
0x4f3: {  	s3 =	simm.s32 $0x7000  }
0x4f4: {  	[tilespmem:s3], [sflag:$0x1] =	stream.indirect_vreg.gather [hbm4b:s4+s2], $0x80, v3, vm0, $0xb8;
	[tilespmem:$0x19000] =	vst v63  }
0x4f5: {  	s8 =	simm.s32 $0x7800  }
0x4f6: {  	[tilespmem:s8], [sflag:$0x1] =	stream.indirect_vreg.gather [hbm4b:s5+s2], $0x80, v3, vm0, $0xb8;
	[tilespmem:$0x19000] =	vst v63  }
0x4f7: {  	s9 =	simm.s32 $0x8000  }
0x4f8: {  	[tilespmem:s9], [sflag:$0x1] =	stream.indirect_vreg.gather [hbm4b:s6+s2], $0x80, v3, vm0, $0xb8;
	[tilespmem:$0x19000] =	vst v63  }
0x4f9: {  	s18 =	simm.s32 $0x8800  }
0x4fa: {  	[tilespmem:s18], [sflag:$0x1] =	stream.indirect_vreg.gather [hbm4b:s7+s2], $0x80, v3, vm0, $0xb8;
	[tilespmem:$0x19000] =	vst v63  }
0x4fb: {  	_ =	swait.ge [sflag:s19], $0x8000  }
0x4fc: {  	[sflag:s19] =	ssyncset.done $0x0  }
0x4fd: {  	s18 =	rddreg [dreg:$0x19];
	[sflag:s19] =	ssyncadd.s32 $0xFFFF8000  }
0x4fe: {  	[hbm4b:s18+s2] =	stream.linear.scatter [tilespmem:s26], [sflag:$0x2], $0x8000, $0x38;
	[tilespmem:$0x19000] =	vst v63  }
0x4ff: {  	_ =	swait.ge [sflag:s20], $0x8000  }
0x500: {  	[sflag:s20] =	ssyncset.done $0x0  }
0x501: {  	[sflag:s20] =	ssyncadd.s32 $0xFFFF8000  }
0x502: {  	v3 =	vld [tilespmem:$0xC80];
	_ =	sdelay $0x4  }
0x503: {  	v50 =	vshll.u32 v3, $0x3  }
0x504: {  	v3 =	vand.u32 $0x7, v3;
	v4 =	vand.u32 $0xFFFFFFC0, v50  }
0x505: {  	v3 =	vor.u32 v3, v4  }
0x506: {  	v4 =	vperm.xlane v3, v0;
	_ =	sdelay $0x1  }
0x507: {  	v4 =	vadd.s32 v1, v4;
	_ =	sdelay $0x4  }
0x508: {  	[tilespmem:s26], [sflag:$0x1] =	stream.indirect_vreg.gather [hbm4b:s4+s2], $0x80, v4, vm0, $0xb8;
	[tilespmem:$0x19000] =	vst v63  }
0x509: {  	s21 =	simm.s32 $0x9800;
	v3 =	vperm.xlane v3, v2  }
0x50a: {  	[tilespmem:s21], [sflag:$0x1] =	stream.indirect_vreg.gather [hbm4b:s5+s2], $0x80, v4, vm0, $0xb8;
	[tilespmem:$0x19000] =	vst v63  }
0x50b: {  	s1 =	simm.s32 $0xA000;
	v3 =	vadd.s32 v1, v3  }
0x50c: {  	[tilespmem:s1], [sflag:$0x1] =	stream.indirect_vreg.gather [hbm4b:s6+s2], $0x80, v4, vm0, $0xb8;
	[tilespmem:$0x19000] =	vst v63  }
0x50d: {  	s3 =	simm.s32 $0xA800  }
0x50e: {  	[tilespmem:s3], [sflag:$0x1] =	stream.indirect_vreg.gather [hbm4b:s7+s2], $0x80, v4, vm0, $0xb8;
	[tilespmem:$0x19000] =	vst v63  }
0x50f: {  	s8 =	simm.s32 $0xB000  }
0x510: {  	[tilespmem:s8], [sflag:$0x1] =	stream.indirect_vreg.gather [hbm4b:s4+s2], $0x80, v3, vm0, $0xb8;
	[tilespmem:$0x19000] =	vst v63  }
0x511: {  	s18 =	simm.s32 $0xB800  }
0x512: {  	[tilespmem:s18], [sflag:$0x1] =	stream.indirect_vreg.gather [hbm4b:s5+s2], $0x80, v3, vm0, $0xb8;
	[tilespmem:$0x19000] =	vst v63  }
0x513: {  	s21 =	simm.s32 $0xC000  }
0x514: {  	[tilespmem:s21], [sflag:$0x1] =	stream.indirect_vreg.gather [hbm4b:s6+s2], $0x80, v3, vm0, $0xb8;
	[tilespmem:$0x19000] =	vst v63  }
0x515: {  	s3 =	simm.s32 $0xC800  }
0x516: {  	[tilespmem:s3], [sflag:$0x1] =	stream.indirect_vreg.gather [hbm4b:s7+s2], $0x80, v3, vm0, $0xb8;
	[tilespmem:$0x19000] =	vst v63  }
0x517: {  	v3 =	vld [tilespmem:$0xC90];
	_ =	sdelay $0x4  }
0x518: {  	v51 =	vshll.u32 v3, $0x3  }
0x519: {  	v3 =	vand.u32 $0x7, v3;
	v4 =	vand.u32 $0xFFFFFFC0, v51  }
0x51a: {  	v3 =	vor.u32 v3, v4  }
0x51b: {  	v4 =	vperm.xlane v3, v0;
	_ =	sdelay $0x1  }
0x51c: {  	v4 =	vadd.s32 v1, v4;
	_ =	sdelay $0x3  }
0x51d: {  	s8 =	simm.s32 $0xD000  }
0x51e: {  	[tilespmem:s8], [sflag:$0x1] =	stream.indirect_vreg.gather [hbm4b:s4+s2], $0x80, v4, vm0, $0xb8;
	[tilespmem:$0x19000] =	vst v63  }
0x51f: {  	s18 =	simm.s32 $0xD800;
	v3 =	vperm.xlane v3, v2  }
0x520: {  	[tilespmem:s18], [sflag:$0x1] =	stream.indirect_vreg.gather [hbm4b:s5+s2], $0x80, v4, vm0, $0xb8;
	[tilespmem:$0x19000] =	vst v63  }
0x521: {  	s21 =	simm.s32 $0xE000;
	v3 =	vadd.s32 v1, v3  }
0x522: {  	[tilespmem:s21], [sflag:$0x1] =	stream.indirect_vreg.gather [hbm4b:s6+s2], $0x80, v4, vm0, $0xb8;
	[tilespmem:$0x19000] =	vst v63  }
0x523: {  	s3 =	simm.s32 $0xE800  }
0x524: {  	[tilespmem:s3], [sflag:$0x1] =	stream.indirect_vreg.gather [hbm4b:s7+s2], $0x80, v4, vm0, $0xb8;
	[tilespmem:$0x19000] =	vst v63  }
0x525: {  	s8 =	simm.s32 $0xF000  }
0x526: {  	[tilespmem:s8], [sflag:$0x1] =	stream.indirect_vreg.gather [hbm4b:s4+s2], $0x80, v3, vm0, $0xb8;
	[tilespmem:$0x19000] =	vst v63  }
0x527: {  	s18 =	simm.s32 $0xF800  }
0x528: {  	[tilespmem:s18], [sflag:$0x1] =	stream.indirect_vreg.gather [hbm4b:s5+s2], $0x80, v3, vm0, $0xb8;
	[tilespmem:$0x19000] =	vst v63  }
0x529: {  	s21 =	simm.s32 $0x10000  }
0x52a: {  	[tilespmem:s21], [sflag:$0x1] =	stream.indirect_vreg.gather [hbm4b:s6+s2], $0x80, v3, vm0, $0xb8;
	[tilespmem:$0x19000] =	vst v63  }
0x52b: {  	s3 =	simm.s32 $0x10800  }
0x52c: {  	[tilespmem:s3], [sflag:$0x1] =	stream.indirect_vreg.gather [hbm4b:s7+s2], $0x80, v3, vm0, $0xb8;
	[tilespmem:$0x19000] =	vst v63  }
0x52d: {  	_ =	swait.ge [sflag:s19], $0x8000  }
0x52e: {  	[sflag:s19] =	ssyncset.done $0x0  }
0x52f: {  	s8 =	rddreg [dreg:$0x1a];
	[sflag:s19] =	ssyncadd.s32 $0xFFFF8000  }
0x530: {  	[hbm4b:s8+s2] =	stream.linear.scatter [tilespmem:s10], [sflag:$0x2], $0x8000, $0x38;
	[tilespmem:$0x19000] =	vst v63  }
0x531: {  	_ =	swait.ge [sflag:s20], $0x8000  }
0x532: {  	[sflag:s20] =	ssyncset.done $0x0  }
0x533: {  	[sflag:s20] =	ssyncadd.s32 $0xFFFF8000  }
0x534: {  	v3 =	vld [tilespmem:$0xD00];
	_ =	sdelay $0x4  }
0x535: {  	v52 =	vshll.u32 v3, $0x3  }
0x536: {  	v3 =	vand.u32 $0x7, v3;
	v4 =	vand.u32 $0xFFFFFFC0, v52  }
0x537: {  	v3 =	vor.u32 v3, v4  }
0x538: {  	v4 =	vperm.xlane v3, v0;
	_ =	sdelay $0x1  }
0x539: {  	v4 =	vadd.s32 v1, v4;
	_ =	sdelay $0x4  }
0x53a: {  	[tilespmem:s10], [sflag:$0x1] =	stream.indirect_vreg.gather [hbm4b:s4+s2], $0x80, v4, vm0, $0xb8;
	[tilespmem:$0x19000] =	vst v63  }
0x53b: {  	s18 =	simm.s32 $0x11800;
	v3 =	vperm.xlane v3, v2  }
0x53c: {  	[tilespmem:s18], [sflag:$0x1] =	stream.indirect_vreg.gather [hbm4b:s5+s2], $0x80, v4, vm0, $0xb8;
	[tilespmem:$0x19000] =	vst v63  }
0x53d: {  	s11 =	simm.s32 $0x12000;
	v3 =	vadd.s32 v1, v3  }
0x53e: {  	[tilespmem:s11], [sflag:$0x1] =	stream.indirect_vreg.gather [hbm4b:s6+s2], $0x80, v4, vm0, $0xb8;
	[tilespmem:$0x19000] =	vst v63  }
0x53f: {  	s12 =	simm.s32 $0x12800  }
0x540: {  	[tilespmem:s12], [sflag:$0x1] =	stream.indirect_vreg.gather [hbm4b:s7+s2], $0x80, v4, vm0, $0xb8;
	[tilespmem:$0x19000] =	vst v63  }
0x541: {  	s13 =	simm.s32 $0x13000  }
0x542: {  	[tilespmem:s13], [sflag:$0x1] =	stream.indirect_vreg.gather [hbm4b:s4+s2], $0x80, v3, vm0, $0xb8;
	[tilespmem:$0x19000] =	vst v63  }
0x543: {  	s14 =	simm.s32 $0x13800  }
0x544: {  	[tilespmem:s14], [sflag:$0x1] =	stream.indirect_vreg.gather [hbm4b:s5+s2], $0x80, v3, vm0, $0xb8;
	[tilespmem:$0x19000] =	vst v63  }
0x545: {  	s15 =	simm.s32 $0x14000  }
0x546: {  	[tilespmem:s15], [sflag:$0x1] =	stream.indirect_vreg.gather [hbm4b:s6+s2], $0x80, v3, vm0, $0xb8;
	[tilespmem:$0x19000] =	vst v63  }
0x547: {  	s21 =	simm.s32 $0x14800  }
0x548: {  	[tilespmem:s21], [sflag:$0x1] =	stream.indirect_vreg.gather [hbm4b:s7+s2], $0x80, v3, vm0, $0xb8;
	[tilespmem:$0x19000] =	vst v63  }
0x549: {  	v3 =	vld [tilespmem:$0xD10];
	_ =	sdelay $0x4  }
0x54a: {  	v53 =	vshll.u32 v3, $0x3  }
0x54b: {  	v3 =	vand.u32 $0x7, v3;
	v4 =	vand.u32 $0xFFFFFFC0, v53  }
0x54c: {  	v3 =	vor.u32 v3, v4  }
0x54d: {  	v4 =	vperm.xlane v3, v0;
	_ =	sdelay $0x1  }
0x54e: {  	v4 =	vadd.s32 v1, v4;
	_ =	sdelay $0x3  }
0x54f: {  	s25 =	simm.s32 $0x15000  }
0x550: {  	[tilespmem:s25], [sflag:$0x1] =	stream.indirect_vreg.gather [hbm4b:s4+s2], $0x80, v4, vm0, $0xb8;
	[tilespmem:$0x19000] =	vst v63  }
0x551: {  	s28 =	simm.s32 $0x15800;
	v3 =	vperm.xlane v3, v2  }
0x552: {  	[tilespmem:s28], [sflag:$0x1] =	stream.indirect_vreg.gather [hbm4b:s5+s2], $0x80, v4, vm0, $0xb8;
	[tilespmem:$0x19000] =	vst v63  }
0x553: {  	s16 =	simm.s32 $0x16000;
	v3 =	vadd.s32 v1, v3  }
0x554: {  	[tilespmem:s16], [sflag:$0x1] =	stream.indirect_vreg.gather [hbm4b:s6+s2], $0x80, v4, vm0, $0xb8;
	[tilespmem:$0x19000] =	vst v63  }
0x555: {  	s17 =	simm.s32 $0x16800  }
0x556: {  	[tilespmem:s17], [sflag:$0x1] =	stream.indirect_vreg.gather [hbm4b:s7+s2], $0x80, v4, vm0, $0xb8;
	[tilespmem:$0x19000] =	vst v63  }
0x557: {  	s22 =	simm.s32 $0x17000  }
0x558: {  	[tilespmem:s22], [sflag:$0x1] =	stream.indirect_vreg.gather [hbm4b:s4+s2], $0x80, v3, vm0, $0xb8;
	[tilespmem:$0x19000] =	vst v63  }
0x559: {  	s23 =	simm.s32 $0x17800  }
0x55a: {  	[tilespmem:s23], [sflag:$0x1] =	stream.indirect_vreg.gather [hbm4b:s5+s2], $0x80, v3, vm0, $0xb8;
	[tilespmem:$0x19000] =	vst v63  }
0x55b: {  	s24 =	simm.s32 $0x18000  }
0x55c: {  	[tilespmem:s24], [sflag:$0x1] =	stream.indirect_vreg.gather [hbm4b:s6+s2], $0x80, v3, vm0, $0xb8;
	[tilespmem:$0x19000] =	vst v63  }
0x55d: {  	s28 =	simm.s32 $0x18800  }
0x55e: {  	[tilespmem:s28], [sflag:$0x1] =	stream.indirect_vreg.gather [hbm4b:s7+s2], $0x80, v3, vm0, $0xb8;
	[tilespmem:$0x19000] =	vst v63  }
0x55f: {  	_ =	swait.ge [sflag:s19], $0x8000  }
0x560: {  	[sflag:s19] =	ssyncset.done $0x0  }
0x561: {  	s18 =	rddreg [dreg:$0x1b];
	[sflag:s19] =	ssyncadd.s32 $0xFFFF8000  }
0x562: {  	[hbm4b:s18+s2] =	stream.linear.scatter [tilespmem:s29], [sflag:$0x2], $0x8000, $0x38;
	[tilespmem:$0x19000] =	vst v63  }
0x563: {  	_ =	swait.ge [sflag:s20], $0x8000  }
0x564: {  	[sflag:s20] =	ssyncset.done $0x0  }
0x565: {  	[sflag:s20] =	ssyncadd.s32 $0xFFFF8000  }
0x566: {  	v3 =	vld [tilespmem:$0xD80];
	_ =	sdelay $0x4  }
0x567: {  	v54 =	vshll.u32 v3, $0x3  }
0x568: {  	v3 =	vand.u32 $0x7, v3;
	v4 =	vand.u32 $0xFFFFFFC0, v54  }
0x569: {  	v3 =	vor.u32 v3, v4  }
0x56a: {  	v4 =	vperm.xlane v3, v0;
	_ =	sdelay $0x1  }
0x56b: {  	v4 =	vadd.s32 v1, v4;
	_ =	sdelay $0x4  }
0x56c: {  	[tilespmem:s29], [sflag:$0x1] =	stream.indirect_vreg.gather [hbm4b:s4+s2], $0x80, v4, vm0, $0xb8;
	[tilespmem:$0x19000] =	vst v63  }
0x56d: {  	s24 =	simm.s32 $0x1800;
	v3 =	vperm.xlane v3, v2  }
0x56e: {  	[tilespmem:s24], [sflag:$0x1] =	stream.indirect_vreg.gather [hbm4b:s5+s2], $0x80, v4, vm0, $0xb8;
	[tilespmem:$0x19000] =	vst v63  }
0x56f: {  	s28 =	simm.s32 $0x2000;
	v3 =	vadd.s32 v1, v3  }
0x570: {  	[tilespmem:s28], [sflag:$0x1] =	stream.indirect_vreg.gather [hbm4b:s6+s2], $0x80, v4, vm0, $0xb8;
	[tilespmem:$0x19000] =	vst v63  }
0x571: {  	s21 =	simm.s32 $0x2800  }
0x572: {  	[tilespmem:s21], [sflag:$0x1] =	stream.indirect_vreg.gather [hbm4b:s7+s2], $0x80, v4, vm0, $0xb8;
	[tilespmem:$0x19000] =	vst v63  }
0x573: {  	s24 =	simm.s32 $0x3000  }
0x574: {  	[tilespmem:s24], [sflag:$0x1] =	stream.indirect_vreg.gather [hbm4b:s4+s2], $0x80, v3, vm0, $0xb8;
	[tilespmem:$0x19000] =	vst v63  }
0x575: {  	s28 =	simm.s32 $0x3800  }
0x576: {  	[tilespmem:s28], [sflag:$0x1] =	stream.indirect_vreg.gather [hbm4b:s5+s2], $0x80, v3, vm0, $0xb8;
	[tilespmem:$0x19000] =	vst v63  }
0x577: {  	s21 =	simm.s32 $0x4000  }
0x578: {  	[tilespmem:s21], [sflag:$0x1] =	stream.indirect_vreg.gather [hbm4b:s6+s2], $0x80, v3, vm0, $0xb8;
	[tilespmem:$0x19000] =	vst v63  }
0x579: {  	s24 =	simm.s32 $0x4800  }
0x57a: {  	[tilespmem:s24], [sflag:$0x1] =	stream.indirect_vreg.gather [hbm4b:s7+s2], $0x80, v3, vm0, $0xb8;
	[tilespmem:$0x19000] =	vst v63  }
0x57b: {  	v3 =	vld [tilespmem:$0xD90];
	_ =	sdelay $0x4  }
0x57c: {  	v55 =	vshll.u32 v3, $0x3  }
0x57d: {  	v3 =	vand.u32 $0x7, v3;
	v4 =	vand.u32 $0xFFFFFFC0, v55  }
0x57e: {  	v3 =	vor.u32 v3, v4  }
0x57f: {  	v4 =	vperm.xlane v3, v0;
	_ =	sdelay $0x1  }
0x580: {  	v4 =	vadd.s32 v1, v4;
	_ =	sdelay $0x3  }
0x581: {  	s28 =	simm.s32 $0x5000  }
0x582: {  	[tilespmem:s28], [sflag:$0x1] =	stream.indirect_vreg.gather [hbm4b:s4+s2], $0x80, v4, vm0, $0xb8;
	[tilespmem:$0x19000] =	vst v63  }
0x583: {  	s21 =	simm.s32 $0x5800;
	v3 =	vperm.xlane v3, v2  }
0x584: {  	[tilespmem:s21], [sflag:$0x1] =	stream.indirect_vreg.gather [hbm4b:s5+s2], $0x80, v4, vm0, $0xb8;
	[tilespmem:$0x19000] =	vst v63  }
0x585: {  	s24 =	simm.s32 $0x6000;
	v3 =	vadd.s32 v1, v3  }
0x586: {  	[tilespmem:s24], [sflag:$0x1] =	stream.indirect_vreg.gather [hbm4b:s6+s2], $0x80, v4, vm0, $0xb8;
	[tilespmem:$0x19000] =	vst v63  }
0x587: {  	s28 =	simm.s32 $0x6800  }
0x588: {  	[tilespmem:s28], [sflag:$0x1] =	stream.indirect_vreg.gather [hbm4b:s7+s2], $0x80, v4, vm0, $0xb8;
	[tilespmem:$0x19000] =	vst v63  }
0x589: {  	s30 =	simm.s32 $0x7000  }
0x58a: {  	[tilespmem:s30], [sflag:$0x1] =	stream.indirect_vreg.gather [hbm4b:s4+s2], $0x80, v3, vm0, $0xb8;
	[tilespmem:$0x19000] =	vst v63  }
0x58b: {  	s31 =	simm.s32 $0x7800  }
0x58c: {  	[tilespmem:s31], [sflag:$0x1] =	stream.indirect_vreg.gather [hbm4b:s5+s2], $0x80, v3, vm0, $0xb8;
	[tilespmem:$0x19000] =	vst v63  }
0x58d: {  	s31 =	simm.s32 $0x8000  }
0x58e: {  	[tilespmem:s31], [sflag:$0x1] =	stream.indirect_vreg.gather [hbm4b:s6+s2], $0x80, v3, vm0, $0xb8;
	[tilespmem:$0x19000] =	vst v63  }
0x58f: {  	s24 =	simm.s32 $0x8800  }
0x590: {  	[tilespmem:s24], [sflag:$0x1] =	stream.indirect_vreg.gather [hbm4b:s7+s2], $0x80, v3, vm0, $0xb8;
	[tilespmem:$0x19000] =	vst v63  }
0x591: {  	_ =	swait.ge [sflag:s19], $0x8000  }
0x592: {  	[sflag:s19] =	ssyncset.done $0x0  }
0x593: {  	s24 =	rddreg [dreg:$0x1c];
	[sflag:s19] =	ssyncadd.s32 $0xFFFF8000  }
0x594: {  	[hbm4b:s24+s2] =	stream.linear.scatter [tilespmem:s26], [sflag:$0x2], $0x8000, $0x38;
	[tilespmem:$0x19000] =	vst v63  }
0x595: {  	_ =	swait.ge [sflag:s20], $0x8000  }
0x596: {  	[sflag:s20] =	ssyncset.done $0x0  }
0x597: {  	[sflag:s20] =	ssyncadd.s32 $0xFFFF8000  }
0x598: {  	v3 =	vld [tilespmem:$0xE00];
	_ =	sdelay $0x4  }
0x599: {  	v56 =	vshll.u32 v3, $0x3  }
0x59a: {  	v3 =	vand.u32 $0x7, v3;
	v4 =	vand.u32 $0xFFFFFFC0, v56  }
0x59b: {  	v3 =	vor.u32 v3, v4  }
0x59c: {  	v4 =	vperm.xlane v3, v0;
	_ =	sdelay $0x1  }
0x59d: {  	v4 =	vadd.s32 v1, v4;
	_ =	sdelay $0x4  }
0x59e: {  	[tilespmem:s26], [sflag:$0x1] =	stream.indirect_vreg.gather [hbm4b:s4+s2], $0x80, v4, vm0, $0xb8;
	[tilespmem:$0x19000] =	vst v63  }
0x59f: {  	s24 =	simm.s32 $0x9800;
	v3 =	vperm.xlane v3, v2  }
0x5a0: {  	[tilespmem:s24], [sflag:$0x1] =	stream.indirect_vreg.gather [hbm4b:s5+s2], $0x80, v4, vm0, $0xb8;
	[tilespmem:$0x19000] =	vst v63  }
0x5a1: {  	s9 =	simm.s32 $0xA000;
	v3 =	vadd.s32 v1, v3  }
0x5a2: {  	[tilespmem:s9], [sflag:$0x1] =	stream.indirect_vreg.gather [hbm4b:s6+s2], $0x80, v4, vm0, $0xb8;
	[tilespmem:$0x19000] =	vst v63  }
0x5a3: {  	s21 =	simm.s32 $0xA800  }
0x5a4: {  	[tilespmem:s21], [sflag:$0x1] =	stream.indirect_vreg.gather [hbm4b:s7+s2], $0x80, v4, vm0, $0xb8;
	[tilespmem:$0x19000] =	vst v63  }
0x5a5: {  	s21 =	simm.s32 $0xB000  }
0x5a6: {  	[tilespmem:s21], [sflag:$0x1] =	stream.indirect_vreg.gather [hbm4b:s4+s2], $0x80, v3, vm0, $0xb8;
	[tilespmem:$0x19000] =	vst v63  }
0x5a7: {  	s21 =	simm.s32 $0xB800  }
0x5a8: {  	[tilespmem:s21], [sflag:$0x1] =	stream.indirect_vreg.gather [hbm4b:s5+s2], $0x80, v3, vm0, $0xb8;
	[tilespmem:$0x19000] =	vst v63  }
0x5a9: {  	s21 =	simm.s32 $0xC000  }
0x5aa: {  	[tilespmem:s21], [sflag:$0x1] =	stream.indirect_vreg.gather [hbm4b:s6+s2], $0x80, v3, vm0, $0xb8;
	[tilespmem:$0x19000] =	vst v63  }
0x5ab: {  	s21 =	simm.s32 $0xC800  }
0x5ac: {  	[tilespmem:s21], [sflag:$0x1] =	stream.indirect_vreg.gather [hbm4b:s7+s2], $0x80, v3, vm0, $0xb8;
	[tilespmem:$0x19000] =	vst v63  }
0x5ad: {  	v3 =	vld [tilespmem:$0xE10];
	_ =	sdelay $0x4  }
0x5ae: {  	v57 =	vshll.u32 v3, $0x3  }
0x5af: {  	v3 =	vand.u32 $0x7, v3;
	v4 =	vand.u32 $0xFFFFFFC0, v57  }
0x5b0: {  	v3 =	vor.u32 v3, v4  }
0x5b1: {  	v4 =	vperm.xlane v3, v0;
	_ =	sdelay $0x1  }
0x5b2: {  	v4 =	vadd.s32 v1, v4;
	_ =	sdelay $0x3  }
0x5b3: {  	s21 =	simm.s32 $0xD000  }
0x5b4: {  	[tilespmem:s21], [sflag:$0x1] =	stream.indirect_vreg.gather [hbm4b:s4+s2], $0x80, v4, vm0, $0xb8;
	[tilespmem:$0x19000] =	vst v63  }
0x5b5: {  	v3 =	vperm.xlane v3, v2;
	s21 =	simm.s32 $0xD800  }
0x5b6: {  	[tilespmem:s21], [sflag:$0x1] =	stream.indirect_vreg.gather [hbm4b:s5+s2], $0x80, v4, vm0, $0xb8;
	[tilespmem:$0x19000] =	vst v63  }
0x5b7: {  	v3 =	vadd.s32 v1, v3;
	s21 =	simm.s32 $0xE000  }
0x5b8: {  	[tilespmem:s21], [sflag:$0x1] =	stream.indirect_vreg.gather [hbm4b:s6+s2], $0x80, v4, vm0, $0xb8;
	[tilespmem:$0x19000] =	vst v63  }
0x5b9: {  	s21 =	simm.s32 $0xE800  }
0x5ba: {  	[tilespmem:s21], [sflag:$0x1] =	stream.indirect_vreg.gather [hbm4b:s7+s2], $0x80, v4, vm0, $0xb8;
	[tilespmem:$0x19000] =	vst v63  }
0x5bb: {  	s21 =	simm.s32 $0xF000  }
0x5bc: {  	[tilespmem:s21], [sflag:$0x1] =	stream.indirect_vreg.gather [hbm4b:s4+s2], $0x80, v3, vm0, $0xb8;
	[tilespmem:$0x19000] =	vst v63  }
0x5bd: {  	s21 =	simm.s32 $0xF800  }
0x5be: {  	[tilespmem:s21], [sflag:$0x1] =	stream.indirect_vreg.gather [hbm4b:s5+s2], $0x80, v3, vm0, $0xb8;
	[tilespmem:$0x19000] =	vst v63  }
0x5bf: {  	s21 =	simm.s32 $0x10000  }
0x5c0: {  	[tilespmem:s21], [sflag:$0x1] =	stream.indirect_vreg.gather [hbm4b:s6+s2], $0x80, v3, vm0, $0xb8;
	[tilespmem:$0x19000] =	vst v63  }
0x5c1: {  	s21 =	simm.s32 $0x10800  }
0x5c2: {  	[tilespmem:s21], [sflag:$0x1] =	stream.indirect_vreg.gather [hbm4b:s7+s2], $0x80, v3, vm0, $0xb8;
	[tilespmem:$0x19000] =	vst v63  }
0x5c3: {  	_ =	swait.ge [sflag:s19], $0x8000  }
0x5c4: {  	[sflag:s19] =	ssyncset.done $0x0  }
0x5c5: {  	s21 =	rddreg [dreg:$0x1d];
	[sflag:s19] =	ssyncadd.s32 $0xFFFF8000  }
0x5c6: {  	[hbm4b:s21+s2] =	stream.linear.scatter [tilespmem:s10], [sflag:$0x2], $0x8000, $0x38;
	[tilespmem:$0x19000] =	vst v63  }
0x5c7: {  	_ =	swait.ge [sflag:s20], $0x8000  }
0x5c8: {  	[sflag:s20] =	ssyncset.done $0x0  }
0x5c9: {  	[sflag:s20] =	ssyncadd.s32 $0xFFFF8000  }
0x5ca: {  	v3 =	vld [tilespmem:$0xE80];
	_ =	sdelay $0x4  }
0x5cb: {  	v58 =	vshll.u32 v3, $0x3  }
0x5cc: {  	v3 =	vand.u32 $0x7, v3;
	v4 =	vand.u32 $0xFFFFFFC0, v58  }
0x5cd: {  	v3 =	vor.u32 v3, v4  }
0x5ce: {  	v4 =	vperm.xlane v3, v0;
	_ =	sdelay $0x1  }
0x5cf: {  	v4 =	vadd.s32 v1, v4;
	_ =	sdelay $0x4  }
0x5d0: {  	[tilespmem:s10], [sflag:$0x1] =	stream.indirect_vreg.gather [hbm4b:s4+s2], $0x80, v4, vm0, $0xb8;
	[tilespmem:$0x19000] =	vst v63  }
0x5d1: {  	s21 =	simm.s32 $0x11800;
	v3 =	vperm.xlane v3, v2  }
0x5d2: {  	[tilespmem:s21], [sflag:$0x1] =	stream.indirect_vreg.gather [hbm4b:s5+s2], $0x80, v4, vm0, $0xb8;
	[tilespmem:$0x19000] =	vst v63  }
0x5d3: {  	s1 =	simm.s32 $0x12000;
	v3 =	vadd.s32 v1, v3  }
0x5d4: {  	[tilespmem:s1], [sflag:$0x1] =	stream.indirect_vreg.gather [hbm4b:s6+s2], $0x80, v4, vm0, $0xb8;
	[tilespmem:$0x19000] =	vst v63  }
0x5d5: {  	s11 =	simm.s32 $0x12800  }
0x5d6: {  	[tilespmem:s11], [sflag:$0x1] =	stream.indirect_vreg.gather [hbm4b:s7+s2], $0x80, v4, vm0, $0xb8;
	[tilespmem:$0x19000] =	vst v63  }
0x5d7: {  	s12 =	simm.s32 $0x13000  }
0x5d8: {  	[tilespmem:s12], [sflag:$0x1] =	stream.indirect_vreg.gather [hbm4b:s4+s2], $0x80, v3, vm0, $0xb8;
	[tilespmem:$0x19000] =	vst v63  }
0x5d9: {  	s13 =	simm.s32 $0x13800  }
0x5da: {  	[tilespmem:s13], [sflag:$0x1] =	stream.indirect_vreg.gather [hbm4b:s5+s2], $0x80, v3, vm0, $0xb8;
	[tilespmem:$0x19000] =	vst v63  }
0x5db: {  	s14 =	simm.s32 $0x14000  }
0x5dc: {  	[tilespmem:s14], [sflag:$0x1] =	stream.indirect_vreg.gather [hbm4b:s6+s2], $0x80, v3, vm0, $0xb8;
	[tilespmem:$0x19000] =	vst v63  }
0x5dd: {  	s3 =	simm.s32 $0x14800  }
0x5de: {  	[tilespmem:s3], [sflag:$0x1] =	stream.indirect_vreg.gather [hbm4b:s7+s2], $0x80, v3, vm0, $0xb8;
	[tilespmem:$0x19000] =	vst v63  }
0x5df: {  	v3 =	vld [tilespmem:$0xE90];
	_ =	sdelay $0x4  }
0x5e0: {  	v59 =	vshll.u32 v3, $0x3  }
0x5e1: {  	v3 =	vand.u32 $0x7, v3;
	v4 =	vand.u32 $0xFFFFFFC0, v59  }
0x5e2: {  	v3 =	vor.u32 v3, v4  }
0x5e3: {  	v4 =	vperm.xlane v3, v0;
	_ =	sdelay $0x1  }
0x5e4: {  	v4 =	vadd.s32 v1, v4;
	_ =	sdelay $0x3  }
0x5e5: {  	s8 =	simm.s32 $0x15000  }
0x5e6: {  	[tilespmem:s8], [sflag:$0x1] =	stream.indirect_vreg.gather [hbm4b:s4+s2], $0x80, v4, vm0, $0xb8;
	[tilespmem:$0x19000] =	vst v63  }
0x5e7: {  	s25 =	simm.s32 $0x15800;
	v3 =	vperm.xlane v3, v2  }
0x5e8: {  	[tilespmem:s25], [sflag:$0x1] =	stream.indirect_vreg.gather [hbm4b:s5+s2], $0x80, v4, vm0, $0xb8;
	[tilespmem:$0x19000] =	vst v63  }
0x5e9: {  	s15 =	simm.s32 $0x16000;
	v3 =	vadd.s32 v1, v3  }
0x5ea: {  	[tilespmem:s15], [sflag:$0x1] =	stream.indirect_vreg.gather [hbm4b:s6+s2], $0x80, v4, vm0, $0xb8;
	[tilespmem:$0x19000] =	vst v63  }
0x5eb: {  	s16 =	simm.s32 $0x16800  }
0x5ec: {  	[tilespmem:s16], [sflag:$0x1] =	stream.indirect_vreg.gather [hbm4b:s7+s2], $0x80, v4, vm0, $0xb8;
	[tilespmem:$0x19000] =	vst v63  }
0x5ed: {  	s17 =	simm.s32 $0x17000  }
0x5ee: {  	[tilespmem:s17], [sflag:$0x1] =	stream.indirect_vreg.gather [hbm4b:s4+s2], $0x80, v3, vm0, $0xb8;
	[tilespmem:$0x19000] =	vst v63  }
0x5ef: {  	s22 =	simm.s32 $0x17800  }
0x5f0: {  	[tilespmem:s22], [sflag:$0x1] =	stream.indirect_vreg.gather [hbm4b:s5+s2], $0x80, v3, vm0, $0xb8;
	[tilespmem:$0x19000] =	vst v63  }
0x5f1: {  	s23 =	simm.s32 $0x18000  }
0x5f2: {  	[tilespmem:s23], [sflag:$0x1] =	stream.indirect_vreg.gather [hbm4b:s6+s2], $0x80, v3, vm0, $0xb8;
	[tilespmem:$0x19000] =	vst v63  }
0x5f3: {  	s8 =	simm.s32 $0x18800  }
0x5f4: {  	[tilespmem:s8], [sflag:$0x1] =	stream.indirect_vreg.gather [hbm4b:s7+s2], $0x80, v3, vm0, $0xb8;
	[tilespmem:$0x19000] =	vst v63  }
0x5f5: {  	_ =	swait.ge [sflag:s19], $0x8000  }
0x5f6: {  	[sflag:s19] =	ssyncset.done $0x0  }
0x5f7: {  	s11 =	rddreg [dreg:$0x1e];
	[sflag:s19] =	ssyncadd.s32 $0xFFFF8000  }
0x5f8: {  	[hbm4b:s11+s2] =	stream.linear.scatter [tilespmem:s29], [sflag:$0x2], $0x8000, $0x38;
	[tilespmem:$0x19000] =	vst v63  }
0x5f9: {  	_ =	swait.ge [sflag:s20], $0x8000  }
0x5fa: {  	[sflag:s20] =	ssyncset.done $0x0  }
0x5fb: {  	[sflag:s20] =	ssyncadd.s32 $0xFFFF8000  }
0x5fc: {  	v3 =	vld [tilespmem:$0xF00];
	_ =	sdelay $0x4  }
0x5fd: {  	v60 =	vshll.u32 v3, $0x3  }
0x5fe: {  	v3 =	vand.u32 $0x7, v3;
	v4 =	vand.u32 $0xFFFFFFC0, v60  }
0x5ff: {  	v3 =	vor.u32 v3, v4  }
0x600: {  	v4 =	vperm.xlane v3, v0;
	_ =	sdelay $0x1  }
0x601: {  	v4 =	vadd.s32 v1, v4;
	_ =	sdelay $0x4  }
0x602: {  	[tilespmem:s29], [sflag:$0x1] =	stream.indirect_vreg.gather [hbm4b:s4+s2], $0x80, v4, vm0, $0xb8;
	[tilespmem:$0x19000] =	vst v63  }
0x603: {  	s12 =	simm.s32 $0x1800;
	v3 =	vperm.xlane v3, v2  }
0x604: {  	[tilespmem:s12], [sflag:$0x1] =	stream.indirect_vreg.gather [hbm4b:s5+s2], $0x80, v4, vm0, $0xb8;
	[tilespmem:$0x19000] =	vst v63  }
0x605: {  	s13 =	simm.s32 $0x2000;
	v3 =	vadd.s32 v1, v3  }
0x606: {  	[tilespmem:s13], [sflag:$0x1] =	stream.indirect_vreg.gather [hbm4b:s6+s2], $0x80, v4, vm0, $0xb8;
	[tilespmem:$0x19000] =	vst v63  }
0x607: {  	s14 =	simm.s32 $0x2800  }
0x608: {  	[tilespmem:s14], [sflag:$0x1] =	stream.indirect_vreg.gather [hbm4b:s7+s2], $0x80, v4, vm0, $0xb8;
	[tilespmem:$0x19000] =	vst v63  }
0x609: {  	s15 =	simm.s32 $0x3000  }
0x60a: {  	[tilespmem:s15], [sflag:$0x1] =	stream.indirect_vreg.gather [hbm4b:s4+s2], $0x80, v3, vm0, $0xb8;
	[tilespmem:$0x19000] =	vst v63  }
0x60b: {  	s16 =	simm.s32 $0x3800  }
0x60c: {  	[tilespmem:s16], [sflag:$0x1] =	stream.indirect_vreg.gather [hbm4b:s5+s2], $0x80, v3, vm0, $0xb8;
	[tilespmem:$0x19000] =	vst v63  }
0x60d: {  	s17 =	simm.s32 $0x4000  }
0x60e: {  	[tilespmem:s17], [sflag:$0x1] =	stream.indirect_vreg.gather [hbm4b:s6+s2], $0x80, v3, vm0, $0xb8;
	[tilespmem:$0x19000] =	vst v63  }
0x60f: {  	s21 =	simm.s32 $0x4800  }
0x610: {  	[tilespmem:s21], [sflag:$0x1] =	stream.indirect_vreg.gather [hbm4b:s7+s2], $0x80, v3, vm0, $0xb8;
	[tilespmem:$0x19000] =	vst v63  }
0x611: {  	v3 =	vld [tilespmem:$0xF10];
	_ =	sdelay $0x4  }
0x612: {  	v61 =	vshll.u32 v3, $0x3  }
0x613: {  	v3 =	vand.u32 $0x7, v3;
	v4 =	vand.u32 $0xFFFFFFC0, v61  }
0x614: {  	v3 =	vor.u32 v3, v4  }
0x615: {  	v4 =	vperm.xlane v3, v0;
	_ =	sdelay $0x1  }
0x616: {  	v4 =	vadd.s32 v1, v4;
	_ =	sdelay $0x3  }
0x617: {  	s22 =	simm.s32 $0x5000  }
0x618: {  	[tilespmem:s22], [sflag:$0x1] =	stream.indirect_vreg.gather [hbm4b:s4+s2], $0x80, v4, vm0, $0xb8;
	[tilespmem:$0x19000] =	vst v63  }
0x619: {  	s23 =	simm.s32 $0x5800;
	v3 =	vperm.xlane v3, v2  }
0x61a: {  	[tilespmem:s23], [sflag:$0x1] =	stream.indirect_vreg.gather [hbm4b:s5+s2], $0x80, v4, vm0, $0xb8;
	[tilespmem:$0x19000] =	vst v63  }
0x61b: {  	s18 =	simm.s32 $0x6000;
	v3 =	vadd.s32 v1, v3  }
0x61c: {  	[tilespmem:s18], [sflag:$0x1] =	stream.indirect_vreg.gather [hbm4b:s6+s2], $0x80, v4, vm0, $0xb8;
	[tilespmem:$0x19000] =	vst v63  }
0x61d: {  	s25 =	simm.s32 $0x6800  }
0x61e: {  	[tilespmem:s25], [sflag:$0x1] =	stream.indirect_vreg.gather [hbm4b:s7+s2], $0x80, v4, vm0, $0xb8;
	[tilespmem:$0x19000] =	vst v63  }
0x61f: {  	s28 =	simm.s32 $0x7000  }
0x620: {  	[tilespmem:s28], [sflag:$0x1] =	stream.indirect_vreg.gather [hbm4b:s4+s2], $0x80, v3, vm0, $0xb8;
	[tilespmem:$0x19000] =	vst v63  }
0x621: {  	s30 =	simm.s32 $0x7800  }
0x622: {  	[tilespmem:s30], [sflag:$0x1] =	stream.indirect_vreg.gather [hbm4b:s5+s2], $0x80, v3, vm0, $0xb8;
	[tilespmem:$0x19000] =	vst v63  }
0x623: {  	s31 =	simm.s32 $0x8000  }
0x624: {  	[tilespmem:s31], [sflag:$0x1] =	stream.indirect_vreg.gather [hbm4b:s6+s2], $0x80, v3, vm0, $0xb8;
	[tilespmem:$0x19000] =	vst v63  }
0x625: {  	s3 =	simm.s32 $0x8800  }
0x626: {  	[tilespmem:s3], [sflag:$0x1] =	stream.indirect_vreg.gather [hbm4b:s7+s2], $0x80, v3, vm0, $0xb8;
	[tilespmem:$0x19000] =	vst v63  }
0x627: {  	_ =	swait.ge [sflag:s19], $0x8000  }
0x628: {  	[sflag:s19] =	ssyncset.done $0x0  }
0x629: {  	s8 =	rddreg [dreg:$0x1f];
	[sflag:s19] =	ssyncadd.s32 $0xFFFF8000  }
0x62a: {  	[hbm4b:s8+s2] =	stream.linear.scatter [tilespmem:s26], [sflag:$0x2], $0x8000, $0x38;
	[tilespmem:$0x19000] =	vst v63  }
0x62b: {  	_ =	swait.ge [sflag:s20], $0x8000  }
0x62c: {  	[sflag:s20] =	ssyncset.done $0x0  }
0x62d: {  	[sflag:s20] =	ssyncadd.s32 $0xFFFF8000  }
0x62e: {  	v3 =	vld [tilespmem:$0xF80];
	_ =	sdelay $0x4  }
0x62f: {  	v62 =	vshll.u32 v3, $0x3  }
0x630: {  	v3 =	vand.u32 $0x7, v3;
	v4 =	vand.u32 $0xFFFFFFC0, v62  }
0x631: {  	v3 =	vor.u32 v3, v4  }
0x632: {  	v4 =	vperm.xlane v3, v0;
	_ =	sdelay $0x1  }
0x633: {  	v4 =	vadd.s32 v1, v4;
	_ =	sdelay $0x4  }
0x634: {  	[tilespmem:s26], [sflag:$0x1] =	stream.indirect_vreg.gather [hbm4b:s4+s2], $0x80, v4, vm0, $0xb8;
	[tilespmem:$0x19000] =	vst v63  }
0x635: {  	s11 =	simm.s32 $0x9800;
	v3 =	vperm.xlane v3, v2  }
0x636: {  	[tilespmem:s11], [sflag:$0x1] =	stream.indirect_vreg.gather [hbm4b:s5+s2], $0x80, v4, vm0, $0xb8;
	[tilespmem:$0x19000] =	vst v63  }
0x637: {  	s24 =	simm.s32 $0xA000;
	v3 =	vadd.s32 v1, v3  }
0x638: {  	[tilespmem:s24], [sflag:$0x1] =	stream.indirect_vreg.gather [hbm4b:s6+s2], $0x80, v4, vm0, $0xb8;
	[tilespmem:$0x19000] =	vst v63  }
0x639: {  	s9 =	simm.s32 $0xA800  }
0x63a: {  	[tilespmem:s9], [sflag:$0x1] =	stream.indirect_vreg.gather [hbm4b:s7+s2], $0x80, v4, vm0, $0xb8;
	[tilespmem:$0x19000] =	vst v63  }
0x63b: {  	s12 =	simm.s32 $0xB000  }
0x63c: {  	[tilespmem:s12], [sflag:$0x1] =	stream.indirect_vreg.gather [hbm4b:s4+s2], $0x80, v3, vm0, $0xb8;
	[tilespmem:$0x19000] =	vst v63  }
0x63d: {  	s13 =	simm.s32 $0xB800  }
0x63e: {  	[tilespmem:s13], [sflag:$0x1] =	stream.indirect_vreg.gather [hbm4b:s5+s2], $0x80, v3, vm0, $0xb8;
	[tilespmem:$0x19000] =	vst v63  }
0x63f: {  	s14 =	simm.s32 $0xC000  }
0x640: {  	[tilespmem:s14], [sflag:$0x1] =	stream.indirect_vreg.gather [hbm4b:s6+s2], $0x80, v3, vm0, $0xb8;
	[tilespmem:$0x19000] =	vst v63  }
0x641: {  	s15 =	simm.s32 $0xC800  }
0x642: {  	[tilespmem:s15], [sflag:$0x1] =	stream.indirect_vreg.gather [hbm4b:s7+s2], $0x80, v3, vm0, $0xb8;
	[tilespmem:$0x19000] =	vst v63  }
0x643: {  	v3 =	vld [tilespmem:$0xF90];
	_ =	sdelay $0x4  }
0x644: {  	v63 =	vshll.u32 v3, $0x3  }
0x645: {  	v3 =	vand.u32 $0x7, v3;
	v4 =	vand.u32 $0xFFFFFFC0, v63  }
0x646: {  	v3 =	vor.u32 v3, v4  }
0x647: {  	v4 =	vperm.xlane v3, v0;
	_ =	sdelay $0x1  }
0x648: {  	v4 =	vadd.s32 v1, v4;
	_ =	sdelay $0x3  }
0x649: {  	s16 =	simm.s32 $0xD000  }
0x64a: {  	[tilespmem:s16], [sflag:$0x1] =	stream.indirect_vreg.gather [hbm4b:s4+s2], $0x80, v4, vm0, $0xb8;
	[tilespmem:$0x19000] =	vst v63  }
0x64b: {  	s17 =	simm.s32 $0xD800;
	v3 =	vperm.xlane v3, v2  }
0x64c: {  	[tilespmem:s17], [sflag:$0x1] =	stream.indirect_vreg.gather [hbm4b:s5+s2], $0x80, v4, vm0, $0xb8;
	[tilespmem:$0x19000] =	vst v63  }
0x64d: {  	s18 =	simm.s32 $0xE000;
	v3 =	vadd.s32 v1, v3  }
0x64e: {  	[tilespmem:s18], [sflag:$0x1] =	stream.indirect_vreg.gather [hbm4b:s6+s2], $0x80, v4, vm0, $0xb8;
	[tilespmem:$0x19000] =	vst v63  }
0x64f: {  	s21 =	simm.s32 $0xE800  }
0x650: {  	[tilespmem:s21], [sflag:$0x1] =	stream.indirect_vreg.gather [hbm4b:s7+s2], $0x80, v4, vm0, $0xb8;
	[tilespmem:$0x19000] =	vst v63  }
0x651: {  	s22 =	simm.s32 $0xF000  }
0x652: {  	[tilespmem:s22], [sflag:$0x1] =	stream.indirect_vreg.gather [hbm4b:s4+s2], $0x80, v3, vm0, $0xb8;
	[tilespmem:$0x19000] =	vst v63  }
0x653: {  	s23 =	simm.s32 $0xF800  }
0x654: {  	[tilespmem:s23], [sflag:$0x1] =	stream.indirect_vreg.gather [hbm4b:s5+s2], $0x80, v3, vm0, $0xb8;
	[tilespmem:$0x19000] =	vst v63  }
0x655: {  	s24 =	simm.s32 $0x10000  }
0x656: {  	[tilespmem:s24], [sflag:$0x1] =	stream.indirect_vreg.gather [hbm4b:s6+s2], $0x80, v3, vm0, $0xb8;
	[tilespmem:$0x19000] =	vst v63  }
0x657: {  	s25 =	simm.s32 $0x10800  }
0x658: {  	[tilespmem:s25], [sflag:$0x1] =	stream.indirect_vreg.gather [hbm4b:s7+s2], $0x80, v3, vm0, $0xb8;
	[tilespmem:$0x19000] =	vst v63  }
0x659: {  	_ =	swait.ge [sflag:s19], $0x8000  }
0x65a: {  	s28 =	sld [smem:$0x7FA]  }
0x65b: {  	[sflag:s19] =	ssyncset.done $0x0  }
0x65c: {  	[sflag:s19] =	ssyncadd.s32 $0xFFFF8000  }
0x65d: {  	[hbm4b:s28+s2] =	stream.linear.scatter [tilespmem:s10], [sflag:$0x2], $0x8000, $0x38;
	[tilespmem:$0x19000] =	vst v63  }
0x65e: {  	_ =	swait.ge [sflag:s19], $0x8000  }
0x65f: {  	s30 =	sld [smem:$0x7FB]  }
0x660: {  	[sflag:s19] =	ssyncset.done $0x0  }
0x661: {  	[sflag:s19] =	ssyncadd.s32 $0xFFFF8000  }
0x662: {  	[hbm4b:s30+s2] =	stream.linear.scatter [tilespmem:s29], [sflag:$0x2], $0x8000, $0x38;
	[tilespmem:$0x19000] =	vst v63  }
0x663: {  	_ =	swait.ge [sflag:s19], $0x8000  }
0x664: {  	s31 =	sld [smem:$0x7FD]  }
0x665: {  	[sflag:s19] =	ssyncset.done $0x0  }
0x666: {  	[sflag:s19] =	ssyncadd.s32 $0xFFFF8000  }
0x667: {  	[hbm4b:s31+s2] =	stream.linear.scatter [tilespmem:s26], [sflag:$0x2], $0x8000, $0x38;
	[tilespmem:$0x19000] =	vst v63  }
0x668: {  	_ =	swait.ge [sflag:s20], $0x8000  }
0x669: {  	[sflag:s20] =	ssyncset.done $0x0  }
0x66a: {  	[sflag:s20] =	ssyncadd.s32 $0xFFFF8000  }
0x66b: {  	p0 =	sne.s32 s0, $0x1;
	_ =	swait.ge [sflag:s20], $0x8000  }
.Ltmp0:
0x66c: {  	[sflag:s20] =	ssyncset.done $0x0;
	(pc) =	sbr.rel @p0 .LBB2_1-.Ltmp0, $4  }
0x66d: {  	[sflag:s20] =	ssyncadd.s32 $0xFFFF8000  }
0x66e: {  	_ =	swait.ge [sflag:s20], $0x8000  }
0x66f: {  	[sflag:s20] =	ssyncset.done $0x0  }
0x670: {  	s0 =	sadd.s32 $0xFFFFFFFF, s0;
	[sflag:s20] =	ssyncadd.s32 $0xFFFF8000  }
0x671: {  	_ =	sfence.sel $0x180000  }
0x672: {  	[bflag:$0x0] =	sbarrier.arrive $0xFFFF  }
0x673: {  	_ =	strace $0x90000047  }
0x674: {  	s0 =	stileid.u32;
	[bflag:$0x2] =	sbarrier.arrive $0xFFFF  }
0x675: {  	p0 =	sne.s32 s0, $0x0;
	s0 =	rddreg [dreg:$0x2]  }
0x676: {  	s0 =	sadd.s32 @!p0 $0x100000, s0  }
0x677: {  	[sflag:s0] =	ssyncadd.tile.s32 @!p0 $0x1;
	_ =	shalt  }
.Lfunc_end2:
_tile_overlayer_lowered:
.L_overlay_start_2:
0x678: {  	(tag) =	ssettag $0x2  }
0x679: {  	s0 =	rddreg [dreg:$0x0];
	s2 =	stileid.u32  }
0x67a: {  	s1 =	rddreg [dreg:$0x1];
	p0 =	sne.s32 s2, $0x0  }
0x67b: {  	s3 =	rddreg [dreg:$0x2];
	[bflag:$0x3] =	sbarrier.arrive $0xFFFF;
	s2 =	simm.s32 @!p0 $0x1C03  }
0x67c: {  	[timem:s3], [sflag:s2] =	dma.local @!p0 [hbm:s0], s1  }
0x67d: {  	s0 =	simm.s32 @!p0 $0x3  }
0x67e: {  	_ =	swait.ge @!p0 [sflag:s0], s1  }
0x67f: {  	s1 =	ssub.s32 @!p0 $0x0, s1;
	[sflag:s0] =	ssyncset.done @!p0 $0x0  }
0x680: {  	[sflag:s0] =	ssyncadd.s32 @!p0 s1  }
0x681: {  	[bflag:$0x3] =	sbarrier.arrive $0xFFFF  }
0x682: {  	_ =	shalt  }

</sc_bundles>
